<compile_context>
chip_gen: v7x
topology: tpu7x:2x2x1
jax: 0.10.2.dev20260603
libtpu: 0.0.44.dev20260713+nightly
codegen_flags: <defaults>
</compile_context>

<pallas_src>
import jax
import jax.numpy as jnp
from jax import lax
from jax.experimental import pallas as pl
from jax.experimental.pallas import tpu as pltpu
from jax.experimental.pallas import tpu_sc as plsc

_N = 10000
_E = 320000
_R = 4
_H = 256
_NH = 3
_FF = 4 * _H
_EPS = 1e-5

_NC = 2
_NS = 16
_NW = _NC * _NS
_EB = 80
_EPW = _E // _NW
_NIT = _EPW // _EB
_EPT = _E // _NS
_NIT2 = _EPT // _EB
_GRP = 4
_CHUNK = 128

_BN = 1000
_NB = _N // _BN


def _make_sc():
    out_type = [jax.ShapeDtypeStruct((_NC * _N, _CHUNK), jnp.float32)]
    scratch = (
        [pltpu.VMEM_SHARED((_N, _CHUNK), jnp.float32)]
        + [pltpu.VMEM((_EB,), jnp.int32) for _ in range(2 * _GRP)]
        + [pltpu.VMEM((_EB, _CHUNK), jnp.float32) for _ in range(_GRP)]
        + [pltpu.SemaphoreType.DMA] * (2 * _GRP)
    )
    mesh = plsc.VectorSubcoreMesh(core_axis_name="c", subcore_axis_name="s",
                                  num_cores=_NC, num_subcores=_NS)

    def body(t0, t1, gidx2, didx2, zeros128, part, acc, *rest):
        ivg = rest[:_GRP]
        ivd = rest[_GRP:2 * _GRP]
        rows = rest[2 * _GRP:3 * _GRP]
        isem = rest[3 * _GRP:4 * _GRP]
        gsem = rest[4 * _GRP:5 * _GRP]
        c = lax.axis_index("c")
        s = lax.axis_index("s")
        row0 = s * _NIT2

        def issue_idx(i, k):
            pltpu.async_copy(gidx2.at[row0 + i], ivg[k], isem[k])
            pltpu.async_copy(didx2.at[row0 + i], ivd[k], isem[k])

        def wait_idx(k):
            pltpu.make_async_copy(gidx2.at[row0], ivg[k], isem[k]).wait()
            pltpu.make_async_copy(didx2.at[row0], ivd[k], isem[k]).wait()

        def issue_gather(i, k):
            @pl.when(c == 0)
            def _():
                pltpu.async_copy(t0.at[ivg[k]], rows[k], gsem[k])

            @pl.when(c != 0)
            def _():
                pltpu.async_copy(t1.at[ivg[k]], rows[k], gsem[k])

        def wait_gather(k):
            @pl.when(c == 0)
            def _():
                pltpu.make_async_copy(t0.at[ivg[k]], rows[k], gsem[k]).wait()

            @pl.when(c != 0)
            def _():
                pltpu.make_async_copy(t1.at[ivg[k]], rows[k], gsem[k]).wait()

        @pl.when(s < _NB)
        def _():
            pltpu.sync_copy(zeros128.at[pl.ds(s * _BN, _BN)],
                            acc.at[pl.ds(s * _BN, _BN)])

        plsc.subcore_barrier()

        def iteration(i, k, do_gather=True, do_prefetch=True):
            if do_gather:
                wait_idx((k + 1) % _GRP)
                issue_gather(i + 1, (k + 1) % _GRP)
            wait_gather(k)
            pltpu.sync_copy(rows[k], acc.at[ivd[k]], add=True)
            if do_prefetch:
                issue_idx(i + 3, (k + 3) % _GRP)

        for k in range(3):
            issue_idx(k, k)
        wait_idx(0)
        issue_gather(0, 0)
        iteration(0, 0)

        ngrp = (_NIT2 - 5) // _GRP

        def group(j, carry):
            for t in range(_GRP):
                iteration(j * _GRP + 1 + t, (1 + t) % _GRP)
            return carry

        lax.fori_loop(0, ngrp, group, 0)

        for i in range(1 + ngrp * _GRP, _NIT2):
            iteration(i, i % _GRP, do_gather=(i + 1 < _NIT2),
                      do_prefetch=(i + 3 < _NIT2))

        plsc.subcore_barrier()

        @pl.when(s < _NB)
        def _():
            pltpu.sync_copy(acc.at[pl.ds(s * _BN, _BN)],
                            part.at[pl.ds(c * _N + s * _BN, _BN)])

    return pl.kernel(body, out_type=out_type, mesh=mesh,
                     scratch_types=scratch)


def _make_deg():
    out_type = [jax.ShapeDtypeStruct((_NC * _N, _CHUNK), jnp.float32)]
    scratch = (
        [pltpu.VMEM_SHARED((_N, _CHUNK), jnp.float32)]
        + [pltpu.VMEM((_EB,), jnp.int32) for _ in range(_GRP)]
        + [pltpu.VMEM((_EB, _CHUNK), jnp.float32)]
        + [pltpu.SemaphoreType.DMA] * (2 * _GRP)
    )
    mesh = plsc.VectorSubcoreMesh(core_axis_name="c", subcore_axis_name="s",
                                  num_cores=_NC, num_subcores=_NS)

    def body(didx2, zeros128, ones, part, acc, *rest):
        ivd = rest[:_GRP]
        ones_v = rest[_GRP]
        isem = rest[_GRP + 1:_GRP + 1 + _GRP]
        ssem = rest[_GRP + 1 + _GRP:]
        c = lax.axis_index("c")
        s = lax.axis_index("s")
        wid = c * _NS + s
        row0 = wid * _NIT

        def issue_idx(i, k):
            pltpu.async_copy(didx2.at[row0 + i], ivd[k], isem[k])

        def wait_idx(k):
            pltpu.make_async_copy(didx2.at[row0], ivd[k], isem[k]).wait()

        @pl.when(s < _NB)
        def _():
            pltpu.sync_copy(zeros128.at[pl.ds(s * _BN, _BN)],
                            acc.at[pl.ds(s * _BN, _BN)])

        pltpu.sync_copy(ones, ones_v)
        plsc.subcore_barrier()

        def iteration(i, k, first=False, do_prefetch=True):
            wait_idx(k)
            pltpu.sync_copy(ones_v, acc.at[ivd[k]], add=True)
            if do_prefetch:
                issue_idx(i + 3, (k + 3) % _GRP)

        for k in range(3):
            issue_idx(k, k)
        iteration(0, 0, first=True)

        def group(j, carry):
            for t in range(_GRP):
                iteration(j * _GRP + 1 + t, (1 + t) % _GRP)
            return carry

        lax.fori_loop(0, (_NIT - 1) // _GRP - 1, group, 0)

        for t in range(_GRP):
            i = _NIT - _GRP + t
            iteration(i, i % _GRP, do_prefetch=(i + 3 < _NIT))

        plsc.subcore_barrier()

        @pl.when(s < _NB)
        def _():
            pltpu.sync_copy(acc.at[pl.ds(s * _BN, _BN)],
                            part.at[pl.ds(c * _N + s * _BN, _BN)])

    return pl.kernel(body, out_type=out_type, mesh=mesh,
                     scratch_types=scratch)


_sc_cache = {}


def _get_sc(kind):
    if kind not in _sc_cache:
        _sc_cache[kind] = _make_deg() if kind == "deg" else _make_sc()
    return _sc_cache[kind]


def _tables_body(x_ref, w_ref, o0_ref, o1_ref):
    t = jnp.dot(x_ref[...], w_ref[0], preferred_element_type=jnp.float32)
    o0_ref[...] = t[:, :_CHUNK]
    o1_ref[...] = t[:, _CHUNK:]


def _tables(x, w_rel):
    di = x.shape[1]
    return pl.pallas_call(
        _tables_body,
        grid=(_R, _NB),
        in_specs=[
            pl.BlockSpec((_BN, di), lambda r, n: (n, 0)),
            pl.BlockSpec((1, di, _H), lambda r, n: (r, 0, 0)),
        ],
        out_specs=[
            pl.BlockSpec((_BN, _CHUNK), lambda r, n: (r * _NB + n, 0)),
            pl.BlockSpec((_BN, _CHUNK), lambda r, n: (r * _NB + n, 0)),
        ],
        out_shape=[jax.ShapeDtypeStruct((_R * _N, _CHUNK), jnp.float32)] * 2,
    )(x, w_rel)


def _combine1_body(x_ref, wr_ref, p0_ref, p1_ref,
                   dga_ref, dgb_ref, b_ref, h_ref, s_ref, q_ref):
    agg = jnp.concatenate([p0_ref[...], p1_ref[...]], axis=1)
    deg = jnp.maximum(dga_ref[...][:, 0:1] + dgb_ref[...][:, 0:1], 1.0)
    h = jnp.dot(x_ref[...], wr_ref[...], preferred_element_type=jnp.float32)
    h = h + agg / deg + b_ref[...]
    h_ref[...] = h
    s_ref[...] = jnp.sum(h, axis=0).reshape(1, 1, _H)
    q_ref[...] = jnp.sum(h * h, axis=0).reshape(1, 1, _H)


def _combine1(x, w_root, part, degp, b):
    di = x.shape[1]
    return pl.pallas_call(
        _combine1_body,
        grid=(_NB,),
        in_specs=[
            pl.BlockSpec((_BN, di), lambda n: (n, 0)),
            pl.BlockSpec((di, _H), lambda n: (0, 0)),
            pl.BlockSpec((_BN, _CHUNK), lambda n: (n, 0)),
            pl.BlockSpec((_BN, _CHUNK), lambda n: (_NB + n, 0)),
            pl.BlockSpec((_BN, _CHUNK), lambda n: (n, 0)),
            pl.BlockSpec((_BN, _CHUNK), lambda n: (_NB + n, 0)),
            pl.BlockSpec((1, _H), lambda n: (0, 0)),
        ],
        out_specs=[
            pl.BlockSpec((_BN, _H), lambda n: (n, 0)),
            pl.BlockSpec((1, 1, _H), lambda n: (n, 0, 0)),
            pl.BlockSpec((1, 1, _H), lambda n: (n, 0, 0)),
        ],
        out_shape=[
            jax.ShapeDtypeStruct((_N, _H), jnp.float32),
            jax.ShapeDtypeStruct((_NB, 1, _H), jnp.float32),
            jax.ShapeDtypeStruct((_NB, 1, _H), jnp.float32),
        ],
    )(x, w_root, part, part, degp, degp, b)


def _combine2_body(h_ref, s_ref, q_ref, g_ref, be_ref, o_ref):
    mu = jnp.sum(s_ref[...].reshape(_NB, _H), axis=0, keepdims=True) * (1.0 / _N)
    msq = jnp.sum(q_ref[...].reshape(_NB, _H), axis=0, keepdims=True) * (1.0 / _N)
    var = msq - mu * mu
    rstd = lax.rsqrt(var + _EPS)
    hn = (h_ref[...] - mu) * rstd * g_ref[...] + be_ref[...]
    o_ref[...] = jnp.maximum(hn, 0.0)


def _combine2(h, ssum, ssq, g, be):
    return pl.pallas_call(
        _combine2_body,
        grid=(_NB,),
        in_specs=[
            pl.BlockSpec((_BN, _H), lambda n: (n, 0)),
            pl.BlockSpec((_NB, 1, _H), lambda n: (0, 0, 0)),
            pl.BlockSpec((_NB, 1, _H), lambda n: (0, 0, 0)),
            pl.BlockSpec((1, _H), lambda n: (0, 0)),
            pl.BlockSpec((1, _H), lambda n: (0, 0)),
        ],
        out_specs=pl.BlockSpec((_BN, _H), lambda n: (n, 0)),
        out_shape=jax.ShapeDtypeStruct((_N, _H), jnp.float32),
    )(h, ssum, ssq, g, be)


def _heads_body(h_ref, w1_ref, b1_ref, w2_ref, b2_ref, o_ref):
    h = h_ref[...]
    w1 = w1_ref[...]
    b1 = b1_ref[...]
    w2 = w2_ref[...]
    b2 = b2_ref[...]
    cols = []
    for r in range(_NH):
        t = jnp.dot(h, w1[r], preferred_element_type=jnp.float32) + b1[r][None, :]
        t = jnp.maximum(t, 0.0)
        col = jnp.sum(t * w2[r, :, 0][None, :], axis=1, keepdims=True) + b2[r, 0]
        cols.append(col)
    o_ref[...] = jnp.concatenate(cols, axis=1)


def _heads(h, hw1, hb1, hw2, hb2):
    return pl.pallas_call(
        _heads_body,
        grid=(_NB,),
        in_specs=[
            pl.BlockSpec((_BN, _H), lambda n: (n, 0)),
            pl.BlockSpec((_NH, _H, _FF), lambda n: (0, 0, 0)),
            pl.BlockSpec((_NH, _FF), lambda n: (0, 0)),
            pl.BlockSpec((_NH, _FF, 1), lambda n: (0, 0, 0)),
            pl.BlockSpec((_NH, 1), lambda n: (0, 0)),
        ],
        out_specs=pl.BlockSpec((_BN, _NH), lambda n: (n, 0)),
        out_shape=jax.ShapeDtypeStruct((_N, _NH), jnp.float32),
    )(h, hw1, hb1, hw2, hb2)


def kernel(x, edge_index, edge_type, W_rel1, W_root1, b1, g1, be1,
           W_rel2, W_root2, b2, g2, be2, W_rel3, W_root3, b3, g3, be3,
           hw1, hb1, hw2, hb2):
    src = edge_index[0].astype(jnp.int32)
    dst = edge_index[1].astype(jnp.int32)
    et = edge_type.astype(jnp.int32)
    gidx = et * _N + src
    didx = dst
    gidx2 = gidx.reshape(_NW * _NIT, _EB)
    didx2 = didx.reshape(_NW * _NIT, _EB)
    zeros128 = jnp.zeros((_N, _CHUNK), jnp.float32)
    ones = jnp.ones((_EB, _CHUNK), jnp.float32)

    layers = [
        (W_rel1, W_root1, b1, g1, be1),
        (W_rel2, W_root2, b2, g2, be2),
        (W_rel3, W_root3, b3, g3, be3),
    ]
    h = x
    (degp,) = _get_sc("deg")(didx2, zeros128, ones)
    for li, (w_rel, w_root, b, g, be) in enumerate(layers):
        t0, t1 = _tables(h, w_rel)
        (part,) = _get_sc("aggr")(t0, t1, gidx2, didx2, zeros128)
        hmid, ssum, ssq = _combine1(h, w_root, part, degp,
                                    b.reshape(1, _H))
        h = _combine2(hmid, ssum, ssq, g.reshape(1, _H), be.reshape(1, _H))
    return _heads(h, hw1, hb1, hw2, hb2)

# --- scband reference (transcript-rebuilt; emitter-appended) ---
"""Pipeline reference for scband-rgcn-65704409694254 (READ-ONLY COPY).

The authoritative reference and input builder live on the scoring server;
editing this copy changes nothing except your own understanding.
"""

import jax, jax.numpy as jnp
import numpy as np

N = 10000
E = 320000
R = 4
D_IN = 128
H = 256
FF = 4 * H
NH = 3
EPS = 1e-5


def _p(k, shape, fan_in):
    return jax.random.normal(k, shape, jnp.float32) * (1.0 / np.sqrt(fan_in))


def setup_inputs(seed: int = 0):
    key = jax.random.key(seed)
    ks = jax.random.split(key, 32)
    inp = {}
    inp["x"] = jax.random.normal(ks[0], (N, D_IN), jnp.float32)
    inp["edge_index"] = jax.random.randint(ks[1], (2, E), 0, N)
    inp["edge_type"] = jax.random.randint(ks[2], (E,), 0, R)
    dims = [(D_IN, H), (H, H), (H, H)]
    i = 3
    for li, (di, do) in enumerate(dims, start=1):
        inp[f"W_rel{li}"] = _p(ks[i], (R, di, do), di); i += 1
        inp[f"W_root{li}"] = _p(ks[i], (di, do), di); i += 1
        inp[f"b{li}"] = jnp.zeros((do,), jnp.float32)
        inp[f"g{li}"] = jnp.ones((do,), jnp.float32)
        inp[f"be{li}"] = jnp.zeros((do,), jnp.float32)
    inp["hw1"] = _p(ks[i], (NH, H, FF), H); i += 1
    inp["hb1"] = jnp.zeros((NH, FF), jnp.float32)
    inp["hw2"] = _p(ks[i], (NH, FF, 1), FF); i += 1
    inp["hb2"] = jnp.zeros((NH, 1), jnp.float32)
    return inp


def _bn(h, g, b):
    mu = jnp.mean(h, axis=0)
    var = jnp.var(h, axis=0)
    return (h - mu) / jnp.sqrt(var + EPS) * g + b


def _rgcn_conv(x, src, dst, et, W_rel, W_root, b):
    # relation-specific transform: [R, N, out]
    xw = jnp.einsum('ni,rio->rno', x, W_rel)
    # gather per-edge message by (relation, source node)
    msg = xw[et, src]
    deg = jax.ops.segment_sum(jnp.ones((src.shape[0],), x.dtype), dst, num_segments=N)
    agg = jax.ops.segment_sum(msg, dst, num_segments=N)
    agg = agg / jnp.maximum(deg, 1.0)[:, None]
    return x @ W_root + agg + b


def reference(x, edge_index, edge_type, W_rel1, W_root1, b1, g1, be1, W_rel2, W_root2, b2, g2, be2, W_rel3, W_root3, b3, g3, be3, hw1, hb1, hw2, hb2):
    src, dst = edge_index[0], edge_index[1]
    h = _rgcn_conv(x, src, dst, edge_type, W_rel1, W_root1, b1)
    h = jax.nn.relu(_bn(h, g1, be1))
    h = _rgcn_conv(h, src, dst, edge_type, W_rel2, W_root2, b2)
    h = jax.nn.relu(_bn(h, g2, be2))
    h = _rgcn_conv(h, src, dst, edge_type, W_rel3, W_root3, b3)
    h = jax.nn.relu(_bn(h, g3, be3))
    # multi-horizon heads (dropout is identity at inference)
    o = jnp.einsum('nh,rhf->rnf', h, hw1) + hb1[:, None, :]
    o = jax.nn.relu(o)
    o = jnp.einsum('rnf,rfo->rno', o, hw2) + hb2[:, None, :]
    return jnp.transpose(o[..., 0], (1, 0))

if __name__ == "__main__":
    import jax
    _d = setup_inputs()
    print(jax.jit(kernel)(*tuple(_d.values())))

</pallas_src>

<mosaic_0001>
#map = affine_map<(d0, d1) -> (0, 0)>
module attributes {stable_mosaic.version = 14 : i64} {
  func.func @body(%arg0: i32, %arg1: i32, %arg2: memref<4000x80xi32, #tpu.memory_space<hbm>>, %arg3: memref<10000x128xf32, #tpu.memory_space<hbm>>, %arg4: memref<80x128xf32, #tpu.memory_space<hbm>>, %arg5: memref<20000x128xf32, #tpu.memory_space<hbm>>, %arg6: memref<10000x128xf32, #tpu.memory_space<vmem_shared>>, %arg7: memref<80xi32, #tpu.memory_space<vmem>>, %arg8: memref<80xi32, #tpu.memory_space<vmem>>, %arg9: memref<80xi32, #tpu.memory_space<vmem>>, %arg10: memref<80xi32, #tpu.memory_space<vmem>>, %arg11: memref<80x128xf32, #tpu.memory_space<vmem>>, %arg12: memref<!tpu.dma_semaphore, #tpu.memory_space<semaphore_mem>>, %arg13: memref<!tpu.dma_semaphore, #tpu.memory_space<semaphore_mem>>, %arg14: memref<!tpu.dma_semaphore, #tpu.memory_space<semaphore_mem>>, %arg15: memref<!tpu.dma_semaphore, #tpu.memory_space<semaphore_mem>>, %arg16: memref<!tpu.dma_semaphore, #tpu.memory_space<semaphore_mem>>, %arg17: memref<!tpu.dma_semaphore, #tpu.memory_space<semaphore_mem>>, %arg18: memref<!tpu.dma_semaphore, #tpu.memory_space<semaphore_mem>>, %arg19: memref<!tpu.dma_semaphore, #tpu.memory_space<semaphore_mem>>) attributes {dimension_semantics = [#tpu.dimension_semantics<core_parallel>, #tpu.dimension_semantics<subcore_parallel>], iteration_bounds = array<i64: 2, 16>, scalar_prefetch = 0 : i64, scratch_operands = 14 : i64, tpu.core_type = #tpu.core_type<sc_vector_subcore>, window_params = [{transform_indices = #map}, {transform_indices = #map}, {transform_indices = #map}, {transform_indices = #map}]} {
    %mul3A = arith.constant 16 : i32
    %mul3A_0 = arith.muli %arg0, %mul3A : i32
    %add3A = arith.addi %mul3A_0, %arg1 : i32
    %mul3A_1 = arith.constant 125 : i32
    %mul3A_2 = arith.muli %add3A, %mul3A_1 : i32
    %lt3A = arith.constant 10 : i32
    %lt3A_3 = arith.cmpi slt, %arg1, %lt3A : i32
    %convert_element_type3A = arith.extui %lt3A_3 : i1 to i32
    %cond3A = arith.constant 0 : i32
    %cond3A_4 = arith.cmpi ne, %convert_element_type3A, %cond3A : i32
    scf.if %cond3A_4 {
      %mul3A_84 = arith.constant 1000 : i32
      %mul3A_85 = arith.muli %arg1, %mul3A_84 : i32
      %mul3A_86 = arith.constant 1000 : i32
      %mul3A_87 = arith.muli %arg1, %mul3A_86 : i32
      "tpu.region"() ({
        %run_scoped3A = tpu.sem_alloc : memref<!tpu.dma_semaphore, #tpu.memory_space<semaphore_mem>>
        %dma_start3A_88 = arith.constant 0 : i32
        %dma_start3A_89 = tpu.memref_slice %arg6[%mul3A_87, %dma_start3A_88] : memref<10000x128xf32, #tpu.memory_space<vmem_shared>> -> memref<1000x128xf32, #tpu.memory_space<vmem_shared>>
        %dma_start3A_90 = arith.constant 0 : i32
        %dma_start3A_91 = tpu.memref_slice %arg3[%mul3A_85, %dma_start3A_90] : memref<10000x128xf32, #tpu.memory_space<hbm>> -> memref<1000x128xf32, #tpu.memory_space<hbm>>
        tpu.enqueue_dma source(%dma_start3A_91 : memref<1000x128xf32, #tpu.memory_space<hbm>>) target(%dma_start3A_89 : memref<1000x128xf32, #tpu.memory_space<vmem_shared>>) target_semaphore(%run_scoped3A : memref<!tpu.dma_semaphore, #tpu.memory_space<semaphore_mem>>)
        %dma_wait3A_92 = arith.constant 0 : i32
        %dma_wait3A_93 = tpu.memref_slice %arg6[%mul3A_87, %dma_wait3A_92] : memref<10000x128xf32, #tpu.memory_space<vmem_shared>> -> memref<1000x128xf32, #tpu.memory_space<vmem_shared>>
        %dma_wait3A_94 = arith.constant 0 : i32
        %dma_wait3A_95 = tpu.memref_slice %arg3[%mul3A_85, %dma_wait3A_94] : memref<10000x128xf32, #tpu.memory_space<hbm>> -> memref<1000x128xf32, #tpu.memory_space<hbm>>
        tpu.wait_dma2 semaphore(%run_scoped3A : memref<!tpu.dma_semaphore, #tpu.memory_space<semaphore_mem>>) src(%dma_wait3A_95 : memref<1000x128xf32, #tpu.memory_space<hbm>>) dst(%dma_wait3A_93 : memref<1000x128xf32, #tpu.memory_space<vmem_shared>>)
        tpu.yield
      }) : () -> ()
    } else {
    }
    "tpu.region"() ({
      %run_scoped3A = tpu.sem_alloc : memref<!tpu.dma_semaphore, #tpu.memory_space<semaphore_mem>>
      tpu.enqueue_dma source(%arg4 : memref<80x128xf32, #tpu.memory_space<hbm>>) target(%arg11 : memref<80x128xf32, #tpu.memory_space<vmem>>) target_semaphore(%run_scoped3A : memref<!tpu.dma_semaphore, #tpu.memory_space<semaphore_mem>>)
      tpu.wait_dma2 semaphore(%run_scoped3A : memref<!tpu.dma_semaphore, #tpu.memory_space<semaphore_mem>>) src(%arg4 : memref<80x128xf32, #tpu.memory_space<hbm>>) dst(%arg11 : memref<80x128xf32, #tpu.memory_space<vmem>>)
      tpu.yield
    }) : () -> ()
    %barrier3A = arith.constant 0 : index
    tpu.barrier barrier_id(%barrier3A)
    %add3A_5 = arith.constant 0 : i32
    %add3A_6 = arith.addi %mul3A_2, %add3A_5 : i32
    %dma_start3A = arith.constant 0 : i32
    %dma_start3A_7 = tpu.memref_slice %arg2[%add3A_6, %dma_start3A] : memref<4000x80xi32, #tpu.memory_space<hbm>> -> memref<1x80xi32, #tpu.memory_space<hbm>>
    %dma_start3A_8 = tpu.memref_squeeze %dma_start3A_7 : memref<1x80xi32, #tpu.memory_space<hbm>> -> memref<80xi32, #tpu.memory_space<hbm>>
    %dma_start3A_9 = arith.constant 0 : i32
    %dma_start3A_10 = tpu.memref_slice %arg2[%add3A_6, %dma_start3A_9] : memref<4000x80xi32, #tpu.memory_space<hbm>> -> memref<1x80xi32, #tpu.memory_space<hbm>>
    %dma_start3A_11 = tpu.memref_squeeze %dma_start3A_10 : memref<1x80xi32, #tpu.memory_space<hbm>> -> memref<80xi32, #tpu.memory_space<hbm>>
    tpu.enqueue_dma source(%dma_start3A_11 : memref<80xi32, #tpu.memory_space<hbm>>) target(%arg7 : memref<80xi32, #tpu.memory_space<vmem>>) target_semaphore(%arg12 : memref<!tpu.dma_semaphore, #tpu.memory_space<semaphore_mem>>)
    %add3A_12 = arith.constant 1 : i32
    %add3A_13 = arith.addi %mul3A_2, %add3A_12 : i32
    %dma_start3A_14 = arith.constant 0 : i32
    %dma_start3A_15 = tpu.memref_slice %arg2[%add3A_13, %dma_start3A_14] : memref<4000x80xi32, #tpu.memory_space<hbm>> -> memref<1x80xi32, #tpu.memory_space<hbm>>
    %dma_start3A_16 = tpu.memref_squeeze %dma_start3A_15 : memref<1x80xi32, #tpu.memory_space<hbm>> -> memref<80xi32, #tpu.memory_space<hbm>>
    %dma_start3A_17 = arith.constant 0 : i32
    %dma_start3A_18 = tpu.memref_slice %arg2[%add3A_13, %dma_start3A_17] : memref<4000x80xi32, #tpu.memory_space<hbm>> -> memref<1x80xi32, #tpu.memory_space<hbm>>
    %dma_start3A_19 = tpu.memref_squeeze %dma_start3A_18 : memref<1x80xi32, #tpu.memory_space<hbm>> -> memref<80xi32, #tpu.memory_space<hbm>>
    tpu.enqueue_dma source(%dma_start3A_19 : memref<80xi32, #tpu.memory_space<hbm>>) target(%arg8 : memref<80xi32, #tpu.memory_space<vmem>>) target_semaphore(%arg13 : memref<!tpu.dma_semaphore, #tpu.memory_space<semaphore_mem>>)
    %add3A_20 = arith.constant 2 : i32
    %add3A_21 = arith.addi %mul3A_2, %add3A_20 : i32
    %dma_start3A_22 = arith.constant 0 : i32
    %dma_start3A_23 = tpu.memref_slice %arg2[%add3A_21, %dma_start3A_22] : memref<4000x80xi32, #tpu.memory_space<hbm>> -> memref<1x80xi32, #tpu.memory_space<hbm>>
    %dma_start3A_24 = tpu.memref_squeeze %dma_start3A_23 : memref<1x80xi32, #tpu.memory_space<hbm>> -> memref<80xi32, #tpu.memory_space<hbm>>
    %dma_start3A_25 = arith.constant 0 : i32
    %dma_start3A_26 = tpu.memref_slice %arg2[%add3A_21, %dma_start3A_25] : memref<4000x80xi32, #tpu.memory_space<hbm>> -> memref<1x80xi32, #tpu.memory_space<hbm>>
    %dma_start3A_27 = tpu.memref_squeeze %dma_start3A_26 : memref<1x80xi32, #tpu.memory_space<hbm>> -> memref<80xi32, #tpu.memory_space<hbm>>
    tpu.enqueue_dma source(%dma_start3A_27 : memref<80xi32, #tpu.memory_space<hbm>>) target(%arg9 : memref<80xi32, #tpu.memory_space<vmem>>) target_semaphore(%arg14 : memref<!tpu.dma_semaphore, #tpu.memory_space<semaphore_mem>>)
    %dma_wait3A = arith.constant 0 : i32
    %dma_wait3A_28 = tpu.memref_slice %arg2[%mul3A_2, %dma_wait3A] : memref<4000x80xi32, #tpu.memory_space<hbm>> -> memref<1x80xi32, #tpu.memory_space<hbm>>
    %dma_wait3A_29 = tpu.memref_squeeze %dma_wait3A_28 : memref<1x80xi32, #tpu.memory_space<hbm>> -> memref<80xi32, #tpu.memory_space<hbm>>
    %dma_wait3A_30 = arith.constant 0 : i32
    %dma_wait3A_31 = tpu.memref_slice %arg2[%mul3A_2, %dma_wait3A_30] : memref<4000x80xi32, #tpu.memory_space<hbm>> -> memref<1x80xi32, #tpu.memory_space<hbm>>
    %dma_wait3A_32 = tpu.memref_squeeze %dma_wait3A_31 : memref<1x80xi32, #tpu.memory_space<hbm>> -> memref<80xi32, #tpu.memory_space<hbm>>
    tpu.wait_dma2 semaphore(%arg12 : memref<!tpu.dma_semaphore, #tpu.memory_space<semaphore_mem>>) src(%dma_wait3A_32 : memref<80xi32, #tpu.memory_space<hbm>>) dst(%arg7 : memref<80xi32, #tpu.memory_space<vmem>>)
    "tpu.region"() ({
      %run_scoped3A = tpu.sem_alloc : memref<!tpu.dma_semaphore, #tpu.memory_space<semaphore_mem>>
      %dma_start3A_84 = arith.constant 0 : i32
      %dma_start3A_85 = arith.constant 0 : i32
      %dma_start3A_86 = tpu.memref_slice %arg6[%dma_start3A_84, %dma_start3A_85] : memref<10000x128xf32, #tpu.memory_space<vmem_shared>> -> memref<10000x128xf32, #tpu.memory_space<vmem_shared>>
      tpu.enqueue_indirect_dma source(%arg11 : memref<80x128xf32, #tpu.memory_space<vmem>>) target(%dma_start3A_86 : memref<10000x128xf32, #tpu.memory_space<vmem_shared>>) offsets(%arg7 : memref<80xi32, #tpu.memory_space<vmem>>) semaphore(%run_scoped3A : memref<!tpu.dma_semaphore, #tpu.memory_space<semaphore_mem>>) {add = true}
      %dma_wait3A_87 = arith.constant 0 : i32
      %dma_wait3A_88 = arith.constant 0 : i32
      %dma_wait3A_89 = tpu.memref_slice %arg6[%dma_wait3A_87, %dma_wait3A_88] : memref<10000x128xf32, #tpu.memory_space<vmem_shared>> -> memref<10000x128xf32, #tpu.memory_space<vmem_shared>>
      tpu.wait_indirect_dma semaphore(%run_scoped3A : memref<!tpu.dma_semaphore, #tpu.memory_space<semaphore_mem>>) src(%arg11 : memref<80x128xf32, #tpu.memory_space<vmem>>) dst(%dma_wait3A_89 : memref<10000x128xf32, #tpu.memory_space<vmem_shared>>)
      tpu.yield
    }) : () -> ()
    %add3A_33 = arith.constant 3 : i32
    %add3A_34 = arith.addi %mul3A_2, %add3A_33 : i32
    %dma_start3A_35 = arith.constant 0 : i32
    %dma_start3A_36 = tpu.memref_slice %arg2[%add3A_34, %dma_start3A_35] : memref<4000x80xi32, #tpu.memory_space<hbm>> -> memref<1x80xi32, #tpu.memory_space<hbm>>
    %dma_start3A_37 = tpu.memref_squeeze %dma_start3A_36 : memref<1x80xi32, #tpu.memory_space<hbm>> -> memref<80xi32, #tpu.memory_space<hbm>>
    %dma_start3A_38 = arith.constant 0 : i32
    %dma_start3A_39 = tpu.memref_slice %arg2[%add3A_34, %dma_start3A_38] : memref<4000x80xi32, #tpu.memory_space<hbm>> -> memref<1x80xi32, #tpu.memory_space<hbm>>
    %dma_start3A_40 = tpu.memref_squeeze %dma_start3A_39 : memref<1x80xi32, #tpu.memory_space<hbm>> -> memref<80xi32, #tpu.memory_space<hbm>>
    tpu.enqueue_dma source(%dma_start3A_40 : memref<80xi32, #tpu.memory_space<hbm>>) target(%arg10 : memref<80xi32, #tpu.memory_space<vmem>>) target_semaphore(%arg15 : memref<!tpu.dma_semaphore, #tpu.memory_space<semaphore_mem>>)
    %scan3A = arith.constant 0 : i32
    %scan3A_41 = arith.constant 0 : i32
    %scan3A_42 = arith.constant 30 : i32
    %scan3A_43 = arith.addi %scan3A_41, %scan3A_42 : i32
    %scan3A_44 = arith.constant 1 : i32
    scf.for %scan3A_84 = %scan3A_41 to %scan3A_43 step %scan3A_44  : i32 {
      %mul3A_85 = arith.constant 4 : i32
      %mul3A_86 = arith.muli %scan3A_84, %mul3A_85 : i32
      %add3A_87 = arith.constant 1 : i32
      %add3A_88 = arith.addi %mul3A_86, %add3A_87 : i32
      %add3A_89 = arith.constant 0 : i32
      %add3A_90 = arith.addi %add3A_88, %add3A_89 : i32
      %dma_wait3A_91 = arith.constant 0 : i32
      %dma_wait3A_92 = tpu.memref_slice %arg2[%mul3A_2, %dma_wait3A_91] : memref<4000x80xi32, #tpu.memory_space<hbm>> -> memref<1x80xi32, #tpu.memory_space<hbm>>
      %dma_wait3A_93 = tpu.memref_squeeze %dma_wait3A_92 : memref<1x80xi32, #tpu.memory_space<hbm>> -> memref<80xi32, #tpu.memory_space<hbm>>
      %dma_wait3A_94 = arith.constant 0 : i32
      %dma_wait3A_95 = tpu.memref_slice %arg2[%mul3A_2, %dma_wait3A_94] : memref<4000x80xi32, #tpu.memory_space<hbm>> -> memref<1x80xi32, #tpu.memory_space<hbm>>
      %dma_wait3A_96 = tpu.memref_squeeze %dma_wait3A_95 : memref<1x80xi32, #tpu.memory_space<hbm>> -> memref<80xi32, #tpu.memory_space<hbm>>
      tpu.wait_dma2 semaphore(%arg13 : memref<!tpu.dma_semaphore, #tpu.memory_space<semaphore_mem>>) src(%dma_wait3A_96 : memref<80xi32, #tpu.memory_space<hbm>>) dst(%arg8 : memref<80xi32, #tpu.memory_space<vmem>>)
      "tpu.region"() ({
        %run_scoped3A = tpu.sem_alloc : memref<!tpu.dma_semaphore, #tpu.memory_space<semaphore_mem>>
        %dma_start3A_169 = arith.constant 0 : i32
        %dma_start3A_170 = arith.constant 0 : i32
        %dma_start3A_171 = tpu.memref_slice %arg6[%dma_start3A_169, %dma_start3A_170] : memref<10000x128xf32, #tpu.memory_space<vmem_shared>> -> memref<10000x128xf32, #tpu.memory_space<vmem_shared>>
        tpu.enqueue_indirect_dma source(%arg11 : memref<80x128xf32, #tpu.memory_space<vmem>>) target(%dma_start3A_171 : memref<10000x128xf32, #tpu.memory_space<vmem_shared>>) offsets(%arg8 : memref<80xi32, #tpu.memory_space<vmem>>) semaphore(%run_scoped3A : memref<!tpu.dma_semaphore, #tpu.memory_space<semaphore_mem>>) {add = true}
        %dma_wait3A_172 = arith.constant 0 : i32
        %dma_wait3A_173 = arith.constant 0 : i32
        %dma_wait3A_174 = tpu.memref_slice %arg6[%dma_wait3A_172, %dma_wait3A_173] : memref<10000x128xf32, #tpu.memory_space<vmem_shared>> -> memref<10000x128xf32, #tpu.memory_space<vmem_shared>>
        tpu.wait_indirect_dma semaphore(%run_scoped3A : memref<!tpu.dma_semaphore, #tpu.memory_space<semaphore_mem>>) src(%arg11 : memref<80x128xf32, #tpu.memory_space<vmem>>) dst(%dma_wait3A_174 : memref<10000x128xf32, #tpu.memory_space<vmem_shared>>)
        tpu.yield
      }) : () -> ()
      %add3A_97 = arith.constant 3 : i32
      %add3A_98 = arith.addi %add3A_90, %add3A_97 : i32
      %add3A_99 = arith.addi %mul3A_2, %add3A_98 : i32
      %dma_start3A_100 = arith.constant 0 : i32
      %dma_start3A_101 = tpu.memref_slice %arg2[%add3A_99, %dma_start3A_100] : memref<4000x80xi32, #tpu.memory_space<hbm>> -> memref<1x80xi32, #tpu.memory_space<hbm>>
      %dma_start3A_102 = tpu.memref_squeeze %dma_start3A_101 : memref<1x80xi32, #tpu.memory_space<hbm>> -> memref<80xi32, #tpu.memory_space<hbm>>
      %dma_start3A_103 = arith.constant 0 : i32
      %dma_start3A_104 = tpu.memref_slice %arg2[%add3A_99, %dma_start3A_103] : memref<4000x80xi32, #tpu.memory_space<hbm>> -> memref<1x80xi32, #tpu.memory_space<hbm>>
      %dma_start3A_105 = tpu.memref_squeeze %dma_start3A_104 : memref<1x80xi32, #tpu.memory_space<hbm>> -> memref<80xi32, #tpu.memory_space<hbm>>
      tpu.enqueue_dma source(%dma_start3A_105 : memref<80xi32, #tpu.memory_space<hbm>>) target(%arg7 : memref<80xi32, #tpu.memory_space<vmem>>) target_semaphore(%arg12 : memref<!tpu.dma_semaphore, #tpu.memory_space<semaphore_mem>>)
      %mul3A_106 = arith.constant 4 : i32
      %mul3A_107 = arith.muli %scan3A_84, %mul3A_106 : i32
      %add3A_108 = arith.constant 1 : i32
      %add3A_109 = arith.addi %mul3A_107, %add3A_108 : i32
      %add3A_110 = arith.constant 1 : i32
      %add3A_111 = arith.addi %add3A_109, %add3A_110 : i32
      %dma_wait3A_112 = arith.constant 0 : i32
      %dma_wait3A_113 = tpu.memref_slice %arg2[%mul3A_2, %dma_wait3A_112] : memref<4000x80xi32, #tpu.memory_space<hbm>> -> memref<1x80xi32, #tpu.memory_space<hbm>>
      %dma_wait3A_114 = tpu.memref_squeeze %dma_wait3A_113 : memref<1x80xi32, #tpu.memory_space<hbm>> -> memref<80xi32, #tpu.memory_space<hbm>>
      %dma_wait3A_115 = arith.constant 0 : i32
      %dma_wait3A_116 = tpu.memref_slice %arg2[%mul3A_2, %dma_wait3A_115] : memref<4000x80xi32, #tpu.memory_space<hbm>> -> memref<1x80xi32, #tpu.memory_space<hbm>>
      %dma_wait3A_117 = tpu.memref_squeeze %dma_wait3A_116 : memref<1x80xi32, #tpu.memory_space<hbm>> -> memref<80xi32, #tpu.memory_space<hbm>>
      tpu.wait_dma2 semaphore(%arg14 : memref<!tpu.dma_semaphore, #tpu.memory_space<semaphore_mem>>) src(%dma_wait3A_117 : memref<80xi32, #tpu.memory_space<hbm>>) dst(%arg9 : memref<80xi32, #tpu.memory_space<vmem>>)
      "tpu.region"() ({
        %run_scoped3A = tpu.sem_alloc : memref<!tpu.dma_semaphore, #tpu.memory_space<semaphore_mem>>
        %dma_start3A_169 = arith.constant 0 : i32
        %dma_start3A_170 = arith.constant 0 : i32
        %dma_start3A_171 = tpu.memref_slice %arg6[%dma_start3A_169, %dma_start3A_170] : memref<10000x128xf32, #tpu.memory_space<vmem_shared>> -> memref<10000x128xf32, #tpu.memory_space<vmem_shared>>
        tpu.enqueue_indirect_dma source(%arg11 : memref<80x128xf32, #tpu.memory_space<vmem>>) target(%dma_start3A_171 : memref<10000x128xf32, #tpu.memory_space<vmem_shared>>) offsets(%arg9 : memref<80xi32, #tpu.memory_space<vmem>>) semaphore(%run_scoped3A : memref<!tpu.dma_semaphore, #tpu.memory_space<semaphore_mem>>) {add = true}
        %dma_wait3A_172 = arith.constant 0 : i32
        %dma_wait3A_173 = arith.constant 0 : i32
        %dma_wait3A_174 = tpu.memref_slice %arg6[%dma_wait3A_172, %dma_wait3A_173] : memref<10000x128xf32, #tpu.memory_space<vmem_shared>> -> memref<10000x128xf32, #tpu.memory_space<vmem_shared>>
        tpu.wait_indirect_dma semaphore(%run_scoped3A : memref<!tpu.dma_semaphore, #tpu.memory_space<semaphore_mem>>) src(%arg11 : memref<80x128xf32, #tpu.memory_space<vmem>>) dst(%dma_wait3A_174 : memref<10000x128xf32, #tpu.memory_space<vmem_shared>>)
        tpu.yield
      }) : () -> ()
      %add3A_118 = arith.constant 3 : i32
      %add3A_119 = arith.addi %add3A_111, %add3A_118 : i32
      %add3A_120 = arith.addi %mul3A_2, %add3A_119 : i32
      %dma_start3A_121 = arith.constant 0 : i32
      %dma_start3A_122 = tpu.memref_slice %arg2[%add3A_120, %dma_start3A_121] : memref<4000x80xi32, #tpu.memory_space<hbm>> -> memref<1x80xi32, #tpu.memory_space<hbm>>
      %dma_start3A_123 = tpu.memref_squeeze %dma_start3A_122 : memref<1x80xi32, #tpu.memory_space<hbm>> -> memref<80xi32, #tpu.memory_space<hbm>>
      %dma_start3A_124 = arith.constant 0 : i32
      %dma_start3A_125 = tpu.memref_slice %arg2[%add3A_120, %dma_start3A_124] : memref<4000x80xi32, #tpu.memory_space<hbm>> -> memref<1x80xi32, #tpu.memory_space<hbm>>
      %dma_start3A_126 = tpu.memref_squeeze %dma_start3A_125 : memref<1x80xi32, #tpu.memory_space<hbm>> -> memref<80xi32, #tpu.memory_space<hbm>>
      tpu.enqueue_dma source(%dma_start3A_126 : memref<80xi32, #tpu.memory_space<hbm>>) target(%arg8 : memref<80xi32, #tpu.memory_space<vmem>>) target_semaphore(%arg13 : memref<!tpu.dma_semaphore, #tpu.memory_space<semaphore_mem>>)
      %mul3A_127 = arith.constant 4 : i32
      %mul3A_128 = arith.muli %scan3A_84, %mul3A_127 : i32
      %add3A_129 = arith.constant 1 : i32
      %add3A_130 = arith.addi %mul3A_128, %add3A_129 : i32
      %add3A_131 = arith.constant 2 : i32
      %add3A_132 = arith.addi %add3A_130, %add3A_131 : i32
      %dma_wait3A_133 = arith.constant 0 : i32
      %dma_wait3A_134 = tpu.memref_slice %arg2[%mul3A_2, %dma_wait3A_133] : memref<4000x80xi32, #tpu.memory_space<hbm>> -> memref<1x80xi32, #tpu.memory_space<hbm>>
      %dma_wait3A_135 = tpu.memref_squeeze %dma_wait3A_134 : memref<1x80xi32, #tpu.memory_space<hbm>> -> memref<80xi32, #tpu.memory_space<hbm>>
      %dma_wait3A_136 = arith.constant 0 : i32
      %dma_wait3A_137 = tpu.memref_slice %arg2[%mul3A_2, %dma_wait3A_136] : memref<4000x80xi32, #tpu.memory_space<hbm>> -> memref<1x80xi32, #tpu.memory_space<hbm>>
      %dma_wait3A_138 = tpu.memref_squeeze %dma_wait3A_137 : memref<1x80xi32, #tpu.memory_space<hbm>> -> memref<80xi32, #tpu.memory_space<hbm>>
      tpu.wait_dma2 semaphore(%arg15 : memref<!tpu.dma_semaphore, #tpu.memory_space<semaphore_mem>>) src(%dma_wait3A_138 : memref<80xi32, #tpu.memory_space<hbm>>) dst(%arg10 : memref<80xi32, #tpu.memory_space<vmem>>)
      "tpu.region"() ({
        %run_scoped3A = tpu.sem_alloc : memref<!tpu.dma_semaphore, #tpu.memory_space<semaphore_mem>>
        %dma_start3A_169 = arith.constant 0 : i32
        %dma_start3A_170 = arith.constant 0 : i32
        %dma_start3A_171 = tpu.memref_slice %arg6[%dma_start3A_169, %dma_start3A_170] : memref<10000x128xf32, #tpu.memory_space<vmem_shared>> -> memref<10000x128xf32, #tpu.memory_space<vmem_shared>>
        tpu.enqueue_indirect_dma source(%arg11 : memref<80x128xf32, #tpu.memory_space<vmem>>) target(%dma_start3A_171 : memref<10000x128xf32, #tpu.memory_space<vmem_shared>>) offsets(%arg10 : memref<80xi32, #tpu.memory_space<vmem>>) semaphore(%run_scoped3A : memref<!tpu.dma_semaphore, #tpu.memory_space<semaphore_mem>>) {add = true}
        %dma_wait3A_172 = arith.constant 0 : i32
        %dma_wait3A_173 = arith.constant 0 : i32
        %dma_wait3A_174 = tpu.memref_slice %arg6[%dma_wait3A_172, %dma_wait3A_173] : memref<10000x128xf32, #tpu.memory_space<vmem_shared>> -> memref<10000x128xf32, #tpu.memory_space<vmem_shared>>
        tpu.wait_indirect_dma semaphore(%run_scoped3A : memref<!tpu.dma_semaphore, #tpu.memory_space<semaphore_mem>>) src(%arg11 : memref<80x128xf32, #tpu.memory_space<vmem>>) dst(%dma_wait3A_174 : memref<10000x128xf32, #tpu.memory_space<vmem_shared>>)
        tpu.yield
      }) : () -> ()
      %add3A_139 = arith.constant 3 : i32
      %add3A_140 = arith.addi %add3A_132, %add3A_139 : i32
      %add3A_141 = arith.addi %mul3A_2, %add3A_140 : i32
      %dma_start3A_142 = arith.constant 0 : i32
      %dma_start3A_143 = tpu.memref_slice %arg2[%add3A_141, %dma_start3A_142] : memref<4000x80xi32, #tpu.memory_space<hbm>> -> memref<1x80xi32, #tpu.memory_space<hbm>>
      %dma_start3A_144 = tpu.memref_squeeze %dma_start3A_143 : memref<1x80xi32, #tpu.memory_space<hbm>> -> memref<80xi32, #tpu.memory_space<hbm>>
      %dma_start3A_145 = arith.constant 0 : i32
      %dma_start3A_146 = tpu.memref_slice %arg2[%add3A_141, %dma_start3A_145] : memref<4000x80xi32, #tpu.memory_space<hbm>> -> memref<1x80xi32, #tpu.memory_space<hbm>>
      %dma_start3A_147 = tpu.memref_squeeze %dma_start3A_146 : memref<1x80xi32, #tpu.memory_space<hbm>> -> memref<80xi32, #tpu.memory_space<hbm>>
      tpu.enqueue_dma source(%dma_start3A_147 : memref<80xi32, #tpu.memory_space<hbm>>) target(%arg9 : memref<80xi32, #tpu.memory_space<vmem>>) target_semaphore(%arg14 : memref<!tpu.dma_semaphore, #tpu.memory_space<semaphore_mem>>)
      %mul3A_148 = arith.constant 4 : i32
      %mul3A_149 = arith.muli %scan3A_84, %mul3A_148 : i32
      %add3A_150 = arith.constant 1 : i32
      %add3A_151 = arith.addi %mul3A_149, %add3A_150 : i32
      %add3A_152 = arith.constant 3 : i32
      %add3A_153 = arith.addi %add3A_151, %add3A_152 : i32
      %dma_wait3A_154 = arith.constant 0 : i32
      %dma_wait3A_155 = tpu.memref_slice %arg2[%mul3A_2, %dma_wait3A_154] : memref<4000x80xi32, #tpu.memory_space<hbm>> -> memref<1x80xi32, #tpu.memory_space<hbm>>
      %dma_wait3A_156 = tpu.memref_squeeze %dma_wait3A_155 : memref<1x80xi32, #tpu.memory_space<hbm>> -> memref<80xi32, #tpu.memory_space<hbm>>
      %dma_wait3A_157 = arith.constant 0 : i32
      %dma_wait3A_158 = tpu.memref_slice %arg2[%mul3A_2, %dma_wait3A_157] : memref<4000x80xi32, #tpu.memory_space<hbm>> -> memref<1x80xi32, #tpu.memory_space<hbm>>
      %dma_wait3A_159 = tpu.memref_squeeze %dma_wait3A_158 : memref<1x80xi32, #tpu.memory_space<hbm>> -> memref<80xi32, #tpu.memory_space<hbm>>
      tpu.wait_dma2 semaphore(%arg12 : memref<!tpu.dma_semaphore, #tpu.memory_space<semaphore_mem>>) src(%dma_wait3A_159 : memref<80xi32, #tpu.memory_space<hbm>>) dst(%arg7 : memref<80xi32, #tpu.memory_space<vmem>>)
      "tpu.region"() ({
        %run_scoped3A = tpu.sem_alloc : memref<!tpu.dma_semaphore, #tpu.memory_space<semaphore_mem>>
        %dma_start3A_169 = arith.constant 0 : i32
        %dma_start3A_170 = arith.constant 0 : i32
        %dma_start3A_171 = tpu.memref_slice %arg6[%dma_start3A_169, %dma_start3A_170] : memref<10000x128xf32, #tpu.memory_space<vmem_shared>> -> memref<10000x128xf32, #tpu.memory_space<vmem_shared>>
        tpu.enqueue_indirect_dma source(%arg11 : memref<80x128xf32, #tpu.memory_space<vmem>>) target(%dma_start3A_171 : memref<10000x128xf32, #tpu.memory_space<vmem_shared>>) offsets(%arg7 : memref<80xi32, #tpu.memory_space<vmem>>) semaphore(%run_scoped3A : memref<!tpu.dma_semaphore, #tpu.memory_space<semaphore_mem>>) {add = true}
        %dma_wait3A_172 = arith.constant 0 : i32
        %dma_wait3A_173 = arith.constant 0 : i32
        %dma_wait3A_174 = tpu.memref_slice %arg6[%dma_wait3A_172, %dma_wait3A_173] : memref<10000x128xf32, #tpu.memory_space<vmem_shared>> -> memref<10000x128xf32, #tpu.memory_space<vmem_shared>>
        tpu.wait_indirect_dma semaphore(%run_scoped3A : memref<!tpu.dma_semaphore, #tpu.memory_space<semaphore_mem>>) src(%arg11 : memref<80x128xf32, #tpu.memory_space<vmem>>) dst(%dma_wait3A_174 : memref<10000x128xf32, #tpu.memory_space<vmem_shared>>)
        tpu.yield
      }) : () -> ()
      %add3A_160 = arith.constant 3 : i32
      %add3A_161 = arith.addi %add3A_153, %add3A_160 : i32
      %add3A_162 = arith.addi %mul3A_2, %add3A_161 : i32
      %dma_start3A_163 = arith.constant 0 : i32
      %dma_start3A_164 = tpu.memref_slice %arg2[%add3A_162, %dma_start3A_163] : memref<4000x80xi32, #tpu.memory_space<hbm>> -> memref<1x80xi32, #tpu.memory_space<hbm>>
      %dma_start3A_165 = tpu.memref_squeeze %dma_start3A_164 : memref<1x80xi32, #tpu.memory_space<hbm>> -> memref<80xi32, #tpu.memory_space<hbm>>
      %dma_start3A_166 = arith.constant 0 : i32
      %dma_start3A_167 = tpu.memref_slice %arg2[%add3A_162, %dma_start3A_166] : memref<4000x80xi32, #tpu.memory_space<hbm>> -> memref<1x80xi32, #tpu.memory_space<hbm>>
      %dma_start3A_168 = tpu.memref_squeeze %dma_start3A_167 : memref<1x80xi32, #tpu.memory_space<hbm>> -> memref<80xi32, #tpu.memory_space<hbm>>
      tpu.enqueue_dma source(%dma_start3A_168 : memref<80xi32, #tpu.memory_space<hbm>>) target(%arg10 : memref<80xi32, #tpu.memory_space<vmem>>) target_semaphore(%arg15 : memref<!tpu.dma_semaphore, #tpu.memory_space<semaphore_mem>>)
    }
    %scan3A_45 = arith.constant 30 : i32
    %dma_wait3A_46 = arith.constant 0 : i32
    %dma_wait3A_47 = tpu.memref_slice %arg2[%mul3A_2, %dma_wait3A_46] : memref<4000x80xi32, #tpu.memory_space<hbm>> -> memref<1x80xi32, #tpu.memory_space<hbm>>
    %dma_wait3A_48 = tpu.memref_squeeze %dma_wait3A_47 : memref<1x80xi32, #tpu.memory_space<hbm>> -> memref<80xi32, #tpu.memory_space<hbm>>
    %dma_wait3A_49 = arith.constant 0 : i32
    %dma_wait3A_50 = tpu.memref_slice %arg2[%mul3A_2, %dma_wait3A_49] : memref<4000x80xi32, #tpu.memory_space<hbm>> -> memref<1x80xi32, #tpu.memory_space<hbm>>
    %dma_wait3A_51 = tpu.memref_squeeze %dma_wait3A_50 : memref<1x80xi32, #tpu.memory_space<hbm>> -> memref<80xi32, #tpu.memory_space<hbm>>
    tpu.wait_dma2 semaphore(%arg13 : memref<!tpu.dma_semaphore, #tpu.memory_space<semaphore_mem>>) src(%dma_wait3A_51 : memref<80xi32, #tpu.memory_space<hbm>>) dst(%arg8 : memref<80xi32, #tpu.memory_space<vmem>>)
    "tpu.region"() ({
      %run_scoped3A = tpu.sem_alloc : memref<!tpu.dma_semaphore, #tpu.memory_space<semaphore_mem>>
      %dma_start3A_84 = arith.constant 0 : i32
      %dma_start3A_85 = arith.constant 0 : i32
      %dma_start3A_86 = tpu.memref_slice %arg6[%dma_start3A_84, %dma_start3A_85] : memref<10000x128xf32, #tpu.memory_space<vmem_shared>> -> memref<10000x128xf32, #tpu.memory_space<vmem_shared>>
      tpu.enqueue_indirect_dma source(%arg11 : memref<80x128xf32, #tpu.memory_space<vmem>>) target(%dma_start3A_86 : memref<10000x128xf32, #tpu.memory_space<vmem_shared>>) offsets(%arg8 : memref<80xi32, #tpu.memory_space<vmem>>) semaphore(%run_scoped3A : memref<!tpu.dma_semaphore, #tpu.memory_space<semaphore_mem>>) {add = true}
      %dma_wait3A_87 = arith.constant 0 : i32
      %dma_wait3A_88 = arith.constant 0 : i32
      %dma_wait3A_89 = tpu.memref_slice %arg6[%dma_wait3A_87, %dma_wait3A_88] : memref<10000x128xf32, #tpu.memory_space<vmem_shared>> -> memref<10000x128xf32, #tpu.memory_space<vmem_shared>>
      tpu.wait_indirect_dma semaphore(%run_scoped3A : memref<!tpu.dma_semaphore, #tpu.memory_space<semaphore_mem>>) src(%arg11 : memref<80x128xf32, #tpu.memory_space<vmem>>) dst(%dma_wait3A_89 : memref<10000x128xf32, #tpu.memory_space<vmem_shared>>)
      tpu.yield
    }) : () -> ()
    %add3A_52 = arith.constant 124 : i32
    %add3A_53 = arith.addi %mul3A_2, %add3A_52 : i32
    %dma_start3A_54 = arith.constant 0 : i32
    %dma_start3A_55 = tpu.memref_slice %arg2[%add3A_53, %dma_start3A_54] : memref<4000x80xi32, #tpu.memory_space<hbm>> -> memref<1x80xi32, #tpu.memory_space<hbm>>
    %dma_start3A_56 = tpu.memref_squeeze %dma_start3A_55 : memref<1x80xi32, #tpu.memory_space<hbm>> -> memref<80xi32, #tpu.memory_space<hbm>>
    %dma_start3A_57 = arith.constant 0 : i32
    %dma_start3A_58 = tpu.memref_slice %arg2[%add3A_53, %dma_start3A_57] : memref<4000x80xi32, #tpu.memory_space<hbm>> -> memref<1x80xi32, #tpu.memory_space<hbm>>
    %dma_start3A_59 = tpu.memref_squeeze %dma_start3A_58 : memref<1x80xi32, #tpu.memory_space<hbm>> -> memref<80xi32, #tpu.memory_space<hbm>>
    tpu.enqueue_dma source(%dma_start3A_59 : memref<80xi32, #tpu.memory_space<hbm>>) target(%arg7 : memref<80xi32, #tpu.memory_space<vmem>>) target_semaphore(%arg12 : memref<!tpu.dma_semaphore, #tpu.memory_space<semaphore_mem>>)
    %dma_wait3A_60 = arith.constant 0 : i32
    %dma_wait3A_61 = tpu.memref_slice %arg2[%mul3A_2, %dma_wait3A_60] : memref<4000x80xi32, #tpu.memory_space<hbm>> -> memref<1x80xi32, #tpu.memory_space<hbm>>
    %dma_wait3A_62 = tpu.memref_squeeze %dma_wait3A_61 : memref<1x80xi32, #tpu.memory_space<hbm>> -> memref<80xi32, #tpu.memory_space<hbm>>
    %dma_wait3A_63 = arith.constant 0 : i32
    %dma_wait3A_64 = tpu.memref_slice %arg2[%mul3A_2, %dma_wait3A_63] : memref<4000x80xi32, #tpu.memory_space<hbm>> -> memref<1x80xi32, #tpu.memory_space<hbm>>
    %dma_wait3A_65 = tpu.memref_squeeze %dma_wait3A_64 : memref<1x80xi32, #tpu.memory_space<hbm>> -> memref<80xi32, #tpu.memory_space<hbm>>
    tpu.wait_dma2 semaphore(%arg14 : memref<!tpu.dma_semaphore, #tpu.memory_space<semaphore_mem>>) src(%dma_wait3A_65 : memref<80xi32, #tpu.memory_space<hbm>>) dst(%arg9 : memref<80xi32, #tpu.memory_space<vmem>>)
    "tpu.region"() ({
      %run_scoped3A = tpu.sem_alloc : memref<!tpu.dma_semaphore, #tpu.memory_space<semaphore_mem>>
      %dma_start3A_84 = arith.constant 0 : i32
      %dma_start3A_85 = arith.constant 0 : i32
      %dma_start3A_86 = tpu.memref_slice %arg6[%dma_start3A_84, %dma_start3A_85] : memref<10000x128xf32, #tpu.memory_space<vmem_shared>> -> memref<10000x128xf32, #tpu.memory_space<vmem_shared>>
      tpu.enqueue_indirect_dma source(%arg11 : memref<80x128xf32, #tpu.memory_space<vmem>>) target(%dma_start3A_86 : memref<10000x128xf32, #tpu.memory_space<vmem_shared>>) offsets(%arg9 : memref<80xi32, #tpu.memory_space<vmem>>) semaphore(%run_scoped3A : memref<!tpu.dma_semaphore, #tpu.memory_space<semaphore_mem>>) {add = true}
      %dma_wait3A_87 = arith.constant 0 : i32
      %dma_wait3A_88 = arith.constant 0 : i32
      %dma_wait3A_89 = tpu.memref_slice %arg6[%dma_wait3A_87, %dma_wait3A_88] : memref<10000x128xf32, #tpu.memory_space<vmem_shared>> -> memref<10000x128xf32, #tpu.memory_space<vmem_shared>>
      tpu.wait_indirect_dma semaphore(%run_scoped3A : memref<!tpu.dma_semaphore, #tpu.memory_space<semaphore_mem>>) src(%arg11 : memref<80x128xf32, #tpu.memory_space<vmem>>) dst(%dma_wait3A_89 : memref<10000x128xf32, #tpu.memory_space<vmem_shared>>)
      tpu.yield
    }) : () -> ()
    %dma_wait3A_66 = arith.constant 0 : i32
    %dma_wait3A_67 = tpu.memref_slice %arg2[%mul3A_2, %dma_wait3A_66] : memref<4000x80xi32, #tpu.memory_space<hbm>> -> memref<1x80xi32, #tpu.memory_space<hbm>>
    %dma_wait3A_68 = tpu.memref_squeeze %dma_wait3A_67 : memref<1x80xi32, #tpu.memory_space<hbm>> -> memref<80xi32, #tpu.memory_space<hbm>>
    %dma_wait3A_69 = arith.constant 0 : i32
    %dma_wait3A_70 = tpu.memref_slice %arg2[%mul3A_2, %dma_wait3A_69] : memref<4000x80xi32, #tpu.memory_space<hbm>> -> memref<1x80xi32, #tpu.memory_space<hbm>>
    %dma_wait3A_71 = tpu.memref_squeeze %dma_wait3A_70 : memref<1x80xi32, #tpu.memory_space<hbm>> -> memref<80xi32, #tpu.memory_space<hbm>>
    tpu.wait_dma2 semaphore(%arg15 : memref<!tpu.dma_semaphore, #tpu.memory_space<semaphore_mem>>) src(%dma_wait3A_71 : memref<80xi32, #tpu.memory_space<hbm>>) dst(%arg10 : memref<80xi32, #tpu.memory_space<vmem>>)
    "tpu.region"() ({
      %run_scoped3A = tpu.sem_alloc : memref<!tpu.dma_semaphore, #tpu.memory_space<semaphore_mem>>
      %dma_start3A_84 = arith.constant 0 : i32
      %dma_start3A_85 = arith.constant 0 : i32
      %dma_start3A_86 = tpu.memref_slice %arg6[%dma_start3A_84, %dma_start3A_85] : memref<10000x128xf32, #tpu.memory_space<vmem_shared>> -> memref<10000x128xf32, #tpu.memory_space<vmem_shared>>
      tpu.enqueue_indirect_dma source(%arg11 : memref<80x128xf32, #tpu.memory_space<vmem>>) target(%dma_start3A_86 : memref<10000x128xf32, #tpu.memory_space<vmem_shared>>) offsets(%arg10 : memref<80xi32, #tpu.memory_space<vmem>>) semaphore(%run_scoped3A : memref<!tpu.dma_semaphore, #tpu.memory_space<semaphore_mem>>) {add = true}
      %dma_wait3A_87 = arith.constant 0 : i32
      %dma_wait3A_88 = arith.constant 0 : i32
      %dma_wait3A_89 = tpu.memref_slice %arg6[%dma_wait3A_87, %dma_wait3A_88] : memref<10000x128xf32, #tpu.memory_space<vmem_shared>> -> memref<10000x128xf32, #tpu.memory_space<vmem_shared>>
      tpu.wait_indirect_dma semaphore(%run_scoped3A : memref<!tpu.dma_semaphore, #tpu.memory_space<semaphore_mem>>) src(%arg11 : memref<80x128xf32, #tpu.memory_space<vmem>>) dst(%dma_wait3A_89 : memref<10000x128xf32, #tpu.memory_space<vmem_shared>>)
      tpu.yield
    }) : () -> ()
    %dma_wait3A_72 = arith.constant 0 : i32
    %dma_wait3A_73 = tpu.memref_slice %arg2[%mul3A_2, %dma_wait3A_72] : memref<4000x80xi32, #tpu.memory_space<hbm>> -> memref<1x80xi32, #tpu.memory_space<hbm>>
    %dma_wait3A_74 = tpu.memref_squeeze %dma_wait3A_73 : memref<1x80xi32, #tpu.memory_space<hbm>> -> memref<80xi32, #tpu.memory_space<hbm>>
    %dma_wait3A_75 = arith.constant 0 : i32
    %dma_wait3A_76 = tpu.memref_slice %arg2[%mul3A_2, %dma_wait3A_75] : memref<4000x80xi32, #tpu.memory_space<hbm>> -> memref<1x80xi32, #tpu.memory_space<hbm>>
    %dma_wait3A_77 = tpu.memref_squeeze %dma_wait3A_76 : memref<1x80xi32, #tpu.memory_space<hbm>> -> memref<80xi32, #tpu.memory_space<hbm>>
    tpu.wait_dma2 semaphore(%arg12 : memref<!tpu.dma_semaphore, #tpu.memory_space<semaphore_mem>>) src(%dma_wait3A_77 : memref<80xi32, #tpu.memory_space<hbm>>) dst(%arg7 : memref<80xi32, #tpu.memory_space<vmem>>)
    "tpu.region"() ({
      %run_scoped3A = tpu.sem_alloc : memref<!tpu.dma_semaphore, #tpu.memory_space<semaphore_mem>>
      %dma_start3A_84 = arith.constant 0 : i32
      %dma_start3A_85 = arith.constant 0 : i32
      %dma_start3A_86 = tpu.memref_slice %arg6[%dma_start3A_84, %dma_start3A_85] : memref<10000x128xf32, #tpu.memory_space<vmem_shared>> -> memref<10000x128xf32, #tpu.memory_space<vmem_shared>>
      tpu.enqueue_indirect_dma source(%arg11 : memref<80x128xf32, #tpu.memory_space<vmem>>) target(%dma_start3A_86 : memref<10000x128xf32, #tpu.memory_space<vmem_shared>>) offsets(%arg7 : memref<80xi32, #tpu.memory_space<vmem>>) semaphore(%run_scoped3A : memref<!tpu.dma_semaphore, #tpu.memory_space<semaphore_mem>>) {add = true}
      %dma_wait3A_87 = arith.constant 0 : i32
      %dma_wait3A_88 = arith.constant 0 : i32
      %dma_wait3A_89 = tpu.memref_slice %arg6[%dma_wait3A_87, %dma_wait3A_88] : memref<10000x128xf32, #tpu.memory_space<vmem_shared>> -> memref<10000x128xf32, #tpu.memory_space<vmem_shared>>
      tpu.wait_indirect_dma semaphore(%run_scoped3A : memref<!tpu.dma_semaphore, #tpu.memory_space<semaphore_mem>>) src(%arg11 : memref<80x128xf32, #tpu.memory_space<vmem>>) dst(%dma_wait3A_89 : memref<10000x128xf32, #tpu.memory_space<vmem_shared>>)
      tpu.yield
    }) : () -> ()
    %barrier3A_78 = arith.constant 0 : index
    tpu.barrier barrier_id(%barrier3A_78)
    %lt3A_79 = arith.constant 10 : i32
    %lt3A_80 = arith.cmpi slt, %arg1, %lt3A_79 : i32
    %convert_element_type3A_81 = arith.extui %lt3A_80 : i1 to i32
    %cond3A_82 = arith.constant 0 : i32
    %cond3A_83 = arith.cmpi ne, %convert_element_type3A_81, %cond3A_82 : i32
    scf.if %cond3A_83 {
      %mul3A_84 = arith.constant 1000 : i32
      %mul3A_85 = arith.muli %arg1, %mul3A_84 : i32
      %mul3A_86 = arith.constant 10000 : i32
      %mul3A_87 = arith.muli %arg0, %mul3A_86 : i32
      %mul3A_88 = arith.constant 1000 : i32
      %mul3A_89 = arith.muli %arg1, %mul3A_88 : i32
      %add3A_90 = arith.addi %mul3A_87, %mul3A_89 : i32
      "tpu.region"() ({
        %run_scoped3A = tpu.sem_alloc : memref<!tpu.dma_semaphore, #tpu.memory_space<semaphore_mem>>
        %dma_start3A_91 = arith.constant 0 : i32
        %dma_start3A_92 = tpu.memref_slice %arg5[%add3A_90, %dma_start3A_91] : memref<20000x128xf32, #tpu.memory_space<hbm>> -> memref<1000x128xf32, #tpu.memory_space<hbm>>
        %dma_start3A_93 = arith.constant 0 : i32
        %dma_start3A_94 = tpu.memref_slice %arg6[%mul3A_85, %dma_start3A_93] : memref<10000x128xf32, #tpu.memory_space<vmem_shared>> -> memref<1000x128xf32, #tpu.memory_space<vmem_shared>>
        tpu.enqueue_dma source(%dma_start3A_94 : memref<1000x128xf32, #tpu.memory_space<vmem_shared>>) target(%dma_start3A_92 : memref<1000x128xf32, #tpu.memory_space<hbm>>) target_semaphore(%run_scoped3A : memref<!tpu.dma_semaphore, #tpu.memory_space<semaphore_mem>>)
        %dma_wait3A_95 = arith.constant 0 : i32
        %dma_wait3A_96 = tpu.memref_slice %arg5[%add3A_90, %dma_wait3A_95] : memref<20000x128xf32, #tpu.memory_space<hbm>> -> memref<1000x128xf32, #tpu.memory_space<hbm>>
        %dma_wait3A_97 = arith.constant 0 : i32
        %dma_wait3A_98 = tpu.memref_slice %arg6[%mul3A_85, %dma_wait3A_97] : memref<10000x128xf32, #tpu.memory_space<vmem_shared>> -> memref<1000x128xf32, #tpu.memory_space<vmem_shared>>
        tpu.wait_dma2 semaphore(%run_scoped3A : memref<!tpu.dma_semaphore, #tpu.memory_space<semaphore_mem>>) src(%dma_wait3A_98 : memref<1000x128xf32, #tpu.memory_space<vmem_shared>>) dst(%dma_wait3A_96 : memref<1000x128xf32, #tpu.memory_space<hbm>>)
        tpu.yield
      }) : () -> ()
    } else {
    }
    return
  }
}

#map = affine_map<(d0, d1) -> (0, 0)>
module attributes {stable_mosaic.version = 14 : i64} {
  func.func @body(%arg0: i32, %arg1: i32, %arg2: memref<40000x128xf32, #tpu.memory_space<hbm>>, %arg3: memref<40000x128xf32, #tpu.memory_space<hbm>>, %arg4: memref<4000x80xi32, #tpu.memory_space<hbm>>, %arg5: memref<4000x80xi32, #tpu.memory_space<hbm>>, %arg6: memref<10000x128xf32, #tpu.memory_space<hbm>>, %arg7: memref<20000x128xf32, #tpu.memory_space<hbm>>, %arg8: memref<10000x128xf32, #tpu.memory_space<vmem_shared>>, %arg9: memref<80xi32, #tpu.memory_space<vmem>>, %arg10: memref<80xi32, #tpu.memory_space<vmem>>, %arg11: memref<80xi32, #tpu.memory_space<vmem>>, %arg12: memref<80xi32, #tpu.memory_space<vmem>>, %arg13: memref<80xi32, #tpu.memory_space<vmem>>, %arg14: memref<80xi32, #tpu.memory_space<vmem>>, %arg15: memref<80xi32, #tpu.memory_space<vmem>>, %arg16: memref<80xi32, #tpu.memory_space<vmem>>, %arg17: memref<80x128xf32, #tpu.memory_space<vmem>>, %arg18: memref<80x128xf32, #tpu.memory_space<vmem>>, %arg19: memref<80x128xf32, #tpu.memory_space<vmem>>, %arg20: memref<80x128xf32, #tpu.memory_space<vmem>>, %arg21: memref<!tpu.dma_semaphore, #tpu.memory_space<semaphore_mem>>, %arg22: memref<!tpu.dma_semaphore, #tpu.memory_space<semaphore_mem>>, %arg23: memref<!tpu.dma_semaphore, #tpu.memory_space<semaphore_mem>>, %arg24: memref<!tpu.dma_semaphore, #tpu.memory_space<semaphore_mem>>, %arg25: memref<!tpu.dma_semaphore, #tpu.memory_space<semaphore_mem>>, %arg26: memref<!tpu.dma_semaphore, #tpu.memory_space<semaphore_mem>>, %arg27: memref<!tpu.dma_semaphore, #tpu.memory_space<semaphore_mem>>, %arg28: memref<!tpu.dma_semaphore, #tpu.memory_space<semaphore_mem>>) attributes {dimension_semantics = [#tpu.dimension_semantics<core_parallel>, #tpu.dimension_semantics<subcore_parallel>], iteration_bounds = array<i64: 2, 16>, scalar_prefetch = 0 : i64, scratch_operands = 21 : i64, tpu.core_type = #tpu.core_type<sc_vector_subcore>, window_params = [{transform_indices = #map}, {transform_indices = #map}, {transform_indices = #map}, {transform_indices = #map}, {transform_indices = #map}, {transform_indices = #map}]} {
    %mul3A = arith.constant 250 : i32
    %mul3A_0 = arith.muli %arg1, %mul3A : i32
    %lt3A = arith.constant 10 : i32
    %lt3A_1 = arith.cmpi slt, %arg1, %lt3A : i32
    %convert_element_type3A = arith.extui %lt3A_1 : i1 to i32
    %cond3A = arith.constant 0 : i32
    %cond3A_2 = arith.cmpi ne, %convert_element_type3A, %cond3A : i32
    scf.if %cond3A_2 {
      %mul3A_297 = arith.constant 1000 : i32
      %mul3A_298 = arith.muli %arg1, %mul3A_297 : i32
      %mul3A_299 = arith.constant 1000 : i32
      %mul3A_300 = arith.muli %arg1, %mul3A_299 : i32
      "tpu.region"() ({
        %run_scoped3A = tpu.sem_alloc : memref<!tpu.dma_semaphore, #tpu.memory_space<semaphore_mem>>
        %dma_start3A_301 = arith.constant 0 : i32
        %dma_start3A_302 = tpu.memref_slice %arg8[%mul3A_300, %dma_start3A_301] : memref<10000x128xf32, #tpu.memory_space<vmem_shared>> -> memref<1000x128xf32, #tpu.memory_space<vmem_shared>>
        %dma_start3A_303 = arith.constant 0 : i32
        %dma_start3A_304 = tpu.memref_slice %arg6[%mul3A_298, %dma_start3A_303] : memref<10000x128xf32, #tpu.memory_space<hbm>> -> memref<1000x128xf32, #tpu.memory_space<hbm>>
        tpu.enqueue_dma source(%dma_start3A_304 : memref<1000x128xf32, #tpu.memory_space<hbm>>) target(%dma_start3A_302 : memref<1000x128xf32, #tpu.memory_space<vmem_shared>>) target_semaphore(%run_scoped3A : memref<!tpu.dma_semaphore, #tpu.memory_space<semaphore_mem>>)
        %dma_wait3A_305 = arith.constant 0 : i32
        %dma_wait3A_306 = tpu.memref_slice %arg8[%mul3A_300, %dma_wait3A_305] : memref<10000x128xf32, #tpu.memory_space<vmem_shared>> -> memref<1000x128xf32, #tpu.memory_space<vmem_shared>>
        %dma_wait3A_307 = arith.constant 0 : i32
        %dma_wait3A_308 = tpu.memref_slice %arg6[%mul3A_298, %dma_wait3A_307] : memref<10000x128xf32, #tpu.memory_space<hbm>> -> memref<1000x128xf32, #tpu.memory_space<hbm>>
        tpu.wait_dma2 semaphore(%run_scoped3A : memref<!tpu.dma_semaphore, #tpu.memory_space<semaphore_mem>>) src(%dma_wait3A_308 : memref<1000x128xf32, #tpu.memory_space<hbm>>) dst(%dma_wait3A_306 : memref<1000x128xf32, #tpu.memory_space<vmem_shared>>)
        tpu.yield
      }) : () -> ()
    } else {
    }
    %barrier3A = arith.constant 0 : index
    tpu.barrier barrier_id(%barrier3A)
    %add3A = arith.constant 0 : i32
    %add3A_3 = arith.addi %mul3A_0, %add3A : i32
    %dma_start3A = arith.constant 0 : i32
    %dma_start3A_4 = tpu.memref_slice %arg4[%add3A_3, %dma_start3A] : memref<4000x80xi32, #tpu.memory_space<hbm>> -> memref<1x80xi32, #tpu.memory_space<hbm>>
    %dma_start3A_5 = tpu.memref_squeeze %dma_start3A_4 : memref<1x80xi32, #tpu.memory_space<hbm>> -> memref<80xi32, #tpu.memory_space<hbm>>
    %dma_start3A_6 = arith.constant 0 : i32
    %dma_start3A_7 = tpu.memref_slice %arg4[%add3A_3, %dma_start3A_6] : memref<4000x80xi32, #tpu.memory_space<hbm>> -> memref<1x80xi32, #tpu.memory_space<hbm>>
    %dma_start3A_8 = tpu.memref_squeeze %dma_start3A_7 : memref<1x80xi32, #tpu.memory_space<hbm>> -> memref<80xi32, #tpu.memory_space<hbm>>
    tpu.enqueue_dma source(%dma_start3A_8 : memref<80xi32, #tpu.memory_space<hbm>>) target(%arg9 : memref<80xi32, #tpu.memory_space<vmem>>) target_semaphore(%arg21 : memref<!tpu.dma_semaphore, #tpu.memory_space<semaphore_mem>>)
    %add3A_9 = arith.constant 0 : i32
    %add3A_10 = arith.addi %mul3A_0, %add3A_9 : i32
    %dma_start3A_11 = arith.constant 0 : i32
    %dma_start3A_12 = tpu.memref_slice %arg5[%add3A_10, %dma_start3A_11] : memref<4000x80xi32, #tpu.memory_space<hbm>> -> memref<1x80xi32, #tpu.memory_space<hbm>>
    %dma_start3A_13 = tpu.memref_squeeze %dma_start3A_12 : memref<1x80xi32, #tpu.memory_space<hbm>> -> memref<80xi32, #tpu.memory_space<hbm>>
    %dma_start3A_14 = arith.constant 0 : i32
    %dma_start3A_15 = tpu.memref_slice %arg5[%add3A_10, %dma_start3A_14] : memref<4000x80xi32, #tpu.memory_space<hbm>> -> memref<1x80xi32, #tpu.memory_space<hbm>>
    %dma_start3A_16 = tpu.memref_squeeze %dma_start3A_15 : memref<1x80xi32, #tpu.memory_space<hbm>> -> memref<80xi32, #tpu.memory_space<hbm>>
    tpu.enqueue_dma source(%dma_start3A_16 : memref<80xi32, #tpu.memory_space<hbm>>) target(%arg13 : memref<80xi32, #tpu.memory_space<vmem>>) target_semaphore(%arg21 : memref<!tpu.dma_semaphore, #tpu.memory_space<semaphore_mem>>)
    %add3A_17 = arith.constant 1 : i32
    %add3A_18 = arith.addi %mul3A_0, %add3A_17 : i32
    %dma_start3A_19 = arith.constant 0 : i32
    %dma_start3A_20 = tpu.memref_slice %arg4[%add3A_18, %dma_start3A_19] : memref<4000x80xi32, #tpu.memory_space<hbm>> -> memref<1x80xi32, #tpu.memory_space<hbm>>
    %dma_start3A_21 = tpu.memref_squeeze %dma_start3A_20 : memref<1x80xi32, #tpu.memory_space<hbm>> -> memref<80xi32, #tpu.memory_space<hbm>>
    %dma_start3A_22 = arith.constant 0 : i32
    %dma_start3A_23 = tpu.memref_slice %arg4[%add3A_18, %dma_start3A_22] : memref<4000x80xi32, #tpu.memory_space<hbm>> -> memref<1x80xi32, #tpu.memory_space<hbm>>
    %dma_start3A_24 = tpu.memref_squeeze %dma_start3A_23 : memref<1x80xi32, #tpu.memory_space<hbm>> -> memref<80xi32, #tpu.memory_space<hbm>>
    tpu.enqueue_dma source(%dma_start3A_24 : memref<80xi32, #tpu.memory_space<hbm>>) target(%arg10 : memref<80xi32, #tpu.memory_space<vmem>>) target_semaphore(%arg22 : memref<!tpu.dma_semaphore, #tpu.memory_space<semaphore_mem>>)
    %add3A_25 = arith.constant 1 : i32
    %add3A_26 = arith.addi %mul3A_0, %add3A_25 : i32
    %dma_start3A_27 = arith.constant 0 : i32
    %dma_start3A_28 = tpu.memref_slice %arg5[%add3A_26, %dma_start3A_27] : memref<4000x80xi32, #tpu.memory_space<hbm>> -> memref<1x80xi32, #tpu.memory_space<hbm>>
    %dma_start3A_29 = tpu.memref_squeeze %dma_start3A_28 : memref<1x80xi32, #tpu.memory_space<hbm>> -> memref<80xi32, #tpu.memory_space<hbm>>
    %dma_start3A_30 = arith.constant 0 : i32
    %dma_start3A_31 = tpu.memref_slice %arg5[%add3A_26, %dma_start3A_30] : memref<4000x80xi32, #tpu.memory_space<hbm>> -> memref<1x80xi32, #tpu.memory_space<hbm>>
    %dma_start3A_32 = tpu.memref_squeeze %dma_start3A_31 : memref<1x80xi32, #tpu.memory_space<hbm>> -> memref<80xi32, #tpu.memory_space<hbm>>
    tpu.enqueue_dma source(%dma_start3A_32 : memref<80xi32, #tpu.memory_space<hbm>>) target(%arg14 : memref<80xi32, #tpu.memory_space<vmem>>) target_semaphore(%arg22 : memref<!tpu.dma_semaphore, #tpu.memory_space<semaphore_mem>>)
    %add3A_33 = arith.constant 2 : i32
    %add3A_34 = arith.addi %mul3A_0, %add3A_33 : i32
    %dma_start3A_35 = arith.constant 0 : i32
    %dma_start3A_36 = tpu.memref_slice %arg4[%add3A_34, %dma_start3A_35] : memref<4000x80xi32, #tpu.memory_space<hbm>> -> memref<1x80xi32, #tpu.memory_space<hbm>>
    %dma_start3A_37 = tpu.memref_squeeze %dma_start3A_36 : memref<1x80xi32, #tpu.memory_space<hbm>> -> memref<80xi32, #tpu.memory_space<hbm>>
    %dma_start3A_38 = arith.constant 0 : i32
    %dma_start3A_39 = tpu.memref_slice %arg4[%add3A_34, %dma_start3A_38] : memref<4000x80xi32, #tpu.memory_space<hbm>> -> memref<1x80xi32, #tpu.memory_space<hbm>>
    %dma_start3A_40 = tpu.memref_squeeze %dma_start3A_39 : memref<1x80xi32, #tpu.memory_space<hbm>> -> memref<80xi32, #tpu.memory_space<hbm>>
    tpu.enqueue_dma source(%dma_start3A_40 : memref<80xi32, #tpu.memory_space<hbm>>) target(%arg11 : memref<80xi32, #tpu.memory_space<vmem>>) target_semaphore(%arg23 : memref<!tpu.dma_semaphore, #tpu.memory_space<semaphore_mem>>)
    %add3A_41 = arith.constant 2 : i32
    %add3A_42 = arith.addi %mul3A_0, %add3A_41 : i32
    %dma_start3A_43 = arith.constant 0 : i32
    %dma_start3A_44 = tpu.memref_slice %arg5[%add3A_42, %dma_start3A_43] : memref<4000x80xi32, #tpu.memory_space<hbm>> -> memref<1x80xi32, #tpu.memory_space<hbm>>
    %dma_start3A_45 = tpu.memref_squeeze %dma_start3A_44 : memref<1x80xi32, #tpu.memory_space<hbm>> -> memref<80xi32, #tpu.memory_space<hbm>>
    %dma_start3A_46 = arith.constant 0 : i32
    %dma_start3A_47 = tpu.memref_slice %arg5[%add3A_42, %dma_start3A_46] : memref<4000x80xi32, #tpu.memory_space<hbm>> -> memref<1x80xi32, #tpu.memory_space<hbm>>
    %dma_start3A_48 = tpu.memref_squeeze %dma_start3A_47 : memref<1x80xi32, #tpu.memory_space<hbm>> -> memref<80xi32, #tpu.memory_space<hbm>>
    tpu.enqueue_dma source(%dma_start3A_48 : memref<80xi32, #tpu.memory_space<hbm>>) target(%arg15 : memref<80xi32, #tpu.memory_space<vmem>>) target_semaphore(%arg23 : memref<!tpu.dma_semaphore, #tpu.memory_space<semaphore_mem>>)
    %dma_wait3A = arith.constant 0 : i32
    %dma_wait3A_49 = tpu.memref_slice %arg4[%mul3A_0, %dma_wait3A] : memref<4000x80xi32, #tpu.memory_space<hbm>> -> memref<1x80xi32, #tpu.memory_space<hbm>>
    %dma_wait3A_50 = tpu.memref_squeeze %dma_wait3A_49 : memref<1x80xi32, #tpu.memory_space<hbm>> -> memref<80xi32, #tpu.memory_space<hbm>>
    %dma_wait3A_51 = arith.constant 0 : i32
    %dma_wait3A_52 = tpu.memref_slice %arg4[%mul3A_0, %dma_wait3A_51] : memref<4000x80xi32, #tpu.memory_space<hbm>> -> memref<1x80xi32, #tpu.memory_space<hbm>>
    %dma_wait3A_53 = tpu.memref_squeeze %dma_wait3A_52 : memref<1x80xi32, #tpu.memory_space<hbm>> -> memref<80xi32, #tpu.memory_space<hbm>>
    tpu.wait_dma2 semaphore(%arg21 : memref<!tpu.dma_semaphore, #tpu.memory_space<semaphore_mem>>) src(%dma_wait3A_53 : memref<80xi32, #tpu.memory_space<hbm>>) dst(%arg9 : memref<80xi32, #tpu.memory_space<vmem>>)
    %dma_wait3A_54 = arith.constant 0 : i32
    %dma_wait3A_55 = tpu.memref_slice %arg5[%mul3A_0, %dma_wait3A_54] : memref<4000x80xi32, #tpu.memory_space<hbm>> -> memref<1x80xi32, #tpu.memory_space<hbm>>
    %dma_wait3A_56 = tpu.memref_squeeze %dma_wait3A_55 : memref<1x80xi32, #tpu.memory_space<hbm>> -> memref<80xi32, #tpu.memory_space<hbm>>
    %dma_wait3A_57 = arith.constant 0 : i32
    %dma_wait3A_58 = tpu.memref_slice %arg5[%mul3A_0, %dma_wait3A_57] : memref<4000x80xi32, #tpu.memory_space<hbm>> -> memref<1x80xi32, #tpu.memory_space<hbm>>
    %dma_wait3A_59 = tpu.memref_squeeze %dma_wait3A_58 : memref<1x80xi32, #tpu.memory_space<hbm>> -> memref<80xi32, #tpu.memory_space<hbm>>
    tpu.wait_dma2 semaphore(%arg21 : memref<!tpu.dma_semaphore, #tpu.memory_space<semaphore_mem>>) src(%dma_wait3A_59 : memref<80xi32, #tpu.memory_space<hbm>>) dst(%arg13 : memref<80xi32, #tpu.memory_space<vmem>>)
    %eq3A = arith.constant 0 : i32
    %eq3A_60 = arith.cmpi eq, %arg0, %eq3A : i32
    %convert_element_type3A_61 = arith.extui %eq3A_60 : i1 to i32
    %cond3A_62 = arith.constant 0 : i32
    %cond3A_63 = arith.cmpi ne, %convert_element_type3A_61, %cond3A_62 : i32
    scf.if %cond3A_63 {
      %dma_start3A_297 = arith.constant 0 : i32
      %dma_start3A_298 = arith.constant 0 : i32
      %dma_start3A_299 = tpu.memref_slice %arg2[%dma_start3A_297, %dma_start3A_298] : memref<40000x128xf32, #tpu.memory_space<hbm>> -> memref<40000x128xf32, #tpu.memory_space<hbm>>
      tpu.enqueue_indirect_dma source(%dma_start3A_299 : memref<40000x128xf32, #tpu.memory_space<hbm>>) target(%arg17 : memref<80x128xf32, #tpu.memory_space<vmem>>) offsets(%arg9 : memref<80xi32, #tpu.memory_space<vmem>>) semaphore(%arg25 : memref<!tpu.dma_semaphore, #tpu.memory_space<semaphore_mem>>)
    } else {
    }
    %ne3A = arith.constant 0 : i32
    %ne3A_64 = arith.cmpi ne, %arg0, %ne3A : i32
    %convert_element_type3A_65 = arith.extui %ne3A_64 : i1 to i32
    %cond3A_66 = arith.constant 0 : i32
    %cond3A_67 = arith.cmpi ne, %convert_element_type3A_65, %cond3A_66 : i32
    scf.if %cond3A_67 {
      %dma_start3A_297 = arith.constant 0 : i32
      %dma_start3A_298 = arith.constant 0 : i32
      %dma_start3A_299 = tpu.memref_slice %arg3[%dma_start3A_297, %dma_start3A_298] : memref<40000x128xf32, #tpu.memory_space<hbm>> -> memref<40000x128xf32, #tpu.memory_space<hbm>>
      tpu.enqueue_indirect_dma source(%dma_start3A_299 : memref<40000x128xf32, #tpu.memory_space<hbm>>) target(%arg17 : memref<80x128xf32, #tpu.memory_space<vmem>>) offsets(%arg9 : memref<80xi32, #tpu.memory_space<vmem>>) semaphore(%arg25 : memref<!tpu.dma_semaphore, #tpu.memory_space<semaphore_mem>>)
    } else {
    }
    %dma_wait3A_68 = arith.constant 0 : i32
    %dma_wait3A_69 = tpu.memref_slice %arg4[%mul3A_0, %dma_wait3A_68] : memref<4000x80xi32, #tpu.memory_space<hbm>> -> memref<1x80xi32, #tpu.memory_space<hbm>>
    %dma_wait3A_70 = tpu.memref_squeeze %dma_wait3A_69 : memref<1x80xi32, #tpu.memory_space<hbm>> -> memref<80xi32, #tpu.memory_space<hbm>>
    %dma_wait3A_71 = arith.constant 0 : i32
    %dma_wait3A_72 = tpu.memref_slice %arg4[%mul3A_0, %dma_wait3A_71] : memref<4000x80xi32, #tpu.memory_space<hbm>> -> memref<1x80xi32, #tpu.memory_space<hbm>>
    %dma_wait3A_73 = tpu.memref_squeeze %dma_wait3A_72 : memref<1x80xi32, #tpu.memory_space<hbm>> -> memref<80xi32, #tpu.memory_space<hbm>>
    tpu.wait_dma2 semaphore(%arg22 : memref<!tpu.dma_semaphore, #tpu.memory_space<semaphore_mem>>) src(%dma_wait3A_73 : memref<80xi32, #tpu.memory_space<hbm>>) dst(%arg10 : memref<80xi32, #tpu.memory_space<vmem>>)
    %dma_wait3A_74 = arith.constant 0 : i32
    %dma_wait3A_75 = tpu.memref_slice %arg5[%mul3A_0, %dma_wait3A_74] : memref<4000x80xi32, #tpu.memory_space<hbm>> -> memref<1x80xi32, #tpu.memory_space<hbm>>
    %dma_wait3A_76 = tpu.memref_squeeze %dma_wait3A_75 : memref<1x80xi32, #tpu.memory_space<hbm>> -> memref<80xi32, #tpu.memory_space<hbm>>
    %dma_wait3A_77 = arith.constant 0 : i32
    %dma_wait3A_78 = tpu.memref_slice %arg5[%mul3A_0, %dma_wait3A_77] : memref<4000x80xi32, #tpu.memory_space<hbm>> -> memref<1x80xi32, #tpu.memory_space<hbm>>
    %dma_wait3A_79 = tpu.memref_squeeze %dma_wait3A_78 : memref<1x80xi32, #tpu.memory_space<hbm>> -> memref<80xi32, #tpu.memory_space<hbm>>
    tpu.wait_dma2 semaphore(%arg22 : memref<!tpu.dma_semaphore, #tpu.memory_space<semaphore_mem>>) src(%dma_wait3A_79 : memref<80xi32, #tpu.memory_space<hbm>>) dst(%arg14 : memref<80xi32, #tpu.memory_space<vmem>>)
    %eq3A_80 = arith.constant 0 : i32
    %eq3A_81 = arith.cmpi eq, %arg0, %eq3A_80 : i32
    %convert_element_type3A_82 = arith.extui %eq3A_81 : i1 to i32
    %cond3A_83 = arith.constant 0 : i32
    %cond3A_84 = arith.cmpi ne, %convert_element_type3A_82, %cond3A_83 : i32
    scf.if %cond3A_84 {
      %dma_start3A_297 = arith.constant 0 : i32
      %dma_start3A_298 = arith.constant 0 : i32
      %dma_start3A_299 = tpu.memref_slice %arg2[%dma_start3A_297, %dma_start3A_298] : memref<40000x128xf32, #tpu.memory_space<hbm>> -> memref<40000x128xf32, #tpu.memory_space<hbm>>
      tpu.enqueue_indirect_dma source(%dma_start3A_299 : memref<40000x128xf32, #tpu.memory_space<hbm>>) target(%arg18 : memref<80x128xf32, #tpu.memory_space<vmem>>) offsets(%arg10 : memref<80xi32, #tpu.memory_space<vmem>>) semaphore(%arg26 : memref<!tpu.dma_semaphore, #tpu.memory_space<semaphore_mem>>)
    } else {
    }
    %ne3A_85 = arith.constant 0 : i32
    %ne3A_86 = arith.cmpi ne, %arg0, %ne3A_85 : i32
    %convert_element_type3A_87 = arith.extui %ne3A_86 : i1 to i32
    %cond3A_88 = arith.constant 0 : i32
    %cond3A_89 = arith.cmpi ne, %convert_element_type3A_87, %cond3A_88 : i32
    scf.if %cond3A_89 {
      %dma_start3A_297 = arith.constant 0 : i32
      %dma_start3A_298 = arith.constant 0 : i32
      %dma_start3A_299 = tpu.memref_slice %arg3[%dma_start3A_297, %dma_start3A_298] : memref<40000x128xf32, #tpu.memory_space<hbm>> -> memref<40000x128xf32, #tpu.memory_space<hbm>>
      tpu.enqueue_indirect_dma source(%dma_start3A_299 : memref<40000x128xf32, #tpu.memory_space<hbm>>) target(%arg18 : memref<80x128xf32, #tpu.memory_space<vmem>>) offsets(%arg10 : memref<80xi32, #tpu.memory_space<vmem>>) semaphore(%arg26 : memref<!tpu.dma_semaphore, #tpu.memory_space<semaphore_mem>>)
    } else {
    }
    %eq3A_90 = arith.constant 0 : i32
    %eq3A_91 = arith.cmpi eq, %arg0, %eq3A_90 : i32
    %convert_element_type3A_92 = arith.extui %eq3A_91 : i1 to i32
    %cond3A_93 = arith.constant 0 : i32
    %cond3A_94 = arith.cmpi ne, %convert_element_type3A_92, %cond3A_93 : i32
    scf.if %cond3A_94 {
      %dma_wait3A_297 = arith.constant 0 : i32
      %dma_wait3A_298 = arith.constant 0 : i32
      %dma_wait3A_299 = tpu.memref_slice %arg2[%dma_wait3A_297, %dma_wait3A_298] : memref<40000x128xf32, #tpu.memory_space<hbm>> -> memref<40000x128xf32, #tpu.memory_space<hbm>>
      tpu.wait_indirect_dma semaphore(%arg25 : memref<!tpu.dma_semaphore, #tpu.memory_space<semaphore_mem>>) src(%dma_wait3A_299 : memref<40000x128xf32, #tpu.memory_space<hbm>>) dst(%arg17 : memref<80x128xf32, #tpu.memory_space<vmem>>)
    } else {
    }
    %ne3A_95 = arith.constant 0 : i32
    %ne3A_96 = arith.cmpi ne, %arg0, %ne3A_95 : i32
    %convert_element_type3A_97 = arith.extui %ne3A_96 : i1 to i32
    %cond3A_98 = arith.constant 0 : i32
    %cond3A_99 = arith.cmpi ne, %convert_element_type3A_97, %cond3A_98 : i32
    scf.if %cond3A_99 {
      %dma_wait3A_297 = arith.constant 0 : i32
      %dma_wait3A_298 = arith.constant 0 : i32
      %dma_wait3A_299 = tpu.memref_slice %arg3[%dma_wait3A_297, %dma_wait3A_298] : memref<40000x128xf32, #tpu.memory_space<hbm>> -> memref<40000x128xf32, #tpu.memory_space<hbm>>
      tpu.wait_indirect_dma semaphore(%arg25 : memref<!tpu.dma_semaphore, #tpu.memory_space<semaphore_mem>>) src(%dma_wait3A_299 : memref<40000x128xf32, #tpu.memory_space<hbm>>) dst(%arg17 : memref<80x128xf32, #tpu.memory_space<vmem>>)
    } else {
    }
    "tpu.region"() ({
      %run_scoped3A = tpu.sem_alloc : memref<!tpu.dma_semaphore, #tpu.memory_space<semaphore_mem>>
      %dma_start3A_297 = arith.constant 0 : i32
      %dma_start3A_298 = arith.constant 0 : i32
      %dma_start3A_299 = tpu.memref_slice %arg8[%dma_start3A_297, %dma_start3A_298] : memref<10000x128xf32, #tpu.memory_space<vmem_shared>> -> memref<10000x128xf32, #tpu.memory_space<vmem_shared>>
      tpu.enqueue_indirect_dma source(%arg17 : memref<80x128xf32, #tpu.memory_space<vmem>>) target(%dma_start3A_299 : memref<10000x128xf32, #tpu.memory_space<vmem_shared>>) offsets(%arg13 : memref<80xi32, #tpu.memory_space<vmem>>) semaphore(%run_scoped3A : memref<!tpu.dma_semaphore, #tpu.memory_space<semaphore_mem>>) {add = true}
      %dma_wait3A_300 = arith.constant 0 : i32
      %dma_wait3A_301 = arith.constant 0 : i32
      %dma_wait3A_302 = tpu.memref_slice %arg8[%dma_wait3A_300, %dma_wait3A_301] : memref<10000x128xf32, #tpu.memory_space<vmem_shared>> -> memref<10000x128xf32, #tpu.memory_space<vmem_shared>>
      tpu.wait_indirect_dma semaphore(%run_scoped3A : memref<!tpu.dma_semaphore, #tpu.memory_space<semaphore_mem>>) src(%arg17 : memref<80x128xf32, #tpu.memory_space<vmem>>) dst(%dma_wait3A_302 : memref<10000x128xf32, #tpu.memory_space<vmem_shared>>)
      tpu.yield
    }) : () -> ()
    %add3A_100 = arith.constant 3 : i32
    %add3A_101 = arith.addi %mul3A_0, %add3A_100 : i32
    %dma_start3A_102 = arith.constant 0 : i32
    %dma_start3A_103 = tpu.memref_slice %arg4[%add3A_101, %dma_start3A_102] : memref<4000x80xi32, #tpu.memory_space<hbm>> -> memref<1x80xi32, #tpu.memory_space<hbm>>
    %dma_start3A_104 = tpu.memref_squeeze %dma_start3A_103 : memref<1x80xi32, #tpu.memory_space<hbm>> -> memref<80xi32, #tpu.memory_space<hbm>>
    %dma_start3A_105 = arith.constant 0 : i32
    %dma_start3A_106 = tpu.memref_slice %arg4[%add3A_101, %dma_start3A_105] : memref<4000x80xi32, #tpu.memory_space<hbm>> -> memref<1x80xi32, #tpu.memory_space<hbm>>
    %dma_start3A_107 = tpu.memref_squeeze %dma_start3A_106 : memref<1x80xi32, #tpu.memory_space<hbm>> -> memref<80xi32, #tpu.memory_space<hbm>>
    tpu.enqueue_dma source(%dma_start3A_107 : memref<80xi32, #tpu.memory_space<hbm>>) target(%arg12 : memref<80xi32, #tpu.memory_space<vmem>>) target_semaphore(%arg24 : memref<!tpu.dma_semaphore, #tpu.memory_space<semaphore_mem>>)
    %add3A_108 = arith.constant 3 : i32
    %add3A_109 = arith.addi %mul3A_0, %add3A_108 : i32
    %dma_start3A_110 = arith.constant 0 : i32
    %dma_start3A_111 = tpu.memref_slice %arg5[%add3A_109, %dma_start3A_110] : memref<4000x80xi32, #tpu.memory_space<hbm>> -> memref<1x80xi32, #tpu.memory_space<hbm>>
    %dma_start3A_112 = tpu.memref_squeeze %dma_start3A_111 : memref<1x80xi32, #tpu.memory_space<hbm>> -> memref<80xi32, #tpu.memory_space<hbm>>
    %dma_start3A_113 = arith.constant 0 : i32
    %dma_start3A_114 = tpu.memref_slice %arg5[%add3A_109, %dma_start3A_113] : memref<4000x80xi32, #tpu.memory_space<hbm>> -> memref<1x80xi32, #tpu.memory_space<hbm>>
    %dma_start3A_115 = tpu.memref_squeeze %dma_start3A_114 : memref<1x80xi32, #tpu.memory_space<hbm>> -> memref<80xi32, #tpu.memory_space<hbm>>
    tpu.enqueue_dma source(%dma_start3A_115 : memref<80xi32, #tpu.memory_space<hbm>>) target(%arg16 : memref<80xi32, #tpu.memory_space<vmem>>) target_semaphore(%arg24 : memref<!tpu.dma_semaphore, #tpu.memory_space<semaphore_mem>>)
    %scan3A = arith.constant 0 : i32
    %scan3A_116 = arith.constant 0 : i32
    %scan3A_117 = arith.constant 61 : i32
    %scan3A_118 = arith.addi %scan3A_116, %scan3A_117 : i32
    %scan3A_119 = arith.constant 1 : i32
    scf.for %scan3A_297 = %scan3A_116 to %scan3A_118 step %scan3A_119  : i32 {
      %mul3A_298 = arith.constant 4 : i32
      %mul3A_299 = arith.muli %scan3A_297, %mul3A_298 : i32
      %add3A_300 = arith.constant 1 : i32
      %add3A_301 = arith.addi %mul3A_299, %add3A_300 : i32
      %add3A_302 = arith.constant 0 : i32
      %add3A_303 = arith.addi %add3A_301, %add3A_302 : i32
      %dma_wait3A_304 = arith.constant 0 : i32
      %dma_wait3A_305 = tpu.memref_slice %arg4[%mul3A_0, %dma_wait3A_304] : memref<4000x80xi32, #tpu.memory_space<hbm>> -> memref<1x80xi32, #tpu.memory_space<hbm>>
      %dma_wait3A_306 = tpu.memref_squeeze %dma_wait3A_305 : memref<1x80xi32, #tpu.memory_space<hbm>> -> memref<80xi32, #tpu.memory_space<hbm>>
      %dma_wait3A_307 = arith.constant 0 : i32
      %dma_wait3A_308 = tpu.memref_slice %arg4[%mul3A_0, %dma_wait3A_307] : memref<4000x80xi32, #tpu.memory_space<hbm>> -> memref<1x80xi32, #tpu.memory_space<hbm>>
      %dma_wait3A_309 = tpu.memref_squeeze %dma_wait3A_308 : memref<1x80xi32, #tpu.memory_space<hbm>> -> memref<80xi32, #tpu.memory_space<hbm>>
      tpu.wait_dma2 semaphore(%arg23 : memref<!tpu.dma_semaphore, #tpu.memory_space<semaphore_mem>>) src(%dma_wait3A_309 : memref<80xi32, #tpu.memory_space<hbm>>) dst(%arg11 : memref<80xi32, #tpu.memory_space<vmem>>)
      %dma_wait3A_310 = arith.constant 0 : i32
      %dma_wait3A_311 = tpu.memref_slice %arg5[%mul3A_0, %dma_wait3A_310] : memref<4000x80xi32, #tpu.memory_space<hbm>> -> memref<1x80xi32, #tpu.memory_space<hbm>>
      %dma_wait3A_312 = tpu.memref_squeeze %dma_wait3A_311 : memref<1x80xi32, #tpu.memory_space<hbm>> -> memref<80xi32, #tpu.memory_space<hbm>>
      %dma_wait3A_313 = arith.constant 0 : i32
      %dma_wait3A_314 = tpu.memref_slice %arg5[%mul3A_0, %dma_wait3A_313] : memref<4000x80xi32, #tpu.memory_space<hbm>> -> memref<1x80xi32, #tpu.memory_space<hbm>>
      %dma_wait3A_315 = tpu.memref_squeeze %dma_wait3A_314 : memref<1x80xi32, #tpu.memory_space<hbm>> -> memref<80xi32, #tpu.memory_space<hbm>>
      tpu.wait_dma2 semaphore(%arg23 : memref<!tpu.dma_semaphore, #tpu.memory_space<semaphore_mem>>) src(%dma_wait3A_315 : memref<80xi32, #tpu.memory_space<hbm>>) dst(%arg15 : memref<80xi32, #tpu.memory_space<vmem>>)
      %add3A_316 = arith.constant 1 : i32
      %add3A_317 = arith.addi %add3A_303, %add3A_316 : i32
      %eq3A_318 = arith.constant 0 : i32
      %eq3A_319 = arith.cmpi eq, %arg0, %eq3A_318 : i32
      %convert_element_type3A_320 = arith.extui %eq3A_319 : i1 to i32
      %cond3A_321 = arith.constant 0 : i32
      %cond3A_322 = arith.cmpi ne, %convert_element_type3A_320, %cond3A_321 : i32
      scf.if %cond3A_322 {
        %dma_start3A_522 = arith.constant 0 : i32
        %dma_start3A_523 = arith.constant 0 : i32
        %dma_start3A_524 = tpu.memref_slice %arg2[%dma_start3A_522, %dma_start3A_523] : memref<40000x128xf32, #tpu.memory_space<hbm>> -> memref<40000x128xf32, #tpu.memory_space<hbm>>
        tpu.enqueue_indirect_dma source(%dma_start3A_524 : memref<40000x128xf32, #tpu.memory_space<hbm>>) target(%arg19 : memref<80x128xf32, #tpu.memory_space<vmem>>) offsets(%arg11 : memref<80xi32, #tpu.memory_space<vmem>>) semaphore(%arg27 : memref<!tpu.dma_semaphore, #tpu.memory_space<semaphore_mem>>)
      } else {
      }
      %ne3A_323 = arith.constant 0 : i32
      %ne3A_324 = arith.cmpi ne, %arg0, %ne3A_323 : i32
      %convert_element_type3A_325 = arith.extui %ne3A_324 : i1 to i32
      %cond3A_326 = arith.constant 0 : i32
      %cond3A_327 = arith.cmpi ne, %convert_element_type3A_325, %cond3A_326 : i32
      scf.if %cond3A_327 {
        %dma_start3A_522 = arith.constant 0 : i32
        %dma_start3A_523 = arith.constant 0 : i32
        %dma_start3A_524 = tpu.memref_slice %arg3[%dma_start3A_522, %dma_start3A_523] : memref<40000x128xf32, #tpu.memory_space<hbm>> -> memref<40000x128xf32, #tpu.memory_space<hbm>>
        tpu.enqueue_indirect_dma source(%dma_start3A_524 : memref<40000x128xf32, #tpu.memory_space<hbm>>) target(%arg19 : memref<80x128xf32, #tpu.memory_space<vmem>>) offsets(%arg11 : memref<80xi32, #tpu.memory_space<vmem>>) semaphore(%arg27 : memref<!tpu.dma_semaphore, #tpu.memory_space<semaphore_mem>>)
      } else {
      }
      %eq3A_328 = arith.constant 0 : i32
      %eq3A_329 = arith.cmpi eq, %arg0, %eq3A_328 : i32
      %convert_element_type3A_330 = arith.extui %eq3A_329 : i1 to i32
      %cond3A_331 = arith.constant 0 : i32
      %cond3A_332 = arith.cmpi ne, %convert_element_type3A_330, %cond3A_331 : i32
      scf.if %cond3A_332 {
        %dma_wait3A_522 = arith.constant 0 : i32
        %dma_wait3A_523 = arith.constant 0 : i32
        %dma_wait3A_524 = tpu.memref_slice %arg2[%dma_wait3A_522, %dma_wait3A_523] : memref<40000x128xf32, #tpu.memory_space<hbm>> -> memref<40000x128xf32, #tpu.memory_space<hbm>>
        tpu.wait_indirect_dma semaphore(%arg26 : memref<!tpu.dma_semaphore, #tpu.memory_space<semaphore_mem>>) src(%dma_wait3A_524 : memref<40000x128xf32, #tpu.memory_space<hbm>>) dst(%arg18 : memref<80x128xf32, #tpu.memory_space<vmem>>)
      } else {
      }
      %ne3A_333 = arith.constant 0 : i32
      %ne3A_334 = arith.cmpi ne, %arg0, %ne3A_333 : i32
      %convert_element_type3A_335 = arith.extui %ne3A_334 : i1 to i32
      %cond3A_336 = arith.constant 0 : i32
      %cond3A_337 = arith.cmpi ne, %convert_element_type3A_335, %cond3A_336 : i32
      scf.if %cond3A_337 {
        %dma_wait3A_522 = arith.constant 0 : i32
        %dma_wait3A_523 = arith.constant 0 : i32
        %dma_wait3A_524 = tpu.memref_slice %arg3[%dma_wait3A_522, %dma_wait3A_523] : memref<40000x128xf32, #tpu.memory_space<hbm>> -> memref<40000x128xf32, #tpu.memory_space<hbm>>
        tpu.wait_indirect_dma semaphore(%arg26 : memref<!tpu.dma_semaphore, #tpu.memory_space<semaphore_mem>>) src(%dma_wait3A_524 : memref<40000x128xf32, #tpu.memory_space<hbm>>) dst(%arg18 : memref<80x128xf32, #tpu.memory_space<vmem>>)
      } else {
      }
      "tpu.region"() ({
        %run_scoped3A = tpu.sem_alloc : memref<!tpu.dma_semaphore, #tpu.memory_space<semaphore_mem>>
        %dma_start3A_522 = arith.constant 0 : i32
        %dma_start3A_523 = arith.constant 0 : i32
        %dma_start3A_524 = tpu.memref_slice %arg8[%dma_start3A_522, %dma_start3A_523] : memref<10000x128xf32, #tpu.memory_space<vmem_shared>> -> memref<10000x128xf32, #tpu.memory_space<vmem_shared>>
        tpu.enqueue_indirect_dma source(%arg18 : memref<80x128xf32, #tpu.memory_space<vmem>>) target(%dma_start3A_524 : memref<10000x128xf32, #tpu.memory_space<vmem_shared>>) offsets(%arg14 : memref<80xi32, #tpu.memory_space<vmem>>) semaphore(%run_scoped3A : memref<!tpu.dma_semaphore, #tpu.memory_space<semaphore_mem>>) {add = true}
        %dma_wait3A_525 = arith.constant 0 : i32
        %dma_wait3A_526 = arith.constant 0 : i32
        %dma_wait3A_527 = tpu.memref_slice %arg8[%dma_wait3A_525, %dma_wait3A_526] : memref<10000x128xf32, #tpu.memory_space<vmem_shared>> -> memref<10000x128xf32, #tpu.memory_space<vmem_shared>>
        tpu.wait_indirect_dma semaphore(%run_scoped3A : memref<!tpu.dma_semaphore, #tpu.memory_space<semaphore_mem>>) src(%arg18 : memref<80x128xf32, #tpu.memory_space<vmem>>) dst(%dma_wait3A_527 : memref<10000x128xf32, #tpu.memory_space<vmem_shared>>)
        tpu.yield
      }) : () -> ()
      %add3A_338 = arith.constant 3 : i32
      %add3A_339 = arith.addi %add3A_303, %add3A_338 : i32
      %add3A_340 = arith.addi %mul3A_0, %add3A_339 : i32
      %dma_start3A_341 = arith.constant 0 : i32
      %dma_start3A_342 = tpu.memref_slice %arg4[%add3A_340, %dma_start3A_341] : memref<4000x80xi32, #tpu.memory_space<hbm>> -> memref<1x80xi32, #tpu.memory_space<hbm>>
      %dma_start3A_343 = tpu.memref_squeeze %dma_start3A_342 : memref<1x80xi32, #tpu.memory_space<hbm>> -> memref<80xi32, #tpu.memory_space<hbm>>
      %dma_start3A_344 = arith.constant 0 : i32
      %dma_start3A_345 = tpu.memref_slice %arg4[%add3A_340, %dma_start3A_344] : memref<4000x80xi32, #tpu.memory_space<hbm>> -> memref<1x80xi32, #tpu.memory_space<hbm>>
      %dma_start3A_346 = tpu.memref_squeeze %dma_start3A_345 : memref<1x80xi32, #tpu.memory_space<hbm>> -> memref<80xi32, #tpu.memory_space<hbm>>
      tpu.enqueue_dma source(%dma_start3A_346 : memref<80xi32, #tpu.memory_space<hbm>>) target(%arg9 : memref<80xi32, #tpu.memory_space<vmem>>) target_semaphore(%arg21 : memref<!tpu.dma_semaphore, #tpu.memory_space<semaphore_mem>>)
      %add3A_347 = arith.addi %mul3A_0, %add3A_339 : i32
      %dma_start3A_348 = arith.constant 0 : i32
      %dma_start3A_349 = tpu.memref_slice %arg5[%add3A_347, %dma_start3A_348] : memref<4000x80xi32, #tpu.memory_space<hbm>> -> memref<1x80xi32, #tpu.memory_space<hbm>>
      %dma_start3A_350 = tpu.memref_squeeze %dma_start3A_349 : memref<1x80xi32, #tpu.memory_space<hbm>> -> memref<80xi32, #tpu.memory_space<hbm>>
      %dma_start3A_351 = arith.constant 0 : i32
      %dma_start3A_352 = tpu.memref_slice %arg5[%add3A_347, %dma_start3A_351] : memref<4000x80xi32, #tpu.memory_space<hbm>> -> memref<1x80xi32, #tpu.memory_space<hbm>>
      %dma_start3A_353 = tpu.memref_squeeze %dma_start3A_352 : memref<1x80xi32, #tpu.memory_space<hbm>> -> memref<80xi32, #tpu.memory_space<hbm>>
      tpu.enqueue_dma source(%dma_start3A_353 : memref<80xi32, #tpu.memory_space<hbm>>) target(%arg13 : memref<80xi32, #tpu.memory_space<vmem>>) target_semaphore(%arg21 : memref<!tpu.dma_semaphore, #tpu.memory_space<semaphore_mem>>)
      %mul3A_354 = arith.constant 4 : i32
      %mul3A_355 = arith.muli %scan3A_297, %mul3A_354 : i32
      %add3A_356 = arith.constant 1 : i32
      %add3A_357 = arith.addi %mul3A_355, %add3A_356 : i32
      %add3A_358 = arith.constant 1 : i32
      %add3A_359 = arith.addi %add3A_357, %add3A_358 : i32
      %dma_wait3A_360 = arith.constant 0 : i32
      %dma_wait3A_361 = tpu.memref_slice %arg4[%mul3A_0, %dma_wait3A_360] : memref<4000x80xi32, #tpu.memory_space<hbm>> -> memref<1x80xi32, #tpu.memory_space<hbm>>
      %dma_wait3A_362 = tpu.memref_squeeze %dma_wait3A_361 : memref<1x80xi32, #tpu.memory_space<hbm>> -> memref<80xi32, #tpu.memory_space<hbm>>
      %dma_wait3A_363 = arith.constant 0 : i32
      %dma_wait3A_364 = tpu.memref_slice %arg4[%mul3A_0, %dma_wait3A_363] : memref<4000x80xi32, #tpu.memory_space<hbm>> -> memref<1x80xi32, #tpu.memory_space<hbm>>
      %dma_wait3A_365 = tpu.memref_squeeze %dma_wait3A_364 : memref<1x80xi32, #tpu.memory_space<hbm>> -> memref<80xi32, #tpu.memory_space<hbm>>
      tpu.wait_dma2 semaphore(%arg24 : memref<!tpu.dma_semaphore, #tpu.memory_space<semaphore_mem>>) src(%dma_wait3A_365 : memref<80xi32, #tpu.memory_space<hbm>>) dst(%arg12 : memref<80xi32, #tpu.memory_space<vmem>>)
      %dma_wait3A_366 = arith.constant 0 : i32
      %dma_wait3A_367 = tpu.memref_slice %arg5[%mul3A_0, %dma_wait3A_366] : memref<4000x80xi32, #tpu.memory_space<hbm>> -> memref<1x80xi32, #tpu.memory_space<hbm>>
      %dma_wait3A_368 = tpu.memref_squeeze %dma_wait3A_367 : memref<1x80xi32, #tpu.memory_space<hbm>> -> memref<80xi32, #tpu.memory_space<hbm>>
      %dma_wait3A_369 = arith.constant 0 : i32
      %dma_wait3A_370 = tpu.memref_slice %arg5[%mul3A_0, %dma_wait3A_369] : memref<4000x80xi32, #tpu.memory_space<hbm>> -> memref<1x80xi32, #tpu.memory_space<hbm>>
      %dma_wait3A_371 = tpu.memref_squeeze %dma_wait3A_370 : memref<1x80xi32, #tpu.memory_space<hbm>> -> memref<80xi32, #tpu.memory_space<hbm>>
      tpu.wait_dma2 semaphore(%arg24 : memref<!tpu.dma_semaphore, #tpu.memory_space<semaphore_mem>>) src(%dma_wait3A_371 : memref<80xi32, #tpu.memory_space<hbm>>) dst(%arg16 : memref<80xi32, #tpu.memory_space<vmem>>)
      %add3A_372 = arith.constant 1 : i32
      %add3A_373 = arith.addi %add3A_359, %add3A_372 : i32
      %eq3A_374 = arith.constant 0 : i32
      %eq3A_375 = arith.cmpi eq, %arg0, %eq3A_374 : i32
      %convert_element_type3A_376 = arith.extui %eq3A_375 : i1 to i32
      %cond3A_377 = arith.constant 0 : i32
      %cond3A_378 = arith.cmpi ne, %convert_element_type3A_376, %cond3A_377 : i32
      scf.if %cond3A_378 {
        %dma_start3A_522 = arith.constant 0 : i32
        %dma_start3A_523 = arith.constant 0 : i32
        %dma_start3A_524 = tpu.memref_slice %arg2[%dma_start3A_522, %dma_start3A_523] : memref<40000x128xf32, #tpu.memory_space<hbm>> -> memref<40000x128xf32, #tpu.memory_space<hbm>>
        tpu.enqueue_indirect_dma source(%dma_start3A_524 : memref<40000x128xf32, #tpu.memory_space<hbm>>) target(%arg20 : memref<80x128xf32, #tpu.memory_space<vmem>>) offsets(%arg12 : memref<80xi32, #tpu.memory_space<vmem>>) semaphore(%arg28 : memref<!tpu.dma_semaphore, #tpu.memory_space<semaphore_mem>>)
      } else {
      }
      %ne3A_379 = arith.constant 0 : i32
      %ne3A_380 = arith.cmpi ne, %arg0, %ne3A_379 : i32
      %convert_element_type3A_381 = arith.extui %ne3A_380 : i1 to i32
      %cond3A_382 = arith.constant 0 : i32
      %cond3A_383 = arith.cmpi ne, %convert_element_type3A_381, %cond3A_382 : i32
      scf.if %cond3A_383 {
        %dma_start3A_522 = arith.constant 0 : i32
        %dma_start3A_523 = arith.constant 0 : i32
        %dma_start3A_524 = tpu.memref_slice %arg3[%dma_start3A_522, %dma_start3A_523] : memref<40000x128xf32, #tpu.memory_space<hbm>> -> memref<40000x128xf32, #tpu.memory_space<hbm>>
        tpu.enqueue_indirect_dma source(%dma_start3A_524 : memref<40000x128xf32, #tpu.memory_space<hbm>>) target(%arg20 : memref<80x128xf32, #tpu.memory_space<vmem>>) offsets(%arg12 : memref<80xi32, #tpu.memory_space<vmem>>) semaphore(%arg28 : memref<!tpu.dma_semaphore, #tpu.memory_space<semaphore_mem>>)
      } else {
      }
      %eq3A_384 = arith.constant 0 : i32
      %eq3A_385 = arith.cmpi eq, %arg0, %eq3A_384 : i32
      %convert_element_type3A_386 = arith.extui %eq3A_385 : i1 to i32
      %cond3A_387 = arith.constant 0 : i32
      %cond3A_388 = arith.cmpi ne, %convert_element_type3A_386, %cond3A_387 : i32
      scf.if %cond3A_388 {
        %dma_wait3A_522 = arith.constant 0 : i32
        %dma_wait3A_523 = arith.constant 0 : i32
        %dma_wait3A_524 = tpu.memref_slice %arg2[%dma_wait3A_522, %dma_wait3A_523] : memref<40000x128xf32, #tpu.memory_space<hbm>> -> memref<40000x128xf32, #tpu.memory_space<hbm>>
        tpu.wait_indirect_dma semaphore(%arg27 : memref<!tpu.dma_semaphore, #tpu.memory_space<semaphore_mem>>) src(%dma_wait3A_524 : memref<40000x128xf32, #tpu.memory_space<hbm>>) dst(%arg19 : memref<80x128xf32, #tpu.memory_space<vmem>>)
      } else {
      }
      %ne3A_389 = arith.constant 0 : i32
      %ne3A_390 = arith.cmpi ne, %arg0, %ne3A_389 : i32
      %convert_element_type3A_391 = arith.extui %ne3A_390 : i1 to i32
      %cond3A_392 = arith.constant 0 : i32
      %cond3A_393 = arith.cmpi ne, %convert_element_type3A_391, %cond3A_392 : i32
      scf.if %cond3A_393 {
        %dma_wait3A_522 = arith.constant 0 : i32
        %dma_wait3A_523 = arith.constant 0 : i32
        %dma_wait3A_524 = tpu.memref_slice %arg3[%dma_wait3A_522, %dma_wait3A_523] : memref<40000x128xf32, #tpu.memory_space<hbm>> -> memref<40000x128xf32, #tpu.memory_space<hbm>>
        tpu.wait_indirect_dma semaphore(%arg27 : memref<!tpu.dma_semaphore, #tpu.memory_space<semaphore_mem>>) src(%dma_wait3A_524 : memref<40000x128xf32, #tpu.memory_space<hbm>>) dst(%arg19 : memref<80x128xf32, #tpu.memory_space<vmem>>)
      } else {
      }
      "tpu.region"() ({
        %run_scoped3A = tpu.sem_alloc : memref<!tpu.dma_semaphore, #tpu.memory_space<semaphore_mem>>
        %dma_start3A_522 = arith.constant 0 : i32
        %dma_start3A_523 = arith.constant 0 : i32
        %dma_start3A_524 = tpu.memref_slice %arg8[%dma_start3A_522, %dma_start3A_523] : memref<10000x128xf32, #tpu.memory_space<vmem_shared>> -> memref<10000x128xf32, #tpu.memory_space<vmem_shared>>
        tpu.enqueue_indirect_dma source(%arg19 : memref<80x128xf32, #tpu.memory_space<vmem>>) target(%dma_start3A_524 : memref<10000x128xf32, #tpu.memory_space<vmem_shared>>) offsets(%arg15 : memref<80xi32, #tpu.memory_space<vmem>>) semaphore(%run_scoped3A : memref<!tpu.dma_semaphore, #tpu.memory_space<semaphore_mem>>) {add = true}
        %dma_wait3A_525 = arith.constant 0 : i32
        %dma_wait3A_526 = arith.constant 0 : i32
        %dma_wait3A_527 = tpu.memref_slice %arg8[%dma_wait3A_525, %dma_wait3A_526] : memref<10000x128xf32, #tpu.memory_space<vmem_shared>> -> memref<10000x128xf32, #tpu.memory_space<vmem_shared>>
        tpu.wait_indirect_dma semaphore(%run_scoped3A : memref<!tpu.dma_semaphore, #tpu.memory_space<semaphore_mem>>) src(%arg19 : memref<80x128xf32, #tpu.memory_space<vmem>>) dst(%dma_wait3A_527 : memref<10000x128xf32, #tpu.memory_space<vmem_shared>>)
        tpu.yield
      }) : () -> ()
      %add3A_394 = arith.constant 3 : i32
      %add3A_395 = arith.addi %add3A_359, %add3A_394 : i32
      %add3A_396 = arith.addi %mul3A_0, %add3A_395 : i32
      %dma_start3A_397 = arith.constant 0 : i32
      %dma_start3A_398 = tpu.memref_slice %arg4[%add3A_396, %dma_start3A_397] : memref<4000x80xi32, #tpu.memory_space<hbm>> -> memref<1x80xi32, #tpu.memory_space<hbm>>
      %dma_start3A_399 = tpu.memref_squeeze %dma_start3A_398 : memref<1x80xi32, #tpu.memory_space<hbm>> -> memref<80xi32, #tpu.memory_space<hbm>>
      %dma_start3A_400 = arith.constant 0 : i32
      %dma_start3A_401 = tpu.memref_slice %arg4[%add3A_396, %dma_start3A_400] : memref<4000x80xi32, #tpu.memory_space<hbm>> -> memref<1x80xi32, #tpu.memory_space<hbm>>
      %dma_start3A_402 = tpu.memref_squeeze %dma_start3A_401 : memref<1x80xi32, #tpu.memory_space<hbm>> -> memref<80xi32, #tpu.memory_space<hbm>>
      tpu.enqueue_dma source(%dma_start3A_402 : memref<80xi32, #tpu.memory_space<hbm>>) target(%arg10 : memref<80xi32, #tpu.memory_space<vmem>>) target_semaphore(%arg22 : memref<!tpu.dma_semaphore, #tpu.memory_space<semaphore_mem>>)
      %add3A_403 = arith.addi %mul3A_0, %add3A_395 : i32
      %dma_start3A_404 = arith.constant 0 : i32
      %dma_start3A_405 = tpu.memref_slice %arg5[%add3A_403, %dma_start3A_404] : memref<4000x80xi32, #tpu.memory_space<hbm>> -> memref<1x80xi32, #tpu.memory_space<hbm>>
      %dma_start3A_406 = tpu.memref_squeeze %dma_start3A_405 : memref<1x80xi32, #tpu.memory_space<hbm>> -> memref<80xi32, #tpu.memory_space<hbm>>
      %dma_start3A_407 = arith.constant 0 : i32
      %dma_start3A_408 = tpu.memref_slice %arg5[%add3A_403, %dma_start3A_407] : memref<4000x80xi32, #tpu.memory_space<hbm>> -> memref<1x80xi32, #tpu.memory_space<hbm>>
      %dma_start3A_409 = tpu.memref_squeeze %dma_start3A_408 : memref<1x80xi32, #tpu.memory_space<hbm>> -> memref<80xi32, #tpu.memory_space<hbm>>
      tpu.enqueue_dma source(%dma_start3A_409 : memref<80xi32, #tpu.memory_space<hbm>>) target(%arg14 : memref<80xi32, #tpu.memory_space<vmem>>) target_semaphore(%arg22 : memref<!tpu.dma_semaphore, #tpu.memory_space<semaphore_mem>>)
      %mul3A_410 = arith.constant 4 : i32
      %mul3A_411 = arith.muli %scan3A_297, %mul3A_410 : i32
      %add3A_412 = arith.constant 1 : i32
      %add3A_413 = arith.addi %mul3A_411, %add3A_412 : i32
      %add3A_414 = arith.constant 2 : i32
      %add3A_415 = arith.addi %add3A_413, %add3A_414 : i32
      %dma_wait3A_416 = arith.constant 0 : i32
      %dma_wait3A_417 = tpu.memref_slice %arg4[%mul3A_0, %dma_wait3A_416] : memref<4000x80xi32, #tpu.memory_space<hbm>> -> memref<1x80xi32, #tpu.memory_space<hbm>>
      %dma_wait3A_418 = tpu.memref_squeeze %dma_wait3A_417 : memref<1x80xi32, #tpu.memory_space<hbm>> -> memref<80xi32, #tpu.memory_space<hbm>>
      %dma_wait3A_419 = arith.constant 0 : i32
      %dma_wait3A_420 = tpu.memref_slice %arg4[%mul3A_0, %dma_wait3A_419] : memref<4000x80xi32, #tpu.memory_space<hbm>> -> memref<1x80xi32, #tpu.memory_space<hbm>>
      %dma_wait3A_421 = tpu.memref_squeeze %dma_wait3A_420 : memref<1x80xi32, #tpu.memory_space<hbm>> -> memref<80xi32, #tpu.memory_space<hbm>>
      tpu.wait_dma2 semaphore(%arg21 : memref<!tpu.dma_semaphore, #tpu.memory_space<semaphore_mem>>) src(%dma_wait3A_421 : memref<80xi32, #tpu.memory_space<hbm>>) dst(%arg9 : memref<80xi32, #tpu.memory_space<vmem>>)
      %dma_wait3A_422 = arith.constant 0 : i32
      %dma_wait3A_423 = tpu.memref_slice %arg5[%mul3A_0, %dma_wait3A_422] : memref<4000x80xi32, #tpu.memory_space<hbm>> -> memref<1x80xi32, #tpu.memory_space<hbm>>
      %dma_wait3A_424 = tpu.memref_squeeze %dma_wait3A_423 : memref<1x80xi32, #tpu.memory_space<hbm>> -> memref<80xi32, #tpu.memory_space<hbm>>
      %dma_wait3A_425 = arith.constant 0 : i32
      %dma_wait3A_426 = tpu.memref_slice %arg5[%mul3A_0, %dma_wait3A_425] : memref<4000x80xi32, #tpu.memory_space<hbm>> -> memref<1x80xi32, #tpu.memory_space<hbm>>
      %dma_wait3A_427 = tpu.memref_squeeze %dma_wait3A_426 : memref<1x80xi32, #tpu.memory_space<hbm>> -> memref<80xi32, #tpu.memory_space<hbm>>
      tpu.wait_dma2 semaphore(%arg21 : memref<!tpu.dma_semaphore, #tpu.memory_space<semaphore_mem>>) src(%dma_wait3A_427 : memref<80xi32, #tpu.memory_space<hbm>>) dst(%arg13 : memref<80xi32, #tpu.memory_space<vmem>>)
      %add3A_428 = arith.constant 1 : i32
      %add3A_429 = arith.addi %add3A_415, %add3A_428 : i32
      %eq3A_430 = arith.constant 0 : i32
      %eq3A_431 = arith.cmpi eq, %arg0, %eq3A_430 : i32
      %convert_element_type3A_432 = arith.extui %eq3A_431 : i1 to i32
      %cond3A_433 = arith.constant 0 : i32
      %cond3A_434 = arith.cmpi ne, %convert_element_type3A_432, %cond3A_433 : i32
      scf.if %cond3A_434 {
        %dma_start3A_522 = arith.constant 0 : i32
        %dma_start3A_523 = arith.constant 0 : i32
        %dma_start3A_524 = tpu.memref_slice %arg2[%dma_start3A_522, %dma_start3A_523] : memref<40000x128xf32, #tpu.memory_space<hbm>> -> memref<40000x128xf32, #tpu.memory_space<hbm>>
        tpu.enqueue_indirect_dma source(%dma_start3A_524 : memref<40000x128xf32, #tpu.memory_space<hbm>>) target(%arg17 : memref<80x128xf32, #tpu.memory_space<vmem>>) offsets(%arg9 : memref<80xi32, #tpu.memory_space<vmem>>) semaphore(%arg25 : memref<!tpu.dma_semaphore, #tpu.memory_space<semaphore_mem>>)
      } else {
      }
      %ne3A_435 = arith.constant 0 : i32
      %ne3A_436 = arith.cmpi ne, %arg0, %ne3A_435 : i32
      %convert_element_type3A_437 = arith.extui %ne3A_436 : i1 to i32
      %cond3A_438 = arith.constant 0 : i32
      %cond3A_439 = arith.cmpi ne, %convert_element_type3A_437, %cond3A_438 : i32
      scf.if %cond3A_439 {
        %dma_start3A_522 = arith.constant 0 : i32
        %dma_start3A_523 = arith.constant 0 : i32
        %dma_start3A_524 = tpu.memref_slice %arg3[%dma_start3A_522, %dma_start3A_523] : memref<40000x128xf32, #tpu.memory_space<hbm>> -> memref<40000x128xf32, #tpu.memory_space<hbm>>
        tpu.enqueue_indirect_dma source(%dma_start3A_524 : memref<40000x128xf32, #tpu.memory_space<hbm>>) target(%arg17 : memref<80x128xf32, #tpu.memory_space<vmem>>) offsets(%arg9 : memref<80xi32, #tpu.memory_space<vmem>>) semaphore(%arg25 : memref<!tpu.dma_semaphore, #tpu.memory_space<semaphore_mem>>)
      } else {
      }
      %eq3A_440 = arith.constant 0 : i32
      %eq3A_441 = arith.cmpi eq, %arg0, %eq3A_440 : i32
      %convert_element_type3A_442 = arith.extui %eq3A_441 : i1 to i32
      %cond3A_443 = arith.constant 0 : i32
      %cond3A_444 = arith.cmpi ne, %convert_element_type3A_442, %cond3A_443 : i32
      scf.if %cond3A_444 {
        %dma_wait3A_522 = arith.constant 0 : i32
        %dma_wait3A_523 = arith.constant 0 : i32
        %dma_wait3A_524 = tpu.memref_slice %arg2[%dma_wait3A_522, %dma_wait3A_523] : memref<40000x128xf32, #tpu.memory_space<hbm>> -> memref<40000x128xf32, #tpu.memory_space<hbm>>
        tpu.wait_indirect_dma semaphore(%arg28 : memref<!tpu.dma_semaphore, #tpu.memory_space<semaphore_mem>>) src(%dma_wait3A_524 : memref<40000x128xf32, #tpu.memory_space<hbm>>) dst(%arg20 : memref<80x128xf32, #tpu.memory_space<vmem>>)
      } else {
      }
      %ne3A_445 = arith.constant 0 : i32
      %ne3A_446 = arith.cmpi ne, %arg0, %ne3A_445 : i32
      %convert_element_type3A_447 = arith.extui %ne3A_446 : i1 to i32
      %cond3A_448 = arith.constant 0 : i32
      %cond3A_449 = arith.cmpi ne, %convert_element_type3A_447, %cond3A_448 : i32
      scf.if %cond3A_449 {
        %dma_wait3A_522 = arith.constant 0 : i32
        %dma_wait3A_523 = arith.constant 0 : i32
        %dma_wait3A_524 = tpu.memref_slice %arg3[%dma_wait3A_522, %dma_wait3A_523] : memref<40000x128xf32, #tpu.memory_space<hbm>> -> memref<40000x128xf32, #tpu.memory_space<hbm>>
        tpu.wait_indirect_dma semaphore(%arg28 : memref<!tpu.dma_semaphore, #tpu.memory_space<semaphore_mem>>) src(%dma_wait3A_524 : memref<40000x128xf32, #tpu.memory_space<hbm>>) dst(%arg20 : memref<80x128xf32, #tpu.memory_space<vmem>>)
      } else {
      }
      "tpu.region"() ({
        %run_scoped3A = tpu.sem_alloc : memref<!tpu.dma_semaphore, #tpu.memory_space<semaphore_mem>>
        %dma_start3A_522 = arith.constant 0 : i32
        %dma_start3A_523 = arith.constant 0 : i32
        %dma_start3A_524 = tpu.memref_slice %arg8[%dma_start3A_522, %dma_start3A_523] : memref<10000x128xf32, #tpu.memory_space<vmem_shared>> -> memref<10000x128xf32, #tpu.memory_space<vmem_shared>>
        tpu.enqueue_indirect_dma source(%arg20 : memref<80x128xf32, #tpu.memory_space<vmem>>) target(%dma_start3A_524 : memref<10000x128xf32, #tpu.memory_space<vmem_shared>>) offsets(%arg16 : memref<80xi32, #tpu.memory_space<vmem>>) semaphore(%run_scoped3A : memref<!tpu.dma_semaphore, #tpu.memory_space<semaphore_mem>>) {add = true}
        %dma_wait3A_525 = arith.constant 0 : i32
        %dma_wait3A_526 = arith.constant 0 : i32
        %dma_wait3A_527 = tpu.memref_slice %arg8[%dma_wait3A_525, %dma_wait3A_526] : memref<10000x128xf32, #tpu.memory_space<vmem_shared>> -> memref<10000x128xf32, #tpu.memory_space<vmem_shared>>
        tpu.wait_indirect_dma semaphore(%run_scoped3A : memref<!tpu.dma_semaphore, #tpu.memory_space<semaphore_mem>>) src(%arg20 : memref<80x128xf32, #tpu.memory_space<vmem>>) dst(%dma_wait3A_527 : memref<10000x128xf32, #tpu.memory_space<vmem_shared>>)
        tpu.yield
      }) : () -> ()
      %add3A_450 = arith.constant 3 : i32
      %add3A_451 = arith.addi %add3A_415, %add3A_450 : i32
      %add3A_452 = arith.addi %mul3A_0, %add3A_451 : i32
      %dma_start3A_453 = arith.constant 0 : i32
      %dma_start3A_454 = tpu.memref_slice %arg4[%add3A_452, %dma_start3A_453] : memref<4000x80xi32, #tpu.memory_space<hbm>> -> memref<1x80xi32, #tpu.memory_space<hbm>>
      %dma_start3A_455 = tpu.memref_squeeze %dma_start3A_454 : memref<1x80xi32, #tpu.memory_space<hbm>> -> memref<80xi32, #tpu.memory_space<hbm>>
      %dma_start3A_456 = arith.constant 0 : i32
      %dma_start3A_457 = tpu.memref_slice %arg4[%add3A_452, %dma_start3A_456] : memref<4000x80xi32, #tpu.memory_space<hbm>> -> memref<1x80xi32, #tpu.memory_space<hbm>>
      %dma_start3A_458 = tpu.memref_squeeze %dma_start3A_457 : memref<1x80xi32, #tpu.memory_space<hbm>> -> memref<80xi32, #tpu.memory_space<hbm>>
      tpu.enqueue_dma source(%dma_start3A_458 : memref<80xi32, #tpu.memory_space<hbm>>) target(%arg11 : memref<80xi32, #tpu.memory_space<vmem>>) target_semaphore(%arg23 : memref<!tpu.dma_semaphore, #tpu.memory_space<semaphore_mem>>)
      %add3A_459 = arith.addi %mul3A_0, %add3A_451 : i32
      %dma_start3A_460 = arith.constant 0 : i32
      %dma_start3A_461 = tpu.memref_slice %arg5[%add3A_459, %dma_start3A_460] : memref<4000x80xi32, #tpu.memory_space<hbm>> -> memref<1x80xi32, #tpu.memory_space<hbm>>
      %dma_start3A_462 = tpu.memref_squeeze %dma_start3A_461 : memref<1x80xi32, #tpu.memory_space<hbm>> -> memref<80xi32, #tpu.memory_space<hbm>>
      %dma_start3A_463 = arith.constant 0 : i32
      %dma_start3A_464 = tpu.memref_slice %arg5[%add3A_459, %dma_start3A_463] : memref<4000x80xi32, #tpu.memory_space<hbm>> -> memref<1x80xi32, #tpu.memory_space<hbm>>
      %dma_start3A_465 = tpu.memref_squeeze %dma_start3A_464 : memref<1x80xi32, #tpu.memory_space<hbm>> -> memref<80xi32, #tpu.memory_space<hbm>>
      tpu.enqueue_dma source(%dma_start3A_465 : memref<80xi32, #tpu.memory_space<hbm>>) target(%arg15 : memref<80xi32, #tpu.memory_space<vmem>>) target_semaphore(%arg23 : memref<!tpu.dma_semaphore, #tpu.memory_space<semaphore_mem>>)
      %mul3A_466 = arith.constant 4 : i32
      %mul3A_467 = arith.muli %scan3A_297, %mul3A_466 : i32
      %add3A_468 = arith.constant 1 : i32
      %add3A_469 = arith.addi %mul3A_467, %add3A_468 : i32
      %add3A_470 = arith.constant 3 : i32
      %add3A_471 = arith.addi %add3A_469, %add3A_470 : i32
      %dma_wait3A_472 = arith.constant 0 : i32
      %dma_wait3A_473 = tpu.memref_slice %arg4[%mul3A_0, %dma_wait3A_472] : memref<4000x80xi32, #tpu.memory_space<hbm>> -> memref<1x80xi32, #tpu.memory_space<hbm>>
      %dma_wait3A_474 = tpu.memref_squeeze %dma_wait3A_473 : memref<1x80xi32, #tpu.memory_space<hbm>> -> memref<80xi32, #tpu.memory_space<hbm>>
      %dma_wait3A_475 = arith.constant 0 : i32
      %dma_wait3A_476 = tpu.memref_slice %arg4[%mul3A_0, %dma_wait3A_475] : memref<4000x80xi32, #tpu.memory_space<hbm>> -> memref<1x80xi32, #tpu.memory_space<hbm>>
      %dma_wait3A_477 = tpu.memref_squeeze %dma_wait3A_476 : memref<1x80xi32, #tpu.memory_space<hbm>> -> memref<80xi32, #tpu.memory_space<hbm>>
      tpu.wait_dma2 semaphore(%arg22 : memref<!tpu.dma_semaphore, #tpu.memory_space<semaphore_mem>>) src(%dma_wait3A_477 : memref<80xi32, #tpu.memory_space<hbm>>) dst(%arg10 : memref<80xi32, #tpu.memory_space<vmem>>)
      %dma_wait3A_478 = arith.constant 0 : i32
      %dma_wait3A_479 = tpu.memref_slice %arg5[%mul3A_0, %dma_wait3A_478] : memref<4000x80xi32, #tpu.memory_space<hbm>> -> memref<1x80xi32, #tpu.memory_space<hbm>>
      %dma_wait3A_480 = tpu.memref_squeeze %dma_wait3A_479 : memref<1x80xi32, #tpu.memory_space<hbm>> -> memref<80xi32, #tpu.memory_space<hbm>>
      %dma_wait3A_481 = arith.constant 0 : i32
      %dma_wait3A_482 = tpu.memref_slice %arg5[%mul3A_0, %dma_wait3A_481] : memref<4000x80xi32, #tpu.memory_space<hbm>> -> memref<1x80xi32, #tpu.memory_space<hbm>>
      %dma_wait3A_483 = tpu.memref_squeeze %dma_wait3A_482 : memref<1x80xi32, #tpu.memory_space<hbm>> -> memref<80xi32, #tpu.memory_space<hbm>>
      tpu.wait_dma2 semaphore(%arg22 : memref<!tpu.dma_semaphore, #tpu.memory_space<semaphore_mem>>) src(%dma_wait3A_483 : memref<80xi32, #tpu.memory_space<hbm>>) dst(%arg14 : memref<80xi32, #tpu.memory_space<vmem>>)
      %add3A_484 = arith.constant 1 : i32
      %add3A_485 = arith.addi %add3A_471, %add3A_484 : i32
      %eq3A_486 = arith.constant 0 : i32
      %eq3A_487 = arith.cmpi eq, %arg0, %eq3A_486 : i32
      %convert_element_type3A_488 = arith.extui %eq3A_487 : i1 to i32
      %cond3A_489 = arith.constant 0 : i32
      %cond3A_490 = arith.cmpi ne, %convert_element_type3A_488, %cond3A_489 : i32
      scf.if %cond3A_490 {
        %dma_start3A_522 = arith.constant 0 : i32
        %dma_start3A_523 = arith.constant 0 : i32
        %dma_start3A_524 = tpu.memref_slice %arg2[%dma_start3A_522, %dma_start3A_523] : memref<40000x128xf32, #tpu.memory_space<hbm>> -> memref<40000x128xf32, #tpu.memory_space<hbm>>
        tpu.enqueue_indirect_dma source(%dma_start3A_524 : memref<40000x128xf32, #tpu.memory_space<hbm>>) target(%arg18 : memref<80x128xf32, #tpu.memory_space<vmem>>) offsets(%arg10 : memref<80xi32, #tpu.memory_space<vmem>>) semaphore(%arg26 : memref<!tpu.dma_semaphore, #tpu.memory_space<semaphore_mem>>)
      } else {
      }
      %ne3A_491 = arith.constant 0 : i32
      %ne3A_492 = arith.cmpi ne, %arg0, %ne3A_491 : i32
      %convert_element_type3A_493 = arith.extui %ne3A_492 : i1 to i32
      %cond3A_494 = arith.constant 0 : i32
      %cond3A_495 = arith.cmpi ne, %convert_element_type3A_493, %cond3A_494 : i32
      scf.if %cond3A_495 {
        %dma_start3A_522 = arith.constant 0 : i32
        %dma_start3A_523 = arith.constant 0 : i32
        %dma_start3A_524 = tpu.memref_slice %arg3[%dma_start3A_522, %dma_start3A_523] : memref<40000x128xf32, #tpu.memory_space<hbm>> -> memref<40000x128xf32, #tpu.memory_space<hbm>>
        tpu.enqueue_indirect_dma source(%dma_start3A_524 : memref<40000x128xf32, #tpu.memory_space<hbm>>) target(%arg18 : memref<80x128xf32, #tpu.memory_space<vmem>>) offsets(%arg10 : memref<80xi32, #tpu.memory_space<vmem>>) semaphore(%arg26 : memref<!tpu.dma_semaphore, #tpu.memory_space<semaphore_mem>>)
      } else {
      }
      %eq3A_496 = arith.constant 0 : i32
      %eq3A_497 = arith.cmpi eq, %arg0, %eq3A_496 : i32
      %convert_element_type3A_498 = arith.extui %eq3A_497 : i1 to i32
      %cond3A_499 = arith.constant 0 : i32
      %cond3A_500 = arith.cmpi ne, %convert_element_type3A_498, %cond3A_499 : i32
      scf.if %cond3A_500 {
        %dma_wait3A_522 = arith.constant 0 : i32
        %dma_wait3A_523 = arith.constant 0 : i32
        %dma_wait3A_524 = tpu.memref_slice %arg2[%dma_wait3A_522, %dma_wait3A_523] : memref<40000x128xf32, #tpu.memory_space<hbm>> -> memref<40000x128xf32, #tpu.memory_space<hbm>>
        tpu.wait_indirect_dma semaphore(%arg25 : memref<!tpu.dma_semaphore, #tpu.memory_space<semaphore_mem>>) src(%dma_wait3A_524 : memref<40000x128xf32, #tpu.memory_space<hbm>>) dst(%arg17 : memref<80x128xf32, #tpu.memory_space<vmem>>)
      } else {
      }
      %ne3A_501 = arith.constant 0 : i32
      %ne3A_502 = arith.cmpi ne, %arg0, %ne3A_501 : i32
      %convert_element_type3A_503 = arith.extui %ne3A_502 : i1 to i32
      %cond3A_504 = arith.constant 0 : i32
      %cond3A_505 = arith.cmpi ne, %convert_element_type3A_503, %cond3A_504 : i32
      scf.if %cond3A_505 {
        %dma_wait3A_522 = arith.constant 0 : i32
        %dma_wait3A_523 = arith.constant 0 : i32
        %dma_wait3A_524 = tpu.memref_slice %arg3[%dma_wait3A_522, %dma_wait3A_523] : memref<40000x128xf32, #tpu.memory_space<hbm>> -> memref<40000x128xf32, #tpu.memory_space<hbm>>
        tpu.wait_indirect_dma semaphore(%arg25 : memref<!tpu.dma_semaphore, #tpu.memory_space<semaphore_mem>>) src(%dma_wait3A_524 : memref<40000x128xf32, #tpu.memory_space<hbm>>) dst(%arg17 : memref<80x128xf32, #tpu.memory_space<vmem>>)
      } else {
      }
      "tpu.region"() ({
        %run_scoped3A = tpu.sem_alloc : memref<!tpu.dma_semaphore, #tpu.memory_space<semaphore_mem>>
        %dma_start3A_522 = arith.constant 0 : i32
        %dma_start3A_523 = arith.constant 0 : i32
        %dma_start3A_524 = tpu.memref_slice %arg8[%dma_start3A_522, %dma_start3A_523] : memref<10000x128xf32, #tpu.memory_space<vmem_shared>> -> memref<10000x128xf32, #tpu.memory_space<vmem_shared>>
        tpu.enqueue_indirect_dma source(%arg17 : memref<80x128xf32, #tpu.memory_space<vmem>>) target(%dma_start3A_524 : memref<10000x128xf32, #tpu.memory_space<vmem_shared>>) offsets(%arg13 : memref<80xi32, #tpu.memory_space<vmem>>) semaphore(%run_scoped3A : memref<!tpu.dma_semaphore, #tpu.memory_space<semaphore_mem>>) {add = true}
        %dma_wait3A_525 = arith.constant 0 : i32
        %dma_wait3A_526 = arith.constant 0 : i32
        %dma_wait3A_527 = tpu.memref_slice %arg8[%dma_wait3A_525, %dma_wait3A_526] : memref<10000x128xf32, #tpu.memory_space<vmem_shared>> -> memref<10000x128xf32, #tpu.memory_space<vmem_shared>>
        tpu.wait_indirect_dma semaphore(%run_scoped3A : memref<!tpu.dma_semaphore, #tpu.memory_space<semaphore_mem>>) src(%arg17 : memref<80x128xf32, #tpu.memory_space<vmem>>) dst(%dma_wait3A_527 : memref<10000x128xf32, #tpu.memory_space<vmem_shared>>)
        tpu.yield
      }) : () -> ()
      %add3A_506 = arith.constant 3 : i32
      %add3A_507 = arith.addi %add3A_471, %add3A_506 : i32
      %add3A_508 = arith.addi %mul3A_0, %add3A_507 : i32
      %dma_start3A_509 = arith.constant 0 : i32
      %dma_start3A_510 = tpu.memref_slice %arg4[%add3A_508, %dma_start3A_509] : memref<4000x80xi32, #tpu.memory_space<hbm>> -> memref<1x80xi32, #tpu.memory_space<hbm>>
      %dma_start3A_511 = tpu.memref_squeeze %dma_start3A_510 : memref<1x80xi32, #tpu.memory_space<hbm>> -> memref<80xi32, #tpu.memory_space<hbm>>
      %dma_start3A_512 = arith.constant 0 : i32
      %dma_start3A_513 = tpu.memref_slice %arg4[%add3A_508, %dma_start3A_512] : memref<4000x80xi32, #tpu.memory_space<hbm>> -> memref<1x80xi32, #tpu.memory_space<hbm>>
      %dma_start3A_514 = tpu.memref_squeeze %dma_start3A_513 : memref<1x80xi32, #tpu.memory_space<hbm>> -> memref<80xi32, #tpu.memory_space<hbm>>
      tpu.enqueue_dma source(%dma_start3A_514 : memref<80xi32, #tpu.memory_space<hbm>>) target(%arg12 : memref<80xi32, #tpu.memory_space<vmem>>) target_semaphore(%arg24 : memref<!tpu.dma_semaphore, #tpu.memory_space<semaphore_mem>>)
      %add3A_515 = arith.addi %mul3A_0, %add3A_507 : i32
      %dma_start3A_516 = arith.constant 0 : i32
      %dma_start3A_517 = tpu.memref_slice %arg5[%add3A_515, %dma_start3A_516] : memref<4000x80xi32, #tpu.memory_space<hbm>> -> memref<1x80xi32, #tpu.memory_space<hbm>>
      %dma_start3A_518 = tpu.memref_squeeze %dma_start3A_517 : memref<1x80xi32, #tpu.memory_space<hbm>> -> memref<80xi32, #tpu.memory_space<hbm>>
      %dma_start3A_519 = arith.constant 0 : i32
      %dma_start3A_520 = tpu.memref_slice %arg5[%add3A_515, %dma_start3A_519] : memref<4000x80xi32, #tpu.memory_space<hbm>> -> memref<1x80xi32, #tpu.memory_space<hbm>>
      %dma_start3A_521 = tpu.memref_squeeze %dma_start3A_520 : memref<1x80xi32, #tpu.memory_space<hbm>> -> memref<80xi32, #tpu.memory_space<hbm>>
      tpu.enqueue_dma source(%dma_start3A_521 : memref<80xi32, #tpu.memory_space<hbm>>) target(%arg16 : memref<80xi32, #tpu.memory_space<vmem>>) target_semaphore(%arg24 : memref<!tpu.dma_semaphore, #tpu.memory_space<semaphore_mem>>)
    }
    %scan3A_120 = arith.constant 61 : i32
    %dma_wait3A_121 = arith.constant 0 : i32
    %dma_wait3A_122 = tpu.memref_slice %arg4[%mul3A_0, %dma_wait3A_121] : memref<4000x80xi32, #tpu.memory_space<hbm>> -> memref<1x80xi32, #tpu.memory_space<hbm>>
    %dma_wait3A_123 = tpu.memref_squeeze %dma_wait3A_122 : memref<1x80xi32, #tpu.memory_space<hbm>> -> memref<80xi32, #tpu.memory_space<hbm>>
    %dma_wait3A_124 = arith.constant 0 : i32
    %dma_wait3A_125 = tpu.memref_slice %arg4[%mul3A_0, %dma_wait3A_124] : memref<4000x80xi32, #tpu.memory_space<hbm>> -> memref<1x80xi32, #tpu.memory_space<hbm>>
    %dma_wait3A_126 = tpu.memref_squeeze %dma_wait3A_125 : memref<1x80xi32, #tpu.memory_space<hbm>> -> memref<80xi32, #tpu.memory_space<hbm>>
    tpu.wait_dma2 semaphore(%arg23 : memref<!tpu.dma_semaphore, #tpu.memory_space<semaphore_mem>>) src(%dma_wait3A_126 : memref<80xi32, #tpu.memory_space<hbm>>) dst(%arg11 : memref<80xi32, #tpu.memory_space<vmem>>)
    %dma_wait3A_127 = arith.constant 0 : i32
    %dma_wait3A_128 = tpu.memref_slice %arg5[%mul3A_0, %dma_wait3A_127] : memref<4000x80xi32, #tpu.memory_space<hbm>> -> memref<1x80xi32, #tpu.memory_space<hbm>>
    %dma_wait3A_129 = tpu.memref_squeeze %dma_wait3A_128 : memref<1x80xi32, #tpu.memory_space<hbm>> -> memref<80xi32, #tpu.memory_space<hbm>>
    %dma_wait3A_130 = arith.constant 0 : i32
    %dma_wait3A_131 = tpu.memref_slice %arg5[%mul3A_0, %dma_wait3A_130] : memref<4000x80xi32, #tpu.memory_space<hbm>> -> memref<1x80xi32, #tpu.memory_space<hbm>>
    %dma_wait3A_132 = tpu.memref_squeeze %dma_wait3A_131 : memref<1x80xi32, #tpu.memory_space<hbm>> -> memref<80xi32, #tpu.memory_space<hbm>>
    tpu.wait_dma2 semaphore(%arg23 : memref<!tpu.dma_semaphore, #tpu.memory_space<semaphore_mem>>) src(%dma_wait3A_132 : memref<80xi32, #tpu.memory_space<hbm>>) dst(%arg15 : memref<80xi32, #tpu.memory_space<vmem>>)
    %eq3A_133 = arith.constant 0 : i32
    %eq3A_134 = arith.cmpi eq, %arg0, %eq3A_133 : i32
    %convert_element_type3A_135 = arith.extui %eq3A_134 : i1 to i32
    %cond3A_136 = arith.constant 0 : i32
    %cond3A_137 = arith.cmpi ne, %convert_element_type3A_135, %cond3A_136 : i32
    scf.if %cond3A_137 {
      %dma_start3A_297 = arith.constant 0 : i32
      %dma_start3A_298 = arith.constant 0 : i32
      %dma_start3A_299 = tpu.memref_slice %arg2[%dma_start3A_297, %dma_start3A_298] : memref<40000x128xf32, #tpu.memory_space<hbm>> -> memref<40000x128xf32, #tpu.memory_space<hbm>>
      tpu.enqueue_indirect_dma source(%dma_start3A_299 : memref<40000x128xf32, #tpu.memory_space<hbm>>) target(%arg19 : memref<80x128xf32, #tpu.memory_space<vmem>>) offsets(%arg11 : memref<80xi32, #tpu.memory_space<vmem>>) semaphore(%arg27 : memref<!tpu.dma_semaphore, #tpu.memory_space<semaphore_mem>>)
    } else {
    }
    %ne3A_138 = arith.constant 0 : i32
    %ne3A_139 = arith.cmpi ne, %arg0, %ne3A_138 : i32
    %convert_element_type3A_140 = arith.extui %ne3A_139 : i1 to i32
    %cond3A_141 = arith.constant 0 : i32
    %cond3A_142 = arith.cmpi ne, %convert_element_type3A_140, %cond3A_141 : i32
    scf.if %cond3A_142 {
      %dma_start3A_297 = arith.constant 0 : i32
      %dma_start3A_298 = arith.constant 0 : i32
      %dma_start3A_299 = tpu.memref_slice %arg3[%dma_start3A_297, %dma_start3A_298] : memref<40000x128xf32, #tpu.memory_space<hbm>> -> memref<40000x128xf32, #tpu.memory_space<hbm>>
      tpu.enqueue_indirect_dma source(%dma_start3A_299 : memref<40000x128xf32, #tpu.memory_space<hbm>>) target(%arg19 : memref<80x128xf32, #tpu.memory_space<vmem>>) offsets(%arg11 : memref<80xi32, #tpu.memory_space<vmem>>) semaphore(%arg27 : memref<!tpu.dma_semaphore, #tpu.memory_space<semaphore_mem>>)
    } else {
    }
    %eq3A_143 = arith.constant 0 : i32
    %eq3A_144 = arith.cmpi eq, %arg0, %eq3A_143 : i32
    %convert_element_type3A_145 = arith.extui %eq3A_144 : i1 to i32
    %cond3A_146 = arith.constant 0 : i32
    %cond3A_147 = arith.cmpi ne, %convert_element_type3A_145, %cond3A_146 : i32
    scf.if %cond3A_147 {
      %dma_wait3A_297 = arith.constant 0 : i32
      %dma_wait3A_298 = arith.constant 0 : i32
      %dma_wait3A_299 = tpu.memref_slice %arg2[%dma_wait3A_297, %dma_wait3A_298] : memref<40000x128xf32, #tpu.memory_space<hbm>> -> memref<40000x128xf32, #tpu.memory_space<hbm>>
      tpu.wait_indirect_dma semaphore(%arg26 : memref<!tpu.dma_semaphore, #tpu.memory_space<semaphore_mem>>) src(%dma_wait3A_299 : memref<40000x128xf32, #tpu.memory_space<hbm>>) dst(%arg18 : memref<80x128xf32, #tpu.memory_space<vmem>>)
    } else {
    }
    %ne3A_148 = arith.constant 0 : i32
    %ne3A_149 = arith.cmpi ne, %arg0, %ne3A_148 : i32
    %convert_element_type3A_150 = arith.extui %ne3A_149 : i1 to i32
    %cond3A_151 = arith.constant 0 : i32
    %cond3A_152 = arith.cmpi ne, %convert_element_type3A_150, %cond3A_151 : i32
    scf.if %cond3A_152 {
      %dma_wait3A_297 = arith.constant 0 : i32
      %dma_wait3A_298 = arith.constant 0 : i32
      %dma_wait3A_299 = tpu.memref_slice %arg3[%dma_wait3A_297, %dma_wait3A_298] : memref<40000x128xf32, #tpu.memory_space<hbm>> -> memref<40000x128xf32, #tpu.memory_space<hbm>>
      tpu.wait_indirect_dma semaphore(%arg26 : memref<!tpu.dma_semaphore, #tpu.memory_space<semaphore_mem>>) src(%dma_wait3A_299 : memref<40000x128xf32, #tpu.memory_space<hbm>>) dst(%arg18 : memref<80x128xf32, #tpu.memory_space<vmem>>)
    } else {
    }
    "tpu.region"() ({
      %run_scoped3A = tpu.sem_alloc : memref<!tpu.dma_semaphore, #tpu.memory_space<semaphore_mem>>
      %dma_start3A_297 = arith.constant 0 : i32
      %dma_start3A_298 = arith.constant 0 : i32
      %dma_start3A_299 = tpu.memref_slice %arg8[%dma_start3A_297, %dma_start3A_298] : memref<10000x128xf32, #tpu.memory_space<vmem_shared>> -> memref<10000x128xf32, #tpu.memory_space<vmem_shared>>
      tpu.enqueue_indirect_dma source(%arg18 : memref<80x128xf32, #tpu.memory_space<vmem>>) target(%dma_start3A_299 : memref<10000x128xf32, #tpu.memory_space<vmem_shared>>) offsets(%arg14 : memref<80xi32, #tpu.memory_space<vmem>>) semaphore(%run_scoped3A : memref<!tpu.dma_semaphore, #tpu.memory_space<semaphore_mem>>) {add = true}
      %dma_wait3A_300 = arith.constant 0 : i32
      %dma_wait3A_301 = arith.constant 0 : i32
      %dma_wait3A_302 = tpu.memref_slice %arg8[%dma_wait3A_300, %dma_wait3A_301] : memref<10000x128xf32, #tpu.memory_space<vmem_shared>> -> memref<10000x128xf32, #tpu.memory_space<vmem_shared>>
      tpu.wait_indirect_dma semaphore(%run_scoped3A : memref<!tpu.dma_semaphore, #tpu.memory_space<semaphore_mem>>) src(%arg18 : memref<80x128xf32, #tpu.memory_space<vmem>>) dst(%dma_wait3A_302 : memref<10000x128xf32, #tpu.memory_space<vmem_shared>>)
      tpu.yield
    }) : () -> ()
    %add3A_153 = arith.constant 248 : i32
    %add3A_154 = arith.addi %mul3A_0, %add3A_153 : i32
    %dma_start3A_155 = arith.constant 0 : i32
    %dma_start3A_156 = tpu.memref_slice %arg4[%add3A_154, %dma_start3A_155] : memref<4000x80xi32, #tpu.memory_space<hbm>> -> memref<1x80xi32, #tpu.memory_space<hbm>>
    %dma_start3A_157 = tpu.memref_squeeze %dma_start3A_156 : memref<1x80xi32, #tpu.memory_space<hbm>> -> memref<80xi32, #tpu.memory_space<hbm>>
    %dma_start3A_158 = arith.constant 0 : i32
    %dma_start3A_159 = tpu.memref_slice %arg4[%add3A_154, %dma_start3A_158] : memref<4000x80xi32, #tpu.memory_space<hbm>> -> memref<1x80xi32, #tpu.memory_space<hbm>>
    %dma_start3A_160 = tpu.memref_squeeze %dma_start3A_159 : memref<1x80xi32, #tpu.memory_space<hbm>> -> memref<80xi32, #tpu.memory_space<hbm>>
    tpu.enqueue_dma source(%dma_start3A_160 : memref<80xi32, #tpu.memory_space<hbm>>) target(%arg9 : memref<80xi32, #tpu.memory_space<vmem>>) target_semaphore(%arg21 : memref<!tpu.dma_semaphore, #tpu.memory_space<semaphore_mem>>)
    %add3A_161 = arith.constant 248 : i32
    %add3A_162 = arith.addi %mul3A_0, %add3A_161 : i32
    %dma_start3A_163 = arith.constant 0 : i32
    %dma_start3A_164 = tpu.memref_slice %arg5[%add3A_162, %dma_start3A_163] : memref<4000x80xi32, #tpu.memory_space<hbm>> -> memref<1x80xi32, #tpu.memory_space<hbm>>
    %dma_start3A_165 = tpu.memref_squeeze %dma_start3A_164 : memref<1x80xi32, #tpu.memory_space<hbm>> -> memref<80xi32, #tpu.memory_space<hbm>>
    %dma_start3A_166 = arith.constant 0 : i32
    %dma_start3A_167 = tpu.memref_slice %arg5[%add3A_162, %dma_start3A_166] : memref<4000x80xi32, #tpu.memory_space<hbm>> -> memref<1x80xi32, #tpu.memory_space<hbm>>
    %dma_start3A_168 = tpu.memref_squeeze %dma_start3A_167 : memref<1x80xi32, #tpu.memory_space<hbm>> -> memref<80xi32, #tpu.memory_space<hbm>>
    tpu.enqueue_dma source(%dma_start3A_168 : memref<80xi32, #tpu.memory_space<hbm>>) target(%arg13 : memref<80xi32, #tpu.memory_space<vmem>>) target_semaphore(%arg21 : memref<!tpu.dma_semaphore, #tpu.memory_space<semaphore_mem>>)
    %dma_wait3A_169 = arith.constant 0 : i32
    %dma_wait3A_170 = tpu.memref_slice %arg4[%mul3A_0, %dma_wait3A_169] : memref<4000x80xi32, #tpu.memory_space<hbm>> -> memref<1x80xi32, #tpu.memory_space<hbm>>
    %dma_wait3A_171 = tpu.memref_squeeze %dma_wait3A_170 : memref<1x80xi32, #tpu.memory_space<hbm>> -> memref<80xi32, #tpu.memory_space<hbm>>
    %dma_wait3A_172 = arith.constant 0 : i32
    %dma_wait3A_173 = tpu.memref_slice %arg4[%mul3A_0, %dma_wait3A_172] : memref<4000x80xi32, #tpu.memory_space<hbm>> -> memref<1x80xi32, #tpu.memory_space<hbm>>
    %dma_wait3A_174 = tpu.memref_squeeze %dma_wait3A_173 : memref<1x80xi32, #tpu.memory_space<hbm>> -> memref<80xi32, #tpu.memory_space<hbm>>
    tpu.wait_dma2 semaphore(%arg24 : memref<!tpu.dma_semaphore, #tpu.memory_space<semaphore_mem>>) src(%dma_wait3A_174 : memref<80xi32, #tpu.memory_space<hbm>>) dst(%arg12 : memref<80xi32, #tpu.memory_space<vmem>>)
    %dma_wait3A_175 = arith.constant 0 : i32
    %dma_wait3A_176 = tpu.memref_slice %arg5[%mul3A_0, %dma_wait3A_175] : memref<4000x80xi32, #tpu.memory_space<hbm>> -> memref<1x80xi32, #tpu.memory_space<hbm>>
    %dma_wait3A_177 = tpu.memref_squeeze %dma_wait3A_176 : memref<1x80xi32, #tpu.memory_space<hbm>> -> memref<80xi32, #tpu.memory_space<hbm>>
    %dma_wait3A_178 = arith.constant 0 : i32
    %dma_wait3A_179 = tpu.memref_slice %arg5[%mul3A_0, %dma_wait3A_178] : memref<4000x80xi32, #tpu.memory_space<hbm>> -> memref<1x80xi32, #tpu.memory_space<hbm>>
    %dma_wait3A_180 = tpu.memref_squeeze %dma_wait3A_179 : memref<1x80xi32, #tpu.memory_space<hbm>> -> memref<80xi32, #tpu.memory_space<hbm>>
    tpu.wait_dma2 semaphore(%arg24 : memref<!tpu.dma_semaphore, #tpu.memory_space<semaphore_mem>>) src(%dma_wait3A_180 : memref<80xi32, #tpu.memory_space<hbm>>) dst(%arg16 : memref<80xi32, #tpu.memory_space<vmem>>)
    %eq3A_181 = arith.constant 0 : i32
    %eq3A_182 = arith.cmpi eq, %arg0, %eq3A_181 : i32
    %convert_element_type3A_183 = arith.extui %eq3A_182 : i1 to i32
    %cond3A_184 = arith.constant 0 : i32
    %cond3A_185 = arith.cmpi ne, %convert_element_type3A_183, %cond3A_184 : i32
    scf.if %cond3A_185 {
      %dma_start3A_297 = arith.constant 0 : i32
      %dma_start3A_298 = arith.constant 0 : i32
      %dma_start3A_299 = tpu.memref_slice %arg2[%dma_start3A_297, %dma_start3A_298] : memref<40000x128xf32, #tpu.memory_space<hbm>> -> memref<40000x128xf32, #tpu.memory_space<hbm>>
      tpu.enqueue_indirect_dma source(%dma_start3A_299 : memref<40000x128xf32, #tpu.memory_space<hbm>>) target(%arg20 : memref<80x128xf32, #tpu.memory_space<vmem>>) offsets(%arg12 : memref<80xi32, #tpu.memory_space<vmem>>) semaphore(%arg28 : memref<!tpu.dma_semaphore, #tpu.memory_space<semaphore_mem>>)
    } else {
    }
    %ne3A_186 = arith.constant 0 : i32
    %ne3A_187 = arith.cmpi ne, %arg0, %ne3A_186 : i32
    %convert_element_type3A_188 = arith.extui %ne3A_187 : i1 to i32
    %cond3A_189 = arith.constant 0 : i32
    %cond3A_190 = arith.cmpi ne, %convert_element_type3A_188, %cond3A_189 : i32
    scf.if %cond3A_190 {
      %dma_start3A_297 = arith.constant 0 : i32
      %dma_start3A_298 = arith.constant 0 : i32
      %dma_start3A_299 = tpu.memref_slice %arg3[%dma_start3A_297, %dma_start3A_298] : memref<40000x128xf32, #tpu.memory_space<hbm>> -> memref<40000x128xf32, #tpu.memory_space<hbm>>
      tpu.enqueue_indirect_dma source(%dma_start3A_299 : memref<40000x128xf32, #tpu.memory_space<hbm>>) target(%arg20 : memref<80x128xf32, #tpu.memory_space<vmem>>) offsets(%arg12 : memref<80xi32, #tpu.memory_space<vmem>>) semaphore(%arg28 : memref<!tpu.dma_semaphore, #tpu.memory_space<semaphore_mem>>)
    } else {
    }
    %eq3A_191 = arith.constant 0 : i32
    %eq3A_192 = arith.cmpi eq, %arg0, %eq3A_191 : i32
    %convert_element_type3A_193 = arith.extui %eq3A_192 : i1 to i32
    %cond3A_194 = arith.constant 0 : i32
    %cond3A_195 = arith.cmpi ne, %convert_element_type3A_193, %cond3A_194 : i32
    scf.if %cond3A_195 {
      %dma_wait3A_297 = arith.constant 0 : i32
      %dma_wait3A_298 = arith.constant 0 : i32
      %dma_wait3A_299 = tpu.memref_slice %arg2[%dma_wait3A_297, %dma_wait3A_298] : memref<40000x128xf32, #tpu.memory_space<hbm>> -> memref<40000x128xf32, #tpu.memory_space<hbm>>
      tpu.wait_indirect_dma semaphore(%arg27 : memref<!tpu.dma_semaphore, #tpu.memory_space<semaphore_mem>>) src(%dma_wait3A_299 : memref<40000x128xf32, #tpu.memory_space<hbm>>) dst(%arg19 : memref<80x128xf32, #tpu.memory_space<vmem>>)
    } else {
    }
    %ne3A_196 = arith.constant 0 : i32
    %ne3A_197 = arith.cmpi ne, %arg0, %ne3A_196 : i32
    %convert_element_type3A_198 = arith.extui %ne3A_197 : i1 to i32
    %cond3A_199 = arith.constant 0 : i32
    %cond3A_200 = arith.cmpi ne, %convert_element_type3A_198, %cond3A_199 : i32
    scf.if %cond3A_200 {
      %dma_wait3A_297 = arith.constant 0 : i32
      %dma_wait3A_298 = arith.constant 0 : i32
      %dma_wait3A_299 = tpu.memref_slice %arg3[%dma_wait3A_297, %dma_wait3A_298] : memref<40000x128xf32, #tpu.memory_space<hbm>> -> memref<40000x128xf32, #tpu.memory_space<hbm>>
      tpu.wait_indirect_dma semaphore(%arg27 : memref<!tpu.dma_semaphore, #tpu.memory_space<semaphore_mem>>) src(%dma_wait3A_299 : memref<40000x128xf32, #tpu.memory_space<hbm>>) dst(%arg19 : memref<80x128xf32, #tpu.memory_space<vmem>>)
    } else {
    }
    "tpu.region"() ({
      %run_scoped3A = tpu.sem_alloc : memref<!tpu.dma_semaphore, #tpu.memory_space<semaphore_mem>>
      %dma_start3A_297 = arith.constant 0 : i32
      %dma_start3A_298 = arith.constant 0 : i32
      %dma_start3A_299 = tpu.memref_slice %arg8[%dma_start3A_297, %dma_start3A_298] : memref<10000x128xf32, #tpu.memory_space<vmem_shared>> -> memref<10000x128xf32, #tpu.memory_space<vmem_shared>>
      tpu.enqueue_indirect_dma source(%arg19 : memref<80x128xf32, #tpu.memory_space<vmem>>) target(%dma_start3A_299 : memref<10000x128xf32, #tpu.memory_space<vmem_shared>>) offsets(%arg15 : memref<80xi32, #tpu.memory_space<vmem>>) semaphore(%run_scoped3A : memref<!tpu.dma_semaphore, #tpu.memory_space<semaphore_mem>>) {add = true}
      %dma_wait3A_300 = arith.constant 0 : i32
      %dma_wait3A_301 = arith.constant 0 : i32
      %dma_wait3A_302 = tpu.memref_slice %arg8[%dma_wait3A_300, %dma_wait3A_301] : memref<10000x128xf32, #tpu.memory_space<vmem_shared>> -> memref<10000x128xf32, #tpu.memory_space<vmem_shared>>
      tpu.wait_indirect_dma semaphore(%run_scoped3A : memref<!tpu.dma_semaphore, #tpu.memory_space<semaphore_mem>>) src(%arg19 : memref<80x128xf32, #tpu.memory_space<vmem>>) dst(%dma_wait3A_302 : memref<10000x128xf32, #tpu.memory_space<vmem_shared>>)
      tpu.yield
    }) : () -> ()
    %add3A_201 = arith.constant 249 : i32
    %add3A_202 = arith.addi %mul3A_0, %add3A_201 : i32
    %dma_start3A_203 = arith.constant 0 : i32
    %dma_start3A_204 = tpu.memref_slice %arg4[%add3A_202, %dma_start3A_203] : memref<4000x80xi32, #tpu.memory_space<hbm>> -> memref<1x80xi32, #tpu.memory_space<hbm>>
    %dma_start3A_205 = tpu.memref_squeeze %dma_start3A_204 : memref<1x80xi32, #tpu.memory_space<hbm>> -> memref<80xi32, #tpu.memory_space<hbm>>
    %dma_start3A_206 = arith.constant 0 : i32
    %dma_start3A_207 = tpu.memref_slice %arg4[%add3A_202, %dma_start3A_206] : memref<4000x80xi32, #tpu.memory_space<hbm>> -> memref<1x80xi32, #tpu.memory_space<hbm>>
    %dma_start3A_208 = tpu.memref_squeeze %dma_start3A_207 : memref<1x80xi32, #tpu.memory_space<hbm>> -> memref<80xi32, #tpu.memory_space<hbm>>
    tpu.enqueue_dma source(%dma_start3A_208 : memref<80xi32, #tpu.memory_space<hbm>>) target(%arg10 : memref<80xi32, #tpu.memory_space<vmem>>) target_semaphore(%arg22 : memref<!tpu.dma_semaphore, #tpu.memory_space<semaphore_mem>>)
    %add3A_209 = arith.constant 249 : i32
    %add3A_210 = arith.addi %mul3A_0, %add3A_209 : i32
    %dma_start3A_211 = arith.constant 0 : i32
    %dma_start3A_212 = tpu.memref_slice %arg5[%add3A_210, %dma_start3A_211] : memref<4000x80xi32, #tpu.memory_space<hbm>> -> memref<1x80xi32, #tpu.memory_space<hbm>>
    %dma_start3A_213 = tpu.memref_squeeze %dma_start3A_212 : memref<1x80xi32, #tpu.memory_space<hbm>> -> memref<80xi32, #tpu.memory_space<hbm>>
    %dma_start3A_214 = arith.constant 0 : i32
    %dma_start3A_215 = tpu.memref_slice %arg5[%add3A_210, %dma_start3A_214] : memref<4000x80xi32, #tpu.memory_space<hbm>> -> memref<1x80xi32, #tpu.memory_space<hbm>>
    %dma_start3A_216 = tpu.memref_squeeze %dma_start3A_215 : memref<1x80xi32, #tpu.memory_space<hbm>> -> memref<80xi32, #tpu.memory_space<hbm>>
    tpu.enqueue_dma source(%dma_start3A_216 : memref<80xi32, #tpu.memory_space<hbm>>) target(%arg14 : memref<80xi32, #tpu.memory_space<vmem>>) target_semaphore(%arg22 : memref<!tpu.dma_semaphore, #tpu.memory_space<semaphore_mem>>)
    %dma_wait3A_217 = arith.constant 0 : i32
    %dma_wait3A_218 = tpu.memref_slice %arg4[%mul3A_0, %dma_wait3A_217] : memref<4000x80xi32, #tpu.memory_space<hbm>> -> memref<1x80xi32, #tpu.memory_space<hbm>>
    %dma_wait3A_219 = tpu.memref_squeeze %dma_wait3A_218 : memref<1x80xi32, #tpu.memory_space<hbm>> -> memref<80xi32, #tpu.memory_space<hbm>>
    %dma_wait3A_220 = arith.constant 0 : i32
    %dma_wait3A_221 = tpu.memref_slice %arg4[%mul3A_0, %dma_wait3A_220] : memref<4000x80xi32, #tpu.memory_space<hbm>> -> memref<1x80xi32, #tpu.memory_space<hbm>>
    %dma_wait3A_222 = tpu.memref_squeeze %dma_wait3A_221 : memref<1x80xi32, #tpu.memory_space<hbm>> -> memref<80xi32, #tpu.memory_space<hbm>>
    tpu.wait_dma2 semaphore(%arg21 : memref<!tpu.dma_semaphore, #tpu.memory_space<semaphore_mem>>) src(%dma_wait3A_222 : memref<80xi32, #tpu.memory_space<hbm>>) dst(%arg9 : memref<80xi32, #tpu.memory_space<vmem>>)
    %dma_wait3A_223 = arith.constant 0 : i32
    %dma_wait3A_224 = tpu.memref_slice %arg5[%mul3A_0, %dma_wait3A_223] : memref<4000x80xi32, #tpu.memory_space<hbm>> -> memref<1x80xi32, #tpu.memory_space<hbm>>
    %dma_wait3A_225 = tpu.memref_squeeze %dma_wait3A_224 : memref<1x80xi32, #tpu.memory_space<hbm>> -> memref<80xi32, #tpu.memory_space<hbm>>
    %dma_wait3A_226 = arith.constant 0 : i32
    %dma_wait3A_227 = tpu.memref_slice %arg5[%mul3A_0, %dma_wait3A_226] : memref<4000x80xi32, #tpu.memory_space<hbm>> -> memref<1x80xi32, #tpu.memory_space<hbm>>
    %dma_wait3A_228 = tpu.memref_squeeze %dma_wait3A_227 : memref<1x80xi32, #tpu.memory_space<hbm>> -> memref<80xi32, #tpu.memory_space<hbm>>
    tpu.wait_dma2 semaphore(%arg21 : memref<!tpu.dma_semaphore, #tpu.memory_space<semaphore_mem>>) src(%dma_wait3A_228 : memref<80xi32, #tpu.memory_space<hbm>>) dst(%arg13 : memref<80xi32, #tpu.memory_space<vmem>>)
    %eq3A_229 = arith.constant 0 : i32
    %eq3A_230 = arith.cmpi eq, %arg0, %eq3A_229 : i32
    %convert_element_type3A_231 = arith.extui %eq3A_230 : i1 to i32
    %cond3A_232 = arith.constant 0 : i32
    %cond3A_233 = arith.cmpi ne, %convert_element_type3A_231, %cond3A_232 : i32
    scf.if %cond3A_233 {
      %dma_start3A_297 = arith.constant 0 : i32
      %dma_start3A_298 = arith.constant 0 : i32
      %dma_start3A_299 = tpu.memref_slice %arg2[%dma_start3A_297, %dma_start3A_298] : memref<40000x128xf32, #tpu.memory_space<hbm>> -> memref<40000x128xf32, #tpu.memory_space<hbm>>
      tpu.enqueue_indirect_dma source(%dma_start3A_299 : memref<40000x128xf32, #tpu.memory_space<hbm>>) target(%arg17 : memref<80x128xf32, #tpu.memory_space<vmem>>) offsets(%arg9 : memref<80xi32, #tpu.memory_space<vmem>>) semaphore(%arg25 : memref<!tpu.dma_semaphore, #tpu.memory_space<semaphore_mem>>)
    } else {
    }
    %ne3A_234 = arith.constant 0 : i32
    %ne3A_235 = arith.cmpi ne, %arg0, %ne3A_234 : i32
    %convert_element_type3A_236 = arith.extui %ne3A_235 : i1 to i32
    %cond3A_237 = arith.constant 0 : i32
    %cond3A_238 = arith.cmpi ne, %convert_element_type3A_236, %cond3A_237 : i32
    scf.if %cond3A_238 {
      %dma_start3A_297 = arith.constant 0 : i32
      %dma_start3A_298 = arith.constant 0 : i32
      %dma_start3A_299 = tpu.memref_slice %arg3[%dma_start3A_297, %dma_start3A_298] : memref<40000x128xf32, #tpu.memory_space<hbm>> -> memref<40000x128xf32, #tpu.memory_space<hbm>>
      tpu.enqueue_indirect_dma source(%dma_start3A_299 : memref<40000x128xf32, #tpu.memory_space<hbm>>) target(%arg17 : memref<80x128xf32, #tpu.memory_space<vmem>>) offsets(%arg9 : memref<80xi32, #tpu.memory_space<vmem>>) semaphore(%arg25 : memref<!tpu.dma_semaphore, #tpu.memory_space<semaphore_mem>>)
    } else {
    }
    %eq3A_239 = arith.constant 0 : i32
    %eq3A_240 = arith.cmpi eq, %arg0, %eq3A_239 : i32
    %convert_element_type3A_241 = arith.extui %eq3A_240 : i1 to i32
    %cond3A_242 = arith.constant 0 : i32
    %cond3A_243 = arith.cmpi ne, %convert_element_type3A_241, %cond3A_242 : i32
    scf.if %cond3A_243 {
      %dma_wait3A_297 = arith.constant 0 : i32
      %dma_wait3A_298 = arith.constant 0 : i32
      %dma_wait3A_299 = tpu.memref_slice %arg2[%dma_wait3A_297, %dma_wait3A_298] : memref<40000x128xf32, #tpu.memory_space<hbm>> -> memref<40000x128xf32, #tpu.memory_space<hbm>>
      tpu.wait_indirect_dma semaphore(%arg28 : memref<!tpu.dma_semaphore, #tpu.memory_space<semaphore_mem>>) src(%dma_wait3A_299 : memref<40000x128xf32, #tpu.memory_space<hbm>>) dst(%arg20 : memref<80x128xf32, #tpu.memory_space<vmem>>)
    } else {
    }
    %ne3A_244 = arith.constant 0 : i32
    %ne3A_245 = arith.cmpi ne, %arg0, %ne3A_244 : i32
    %convert_element_type3A_246 = arith.extui %ne3A_245 : i1 to i32
    %cond3A_247 = arith.constant 0 : i32
    %cond3A_248 = arith.cmpi ne, %convert_element_type3A_246, %cond3A_247 : i32
    scf.if %cond3A_248 {
      %dma_wait3A_297 = arith.constant 0 : i32
      %dma_wait3A_298 = arith.constant 0 : i32
      %dma_wait3A_299 = tpu.memref_slice %arg3[%dma_wait3A_297, %dma_wait3A_298] : memref<40000x128xf32, #tpu.memory_space<hbm>> -> memref<40000x128xf32, #tpu.memory_space<hbm>>
      tpu.wait_indirect_dma semaphore(%arg28 : memref<!tpu.dma_semaphore, #tpu.memory_space<semaphore_mem>>) src(%dma_wait3A_299 : memref<40000x128xf32, #tpu.memory_space<hbm>>) dst(%arg20 : memref<80x128xf32, #tpu.memory_space<vmem>>)
    } else {
    }
    "tpu.region"() ({
      %run_scoped3A = tpu.sem_alloc : memref<!tpu.dma_semaphore, #tpu.memory_space<semaphore_mem>>
      %dma_start3A_297 = arith.constant 0 : i32
      %dma_start3A_298 = arith.constant 0 : i32
      %dma_start3A_299 = tpu.memref_slice %arg8[%dma_start3A_297, %dma_start3A_298] : memref<10000x128xf32, #tpu.memory_space<vmem_shared>> -> memref<10000x128xf32, #tpu.memory_space<vmem_shared>>
      tpu.enqueue_indirect_dma source(%arg20 : memref<80x128xf32, #tpu.memory_space<vmem>>) target(%dma_start3A_299 : memref<10000x128xf32, #tpu.memory_space<vmem_shared>>) offsets(%arg16 : memref<80xi32, #tpu.memory_space<vmem>>) semaphore(%run_scoped3A : memref<!tpu.dma_semaphore, #tpu.memory_space<semaphore_mem>>) {add = true}
      %dma_wait3A_300 = arith.constant 0 : i32
      %dma_wait3A_301 = arith.constant 0 : i32
      %dma_wait3A_302 = tpu.memref_slice %arg8[%dma_wait3A_300, %dma_wait3A_301] : memref<10000x128xf32, #tpu.memory_space<vmem_shared>> -> memref<10000x128xf32, #tpu.memory_space<vmem_shared>>
      tpu.wait_indirect_dma semaphore(%run_scoped3A : memref<!tpu.dma_semaphore, #tpu.memory_space<semaphore_mem>>) src(%arg20 : memref<80x128xf32, #tpu.memory_space<vmem>>) dst(%dma_wait3A_302 : memref<10000x128xf32, #tpu.memory_space<vmem_shared>>)
      tpu.yield
    }) : () -> ()
    %dma_wait3A_249 = arith.constant 0 : i32
    %dma_wait3A_250 = tpu.memref_slice %arg4[%mul3A_0, %dma_wait3A_249] : memref<4000x80xi32, #tpu.memory_space<hbm>> -> memref<1x80xi32, #tpu.memory_space<hbm>>
    %dma_wait3A_251 = tpu.memref_squeeze %dma_wait3A_250 : memref<1x80xi32, #tpu.memory_space<hbm>> -> memref<80xi32, #tpu.memory_space<hbm>>
    %dma_wait3A_252 = arith.constant 0 : i32
    %dma_wait3A_253 = tpu.memref_slice %arg4[%mul3A_0, %dma_wait3A_252] : memref<4000x80xi32, #tpu.memory_space<hbm>> -> memref<1x80xi32, #tpu.memory_space<hbm>>
    %dma_wait3A_254 = tpu.memref_squeeze %dma_wait3A_253 : memref<1x80xi32, #tpu.memory_space<hbm>> -> memref<80xi32, #tpu.memory_space<hbm>>
    tpu.wait_dma2 semaphore(%arg22 : memref<!tpu.dma_semaphore, #tpu.memory_space<semaphore_mem>>) src(%dma_wait3A_254 : memref<80xi32, #tpu.memory_space<hbm>>) dst(%arg10 : memref<80xi32, #tpu.memory_space<vmem>>)
    %dma_wait3A_255 = arith.constant 0 : i32
    %dma_wait3A_256 = tpu.memref_slice %arg5[%mul3A_0, %dma_wait3A_255] : memref<4000x80xi32, #tpu.memory_space<hbm>> -> memref<1x80xi32, #tpu.memory_space<hbm>>
    %dma_wait3A_257 = tpu.memref_squeeze %dma_wait3A_256 : memref<1x80xi32, #tpu.memory_space<hbm>> -> memref<80xi32, #tpu.memory_space<hbm>>
    %dma_wait3A_258 = arith.constant 0 : i32
    %dma_wait3A_259 = tpu.memref_slice %arg5[%mul3A_0, %dma_wait3A_258] : memref<4000x80xi32, #tpu.memory_space<hbm>> -> memref<1x80xi32, #tpu.memory_space<hbm>>
    %dma_wait3A_260 = tpu.memref_squeeze %dma_wait3A_259 : memref<1x80xi32, #tpu.memory_space<hbm>> -> memref<80xi32, #tpu.memory_space<hbm>>
    tpu.wait_dma2 semaphore(%arg22 : memref<!tpu.dma_semaphore, #tpu.memory_space<semaphore_mem>>) src(%dma_wait3A_260 : memref<80xi32, #tpu.memory_space<hbm>>) dst(%arg14 : memref<80xi32, #tpu.memory_space<vmem>>)
    %eq3A_261 = arith.constant 0 : i32
    %eq3A_262 = arith.cmpi eq, %arg0, %eq3A_261 : i32
    %convert_element_type3A_263 = arith.extui %eq3A_262 : i1 to i32
    %cond3A_264 = arith.constant 0 : i32
    %cond3A_265 = arith.cmpi ne, %convert_element_type3A_263, %cond3A_264 : i32
    scf.if %cond3A_265 {
      %dma_start3A_297 = arith.constant 0 : i32
      %dma_start3A_298 = arith.constant 0 : i32
      %dma_start3A_299 = tpu.memref_slice %arg2[%dma_start3A_297, %dma_start3A_298] : memref<40000x128xf32, #tpu.memory_space<hbm>> -> memref<40000x128xf32, #tpu.memory_space<hbm>>
      tpu.enqueue_indirect_dma source(%dma_start3A_299 : memref<40000x128xf32, #tpu.memory_space<hbm>>) target(%arg18 : memref<80x128xf32, #tpu.memory_space<vmem>>) offsets(%arg10 : memref<80xi32, #tpu.memory_space<vmem>>) semaphore(%arg26 : memref<!tpu.dma_semaphore, #tpu.memory_space<semaphore_mem>>)
    } else {
    }
    %ne3A_266 = arith.constant 0 : i32
    %ne3A_267 = arith.cmpi ne, %arg0, %ne3A_266 : i32
    %convert_element_type3A_268 = arith.extui %ne3A_267 : i1 to i32
    %cond3A_269 = arith.constant 0 : i32
    %cond3A_270 = arith.cmpi ne, %convert_element_type3A_268, %cond3A_269 : i32
    scf.if %cond3A_270 {
      %dma_start3A_297 = arith.constant 0 : i32
      %dma_start3A_298 = arith.constant 0 : i32
      %dma_start3A_299 = tpu.memref_slice %arg3[%dma_start3A_297, %dma_start3A_298] : memref<40000x128xf32, #tpu.memory_space<hbm>> -> memref<40000x128xf32, #tpu.memory_space<hbm>>
      tpu.enqueue_indirect_dma source(%dma_start3A_299 : memref<40000x128xf32, #tpu.memory_space<hbm>>) target(%arg18 : memref<80x128xf32, #tpu.memory_space<vmem>>) offsets(%arg10 : memref<80xi32, #tpu.memory_space<vmem>>) semaphore(%arg26 : memref<!tpu.dma_semaphore, #tpu.memory_space<semaphore_mem>>)
    } else {
    }
    %eq3A_271 = arith.constant 0 : i32
    %eq3A_272 = arith.cmpi eq, %arg0, %eq3A_271 : i32
    %convert_element_type3A_273 = arith.extui %eq3A_272 : i1 to i32
    %cond3A_274 = arith.constant 0 : i32
    %cond3A_275 = arith.cmpi ne, %convert_element_type3A_273, %cond3A_274 : i32
    scf.if %cond3A_275 {
      %dma_wait3A_297 = arith.constant 0 : i32
      %dma_wait3A_298 = arith.constant 0 : i32
      %dma_wait3A_299 = tpu.memref_slice %arg2[%dma_wait3A_297, %dma_wait3A_298] : memref<40000x128xf32, #tpu.memory_space<hbm>> -> memref<40000x128xf32, #tpu.memory_space<hbm>>
      tpu.wait_indirect_dma semaphore(%arg25 : memref<!tpu.dma_semaphore, #tpu.memory_space<semaphore_mem>>) src(%dma_wait3A_299 : memref<40000x128xf32, #tpu.memory_space<hbm>>) dst(%arg17 : memref<80x128xf32, #tpu.memory_space<vmem>>)
    } else {
    }
    %ne3A_276 = arith.constant 0 : i32
    %ne3A_277 = arith.cmpi ne, %arg0, %ne3A_276 : i32
    %convert_element_type3A_278 = arith.extui %ne3A_277 : i1 to i32
    %cond3A_279 = arith.constant 0 : i32
    %cond3A_280 = arith.cmpi ne, %convert_element_type3A_278, %cond3A_279 : i32
    scf.if %cond3A_280 {
      %dma_wait3A_297 = arith.constant 0 : i32
      %dma_wait3A_298 = arith.constant 0 : i32
      %dma_wait3A_299 = tpu.memref_slice %arg3[%dma_wait3A_297, %dma_wait3A_298] : memref<40000x128xf32, #tpu.memory_space<hbm>> -> memref<40000x128xf32, #tpu.memory_space<hbm>>
      tpu.wait_indirect_dma semaphore(%arg25 : memref<!tpu.dma_semaphore, #tpu.memory_space<semaphore_mem>>) src(%dma_wait3A_299 : memref<40000x128xf32, #tpu.memory_space<hbm>>) dst(%arg17 : memref<80x128xf32, #tpu.memory_space<vmem>>)
    } else {
    }
    "tpu.region"() ({
      %run_scoped3A = tpu.sem_alloc : memref<!tpu.dma_semaphore, #tpu.memory_space<semaphore_mem>>
      %dma_start3A_297 = arith.constant 0 : i32
      %dma_start3A_298 = arith.constant 0 : i32
      %dma_start3A_299 = tpu.memref_slice %arg8[%dma_start3A_297, %dma_start3A_298] : memref<10000x128xf32, #tpu.memory_space<vmem_shared>> -> memref<10000x128xf32, #tpu.memory_space<vmem_shared>>
      tpu.enqueue_indirect_dma source(%arg17 : memref<80x128xf32, #tpu.memory_space<vmem>>) target(%dma_start3A_299 : memref<10000x128xf32, #tpu.memory_space<vmem_shared>>) offsets(%arg13 : memref<80xi32, #tpu.memory_space<vmem>>) semaphore(%run_scoped3A : memref<!tpu.dma_semaphore, #tpu.memory_space<semaphore_mem>>) {add = true}
      %dma_wait3A_300 = arith.constant 0 : i32
      %dma_wait3A_301 = arith.constant 0 : i32
      %dma_wait3A_302 = tpu.memref_slice %arg8[%dma_wait3A_300, %dma_wait3A_301] : memref<10000x128xf32, #tpu.memory_space<vmem_shared>> -> memref<10000x128xf32, #tpu.memory_space<vmem_shared>>
      tpu.wait_indirect_dma semaphore(%run_scoped3A : memref<!tpu.dma_semaphore, #tpu.memory_space<semaphore_mem>>) src(%arg17 : memref<80x128xf32, #tpu.memory_space<vmem>>) dst(%dma_wait3A_302 : memref<10000x128xf32, #tpu.memory_space<vmem_shared>>)
      tpu.yield
    }) : () -> ()
    %eq3A_281 = arith.constant 0 : i32
    %eq3A_282 = arith.cmpi eq, %arg0, %eq3A_281 : i32
    %convert_element_type3A_283 = arith.extui %eq3A_282 : i1 to i32
    %cond3A_284 = arith.constant 0 : i32
    %cond3A_285 = arith.cmpi ne, %convert_element_type3A_283, %cond3A_284 : i32
    scf.if %cond3A_285 {
      %dma_wait3A_297 = arith.constant 0 : i32
      %dma_wait3A_298 = arith.constant 0 : i32
      %dma_wait3A_299 = tpu.memref_slice %arg2[%dma_wait3A_297, %dma_wait3A_298] : memref<40000x128xf32, #tpu.memory_space<hbm>> -> memref<40000x128xf32, #tpu.memory_space<hbm>>
      tpu.wait_indirect_dma semaphore(%arg26 : memref<!tpu.dma_semaphore, #tpu.memory_space<semaphore_mem>>) src(%dma_wait3A_299 : memref<40000x128xf32, #tpu.memory_space<hbm>>) dst(%arg18 : memref<80x128xf32, #tpu.memory_space<vmem>>)
    } else {
    }
    %ne3A_286 = arith.constant 0 : i32
    %ne3A_287 = arith.cmpi ne, %arg0, %ne3A_286 : i32
    %convert_element_type3A_288 = arith.extui %ne3A_287 : i1 to i32
    %cond3A_289 = arith.constant 0 : i32
    %cond3A_290 = arith.cmpi ne, %convert_element_type3A_288, %cond3A_289 : i32
    scf.if %cond3A_290 {
      %dma_wait3A_297 = arith.constant 0 : i32
      %dma_wait3A_298 = arith.constant 0 : i32
      %dma_wait3A_299 = tpu.memref_slice %arg3[%dma_wait3A_297, %dma_wait3A_298] : memref<40000x128xf32, #tpu.memory_space<hbm>> -> memref<40000x128xf32, #tpu.memory_space<hbm>>
      tpu.wait_indirect_dma semaphore(%arg26 : memref<!tpu.dma_semaphore, #tpu.memory_space<semaphore_mem>>) src(%dma_wait3A_299 : memref<40000x128xf32, #tpu.memory_space<hbm>>) dst(%arg18 : memref<80x128xf32, #tpu.memory_space<vmem>>)
    } else {
    }
    "tpu.region"() ({
      %run_scoped3A = tpu.sem_alloc : memref<!tpu.dma_semaphore, #tpu.memory_space<semaphore_mem>>
      %dma_start3A_297 = arith.constant 0 : i32
      %dma_start3A_298 = arith.constant 0 : i32
      %dma_start3A_299 = tpu.memref_slice %arg8[%dma_start3A_297, %dma_start3A_298] : memref<10000x128xf32, #tpu.memory_space<vmem_shared>> -> memref<10000x128xf32, #tpu.memory_space<vmem_shared>>
      tpu.enqueue_indirect_dma source(%arg18 : memref<80x128xf32, #tpu.memory_space<vmem>>) target(%dma_start3A_299 : memref<10000x128xf32, #tpu.memory_space<vmem_shared>>) offsets(%arg14 : memref<80xi32, #tpu.memory_space<vmem>>) semaphore(%run_scoped3A : memref<!tpu.dma_semaphore, #tpu.memory_space<semaphore_mem>>) {add = true}
      %dma_wait3A_300 = arith.constant 0 : i32
      %dma_wait3A_301 = arith.constant 0 : i32
      %dma_wait3A_302 = tpu.memref_slice %arg8[%dma_wait3A_300, %dma_wait3A_301] : memref<10000x128xf32, #tpu.memory_space<vmem_shared>> -> memref<10000x128xf32, #tpu.memory_space<vmem_shared>>
      tpu.wait_indirect_dma semaphore(%run_scoped3A : memref<!tpu.dma_semaphore, #tpu.memory_space<semaphore_mem>>) src(%arg18 : memref<80x128xf32, #tpu.memory_space<vmem>>) dst(%dma_wait3A_302 : memref<10000x128xf32, #tpu.memory_space<vmem_shared>>)
      tpu.yield
    }) : () -> ()
    %barrier3A_291 = arith.constant 0 : index
    tpu.barrier barrier_id(%barrier3A_291)
    %lt3A_292 = arith.constant 10 : i32
    %lt3A_293 = arith.cmpi slt, %arg1, %lt3A_292 : i32
    %convert_element_type3A_294 = arith.extui %lt3A_293 : i1 to i32
    %cond3A_295 = arith.constant 0 : i32
    %cond3A_296 = arith.cmpi ne, %convert_element_type3A_294, %cond3A_295 : i32
    scf.if %cond3A_296 {
      %mul3A_297 = arith.constant 1000 : i32
      %mul3A_298 = arith.muli %arg1, %mul3A_297 : i32
      %mul3A_299 = arith.constant 10000 : i32
      %mul3A_300 = arith.muli %arg0, %mul3A_299 : i32
      %mul3A_301 = arith.constant 1000 : i32
      %mul3A_302 = arith.muli %arg1, %mul3A_301 : i32
      %add3A_303 = arith.addi %mul3A_300, %mul3A_302 : i32
      "tpu.region"() ({
        %run_scoped3A = tpu.sem_alloc : memref<!tpu.dma_semaphore, #tpu.memory_space<semaphore_mem>>
        %dma_start3A_304 = arith.constant 0 : i32
        %dma_start3A_305 = tpu.memref_slice %arg7[%add3A_303, %dma_start3A_304] : memref<20000x128xf32, #tpu.memory_space<hbm>> -> memref<1000x128xf32, #tpu.memory_space<hbm>>
        %dma_start3A_306 = arith.constant 0 : i32
        %dma_start3A_307 = tpu.memref_slice %arg8[%mul3A_298, %dma_start3A_306] : memref<10000x128xf32, #tpu.memory_space<vmem_shared>> -> memref<1000x128xf32, #tpu.memory_space<vmem_shared>>
        tpu.enqueue_dma source(%dma_start3A_307 : memref<1000x128xf32, #tpu.memory_space<vmem_shared>>) target(%dma_start3A_305 : memref<1000x128xf32, #tpu.memory_space<hbm>>) target_semaphore(%run_scoped3A : memref<!tpu.dma_semaphore, #tpu.memory_space<semaphore_mem>>)
        %dma_wait3A_308 = arith.constant 0 : i32
        %dma_wait3A_309 = tpu.memref_slice %arg7[%add3A_303, %dma_wait3A_308] : memref<20000x128xf32, #tpu.memory_space<hbm>> -> memref<1000x128xf32, #tpu.memory_space<hbm>>
        %dma_wait3A_310 = arith.constant 0 : i32
        %dma_wait3A_311 = tpu.memref_slice %arg8[%mul3A_298, %dma_wait3A_310] : memref<10000x128xf32, #tpu.memory_space<vmem_shared>> -> memref<1000x128xf32, #tpu.memory_space<vmem_shared>>
        tpu.wait_dma2 semaphore(%run_scoped3A : memref<!tpu.dma_semaphore, #tpu.memory_space<semaphore_mem>>) src(%dma_wait3A_311 : memref<1000x128xf32, #tpu.memory_space<vmem_shared>>) dst(%dma_wait3A_309 : memref<1000x128xf32, #tpu.memory_space<hbm>>)
        tpu.yield
      }) : () -> ()
    } else {
    }
    return
  }
}

#map = affine_map<(d0, d1) -> (0, 0)>
module attributes {stable_mosaic.version = 14 : i64} {
  func.func @body(%arg0: i32, %arg1: i32, %arg2: memref<40000x128xf32, #tpu.memory_space<hbm>>, %arg3: memref<40000x128xf32, #tpu.memory_space<hbm>>, %arg4: memref<4000x80xi32, #tpu.memory_space<hbm>>, %arg5: memref<4000x80xi32, #tpu.memory_space<hbm>>, %arg6: memref<10000x128xf32, #tpu.memory_space<hbm>>, %arg7: memref<20000x128xf32, #tpu.memory_space<hbm>>, %arg8: memref<10000x128xf32, #tpu.memory_space<vmem_shared>>, %arg9: memref<80xi32, #tpu.memory_space<vmem>>, %arg10: memref<80xi32, #tpu.memory_space<vmem>>, %arg11: memref<80xi32, #tpu.memory_space<vmem>>, %arg12: memref<80xi32, #tpu.memory_space<vmem>>, %arg13: memref<80xi32, #tpu.memory_space<vmem>>, %arg14: memref<80xi32, #tpu.memory_space<vmem>>, %arg15: memref<80xi32, #tpu.memory_space<vmem>>, %arg16: memref<80xi32, #tpu.memory_space<vmem>>, %arg17: memref<80x128xf32, #tpu.memory_space<vmem>>, %arg18: memref<80x128xf32, #tpu.memory_space<vmem>>, %arg19: memref<80x128xf32, #tpu.memory_space<vmem>>, %arg20: memref<80x128xf32, #tpu.memory_space<vmem>>, %arg21: memref<!tpu.dma_semaphore, #tpu.memory_space<semaphore_mem>>, %arg22: memref<!tpu.dma_semaphore, #tpu.memory_space<semaphore_mem>>, %arg23: memref<!tpu.dma_semaphore, #tpu.memory_space<semaphore_mem>>, %arg24: memref<!tpu.dma_semaphore, #tpu.memory_space<semaphore_mem>>, %arg25: memref<!tpu.dma_semaphore, #tpu.memory_space<semaphore_mem>>, %arg26: memref<!tpu.dma_semaphore, #tpu.memory_space<semaphore_mem>>, %arg27: memref<!tpu.dma_semaphore, #tpu.memory_space<semaphore_mem>>, %arg28: memref<!tpu.dma_semaphore, #tpu.memory_space<semaphore_mem>>) attributes {dimension_semantics = [#tpu.dimension_semantics<core_parallel>, #tpu.dimension_semantics<subcore_parallel>], iteration_bounds = array<i64: 2, 16>, scalar_prefetch = 0 : i64, scratch_operands = 21 : i64, tpu.core_type = #tpu.core_type<sc_vector_subcore>, window_params = [{transform_indices = #map}, {transform_indices = #map}, {transform_indices = #map}, {transform_indices = #map}, {transform_indices = #map}, {transform_indices = #map}]} {
    %mul3A = arith.constant 250 : i32
    %mul3A_0 = arith.muli %arg1, %mul3A : i32
    %lt3A = arith.constant 10 : i32
    %lt3A_1 = arith.cmpi slt, %arg1, %lt3A : i32
    %convert_element_type3A = arith.extui %lt3A_1 : i1 to i32
    %cond3A = arith.constant 0 : i32
    %cond3A_2 = arith.cmpi ne, %convert_element_type3A, %cond3A : i32
    scf.if %cond3A_2 {
      %mul3A_297 = arith.constant 1000 : i32
      %mul3A_298 = arith.muli %arg1, %mul3A_297 : i32
      %mul3A_299 = arith.constant 1000 : i32
      %mul3A_300 = arith.muli %arg1, %mul3A_299 : i32
      "tpu.region"() ({
        %run_scoped3A = tpu.sem_alloc : memref<!tpu.dma_semaphore, #tpu.memory_space<semaphore_mem>>
        %dma_start3A_301 = arith.constant 0 : i32
        %dma_start3A_302 = tpu.memref_slice %arg8[%mul3A_300, %dma_start3A_301] : memref<10000x128xf32, #tpu.memory_space<vmem_shared>> -> memref<1000x128xf32, #tpu.memory_space<vmem_shared>>
        %dma_start3A_303 = arith.constant 0 : i32
        %dma_start3A_304 = tpu.memref_slice %arg6[%mul3A_298, %dma_start3A_303] : memref<10000x128xf32, #tpu.memory_space<hbm>> -> memref<1000x128xf32, #tpu.memory_space<hbm>>
        tpu.enqueue_dma source(%dma_start3A_304 : memref<1000x128xf32, #tpu.memory_space<hbm>>) target(%dma_start3A_302 : memref<1000x128xf32, #tpu.memory_space<vmem_shared>>) target_semaphore(%run_scoped3A : memref<!tpu.dma_semaphore, #tpu.memory_space<semaphore_mem>>)
        %dma_wait3A_305 = arith.constant 0 : i32
        %dma_wait3A_306 = tpu.memref_slice %arg8[%mul3A_300, %dma_wait3A_305] : memref<10000x128xf32, #tpu.memory_space<vmem_shared>> -> memref<1000x128xf32, #tpu.memory_space<vmem_shared>>
        %dma_wait3A_307 = arith.constant 0 : i32
        %dma_wait3A_308 = tpu.memref_slice %arg6[%mul3A_298, %dma_wait3A_307] : memref<10000x128xf32, #tpu.memory_space<hbm>> -> memref<1000x128xf32, #tpu.memory_space<hbm>>
        tpu.wait_dma2 semaphore(%run_scoped3A : memref<!tpu.dma_semaphore, #tpu.memory_space<semaphore_mem>>) src(%dma_wait3A_308 : memref<1000x128xf32, #tpu.memory_space<hbm>>) dst(%dma_wait3A_306 : memref<1000x128xf32, #tpu.memory_space<vmem_shared>>)
        tpu.yield
      }) : () -> ()
    } else {
    }
    %barrier3A = arith.constant 0 : index
    tpu.barrier barrier_id(%barrier3A)
    %add3A = arith.constant 0 : i32
    %add3A_3 = arith.addi %mul3A_0, %add3A : i32
    %dma_start3A = arith.constant 0 : i32
    %dma_start3A_4 = tpu.memref_slice %arg4[%add3A_3, %dma_start3A] : memref<4000x80xi32, #tpu.memory_space<hbm>> -> memref<1x80xi32, #tpu.memory_space<hbm>>
    %dma_start3A_5 = tpu.memref_squeeze %dma_start3A_4 : memref<1x80xi32, #tpu.memory_space<hbm>> -> memref<80xi32, #tpu.memory_space<hbm>>
    %dma_start3A_6 = arith.constant 0 : i32
    %dma_start3A_7 = tpu.memref_slice %arg4[%add3A_3, %dma_start3A_6] : memref<4000x80xi32, #tpu.memory_space<hbm>> -> memref<1x80xi32, #tpu.memory_space<hbm>>
    %dma_start3A_8 = tpu.memref_squeeze %dma_start3A_7 : memref<1x80xi32, #tpu.memory_space<hbm>> -> memref<80xi32, #tpu.memory_space<hbm>>
    tpu.enqueue_dma source(%dma_start3A_8 : memref<80xi32, #tpu.memory_space<hbm>>) target(%arg9 : memref<80xi32, #tpu.memory_space<vmem>>) target_semaphore(%arg21 : memref<!tpu.dma_semaphore, #tpu.memory_space<semaphore_mem>>)
    %add3A_9 = arith.constant 0 : i32
    %add3A_10 = arith.addi %mul3A_0, %add3A_9 : i32
    %dma_start3A_11 = arith.constant 0 : i32
    %dma_start3A_12 = tpu.memref_slice %arg5[%add3A_10, %dma_start3A_11] : memref<4000x80xi32, #tpu.memory_space<hbm>> -> memref<1x80xi32, #tpu.memory_space<hbm>>
    %dma_start3A_13 = tpu.memref_squeeze %dma_start3A_12 : memref<1x80xi32, #tpu.memory_space<hbm>> -> memref<80xi32, #tpu.memory_space<hbm>>
    %dma_start3A_14 = arith.constant 0 : i32
    %dma_start3A_15 = tpu.memref_slice %arg5[%add3A_10, %dma_start3A_14] : memref<4000x80xi32, #tpu.memory_space<hbm>> -> memref<1x80xi32, #tpu.memory_space<hbm>>
    %dma_start3A_16 = tpu.memref_squeeze %dma_start3A_15 : memref<1x80xi32, #tpu.memory_space<hbm>> -> memref<80xi32, #tpu.memory_space<hbm>>
    tpu.enqueue_dma source(%dma_start3A_16 : memref<80xi32, #tpu.memory_space<hbm>>) target(%arg13 : memref<80xi32, #tpu.memory_space<vmem>>) target_semaphore(%arg21 : memref<!tpu.dma_semaphore, #tpu.memory_space<semaphore_mem>>)
    %add3A_17 = arith.constant 1 : i32
    %add3A_18 = arith.addi %mul3A_0, %add3A_17 : i32
    %dma_start3A_19 = arith.constant 0 : i32
    %dma_start3A_20 = tpu.memref_slice %arg4[%add3A_18, %dma_start3A_19] : memref<4000x80xi32, #tpu.memory_space<hbm>> -> memref<1x80xi32, #tpu.memory_space<hbm>>
    %dma_start3A_21 = tpu.memref_squeeze %dma_start3A_20 : memref<1x80xi32, #tpu.memory_space<hbm>> -> memref<80xi32, #tpu.memory_space<hbm>>
    %dma_start3A_22 = arith.constant 0 : i32
    %dma_start3A_23 = tpu.memref_slice %arg4[%add3A_18, %dma_start3A_22] : memref<4000x80xi32, #tpu.memory_space<hbm>> -> memref<1x80xi32, #tpu.memory_space<hbm>>
    %dma_start3A_24 = tpu.memref_squeeze %dma_start3A_23 : memref<1x80xi32, #tpu.memory_space<hbm>> -> memref<80xi32, #tpu.memory_space<hbm>>
    tpu.enqueue_dma source(%dma_start3A_24 : memref<80xi32, #tpu.memory_space<hbm>>) target(%arg10 : memref<80xi32, #tpu.memory_space<vmem>>) target_semaphore(%arg22 : memref<!tpu.dma_semaphore, #tpu.memory_space<semaphore_mem>>)
    %add3A_25 = arith.constant 1 : i32
    %add3A_26 = arith.addi %mul3A_0, %add3A_25 : i32
    %dma_start3A_27 = arith.constant 0 : i32
    %dma_start3A_28 = tpu.memref_slice %arg5[%add3A_26, %dma_start3A_27] : memref<4000x80xi32, #tpu.memory_space<hbm>> -> memref<1x80xi32, #tpu.memory_space<hbm>>
    %dma_start3A_29 = tpu.memref_squeeze %dma_start3A_28 : memref<1x80xi32, #tpu.memory_space<hbm>> -> memref<80xi32, #tpu.memory_space<hbm>>
    %dma_start3A_30 = arith.constant 0 : i32
    %dma_start3A_31 = tpu.memref_slice %arg5[%add3A_26, %dma_start3A_30] : memref<4000x80xi32, #tpu.memory_space<hbm>> -> memref<1x80xi32, #tpu.memory_space<hbm>>
    %dma_start3A_32 = tpu.memref_squeeze %dma_start3A_31 : memref<1x80xi32, #tpu.memory_space<hbm>> -> memref<80xi32, #tpu.memory_space<hbm>>
    tpu.enqueue_dma source(%dma_start3A_32 : memref<80xi32, #tpu.memory_space<hbm>>) target(%arg14 : memref<80xi32, #tpu.memory_space<vmem>>) target_semaphore(%arg22 : memref<!tpu.dma_semaphore, #tpu.memory_space<semaphore_mem>>)
    %add3A_33 = arith.constant 2 : i32
    %add3A_34 = arith.addi %mul3A_0, %add3A_33 : i32
    %dma_start3A_35 = arith.constant 0 : i32
    %dma_start3A_36 = tpu.memref_slice %arg4[%add3A_34, %dma_start3A_35] : memref<4000x80xi32, #tpu.memory_space<hbm>> -> memref<1x80xi32, #tpu.memory_space<hbm>>
    %dma_start3A_37 = tpu.memref_squeeze %dma_start3A_36 : memref<1x80xi32, #tpu.memory_space<hbm>> -> memref<80xi32, #tpu.memory_space<hbm>>
    %dma_start3A_38 = arith.constant 0 : i32
    %dma_start3A_39 = tpu.memref_slice %arg4[%add3A_34, %dma_start3A_38] : memref<4000x80xi32, #tpu.memory_space<hbm>> -> memref<1x80xi32, #tpu.memory_space<hbm>>
    %dma_start3A_40 = tpu.memref_squeeze %dma_start3A_39 : memref<1x80xi32, #tpu.memory_space<hbm>> -> memref<80xi32, #tpu.memory_space<hbm>>
    tpu.enqueue_dma source(%dma_start3A_40 : memref<80xi32, #tpu.memory_space<hbm>>) target(%arg11 : memref<80xi32, #tpu.memory_space<vmem>>) target_semaphore(%arg23 : memref<!tpu.dma_semaphore, #tpu.memory_space<semaphore_mem>>)
    %add3A_41 = arith.constant 2 : i32
    %add3A_42 = arith.addi %mul3A_0, %add3A_41 : i32
    %dma_start3A_43 = arith.constant 0 : i32
    %dma_start3A_44 = tpu.memref_slice %arg5[%add3A_42, %dma_start3A_43] : memref<4000x80xi32, #tpu.memory_space<hbm>> -> memref<1x80xi32, #tpu.memory_space<hbm>>
    %dma_start3A_45 = tpu.memref_squeeze %dma_start3A_44 : memref<1x80xi32, #tpu.memory_space<hbm>> -> memref<80xi32, #tpu.memory_space<hbm>>
    %dma_start3A_46 = arith.constant 0 : i32
    %dma_start3A_47 = tpu.memref_slice %arg5[%add3A_42, %dma_start3A_46] : memref<4000x80xi32, #tpu.memory_space<hbm>> -> memref<1x80xi32, #tpu.memory_space<hbm>>
    %dma_start3A_48 = tpu.memref_squeeze %dma_start3A_47 : memref<1x80xi32, #tpu.memory_space<hbm>> -> memref<80xi32, #tpu.memory_space<hbm>>
    tpu.enqueue_dma source(%dma_start3A_48 : memref<80xi32, #tpu.memory_space<hbm>>) target(%arg15 : memref<80xi32, #tpu.memory_space<vmem>>) target_semaphore(%arg23 : memref<!tpu.dma_semaphore, #tpu.memory_space<semaphore_mem>>)
    %dma_wait3A = arith.constant 0 : i32
    %dma_wait3A_49 = tpu.memref_slice %arg4[%mul3A_0, %dma_wait3A] : memref<4000x80xi32, #tpu.memory_space<hbm>> -> memref<1x80xi32, #tpu.memory_space<hbm>>
    %dma_wait3A_50 = tpu.memref_squeeze %dma_wait3A_49 : memref<1x80xi32, #tpu.memory_space<hbm>> -> memref<80xi32, #tpu.memory_space<hbm>>
    %dma_wait3A_51 = arith.constant 0 : i32
    %dma_wait3A_52 = tpu.memref_slice %arg4[%mul3A_0, %dma_wait3A_51] : memref<4000x80xi32, #tpu.memory_space<hbm>> -> memref<1x80xi32, #tpu.memory_space<hbm>>
    %dma_wait3A_53 = tpu.memref_squeeze %dma_wait3A_52 : memref<1x80xi32, #tpu.memory_space<hbm>> -> memref<80xi32, #tpu.memory_space<hbm>>
    tpu.wait_dma2 semaphore(%arg21 : memref<!tpu.dma_semaphore, #tpu.memory_space<semaphore_mem>>) src(%dma_wait3A_53 : memref<80xi32, #tpu.memory_space<hbm>>) dst(%arg9 : memref<80xi32, #tpu.memory_space<vmem>>)
    %dma_wait3A_54 = arith.constant 0 : i32
    %dma_wait3A_55 = tpu.memref_slice %arg5[%mul3A_0, %dma_wait3A_54] : memref<4000x80xi32, #tpu.memory_space<hbm>> -> memref<1x80xi32, #tpu.memory_space<hbm>>
    %dma_wait3A_56 = tpu.memref_squeeze %dma_wait3A_55 : memref<1x80xi32, #tpu.memory_space<hbm>> -> memref<80xi32, #tpu.memory_space<hbm>>
    %dma_wait3A_57 = arith.constant 0 : i32
    %dma_wait3A_58 = tpu.memref_slice %arg5[%mul3A_0, %dma_wait3A_57] : memref<4000x80xi32, #tpu.memory_space<hbm>> -> memref<1x80xi32, #tpu.memory_space<hbm>>
    %dma_wait3A_59 = tpu.memref_squeeze %dma_wait3A_58 : memref<1x80xi32, #tpu.memory_space<hbm>> -> memref<80xi32, #tpu.memory_space<hbm>>
    tpu.wait_dma2 semaphore(%arg21 : memref<!tpu.dma_semaphore, #tpu.memory_space<semaphore_mem>>) src(%dma_wait3A_59 : memref<80xi32, #tpu.memory_space<hbm>>) dst(%arg13 : memref<80xi32, #tpu.memory_space<vmem>>)
    %eq3A = arith.constant 0 : i32
    %eq3A_60 = arith.cmpi eq, %arg0, %eq3A : i32
    %convert_element_type3A_61 = arith.extui %eq3A_60 : i1 to i32
    %cond3A_62 = arith.constant 0 : i32
    %cond3A_63 = arith.cmpi ne, %convert_element_type3A_61, %cond3A_62 : i32
    scf.if %cond3A_63 {
      %dma_start3A_297 = arith.constant 0 : i32
      %dma_start3A_298 = arith.constant 0 : i32
      %dma_start3A_299 = tpu.memref_slice %arg2[%dma_start3A_297, %dma_start3A_298] : memref<40000x128xf32, #tpu.memory_space<hbm>> -> memref<40000x128xf32, #tpu.memory_space<hbm>>
      tpu.enqueue_indirect_dma source(%dma_start3A_299 : memref<40000x128xf32, #tpu.memory_space<hbm>>) target(%arg17 : memref<80x128xf32, #tpu.memory_space<vmem>>) offsets(%arg9 : memref<80xi32, #tpu.memory_space<vmem>>) semaphore(%arg25 : memref<!tpu.dma_semaphore, #tpu.memory_space<semaphore_mem>>)
    } else {
    }
    %ne3A = arith.constant 0 : i32
    %ne3A_64 = arith.cmpi ne, %arg0, %ne3A : i32
    %convert_element_type3A_65 = arith.extui %ne3A_64 : i1 to i32
    %cond3A_66 = arith.constant 0 : i32
    %cond3A_67 = arith.cmpi ne, %convert_element_type3A_65, %cond3A_66 : i32
    scf.if %cond3A_67 {
      %dma_start3A_297 = arith.constant 0 : i32
      %dma_start3A_298 = arith.constant 0 : i32
      %dma_start3A_299 = tpu.memref_slice %arg3[%dma_start3A_297, %dma_start3A_298] : memref<40000x128xf32, #tpu.memory_space<hbm>> -> memref<40000x128xf32, #tpu.memory_space<hbm>>
      tpu.enqueue_indirect_dma source(%dma_start3A_299 : memref<40000x128xf32, #tpu.memory_space<hbm>>) target(%arg17 : memref<80x128xf32, #tpu.memory_space<vmem>>) offsets(%arg9 : memref<80xi32, #tpu.memory_space<vmem>>) semaphore(%arg25 : memref<!tpu.dma_semaphore, #tpu.memory_space<semaphore_mem>>)
    } else {
    }
    %dma_wait3A_68 = arith.constant 0 : i32
    %dma_wait3A_69 = tpu.memref_slice %arg4[%mul3A_0, %dma_wait3A_68] : memref<4000x80xi32, #tpu.memory_space<hbm>> -> memref<1x80xi32, #tpu.memory_space<hbm>>
    %dma_wait3A_70 = tpu.memref_squeeze %dma_wait3A_69 : memref<1x80xi32, #tpu.memory_space<hbm>> -> memref<80xi32, #tpu.memory_space<hbm>>
    %dma_wait3A_71 = arith.constant 0 : i32
    %dma_wait3A_72 = tpu.memref_slice %arg4[%mul3A_0, %dma_wait3A_71] : memref<4000x80xi32, #tpu.memory_space<hbm>> -> memref<1x80xi32, #tpu.memory_space<hbm>>
    %dma_wait3A_73 = tpu.memref_squeeze %dma_wait3A_72 : memref<1x80xi32, #tpu.memory_space<hbm>> -> memref<80xi32, #tpu.memory_space<hbm>>
    tpu.wait_dma2 semaphore(%arg22 : memref<!tpu.dma_semaphore, #tpu.memory_space<semaphore_mem>>) src(%dma_wait3A_73 : memref<80xi32, #tpu.memory_space<hbm>>) dst(%arg10 : memref<80xi32, #tpu.memory_space<vmem>>)
    %dma_wait3A_74 = arith.constant 0 : i32
    %dma_wait3A_75 = tpu.memref_slice %arg5[%mul3A_0, %dma_wait3A_74] : memref<4000x80xi32, #tpu.memory_space<hbm>> -> memref<1x80xi32, #tpu.memory_space<hbm>>
    %dma_wait3A_76 = tpu.memref_squeeze %dma_wait3A_75 : memref<1x80xi32, #tpu.memory_space<hbm>> -> memref<80xi32, #tpu.memory_space<hbm>>
    %dma_wait3A_77 = arith.constant 0 : i32
    %dma_wait3A_78 = tpu.memref_slice %arg5[%mul3A_0, %dma_wait3A_77] : memref<4000x80xi32, #tpu.memory_space<hbm>> -> memref<1x80xi32, #tpu.memory_space<hbm>>
    %dma_wait3A_79 = tpu.memref_squeeze %dma_wait3A_78 : memref<1x80xi32, #tpu.memory_space<hbm>> -> memref<80xi32, #tpu.memory_space<hbm>>
    tpu.wait_dma2 semaphore(%arg22 : memref<!tpu.dma_semaphore, #tpu.memory_space<semaphore_mem>>) src(%dma_wait3A_79 : memref<80xi32, #tpu.memory_space<hbm>>) dst(%arg14 : memref<80xi32, #tpu.memory_space<vmem>>)
    %eq3A_80 = arith.constant 0 : i32
    %eq3A_81 = arith.cmpi eq, %arg0, %eq3A_80 : i32
    %convert_element_type3A_82 = arith.extui %eq3A_81 : i1 to i32
    %cond3A_83 = arith.constant 0 : i32
    %cond3A_84 = arith.cmpi ne, %convert_element_type3A_82, %cond3A_83 : i32
    scf.if %cond3A_84 {
      %dma_start3A_297 = arith.constant 0 : i32
      %dma_start3A_298 = arith.constant 0 : i32
      %dma_start3A_299 = tpu.memref_slice %arg2[%dma_start3A_297, %dma_start3A_298] : memref<40000x128xf32, #tpu.memory_space<hbm>> -> memref<40000x128xf32, #tpu.memory_space<hbm>>
      tpu.enqueue_indirect_dma source(%dma_start3A_299 : memref<40000x128xf32, #tpu.memory_space<hbm>>) target(%arg18 : memref<80x128xf32, #tpu.memory_space<vmem>>) offsets(%arg10 : memref<80xi32, #tpu.memory_space<vmem>>) semaphore(%arg26 : memref<!tpu.dma_semaphore, #tpu.memory_space<semaphore_mem>>)
    } else {
    }
    %ne3A_85 = arith.constant 0 : i32
    %ne3A_86 = arith.cmpi ne, %arg0, %ne3A_85 : i32
    %convert_element_type3A_87 = arith.extui %ne3A_86 : i1 to i32
    %cond3A_88 = arith.constant 0 : i32
    %cond3A_89 = arith.cmpi ne, %convert_element_type3A_87, %cond3A_88 : i32
    scf.if %cond3A_89 {
      %dma_start3A_297 = arith.constant 0 : i32
      %dma_start3A_298 = arith.constant 0 : i32
      %dma_start3A_299 = tpu.memref_slice %arg3[%dma_start3A_297, %dma_start3A_298] : memref<40000x128xf32, #tpu.memory_space<hbm>> -> memref<40000x128xf32, #tpu.memory_space<hbm>>
      tpu.enqueue_indirect_dma source(%dma_start3A_299 : memref<40000x128xf32, #tpu.memory_space<hbm>>) target(%arg18 : memref<80x128xf32, #tpu.memory_space<vmem>>) offsets(%arg10 : memref<80xi32, #tpu.memory_space<vmem>>) semaphore(%arg26 : memref<!tpu.dma_semaphore, #tpu.memory_space<semaphore_mem>>)
    } else {
    }
    %eq3A_90 = arith.constant 0 : i32
    %eq3A_91 = arith.cmpi eq, %arg0, %eq3A_90 : i32
    %convert_element_type3A_92 = arith.extui %eq3A_91 : i1 to i32
    %cond3A_93 = arith.constant 0 : i32
    %cond3A_94 = arith.cmpi ne, %convert_element_type3A_92, %cond3A_93 : i32
    scf.if %cond3A_94 {
      %dma_wait3A_297 = arith.constant 0 : i32
      %dma_wait3A_298 = arith.constant 0 : i32
      %dma_wait3A_299 = tpu.memref_slice %arg2[%dma_wait3A_297, %dma_wait3A_298] : memref<40000x128xf32, #tpu.memory_space<hbm>> -> memref<40000x128xf32, #tpu.memory_space<hbm>>
      tpu.wait_indirect_dma semaphore(%arg25 : memref<!tpu.dma_semaphore, #tpu.memory_space<semaphore_mem>>) src(%dma_wait3A_299 : memref<40000x128xf32, #tpu.memory_space<hbm>>) dst(%arg17 : memref<80x128xf32, #tpu.memory_space<vmem>>)
    } else {
    }
    %ne3A_95 = arith.constant 0 : i32
    %ne3A_96 = arith.cmpi ne, %arg0, %ne3A_95 : i32
    %convert_element_type3A_97 = arith.extui %ne3A_96 : i1 to i32
    %cond3A_98 = arith.constant 0 : i32
    %cond3A_99 = arith.cmpi ne, %convert_element_type3A_97, %cond3A_98 : i32
    scf.if %cond3A_99 {
      %dma_wait3A_297 = arith.constant 0 : i32
      %dma_wait3A_298 = arith.constant 0 : i32
      %dma_wait3A_299 = tpu.memref_slice %arg3[%dma_wait3A_297, %dma_wait3A_298] : memref<40000x128xf32, #tpu.memory_space<hbm>> -> memref<40000x128xf32, #tpu.memory_space<hbm>>
      tpu.wait_indirect_dma semaphore(%arg25 : memref<!tpu.dma_semaphore, #tpu.memory_space<semaphore_mem>>) src(%dma_wait3A_299 : memref<40000x128xf32, #tpu.memory_space<hbm>>) dst(%arg17 : memref<80x128xf32, #tpu.memory_space<vmem>>)
    } else {
    }
    "tpu.region"() ({
      %run_scoped3A = tpu.sem_alloc : memref<!tpu.dma_semaphore, #tpu.memory_space<semaphore_mem>>
      %dma_start3A_297 = arith.constant 0 : i32
      %dma_start3A_298 = arith.constant 0 : i32
      %dma_start3A_299 = tpu.memref_slice %arg8[%dma_start3A_297, %dma_start3A_298] : memref<10000x128xf32, #tpu.memory_space<vmem_shared>> -> memref<10000x128xf32, #tpu.memory_space<vmem_shared>>
      tpu.enqueue_indirect_dma source(%arg17 : memref<80x128xf32, #tpu.memory_space<vmem>>) target(%dma_start3A_299 : memref<10000x128xf32, #tpu.memory_space<vmem_shared>>) offsets(%arg13 : memref<80xi32, #tpu.memory_space<vmem>>) semaphore(%run_scoped3A : memref<!tpu.dma_semaphore, #tpu.memory_space<semaphore_mem>>) {add = true}
      %dma_wait3A_300 = arith.constant 0 : i32
      %dma_wait3A_301 = arith.constant 0 : i32
      %dma_wait3A_302 = tpu.memref_slice %arg8[%dma_wait3A_300, %dma_wait3A_301] : memref<10000x128xf32, #tpu.memory_space<vmem_shared>> -> memref<10000x128xf32, #tpu.memory_space<vmem_shared>>
      tpu.wait_indirect_dma semaphore(%run_scoped3A : memref<!tpu.dma_semaphore, #tpu.memory_space<semaphore_mem>>) src(%arg17 : memref<80x128xf32, #tpu.memory_space<vmem>>) dst(%dma_wait3A_302 : memref<10000x128xf32, #tpu.memory_space<vmem_shared>>)
      tpu.yield
    }) : () -> ()
    %add3A_100 = arith.constant 3 : i32
    %add3A_101 = arith.addi %mul3A_0, %add3A_100 : i32
    %dma_start3A_102 = arith.constant 0 : i32
    %dma_start3A_103 = tpu.memref_slice %arg4[%add3A_101, %dma_start3A_102] : memref<4000x80xi32, #tpu.memory_space<hbm>> -> memref<1x80xi32, #tpu.memory_space<hbm>>
    %dma_start3A_104 = tpu.memref_squeeze %dma_start3A_103 : memref<1x80xi32, #tpu.memory_space<hbm>> -> memref<80xi32, #tpu.memory_space<hbm>>
    %dma_start3A_105 = arith.constant 0 : i32
    %dma_start3A_106 = tpu.memref_slice %arg4[%add3A_101, %dma_start3A_105] : memref<4000x80xi32, #tpu.memory_space<hbm>> -> memref<1x80xi32, #tpu.memory_space<hbm>>
    %dma_start3A_107 = tpu.memref_squeeze %dma_start3A_106 : memref<1x80xi32, #tpu.memory_space<hbm>> -> memref<80xi32, #tpu.memory_space<hbm>>
    tpu.enqueue_dma source(%dma_start3A_107 : memref<80xi32, #tpu.memory_space<hbm>>) target(%arg12 : memref<80xi32, #tpu.memory_space<vmem>>) target_semaphore(%arg24 : memref<!tpu.dma_semaphore, #tpu.memory_space<semaphore_mem>>)
    %add3A_108 = arith.constant 3 : i32
    %add3A_109 = arith.addi %mul3A_0, %add3A_108 : i32
    %dma_start3A_110 = arith.constant 0 : i32
    %dma_start3A_111 = tpu.memref_slice %arg5[%add3A_109, %dma_start3A_110] : memref<4000x80xi32, #tpu.memory_space<hbm>> -> memref<1x80xi32, #tpu.memory_space<hbm>>
    %dma_start3A_112 = tpu.memref_squeeze %dma_start3A_111 : memref<1x80xi32, #tpu.memory_space<hbm>> -> memref<80xi32, #tpu.memory_space<hbm>>
    %dma_start3A_113 = arith.constant 0 : i32
    %dma_start3A_114 = tpu.memref_slice %arg5[%add3A_109, %dma_start3A_113] : memref<4000x80xi32, #tpu.memory_space<hbm>> -> memref<1x80xi32, #tpu.memory_space<hbm>>
    %dma_start3A_115 = tpu.memref_squeeze %dma_start3A_114 : memref<1x80xi32, #tpu.memory_space<hbm>> -> memref<80xi32, #tpu.memory_space<hbm>>
    tpu.enqueue_dma source(%dma_start3A_115 : memref<80xi32, #tpu.memory_space<hbm>>) target(%arg16 : memref<80xi32, #tpu.memory_space<vmem>>) target_semaphore(%arg24 : memref<!tpu.dma_semaphore, #tpu.memory_space<semaphore_mem>>)
    %scan3A = arith.constant 0 : i32
    %scan3A_116 = arith.constant 0 : i32
    %scan3A_117 = arith.constant 61 : i32
    %scan3A_118 = arith.addi %scan3A_116, %scan3A_117 : i32
    %scan3A_119 = arith.constant 1 : i32
    scf.for %scan3A_297 = %scan3A_116 to %scan3A_118 step %scan3A_119  : i32 {
      %mul3A_298 = arith.constant 4 : i32
      %mul3A_299 = arith.muli %scan3A_297, %mul3A_298 : i32
      %add3A_300 = arith.constant 1 : i32
      %add3A_301 = arith.addi %mul3A_299, %add3A_300 : i32
      %add3A_302 = arith.constant 0 : i32
      %add3A_303 = arith.addi %add3A_301, %add3A_302 : i32
      %dma_wait3A_304 = arith.constant 0 : i32
      %dma_wait3A_305 = tpu.memref_slice %arg4[%mul3A_0, %dma_wait3A_304] : memref<4000x80xi32, #tpu.memory_space<hbm>> -> memref<1x80xi32, #tpu.memory_space<hbm>>
      %dma_wait3A_306 = tpu.memref_squeeze %dma_wait3A_305 : memref<1x80xi32, #tpu.memory_space<hbm>> -> memref<80xi32, #tpu.memory_space<hbm>>
      %dma_wait3A_307 = arith.constant 0 : i32
      %dma_wait3A_308 = tpu.memref_slice %arg4[%mul3A_0, %dma_wait3A_307] : memref<4000x80xi32, #tpu.memory_space<hbm>> -> memref<1x80xi32, #tpu.memory_space<hbm>>
      %dma_wait3A_309 = tpu.memref_squeeze %dma_wait3A_308 : memref<1x80xi32, #tpu.memory_space<hbm>> -> memref<80xi32, #tpu.memory_space<hbm>>
      tpu.wait_dma2 semaphore(%arg23 : memref<!tpu.dma_semaphore, #tpu.memory_space<semaphore_mem>>) src(%dma_wait3A_309 : memref<80xi32, #tpu.memory_space<hbm>>) dst(%arg11 : memref<80xi32, #tpu.memory_space<vmem>>)
      %dma_wait3A_310 = arith.constant 0 : i32
      %dma_wait3A_311 = tpu.memref_slice %arg5[%mul3A_0, %dma_wait3A_310] : memref<4000x80xi32, #tpu.memory_space<hbm>> -> memref<1x80xi32, #tpu.memory_space<hbm>>
      %dma_wait3A_312 = tpu.memref_squeeze %dma_wait3A_311 : memref<1x80xi32, #tpu.memory_space<hbm>> -> memref<80xi32, #tpu.memory_space<hbm>>
      %dma_wait3A_313 = arith.constant 0 : i32
      %dma_wait3A_314 = tpu.memref_slice %arg5[%mul3A_0, %dma_wait3A_313] : memref<4000x80xi32, #tpu.memory_space<hbm>> -> memref<1x80xi32, #tpu.memory_space<hbm>>
      %dma_wait3A_315 = tpu.memref_squeeze %dma_wait3A_314 : memref<1x80xi32, #tpu.memory_space<hbm>> -> memref<80xi32, #tpu.memory_space<hbm>>
      tpu.wait_dma2 semaphore(%arg23 : memref<!tpu.dma_semaphore, #tpu.memory_space<semaphore_mem>>) src(%dma_wait3A_315 : memref<80xi32, #tpu.memory_space<hbm>>) dst(%arg15 : memref<80xi32, #tpu.memory_space<vmem>>)
      %add3A_316 = arith.constant 1 : i32
      %add3A_317 = arith.addi %add3A_303, %add3A_316 : i32
      %eq3A_318 = arith.constant 0 : i32
      %eq3A_319 = arith.cmpi eq, %arg0, %eq3A_318 : i32
      %convert_element_type3A_320 = arith.extui %eq3A_319 : i1 to i32
      %cond3A_321 = arith.constant 0 : i32
      %cond3A_322 = arith.cmpi ne, %convert_element_type3A_320, %cond3A_321 : i32
      scf.if %cond3A_322 {
        %dma_start3A_522 = arith.constant 0 : i32
        %dma_start3A_523 = arith.constant 0 : i32
        %dma_start3A_524 = tpu.memref_slice %arg2[%dma_start3A_522, %dma_start3A_523] : memref<40000x128xf32, #tpu.memory_space<hbm>> -> memref<40000x128xf32, #tpu.memory_space<hbm>>
        tpu.enqueue_indirect_dma source(%dma_start3A_524 : memref<40000x128xf32, #tpu.memory_space<hbm>>) target(%arg19 : memref<80x128xf32, #tpu.memory_space<vmem>>) offsets(%arg11 : memref<80xi32, #tpu.memory_space<vmem>>) semaphore(%arg27 : memref<!tpu.dma_semaphore, #tpu.memory_space<semaphore_mem>>)
      } else {
      }
      %ne3A_323 = arith.constant 0 : i32
      %ne3A_324 = arith.cmpi ne, %arg0, %ne3A_323 : i32
      %convert_element_type3A_325 = arith.extui %ne3A_324 : i1 to i32
      %cond3A_326 = arith.constant 0 : i32
      %cond3A_327 = arith.cmpi ne, %convert_element_type3A_325, %cond3A_326 : i32
      scf.if %cond3A_327 {
        %dma_start3A_522 = arith.constant 0 : i32
        %dma_start3A_523 = arith.constant 0 : i32
        %dma_start3A_524 = tpu.memref_slice %arg3[%dma_start3A_522, %dma_start3A_523] : memref<40000x128xf32, #tpu.memory_space<hbm>> -> memref<40000x128xf32, #tpu.memory_space<hbm>>
        tpu.enqueue_indirect_dma source(%dma_start3A_524 : memref<40000x128xf32, #tpu.memory_space<hbm>>) target(%arg19 : memref<80x128xf32, #tpu.memory_space<vmem>>) offsets(%arg11 : memref<80xi32, #tpu.memory_space<vmem>>) semaphore(%arg27 : memref<!tpu.dma_semaphore, #tpu.memory_space<semaphore_mem>>)
      } else {
      }
      %eq3A_328 = arith.constant 0 : i32
      %eq3A_329 = arith.cmpi eq, %arg0, %eq3A_328 : i32
      %convert_element_type3A_330 = arith.extui %eq3A_329 : i1 to i32
      %cond3A_331 = arith.constant 0 : i32
      %cond3A_332 = arith.cmpi ne, %convert_element_type3A_330, %cond3A_331 : i32
      scf.if %cond3A_332 {
        %dma_wait3A_522 = arith.constant 0 : i32
        %dma_wait3A_523 = arith.constant 0 : i32
        %dma_wait3A_524 = tpu.memref_slice %arg2[%dma_wait3A_522, %dma_wait3A_523] : memref<40000x128xf32, #tpu.memory_space<hbm>> -> memref<40000x128xf32, #tpu.memory_space<hbm>>
        tpu.wait_indirect_dma semaphore(%arg26 : memref<!tpu.dma_semaphore, #tpu.memory_space<semaphore_mem>>) src(%dma_wait3A_524 : memref<40000x128xf32, #tpu.memory_space<hbm>>) dst(%arg18 : memref<80x128xf32, #tpu.memory_space<vmem>>)
      } else {
      }
      %ne3A_333 = arith.constant 0 : i32
      %ne3A_334 = arith.cmpi ne, %arg0, %ne3A_333 : i32
      %convert_element_type3A_335 = arith.extui %ne3A_334 : i1 to i32
      %cond3A_336 = arith.constant 0 : i32
      %cond3A_337 = arith.cmpi ne, %convert_element_type3A_335, %cond3A_336 : i32
      scf.if %cond3A_337 {
        %dma_wait3A_522 = arith.constant 0 : i32
        %dma_wait3A_523 = arith.constant 0 : i32
        %dma_wait3A_524 = tpu.memref_slice %arg3[%dma_wait3A_522, %dma_wait3A_523] : memref<40000x128xf32, #tpu.memory_space<hbm>> -> memref<40000x128xf32, #tpu.memory_space<hbm>>
        tpu.wait_indirect_dma semaphore(%arg26 : memref<!tpu.dma_semaphore, #tpu.memory_space<semaphore_mem>>) src(%dma_wait3A_524 : memref<40000x128xf32, #tpu.memory_space<hbm>>) dst(%arg18 : memref<80x128xf32, #tpu.memory_space<vmem>>)
      } else {
      }
      "tpu.region"() ({
        %run_scoped3A = tpu.sem_alloc : memref<!tpu.dma_semaphore, #tpu.memory_space<semaphore_mem>>
        %dma_start3A_522 = arith.constant 0 : i32
        %dma_start3A_523 = arith.constant 0 : i32
        %dma_start3A_524 = tpu.memref_slice %arg8[%dma_start3A_522, %dma_start3A_523] : memref<10000x128xf32, #tpu.memory_space<vmem_shared>> -> memref<10000x128xf32, #tpu.memory_space<vmem_shared>>
        tpu.enqueue_indirect_dma source(%arg18 : memref<80x128xf32, #tpu.memory_space<vmem>>) target(%dma_start3A_524 : memref<10000x128xf32, #tpu.memory_space<vmem_shared>>) offsets(%arg14 : memref<80xi32, #tpu.memory_space<vmem>>) semaphore(%run_scoped3A : memref<!tpu.dma_semaphore, #tpu.memory_space<semaphore_mem>>) {add = true}
        %dma_wait3A_525 = arith.constant 0 : i32
        %dma_wait3A_526 = arith.constant 0 : i32
        %dma_wait3A_527 = tpu.memref_slice %arg8[%dma_wait3A_525, %dma_wait3A_526] : memref<10000x128xf32, #tpu.memory_space<vmem_shared>> -> memref<10000x128xf32, #tpu.memory_space<vmem_shared>>
        tpu.wait_indirect_dma semaphore(%run_scoped3A : memref<!tpu.dma_semaphore, #tpu.memory_space<semaphore_mem>>) src(%arg18 : memref<80x128xf32, #tpu.memory_space<vmem>>) dst(%dma_wait3A_527 : memref<10000x128xf32, #tpu.memory_space<vmem_shared>>)
        tpu.yield
      }) : () -> ()
      %add3A_338 = arith.constant 3 : i32
      %add3A_339 = arith.addi %add3A_303, %add3A_338 : i32
      %add3A_340 = arith.addi %mul3A_0, %add3A_339 : i32
      %dma_start3A_341 = arith.constant 0 : i32
      %dma_start3A_342 = tpu.memref_slice %arg4[%add3A_340, %dma_start3A_341] : memref<4000x80xi32, #tpu.memory_space<hbm>> -> memref<1x80xi32, #tpu.memory_space<hbm>>
      %dma_start3A_343 = tpu.memref_squeeze %dma_start3A_342 : memref<1x80xi32, #tpu.memory_space<hbm>> -> memref<80xi32, #tpu.memory_space<hbm>>
      %dma_start3A_344 = arith.constant 0 : i32
      %dma_start3A_345 = tpu.memref_slice %arg4[%add3A_340, %dma_start3A_344] : memref<4000x80xi32, #tpu.memory_space<hbm>> -> memref<1x80xi32, #tpu.memory_space<hbm>>
      %dma_start3A_346 = tpu.memref_squeeze %dma_start3A_345 : memref<1x80xi32, #tpu.memory_space<hbm>> -> memref<80xi32, #tpu.memory_space<hbm>>
      tpu.enqueue_dma source(%dma_start3A_346 : memref<80xi32, #tpu.memory_space<hbm>>) target(%arg9 : memref<80xi32, #tpu.memory_space<vmem>>) target_semaphore(%arg21 : memref<!tpu.dma_semaphore, #tpu.memory_space<semaphore_mem>>)
      %add3A_347 = arith.addi %mul3A_0, %add3A_339 : i32
      %dma_start3A_348 = arith.constant 0 : i32
      %dma_start3A_349 = tpu.memref_slice %arg5[%add3A_347, %dma_start3A_348] : memref<4000x80xi32, #tpu.memory_space<hbm>> -> memref<1x80xi32, #tpu.memory_space<hbm>>
      %dma_start3A_350 = tpu.memref_squeeze %dma_start3A_349 : memref<1x80xi32, #tpu.memory_space<hbm>> -> memref<80xi32, #tpu.memory_space<hbm>>
      %dma_start3A_351 = arith.constant 0 : i32
      %dma_start3A_352 = tpu.memref_slice %arg5[%add3A_347, %dma_start3A_351] : memref<4000x80xi32, #tpu.memory_space<hbm>> -> memref<1x80xi32, #tpu.memory_space<hbm>>
      %dma_start3A_353 = tpu.memref_squeeze %dma_start3A_352 : memref<1x80xi32, #tpu.memory_space<hbm>> -> memref<80xi32, #tpu.memory_space<hbm>>
      tpu.enqueue_dma source(%dma_start3A_353 : memref<80xi32, #tpu.memory_space<hbm>>) target(%arg13 : memref<80xi32, #tpu.memory_space<vmem>>) target_semaphore(%arg21 : memref<!tpu.dma_semaphore, #tpu.memory_space<semaphore_mem>>)
      %mul3A_354 = arith.constant 4 : i32
      %mul3A_355 = arith.muli %scan3A_297, %mul3A_354 : i32
      %add3A_356 = arith.constant 1 : i32
      %add3A_357 = arith.addi %mul3A_355, %add3A_356 : i32
      %add3A_358 = arith.constant 1 : i32
      %add3A_359 = arith.addi %add3A_357, %add3A_358 : i32
      %dma_wait3A_360 = arith.constant 0 : i32
      %dma_wait3A_361 = tpu.memref_slice %arg4[%mul3A_0, %dma_wait3A_360] : memref<4000x80xi32, #tpu.memory_space<hbm>> -> memref<1x80xi32, #tpu.memory_space<hbm>>
      %dma_wait3A_362 = tpu.memref_squeeze %dma_wait3A_361 : memref<1x80xi32, #tpu.memory_space<hbm>> -> memref<80xi32, #tpu.memory_space<hbm>>
      %dma_wait3A_363 = arith.constant 0 : i32
      %dma_wait3A_364 = tpu.memref_slice %arg4[%mul3A_0, %dma_wait3A_363] : memref<4000x80xi32, #tpu.memory_space<hbm>> -> memref<1x80xi32, #tpu.memory_space<hbm>>
      %dma_wait3A_365 = tpu.memref_squeeze %dma_wait3A_364 : memref<1x80xi32, #tpu.memory_space<hbm>> -> memref<80xi32, #tpu.memory_space<hbm>>
      tpu.wait_dma2 semaphore(%arg24 : memref<!tpu.dma_semaphore, #tpu.memory_space<semaphore_mem>>) src(%dma_wait3A_365 : memref<80xi32, #tpu.memory_space<hbm>>) dst(%arg12 : memref<80xi32, #tpu.memory_space<vmem>>)
      %dma_wait3A_366 = arith.constant 0 : i32
      %dma_wait3A_367 = tpu.memref_slice %arg5[%mul3A_0, %dma_wait3A_366] : memref<4000x80xi32, #tpu.memory_space<hbm>> -> memref<1x80xi32, #tpu.memory_space<hbm>>
      %dma_wait3A_368 = tpu.memref_squeeze %dma_wait3A_367 : memref<1x80xi32, #tpu.memory_space<hbm>> -> memref<80xi32, #tpu.memory_space<hbm>>
      %dma_wait3A_369 = arith.constant 0 : i32
      %dma_wait3A_370 = tpu.memref_slice %arg5[%mul3A_0, %dma_wait3A_369] : memref<4000x80xi32, #tpu.memory_space<hbm>> -> memref<1x80xi32, #tpu.memory_space<hbm>>
      %dma_wait3A_371 = tpu.memref_squeeze %dma_wait3A_370 : memref<1x80xi32, #tpu.memory_space<hbm>> -> memref<80xi32, #tpu.memory_space<hbm>>
      tpu.wait_dma2 semaphore(%arg24 : memref<!tpu.dma_semaphore, #tpu.memory_space<semaphore_mem>>) src(%dma_wait3A_371 : memref<80xi32, #tpu.memory_space<hbm>>) dst(%arg16 : memref<80xi32, #tpu.memory_space<vmem>>)
      %add3A_372 = arith.constant 1 : i32
      %add3A_373 = arith.addi %add3A_359, %add3A_372 : i32
      %eq3A_374 = arith.constant 0 : i32
      %eq3A_375 = arith.cmpi eq, %arg0, %eq3A_374 : i32
      %convert_element_type3A_376 = arith.extui %eq3A_375 : i1 to i32
      %cond3A_377 = arith.constant 0 : i32
      %cond3A_378 = arith.cmpi ne, %convert_element_type3A_376, %cond3A_377 : i32
      scf.if %cond3A_378 {
        %dma_start3A_522 = arith.constant 0 : i32
        %dma_start3A_523 = arith.constant 0 : i32
        %dma_start3A_524 = tpu.memref_slice %arg2[%dma_start3A_522, %dma_start3A_523] : memref<40000x128xf32, #tpu.memory_space<hbm>> -> memref<40000x128xf32, #tpu.memory_space<hbm>>
        tpu.enqueue_indirect_dma source(%dma_start3A_524 : memref<40000x128xf32, #tpu.memory_space<hbm>>) target(%arg20 : memref<80x128xf32, #tpu.memory_space<vmem>>) offsets(%arg12 : memref<80xi32, #tpu.memory_space<vmem>>) semaphore(%arg28 : memref<!tpu.dma_semaphore, #tpu.memory_space<semaphore_mem>>)
      } else {
      }
      %ne3A_379 = arith.constant 0 : i32
      %ne3A_380 = arith.cmpi ne, %arg0, %ne3A_379 : i32
      %convert_element_type3A_381 = arith.extui %ne3A_380 : i1 to i32
      %cond3A_382 = arith.constant 0 : i32
      %cond3A_383 = arith.cmpi ne, %convert_element_type3A_381, %cond3A_382 : i32
      scf.if %cond3A_383 {
        %dma_start3A_522 = arith.constant 0 : i32
        %dma_start3A_523 = arith.constant 0 : i32
        %dma_start3A_524 = tpu.memref_slice %arg3[%dma_start3A_522, %dma_start3A_523] : memref<40000x128xf32, #tpu.memory_space<hbm>> -> memref<40000x128xf32, #tpu.memory_space<hbm>>
        tpu.enqueue_indirect_dma source(%dma_start3A_524 : memref<40000x128xf32, #tpu.memory_space<hbm>>) target(%arg20 : memref<80x128xf32, #tpu.memory_space<vmem>>) offsets(%arg12 : memref<80xi32, #tpu.memory_space<vmem>>) semaphore(%arg28 : memref<!tpu.dma_semaphore, #tpu.memory_space<semaphore_mem>>)
      } else {
      }
      %eq3A_384 = arith.constant 0 : i32
      %eq3A_385 = arith.cmpi eq, %arg0, %eq3A_384 : i32
      %convert_element_type3A_386 = arith.extui %eq3A_385 : i1 to i32
      %cond3A_387 = arith.constant 0 : i32
      %cond3A_388 = arith.cmpi ne, %convert_element_type3A_386, %cond3A_387 : i32
      scf.if %cond3A_388 {
        %dma_wait3A_522 = arith.constant 0 : i32
        %dma_wait3A_523 = arith.constant 0 : i32
        %dma_wait3A_524 = tpu.memref_slice %arg2[%dma_wait3A_522, %dma_wait3A_523] : memref<40000x128xf32, #tpu.memory_space<hbm>> -> memref<40000x128xf32, #tpu.memory_space<hbm>>
        tpu.wait_indirect_dma semaphore(%arg27 : memref<!tpu.dma_semaphore, #tpu.memory_space<semaphore_mem>>) src(%dma_wait3A_524 : memref<40000x128xf32, #tpu.memory_space<hbm>>) dst(%arg19 : memref<80x128xf32, #tpu.memory_space<vmem>>)
      } else {
      }
      %ne3A_389 = arith.constant 0 : i32
      %ne3A_390 = arith.cmpi ne, %arg0, %ne3A_389 : i32
      %convert_element_type3A_391 = arith.extui %ne3A_390 : i1 to i32
      %cond3A_392 = arith.constant 0 : i32
      %cond3A_393 = arith.cmpi ne, %convert_element_type3A_391, %cond3A_392 : i32
      scf.if %cond3A_393 {
        %dma_wait3A_522 = arith.constant 0 : i32
        %dma_wait3A_523 = arith.constant 0 : i32
        %dma_wait3A_524 = tpu.memref_slice %arg3[%dma_wait3A_522, %dma_wait3A_523] : memref<40000x128xf32, #tpu.memory_space<hbm>> -> memref<40000x128xf32, #tpu.memory_space<hbm>>
        tpu.wait_indirect_dma semaphore(%arg27 : memref<!tpu.dma_semaphore, #tpu.memory_space<semaphore_mem>>) src(%dma_wait3A_524 : memref<40000x128xf32, #tpu.memory_space<hbm>>) dst(%arg19 : memref<80x128xf32, #tpu.memory_space<vmem>>)
      } else {
      }
      "tpu.region"() ({
        %run_scoped3A = tpu.sem_alloc : memref<!tpu.dma_semaphore, #tpu.memory_space<semaphore_mem>>
        %dma_start3A_522 = arith.constant 0 : i32
        %dma_start3A_523 = arith.constant 0 : i32
        %dma_start3A_524 = tpu.memref_slice %arg8[%dma_start3A_522, %dma_start3A_523] : memref<10000x128xf32, #tpu.memory_space<vmem_shared>> -> memref<10000x128xf32, #tpu.memory_space<vmem_shared>>
        tpu.enqueue_indirect_dma source(%arg19 : memref<80x128xf32, #tpu.memory_space<vmem>>) target(%dma_start3A_524 : memref<10000x128xf32, #tpu.memory_space<vmem_shared>>) offsets(%arg15 : memref<80xi32, #tpu.memory_space<vmem>>) semaphore(%run_scoped3A : memref<!tpu.dma_semaphore, #tpu.memory_space<semaphore_mem>>) {add = true}
        %dma_wait3A_525 = arith.constant 0 : i32
        %dma_wait3A_526 = arith.constant 0 : i32
        %dma_wait3A_527 = tpu.memref_slice %arg8[%dma_wait3A_525, %dma_wait3A_526] : memref<10000x128xf32, #tpu.memory_space<vmem_shared>> -> memref<10000x128xf32, #tpu.memory_space<vmem_shared>>
        tpu.wait_indirect_dma semaphore(%run_scoped3A : memref<!tpu.dma_semaphore, #tpu.memory_space<semaphore_mem>>) src(%arg19 : memref<80x128xf32, #tpu.memory_space<vmem>>) dst(%dma_wait3A_527 : memref<10000x128xf32, #tpu.memory_space<vmem_shared>>)
        tpu.yield
      }) : () -> ()
      %add3A_394 = arith.constant 3 : i32
      %add3A_395 = arith.addi %add3A_359, %add3A_394 : i32
      %add3A_396 = arith.addi %mul3A_0, %add3A_395 : i32
      %dma_start3A_397 = arith.constant 0 : i32
      %dma_start3A_398 = tpu.memref_slice %arg4[%add3A_396, %dma_start3A_397] : memref<4000x80xi32, #tpu.memory_space<hbm>> -> memref<1x80xi32, #tpu.memory_space<hbm>>
      %dma_start3A_399 = tpu.memref_squeeze %dma_start3A_398 : memref<1x80xi32, #tpu.memory_space<hbm>> -> memref<80xi32, #tpu.memory_space<hbm>>
      %dma_start3A_400 = arith.constant 0 : i32
      %dma_start3A_401 = tpu.memref_slice %arg4[%add3A_396, %dma_start3A_400] : memref<4000x80xi32, #tpu.memory_space<hbm>> -> memref<1x80xi32, #tpu.memory_space<hbm>>
      %dma_start3A_402 = tpu.memref_squeeze %dma_start3A_401 : memref<1x80xi32, #tpu.memory_space<hbm>> -> memref<80xi32, #tpu.memory_space<hbm>>
      tpu.enqueue_dma source(%dma_start3A_402 : memref<80xi32, #tpu.memory_space<hbm>>) target(%arg10 : memref<80xi32, #tpu.memory_space<vmem>>) target_semaphore(%arg22 : memref<!tpu.dma_semaphore, #tpu.memory_space<semaphore_mem>>)
      %add3A_403 = arith.addi %mul3A_0, %add3A_395 : i32
      %dma_start3A_404 = arith.constant 0 : i32
      %dma_start3A_405 = tpu.memref_slice %arg5[%add3A_403, %dma_start3A_404] : memref<4000x80xi32, #tpu.memory_space<hbm>> -> memref<1x80xi32, #tpu.memory_space<hbm>>
      %dma_start3A_406 = tpu.memref_squeeze %dma_start3A_405 : memref<1x80xi32, #tpu.memory_space<hbm>> -> memref<80xi32, #tpu.memory_space<hbm>>
      %dma_start3A_407 = arith.constant 0 : i32
      %dma_start3A_408 = tpu.memref_slice %arg5[%add3A_403, %dma_start3A_407] : memref<4000x80xi32, #tpu.memory_space<hbm>> -> memref<1x80xi32, #tpu.memory_space<hbm>>
      %dma_start3A_409 = tpu.memref_squeeze %dma_start3A_408 : memref<1x80xi32, #tpu.memory_space<hbm>> -> memref<80xi32, #tpu.memory_space<hbm>>
      tpu.enqueue_dma source(%dma_start3A_409 : memref<80xi32, #tpu.memory_space<hbm>>) target(%arg14 : memref<80xi32, #tpu.memory_space<vmem>>) target_semaphore(%arg22 : memref<!tpu.dma_semaphore, #tpu.memory_space<semaphore_mem>>)
      %mul3A_410 = arith.constant 4 : i32
      %mul3A_411 = arith.muli %scan3A_297, %mul3A_410 : i32
      %add3A_412 = arith.constant 1 : i32
      %add3A_413 = arith.addi %mul3A_411, %add3A_412 : i32
      %add3A_414 = arith.constant 2 : i32
      %add3A_415 = arith.addi %add3A_413, %add3A_414 : i32
      %dma_wait3A_416 = arith.constant 0 : i32
      %dma_wait3A_417 = tpu.memref_slice %arg4[%mul3A_0, %dma_wait3A_416] : memref<4000x80xi32, #tpu.memory_space<hbm>> -> memref<1x80xi32, #tpu.memory_space<hbm>>
      %dma_wait3A_418 = tpu.memref_squeeze %dma_wait3A_417 : memref<1x80xi32, #tpu.memory_space<hbm>> -> memref<80xi32, #tpu.memory_space<hbm>>
      %dma_wait3A_419 = arith.constant 0 : i32
      %dma_wait3A_420 = tpu.memref_slice %arg4[%mul3A_0, %dma_wait3A_419] : memref<4000x80xi32, #tpu.memory_space<hbm>> -> memref<1x80xi32, #tpu.memory_space<hbm>>
      %dma_wait3A_421 = tpu.memref_squeeze %dma_wait3A_420 : memref<1x80xi32, #tpu.memory_space<hbm>> -> memref<80xi32, #tpu.memory_space<hbm>>
      tpu.wait_dma2 semaphore(%arg21 : memref<!tpu.dma_semaphore, #tpu.memory_space<semaphore_mem>>) src(%dma_wait3A_421 : memref<80xi32, #tpu.memory_space<hbm>>) dst(%arg9 : memref<80xi32, #tpu.memory_space<vmem>>)
      %dma_wait3A_422 = arith.constant 0 : i32
      %dma_wait3A_423 = tpu.memref_slice %arg5[%mul3A_0, %dma_wait3A_422] : memref<4000x80xi32, #tpu.memory_space<hbm>> -> memref<1x80xi32, #tpu.memory_space<hbm>>
      %dma_wait3A_424 = tpu.memref_squeeze %dma_wait3A_423 : memref<1x80xi32, #tpu.memory_space<hbm>> -> memref<80xi32, #tpu.memory_space<hbm>>
      %dma_wait3A_425 = arith.constant 0 : i32
      %dma_wait3A_426 = tpu.memref_slice %arg5[%mul3A_0, %dma_wait3A_425] : memref<4000x80xi32, #tpu.memory_space<hbm>> -> memref<1x80xi32, #tpu.memory_space<hbm>>
      %dma_wait3A_427 = tpu.memref_squeeze %dma_wait3A_426 : memref<1x80xi32, #tpu.memory_space<hbm>> -> memref<80xi32, #tpu.memory_space<hbm>>
      tpu.wait_dma2 semaphore(%arg21 : memref<!tpu.dma_semaphore, #tpu.memory_space<semaphore_mem>>) src(%dma_wait3A_427 : memref<80xi32, #tpu.memory_space<hbm>>) dst(%arg13 : memref<80xi32, #tpu.memory_space<vmem>>)
      %add3A_428 = arith.constant 1 : i32
      %add3A_429 = arith.addi %add3A_415, %add3A_428 : i32
      %eq3A_430 = arith.constant 0 : i32
      %eq3A_431 = arith.cmpi eq, %arg0, %eq3A_430 : i32
      %convert_element_type3A_432 = arith.extui %eq3A_431 : i1 to i32
      %cond3A_433 = arith.constant 0 : i32
      %cond3A_434 = arith.cmpi ne, %convert_element_type3A_432, %cond3A_433 : i32
      scf.if %cond3A_434 {
        %dma_start3A_522 = arith.constant 0 : i32
        %dma_start3A_523 = arith.constant 0 : i32
        %dma_start3A_524 = tpu.memref_slice %arg2[%dma_start3A_522, %dma_start3A_523] : memref<40000x128xf32, #tpu.memory_space<hbm>> -> memref<40000x128xf32, #tpu.memory_space<hbm>>
        tpu.enqueue_indirect_dma source(%dma_start3A_524 : memref<40000x128xf32, #tpu.memory_space<hbm>>) target(%arg17 : memref<80x128xf32, #tpu.memory_space<vmem>>) offsets(%arg9 : memref<80xi32, #tpu.memory_space<vmem>>) semaphore(%arg25 : memref<!tpu.dma_semaphore, #tpu.memory_space<semaphore_mem>>)
      } else {
      }
      %ne3A_435 = arith.constant 0 : i32
      %ne3A_436 = arith.cmpi ne, %arg0, %ne3A_435 : i32
      %convert_element_type3A_437 = arith.extui %ne3A_436 : i1 to i32
      %cond3A_438 = arith.constant 0 : i32
      %cond3A_439 = arith.cmpi ne, %convert_element_type3A_437, %cond3A_438 : i32
      scf.if %cond3A_439 {
        %dma_start3A_522 = arith.constant 0 : i32
        %dma_start3A_523 = arith.constant 0 : i32
        %dma_start3A_524 = tpu.memref_slice %arg3[%dma_start3A_522, %dma_start3A_523] : memref<40000x128xf32, #tpu.memory_space<hbm>> -> memref<40000x128xf32, #tpu.memory_space<hbm>>
        tpu.enqueue_indirect_dma source(%dma_start3A_524 : memref<40000x128xf32, #tpu.memory_space<hbm>>) target(%arg17 : memref<80x128xf32, #tpu.memory_space<vmem>>) offsets(%arg9 : memref<80xi32, #tpu.memory_space<vmem>>) semaphore(%arg25 : memref<!tpu.dma_semaphore, #tpu.memory_space<semaphore_mem>>)
      } else {
      }
      %eq3A_440 = arith.constant 0 : i32
      %eq3A_441 = arith.cmpi eq, %arg0, %eq3A_440 : i32
      %convert_element_type3A_442 = arith.extui %eq3A_441 : i1 to i32
      %cond3A_443 = arith.constant 0 : i32
      %cond3A_444 = arith.cmpi ne, %convert_element_type3A_442, %cond3A_443 : i32
      scf.if %cond3A_444 {
        %dma_wait3A_522 = arith.constant 0 : i32
        %dma_wait3A_523 = arith.constant 0 : i32
        %dma_wait3A_524 = tpu.memref_slice %arg2[%dma_wait3A_522, %dma_wait3A_523] : memref<40000x128xf32, #tpu.memory_space<hbm>> -> memref<40000x128xf32, #tpu.memory_space<hbm>>
        tpu.wait_indirect_dma semaphore(%arg28 : memref<!tpu.dma_semaphore, #tpu.memory_space<semaphore_mem>>) src(%dma_wait3A_524 : memref<40000x128xf32, #tpu.memory_space<hbm>>) dst(%arg20 : memref<80x128xf32, #tpu.memory_space<vmem>>)
      } else {
      }
      %ne3A_445 = arith.constant 0 : i32
      %ne3A_446 = arith.cmpi ne, %arg0, %ne3A_445 : i32
      %convert_element_type3A_447 = arith.extui %ne3A_446 : i1 to i32
      %cond3A_448 = arith.constant 0 : i32
      %cond3A_449 = arith.cmpi ne, %convert_element_type3A_447, %cond3A_448 : i32
      scf.if %cond3A_449 {
        %dma_wait3A_522 = arith.constant 0 : i32
        %dma_wait3A_523 = arith.constant 0 : i32
        %dma_wait3A_524 = tpu.memref_slice %arg3[%dma_wait3A_522, %dma_wait3A_523] : memref<40000x128xf32, #tpu.memory_space<hbm>> -> memref<40000x128xf32, #tpu.memory_space<hbm>>
        tpu.wait_indirect_dma semaphore(%arg28 : memref<!tpu.dma_semaphore, #tpu.memory_space<semaphore_mem>>) src(%dma_wait3A_524 : memref<40000x128xf32, #tpu.memory_space<hbm>>) dst(%arg20 : memref<80x128xf32, #tpu.memory_space<vmem>>)
      } else {
      }
      "tpu.region"() ({
        %run_scoped3A = tpu.sem_alloc : memref<!tpu.dma_semaphore, #tpu.memory_space<semaphore_mem>>
        %dma_start3A_522 = arith.constant 0 : i32
        %dma_start3A_523 = arith.constant 0 : i32
        %dma_start3A_524 = tpu.memref_slice %arg8[%dma_start3A_522, %dma_start3A_523] : memref<10000x128xf32, #tpu.memory_space<vmem_shared>> -> memref<10000x128xf32, #tpu.memory_space<vmem_shared>>
        tpu.enqueue_indirect_dma source(%arg20 : memref<80x128xf32, #tpu.memory_space<vmem>>) target(%dma_start3A_524 : memref<10000x128xf32, #tpu.memory_space<vmem_shared>>) offsets(%arg16 : memref<80xi32, #tpu.memory_space<vmem>>) semaphore(%run_scoped3A : memref<!tpu.dma_semaphore, #tpu.memory_space<semaphore_mem>>) {add = true}
        %dma_wait3A_525 = arith.constant 0 : i32
        %dma_wait3A_526 = arith.constant 0 : i32
        %dma_wait3A_527 = tpu.memref_slice %arg8[%dma_wait3A_525, %dma_wait3A_526] : memref<10000x128xf32, #tpu.memory_space<vmem_shared>> -> memref<10000x128xf32, #tpu.memory_space<vmem_shared>>
        tpu.wait_indirect_dma semaphore(%run_scoped3A : memref<!tpu.dma_semaphore, #tpu.memory_space<semaphore_mem>>) src(%arg20 : memref<80x128xf32, #tpu.memory_space<vmem>>) dst(%dma_wait3A_527 : memref<10000x128xf32, #tpu.memory_space<vmem_shared>>)
        tpu.yield
      }) : () -> ()
      %add3A_450 = arith.constant 3 : i32
      %add3A_451 = arith.addi %add3A_415, %add3A_450 : i32
      %add3A_452 = arith.addi %mul3A_0, %add3A_451 : i32
      %dma_start3A_453 = arith.constant 0 : i32
      %dma_start3A_454 = tpu.memref_slice %arg4[%add3A_452, %dma_start3A_453] : memref<4000x80xi32, #tpu.memory_space<hbm>> -> memref<1x80xi32, #tpu.memory_space<hbm>>
      %dma_start3A_455 = tpu.memref_squeeze %dma_start3A_454 : memref<1x80xi32, #tpu.memory_space<hbm>> -> memref<80xi32, #tpu.memory_space<hbm>>
      %dma_start3A_456 = arith.constant 0 : i32
      %dma_start3A_457 = tpu.memref_slice %arg4[%add3A_452, %dma_start3A_456] : memref<4000x80xi32, #tpu.memory_space<hbm>> -> memref<1x80xi32, #tpu.memory_space<hbm>>
      %dma_start3A_458 = tpu.memref_squeeze %dma_start3A_457 : memref<1x80xi32, #tpu.memory_space<hbm>> -> memref<80xi32, #tpu.memory_space<hbm>>
      tpu.enqueue_dma source(%dma_start3A_458 : memref<80xi32, #tpu.memory_space<hbm>>) target(%arg11 : memref<80xi32, #tpu.memory_space<vmem>>) target_semaphore(%arg23 : memref<!tpu.dma_semaphore, #tpu.memory_space<semaphore_mem>>)
      %add3A_459 = arith.addi %mul3A_0, %add3A_451 : i32
      %dma_start3A_460 = arith.constant 0 : i32
      %dma_start3A_461 = tpu.memref_slice %arg5[%add3A_459, %dma_start3A_460] : memref<4000x80xi32, #tpu.memory_space<hbm>> -> memref<1x80xi32, #tpu.memory_space<hbm>>
      %dma_start3A_462 = tpu.memref_squeeze %dma_start3A_461 : memref<1x80xi32, #tpu.memory_space<hbm>> -> memref<80xi32, #tpu.memory_space<hbm>>
      %dma_start3A_463 = arith.constant 0 : i32
      %dma_start3A_464 = tpu.memref_slice %arg5[%add3A_459, %dma_start3A_463] : memref<4000x80xi32, #tpu.memory_space<hbm>> -> memref<1x80xi32, #tpu.memory_space<hbm>>
      %dma_start3A_465 = tpu.memref_squeeze %dma_start3A_464 : memref<1x80xi32, #tpu.memory_space<hbm>> -> memref<80xi32, #tpu.memory_space<hbm>>
      tpu.enqueue_dma source(%dma_start3A_465 : memref<80xi32, #tpu.memory_space<hbm>>) target(%arg15 : memref<80xi32, #tpu.memory_space<vmem>>) target_semaphore(%arg23 : memref<!tpu.dma_semaphore, #tpu.memory_space<semaphore_mem>>)
      %mul3A_466 = arith.constant 4 : i32
      %mul3A_467 = arith.muli %scan3A_297, %mul3A_466 : i32
      %add3A_468 = arith.constant 1 : i32
      %add3A_469 = arith.addi %mul3A_467, %add3A_468 : i32
      %add3A_470 = arith.constant 3 : i32
      %add3A_471 = arith.addi %add3A_469, %add3A_470 : i32
      %dma_wait3A_472 = arith.constant 0 : i32
      %dma_wait3A_473 = tpu.memref_slice %arg4[%mul3A_0, %dma_wait3A_472] : memref<4000x80xi32, #tpu.memory_space<hbm>> -> memref<1x80xi32, #tpu.memory_space<hbm>>
      %dma_wait3A_474 = tpu.memref_squeeze %dma_wait3A_473 : memref<1x80xi32, #tpu.memory_space<hbm>> -> memref<80xi32, #tpu.memory_space<hbm>>
      %dma_wait3A_475 = arith.constant 0 : i32
      %dma_wait3A_476 = tpu.memref_slice %arg4[%mul3A_0, %dma_wait3A_475] : memref<4000x80xi32, #tpu.memory_space<hbm>> -> memref<1x80xi32, #tpu.memory_space<hbm>>
      %dma_wait3A_477 = tpu.memref_squeeze %dma_wait3A_476 : memref<1x80xi32, #tpu.memory_space<hbm>> -> memref<80xi32, #tpu.memory_space<hbm>>
      tpu.wait_dma2 semaphore(%arg22 : memref<!tpu.dma_semaphore, #tpu.memory_space<semaphore_mem>>) src(%dma_wait3A_477 : memref<80xi32, #tpu.memory_space<hbm>>) dst(%arg10 : memref<80xi32, #tpu.memory_space<vmem>>)
      %dma_wait3A_478 = arith.constant 0 : i32
      %dma_wait3A_479 = tpu.memref_slice %arg5[%mul3A_0, %dma_wait3A_478] : memref<4000x80xi32, #tpu.memory_space<hbm>> -> memref<1x80xi32, #tpu.memory_space<hbm>>
      %dma_wait3A_480 = tpu.memref_squeeze %dma_wait3A_479 : memref<1x80xi32, #tpu.memory_space<hbm>> -> memref<80xi32, #tpu.memory_space<hbm>>
      %dma_wait3A_481 = arith.constant 0 : i32
      %dma_wait3A_482 = tpu.memref_slice %arg5[%mul3A_0, %dma_wait3A_481] : memref<4000x80xi32, #tpu.memory_space<hbm>> -> memref<1x80xi32, #tpu.memory_space<hbm>>
      %dma_wait3A_483 = tpu.memref_squeeze %dma_wait3A_482 : memref<1x80xi32, #tpu.memory_space<hbm>> -> memref<80xi32, #tpu.memory_space<hbm>>
      tpu.wait_dma2 semaphore(%arg22 : memref<!tpu.dma_semaphore, #tpu.memory_space<semaphore_mem>>) src(%dma_wait3A_483 : memref<80xi32, #tpu.memory_space<hbm>>) dst(%arg14 : memref<80xi32, #tpu.memory_space<vmem>>)
      %add3A_484 = arith.constant 1 : i32
      %add3A_485 = arith.addi %add3A_471, %add3A_484 : i32
      %eq3A_486 = arith.constant 0 : i32
      %eq3A_487 = arith.cmpi eq, %arg0, %eq3A_486 : i32
      %convert_element_type3A_488 = arith.extui %eq3A_487 : i1 to i32
      %cond3A_489 = arith.constant 0 : i32
      %cond3A_490 = arith.cmpi ne, %convert_element_type3A_488, %cond3A_489 : i32
      scf.if %cond3A_490 {
        %dma_start3A_522 = arith.constant 0 : i32
        %dma_start3A_523 = arith.constant 0 : i32
        %dma_start3A_524 = tpu.memref_slice %arg2[%dma_start3A_522, %dma_start3A_523] : memref<40000x128xf32, #tpu.memory_space<hbm>> -> memref<40000x128xf32, #tpu.memory_space<hbm>>
        tpu.enqueue_indirect_dma source(%dma_start3A_524 : memref<40000x128xf32, #tpu.memory_space<hbm>>) target(%arg18 : memref<80x128xf32, #tpu.memory_space<vmem>>) offsets(%arg10 : memref<80xi32, #tpu.memory_space<vmem>>) semaphore(%arg26 : memref<!tpu.dma_semaphore, #tpu.memory_space<semaphore_mem>>)
      } else {
      }
      %ne3A_491 = arith.constant 0 : i32
      %ne3A_492 = arith.cmpi ne, %arg0, %ne3A_491 : i32
      %convert_element_type3A_493 = arith.extui %ne3A_492 : i1 to i32
      %cond3A_494 = arith.constant 0 : i32
      %cond3A_495 = arith.cmpi ne, %convert_element_type3A_493, %cond3A_494 : i32
      scf.if %cond3A_495 {
        %dma_start3A_522 = arith.constant 0 : i32
        %dma_start3A_523 = arith.constant 0 : i32
        %dma_start3A_524 = tpu.memref_slice %arg3[%dma_start3A_522, %dma_start3A_523] : memref<40000x128xf32, #tpu.memory_space<hbm>> -> memref<40000x128xf32, #tpu.memory_space<hbm>>
        tpu.enqueue_indirect_dma source(%dma_start3A_524 : memref<40000x128xf32, #tpu.memory_space<hbm>>) target(%arg18 : memref<80x128xf32, #tpu.memory_space<vmem>>) offsets(%arg10 : memref<80xi32, #tpu.memory_space<vmem>>) semaphore(%arg26 : memref<!tpu.dma_semaphore, #tpu.memory_space<semaphore_mem>>)
      } else {
      }
      %eq3A_496 = arith.constant 0 : i32
      %eq3A_497 = arith.cmpi eq, %arg0, %eq3A_496 : i32
      %convert_element_type3A_498 = arith.extui %eq3A_497 : i1 to i32
      %cond3A_499 = arith.constant 0 : i32
      %cond3A_500 = arith.cmpi ne, %convert_element_type3A_498, %cond3A_499 : i32
      scf.if %cond3A_500 {
        %dma_wait3A_522 = arith.constant 0 : i32
        %dma_wait3A_523 = arith.constant 0 : i32
        %dma_wait3A_524 = tpu.memref_slice %arg2[%dma_wait3A_522, %dma_wait3A_523] : memref<40000x128xf32, #tpu.memory_space<hbm>> -> memref<40000x128xf32, #tpu.memory_space<hbm>>
        tpu.wait_indirect_dma semaphore(%arg25 : memref<!tpu.dma_semaphore, #tpu.memory_space<semaphore_mem>>) src(%dma_wait3A_524 : memref<40000x128xf32, #tpu.memory_space<hbm>>) dst(%arg17 : memref<80x128xf32, #tpu.memory_space<vmem>>)
      } else {
      }
      %ne3A_501 = arith.constant 0 : i32
      %ne3A_502 = arith.cmpi ne, %arg0, %ne3A_501 : i32
      %convert_element_type3A_503 = arith.extui %ne3A_502 : i1 to i32
      %cond3A_504 = arith.constant 0 : i32
      %cond3A_505 = arith.cmpi ne, %convert_element_type3A_503, %cond3A_504 : i32
      scf.if %cond3A_505 {
        %dma_wait3A_522 = arith.constant 0 : i32
        %dma_wait3A_523 = arith.constant 0 : i32
        %dma_wait3A_524 = tpu.memref_slice %arg3[%dma_wait3A_522, %dma_wait3A_523] : memref<40000x128xf32, #tpu.memory_space<hbm>> -> memref<40000x128xf32, #tpu.memory_space<hbm>>
        tpu.wait_indirect_dma semaphore(%arg25 : memref<!tpu.dma_semaphore, #tpu.memory_space<semaphore_mem>>) src(%dma_wait3A_524 : memref<40000x128xf32, #tpu.memory_space<hbm>>) dst(%arg17 : memref<80x128xf32, #tpu.memory_space<vmem>>)
      } else {
      }
      "tpu.region"() ({
        %run_scoped3A = tpu.sem_alloc : memref<!tpu.dma_semaphore, #tpu.memory_space<semaphore_mem>>
        %dma_start3A_522 = arith.constant 0 : i32
        %dma_start3A_523 = arith.constant 0 : i32
        %dma_start3A_524 = tpu.memref_slice %arg8[%dma_start3A_522, %dma_start3A_523] : memref<10000x128xf32, #tpu.memory_space<vmem_shared>> -> memref<10000x128xf32, #tpu.memory_space<vmem_shared>>
        tpu.enqueue_indirect_dma source(%arg17 : memref<80x128xf32, #tpu.memory_space<vmem>>) target(%dma_start3A_524 : memref<10000x128xf32, #tpu.memory_space<vmem_shared>>) offsets(%arg13 : memref<80xi32, #tpu.memory_space<vmem>>) semaphore(%run_scoped3A : memref<!tpu.dma_semaphore, #tpu.memory_space<semaphore_mem>>) {add = true}
        %dma_wait3A_525 = arith.constant 0 : i32
        %dma_wait3A_526 = arith.constant 0 : i32
        %dma_wait3A_527 = tpu.memref_slice %arg8[%dma_wait3A_525, %dma_wait3A_526] : memref<10000x128xf32, #tpu.memory_space<vmem_shared>> -> memref<10000x128xf32, #tpu.memory_space<vmem_shared>>
        tpu.wait_indirect_dma semaphore(%run_scoped3A : memref<!tpu.dma_semaphore, #tpu.memory_space<semaphore_mem>>) src(%arg17 : memref<80x128xf32, #tpu.memory_space<vmem>>) dst(%dma_wait3A_527 : memref<10000x128xf32, #tpu.memory_space<vmem_shared>>)
        tpu.yield
      }) : () -> ()
      %add3A_506 = arith.constant 3 : i32
      %add3A_507 = arith.addi %add3A_471, %add3A_506 : i32
      %add3A_508 = arith.addi %mul3A_0, %add3A_507 : i32
      %dma_start3A_509 = arith.constant 0 : i32
      %dma_start3A_510 = tpu.memref_slice %arg4[%add3A_508, %dma_start3A_509] : memref<4000x80xi32, #tpu.memory_space<hbm>> -> memref<1x80xi32, #tpu.memory_space<hbm>>
      %dma_start3A_511 = tpu.memref_squeeze %dma_start3A_510 : memref<1x80xi32, #tpu.memory_space<hbm>> -> memref<80xi32, #tpu.memory_space<hbm>>
      %dma_start3A_512 = arith.constant 0 : i32
      %dma_start3A_513 = tpu.memref_slice %arg4[%add3A_508, %dma_start3A_512] : memref<4000x80xi32, #tpu.memory_space<hbm>> -> memref<1x80xi32, #tpu.memory_space<hbm>>
      %dma_start3A_514 = tpu.memref_squeeze %dma_start3A_513 : memref<1x80xi32, #tpu.memory_space<hbm>> -> memref<80xi32, #tpu.memory_space<hbm>>
      tpu.enqueue_dma source(%dma_start3A_514 : memref<80xi32, #tpu.memory_space<hbm>>) target(%arg12 : memref<80xi32, #tpu.memory_space<vmem>>) target_semaphore(%arg24 : memref<!tpu.dma_semaphore, #tpu.memory_space<semaphore_mem>>)
      %add3A_515 = arith.addi %mul3A_0, %add3A_507 : i32
      %dma_start3A_516 = arith.constant 0 : i32
      %dma_start3A_517 = tpu.memref_slice %arg5[%add3A_515, %dma_start3A_516] : memref<4000x80xi32, #tpu.memory_space<hbm>> -> memref<1x80xi32, #tpu.memory_space<hbm>>
      %dma_start3A_518 = tpu.memref_squeeze %dma_start3A_517 : memref<1x80xi32, #tpu.memory_space<hbm>> -> memref<80xi32, #tpu.memory_space<hbm>>
      %dma_start3A_519 = arith.constant 0 : i32
      %dma_start3A_520 = tpu.memref_slice %arg5[%add3A_515, %dma_start3A_519] : memref<4000x80xi32, #tpu.memory_space<hbm>> -> memref<1x80xi32, #tpu.memory_space<hbm>>
      %dma_start3A_521 = tpu.memref_squeeze %dma_start3A_520 : memref<1x80xi32, #tpu.memory_space<hbm>> -> memref<80xi32, #tpu.memory_space<hbm>>
      tpu.enqueue_dma source(%dma_start3A_521 : memref<80xi32, #tpu.memory_space<hbm>>) target(%arg16 : memref<80xi32, #tpu.memory_space<vmem>>) target_semaphore(%arg24 : memref<!tpu.dma_semaphore, #tpu.memory_space<semaphore_mem>>)
    }
    %scan3A_120 = arith.constant 61 : i32
    %dma_wait3A_121 = arith.constant 0 : i32
    %dma_wait3A_122 = tpu.memref_slice %arg4[%mul3A_0, %dma_wait3A_121] : memref<4000x80xi32, #tpu.memory_space<hbm>> -> memref<1x80xi32, #tpu.memory_space<hbm>>
    %dma_wait3A_123 = tpu.memref_squeeze %dma_wait3A_122 : memref<1x80xi32, #tpu.memory_space<hbm>> -> memref<80xi32, #tpu.memory_space<hbm>>
    %dma_wait3A_124 = arith.constant 0 : i32
    %dma_wait3A_125 = tpu.memref_slice %arg4[%mul3A_0, %dma_wait3A_124] : memref<4000x80xi32, #tpu.memory_space<hbm>> -> memref<1x80xi32, #tpu.memory_space<hbm>>
    %dma_wait3A_126 = tpu.memref_squeeze %dma_wait3A_125 : memref<1x80xi32, #tpu.memory_space<hbm>> -> memref<80xi32, #tpu.memory_space<hbm>>
    tpu.wait_dma2 semaphore(%arg23 : memref<!tpu.dma_semaphore, #tpu.memory_space<semaphore_mem>>) src(%dma_wait3A_126 : memref<80xi32, #tpu.memory_space<hbm>>) dst(%arg11 : memref<80xi32, #tpu.memory_space<vmem>>)
    %dma_wait3A_127 = arith.constant 0 : i32
    %dma_wait3A_128 = tpu.memref_slice %arg5[%mul3A_0, %dma_wait3A_127] : memref<4000x80xi32, #tpu.memory_space<hbm>> -> memref<1x80xi32, #tpu.memory_space<hbm>>
    %dma_wait3A_129 = tpu.memref_squeeze %dma_wait3A_128 : memref<1x80xi32, #tpu.memory_space<hbm>> -> memref<80xi32, #tpu.memory_space<hbm>>
    %dma_wait3A_130 = arith.constant 0 : i32
    %dma_wait3A_131 = tpu.memref_slice %arg5[%mul3A_0, %dma_wait3A_130] : memref<4000x80xi32, #tpu.memory_space<hbm>> -> memref<1x80xi32, #tpu.memory_space<hbm>>
    %dma_wait3A_132 = tpu.memref_squeeze %dma_wait3A_131 : memref<1x80xi32, #tpu.memory_space<hbm>> -> memref<80xi32, #tpu.memory_space<hbm>>
    tpu.wait_dma2 semaphore(%arg23 : memref<!tpu.dma_semaphore, #tpu.memory_space<semaphore_mem>>) src(%dma_wait3A_132 : memref<80xi32, #tpu.memory_space<hbm>>) dst(%arg15 : memref<80xi32, #tpu.memory_space<vmem>>)
    %eq3A_133 = arith.constant 0 : i32
    %eq3A_134 = arith.cmpi eq, %arg0, %eq3A_133 : i32
    %convert_element_type3A_135 = arith.extui %eq3A_134 : i1 to i32
    %cond3A_136 = arith.constant 0 : i32
    %cond3A_137 = arith.cmpi ne, %convert_element_type3A_135, %cond3A_136 : i32
    scf.if %cond3A_137 {
      %dma_start3A_297 = arith.constant 0 : i32
      %dma_start3A_298 = arith.constant 0 : i32
      %dma_start3A_299 = tpu.memref_slice %arg2[%dma_start3A_297, %dma_start3A_298] : memref<40000x128xf32, #tpu.memory_space<hbm>> -> memref<40000x128xf32, #tpu.memory_space<hbm>>
      tpu.enqueue_indirect_dma source(%dma_start3A_299 : memref<40000x128xf32, #tpu.memory_space<hbm>>) target(%arg19 : memref<80x128xf32, #tpu.memory_space<vmem>>) offsets(%arg11 : memref<80xi32, #tpu.memory_space<vmem>>) semaphore(%arg27 : memref<!tpu.dma_semaphore, #tpu.memory_space<semaphore_mem>>)
    } else {
    }
    %ne3A_138 = arith.constant 0 : i32
    %ne3A_139 = arith.cmpi ne, %arg0, %ne3A_138 : i32
    %convert_element_type3A_140 = arith.extui %ne3A_139 : i1 to i32
    %cond3A_141 = arith.constant 0 : i32
    %cond3A_142 = arith.cmpi ne, %convert_element_type3A_140, %cond3A_141 : i32
    scf.if %cond3A_142 {
      %dma_start3A_297 = arith.constant 0 : i32
      %dma_start3A_298 = arith.constant 0 : i32
      %dma_start3A_299 = tpu.memref_slice %arg3[%dma_start3A_297, %dma_start3A_298] : memref<40000x128xf32, #tpu.memory_space<hbm>> -> memref<40000x128xf32, #tpu.memory_space<hbm>>
      tpu.enqueue_indirect_dma source(%dma_start3A_299 : memref<40000x128xf32, #tpu.memory_space<hbm>>) target(%arg19 : memref<80x128xf32, #tpu.memory_space<vmem>>) offsets(%arg11 : memref<80xi32, #tpu.memory_space<vmem>>) semaphore(%arg27 : memref<!tpu.dma_semaphore, #tpu.memory_space<semaphore_mem>>)
    } else {
    }
    %eq3A_143 = arith.constant 0 : i32
    %eq3A_144 = arith.cmpi eq, %arg0, %eq3A_143 : i32
    %convert_element_type3A_145 = arith.extui %eq3A_144 : i1 to i32
    %cond3A_146 = arith.constant 0 : i32
    %cond3A_147 = arith.cmpi ne, %convert_element_type3A_145, %cond3A_146 : i32
    scf.if %cond3A_147 {
      %dma_wait3A_297 = arith.constant 0 : i32
      %dma_wait3A_298 = arith.constant 0 : i32
      %dma_wait3A_299 = tpu.memref_slice %arg2[%dma_wait3A_297, %dma_wait3A_298] : memref<40000x128xf32, #tpu.memory_space<hbm>> -> memref<40000x128xf32, #tpu.memory_space<hbm>>
      tpu.wait_indirect_dma semaphore(%arg26 : memref<!tpu.dma_semaphore, #tpu.memory_space<semaphore_mem>>) src(%dma_wait3A_299 : memref<40000x128xf32, #tpu.memory_space<hbm>>) dst(%arg18 : memref<80x128xf32, #tpu.memory_space<vmem>>)
    } else {
    }
    %ne3A_148 = arith.constant 0 : i32
    %ne3A_149 = arith.cmpi ne, %arg0, %ne3A_148 : i32
    %convert_element_type3A_150 = arith.extui %ne3A_149 : i1 to i32
    %cond3A_151 = arith.constant 0 : i32
    %cond3A_152 = arith.cmpi ne, %convert_element_type3A_150, %cond3A_151 : i32
    scf.if %cond3A_152 {
      %dma_wait3A_297 = arith.constant 0 : i32
      %dma_wait3A_298 = arith.constant 0 : i32
      %dma_wait3A_299 = tpu.memref_slice %arg3[%dma_wait3A_297, %dma_wait3A_298] : memref<40000x128xf32, #tpu.memory_space<hbm>> -> memref<40000x128xf32, #tpu.memory_space<hbm>>
      tpu.wait_indirect_dma semaphore(%arg26 : memref<!tpu.dma_semaphore, #tpu.memory_space<semaphore_mem>>) src(%dma_wait3A_299 : memref<40000x128xf32, #tpu.memory_space<hbm>>) dst(%arg18 : memref<80x128xf32, #tpu.memory_space<vmem>>)
    } else {
    }
    "tpu.region"() ({
      %run_scoped3A = tpu.sem_alloc : memref<!tpu.dma_semaphore, #tpu.memory_space<semaphore_mem>>
      %dma_start3A_297 = arith.constant 0 : i32
      %dma_start3A_298 = arith.constant 0 : i32
      %dma_start3A_299 = tpu.memref_slice %arg8[%dma_start3A_297, %dma_start3A_298] : memref<10000x128xf32, #tpu.memory_space<vmem_shared>> -> memref<10000x128xf32, #tpu.memory_space<vmem_shared>>
      tpu.enqueue_indirect_dma source(%arg18 : memref<80x128xf32, #tpu.memory_space<vmem>>) target(%dma_start3A_299 : memref<10000x128xf32, #tpu.memory_space<vmem_shared>>) offsets(%arg14 : memref<80xi32, #tpu.memory_space<vmem>>) semaphore(%run_scoped3A : memref<!tpu.dma_semaphore, #tpu.memory_space<semaphore_mem>>) {add = true}
      %dma_wait3A_300 = arith.constant 0 : i32
      %dma_wait3A_301 = arith.constant 0 : i32
      %dma_wait3A_302 = tpu.memref_slice %arg8[%dma_wait3A_300, %dma_wait3A_301] : memref<10000x128xf32, #tpu.memory_space<vmem_shared>> -> memref<10000x128xf32, #tpu.memory_space<vmem_shared>>
      tpu.wait_indirect_dma semaphore(%run_scoped3A : memref<!tpu.dma_semaphore, #tpu.memory_space<semaphore_mem>>) src(%arg18 : memref<80x128xf32, #tpu.memory_space<vmem>>) dst(%dma_wait3A_302 : memref<10000x128xf32, #tpu.memory_space<vmem_shared>>)
      tpu.yield
    }) : () -> ()
    %add3A_153 = arith.constant 248 : i32
    %add3A_154 = arith.addi %mul3A_0, %add3A_153 : i32
    %dma_start3A_155 = arith.constant 0 : i32
    %dma_start3A_156 = tpu.memref_slice %arg4[%add3A_154, %dma_start3A_155] : memref<4000x80xi32, #tpu.memory_space<hbm>> -> memref<1x80xi32, #tpu.memory_space<hbm>>
    %dma_start3A_157 = tpu.memref_squeeze %dma_start3A_156 : memref<1x80xi32, #tpu.memory_space<hbm>> -> memref<80xi32, #tpu.memory_space<hbm>>
    %dma_start3A_158 = arith.constant 0 : i32
    %dma_start3A_159 = tpu.memref_slice %arg4[%add3A_154, %dma_start3A_158] : memref<4000x80xi32, #tpu.memory_space<hbm>> -> memref<1x80xi32, #tpu.memory_space<hbm>>
    %dma_start3A_160 = tpu.memref_squeeze %dma_start3A_159 : memref<1x80xi32, #tpu.memory_space<hbm>> -> memref<80xi32, #tpu.memory_space<hbm>>
    tpu.enqueue_dma source(%dma_start3A_160 : memref<80xi32, #tpu.memory_space<hbm>>) target(%arg9 : memref<80xi32, #tpu.memory_space<vmem>>) target_semaphore(%arg21 : memref<!tpu.dma_semaphore, #tpu.memory_space<semaphore_mem>>)
    %add3A_161 = arith.constant 248 : i32
    %add3A_162 = arith.addi %mul3A_0, %add3A_161 : i32
    %dma_start3A_163 = arith.constant 0 : i32
    %dma_start3A_164 = tpu.memref_slice %arg5[%add3A_162, %dma_start3A_163] : memref<4000x80xi32, #tpu.memory_space<hbm>> -> memref<1x80xi32, #tpu.memory_space<hbm>>
    %dma_start3A_165 = tpu.memref_squeeze %dma_start3A_164 : memref<1x80xi32, #tpu.memory_space<hbm>> -> memref<80xi32, #tpu.memory_space<hbm>>
    %dma_start3A_166 = arith.constant 0 : i32
    %dma_start3A_167 = tpu.memref_slice %arg5[%add3A_162, %dma_start3A_166] : memref<4000x80xi32, #tpu.memory_space<hbm>> -> memref<1x80xi32, #tpu.memory_space<hbm>>
    %dma_start3A_168 = tpu.memref_squeeze %dma_start3A_167 : memref<1x80xi32, #tpu.memory_space<hbm>> -> memref<80xi32, #tpu.memory_space<hbm>>
    tpu.enqueue_dma source(%dma_start3A_168 : memref<80xi32, #tpu.memory_space<hbm>>) target(%arg13 : memref<80xi32, #tpu.memory_space<vmem>>) target_semaphore(%arg21 : memref<!tpu.dma_semaphore, #tpu.memory_space<semaphore_mem>>)
    %dma_wait3A_169 = arith.constant 0 : i32
    %dma_wait3A_170 = tpu.memref_slice %arg4[%mul3A_0, %dma_wait3A_169] : memref<4000x80xi32, #tpu.memory_space<hbm>> -> memref<1x80xi32, #tpu.memory_space<hbm>>
    %dma_wait3A_171 = tpu.memref_squeeze %dma_wait3A_170 : memref<1x80xi32, #tpu.memory_space<hbm>> -> memref<80xi32, #tpu.memory_space<hbm>>
    %dma_wait3A_172 = arith.constant 0 : i32
    %dma_wait3A_173 = tpu.memref_slice %arg4[%mul3A_0, %dma_wait3A_172] : memref<4000x80xi32, #tpu.memory_space<hbm>> -> memref<1x80xi32, #tpu.memory_space<hbm>>
    %dma_wait3A_174 = tpu.memref_squeeze %dma_wait3A_173 : memref<1x80xi32, #tpu.memory_space<hbm>> -> memref<80xi32, #tpu.memory_space<hbm>>
    tpu.wait_dma2 semaphore(%arg24 : memref<!tpu.dma_semaphore, #tpu.memory_space<semaphore_mem>>) src(%dma_wait3A_174 : memref<80xi32, #tpu.memory_space<hbm>>) dst(%arg12 : memref<80xi32, #tpu.memory_space<vmem>>)
    %dma_wait3A_175 = arith.constant 0 : i32
    %dma_wait3A_176 = tpu.memref_slice %arg5[%mul3A_0, %dma_wait3A_175] : memref<4000x80xi32, #tpu.memory_space<hbm>> -> memref<1x80xi32, #tpu.memory_space<hbm>>
    %dma_wait3A_177 = tpu.memref_squeeze %dma_wait3A_176 : memref<1x80xi32, #tpu.memory_space<hbm>> -> memref<80xi32, #tpu.memory_space<hbm>>
    %dma_wait3A_178 = arith.constant 0 : i32
    %dma_wait3A_179 = tpu.memref_slice %arg5[%mul3A_0, %dma_wait3A_178] : memref<4000x80xi32, #tpu.memory_space<hbm>> -> memref<1x80xi32, #tpu.memory_space<hbm>>
    %dma_wait3A_180 = tpu.memref_squeeze %dma_wait3A_179 : memref<1x80xi32, #tpu.memory_space<hbm>> -> memref<80xi32, #tpu.memory_space<hbm>>
    tpu.wait_dma2 semaphore(%arg24 : memref<!tpu.dma_semaphore, #tpu.memory_space<semaphore_mem>>) src(%dma_wait3A_180 : memref<80xi32, #tpu.memory_space<hbm>>) dst(%arg16 : memref<80xi32, #tpu.memory_space<vmem>>)
    %eq3A_181 = arith.constant 0 : i32
    %eq3A_182 = arith.cmpi eq, %arg0, %eq3A_181 : i32
    %convert_element_type3A_183 = arith.extui %eq3A_182 : i1 to i32
    %cond3A_184 = arith.constant 0 : i32
    %cond3A_185 = arith.cmpi ne, %convert_element_type3A_183, %cond3A_184 : i32
    scf.if %cond3A_185 {
      %dma_start3A_297 = arith.constant 0 : i32
      %dma_start3A_298 = arith.constant 0 : i32
      %dma_start3A_299 = tpu.memref_slice %arg2[%dma_start3A_297, %dma_start3A_298] : memref<40000x128xf32, #tpu.memory_space<hbm>> -> memref<40000x128xf32, #tpu.memory_space<hbm>>
      tpu.enqueue_indirect_dma source(%dma_start3A_299 : memref<40000x128xf32, #tpu.memory_space<hbm>>) target(%arg20 : memref<80x128xf32, #tpu.memory_space<vmem>>) offsets(%arg12 : memref<80xi32, #tpu.memory_space<vmem>>) semaphore(%arg28 : memref<!tpu.dma_semaphore, #tpu.memory_space<semaphore_mem>>)
    } else {
    }
    %ne3A_186 = arith.constant 0 : i32
    %ne3A_187 = arith.cmpi ne, %arg0, %ne3A_186 : i32
    %convert_element_type3A_188 = arith.extui %ne3A_187 : i1 to i32
    %cond3A_189 = arith.constant 0 : i32
    %cond3A_190 = arith.cmpi ne, %convert_element_type3A_188, %cond3A_189 : i32
    scf.if %cond3A_190 {
      %dma_start3A_297 = arith.constant 0 : i32
      %dma_start3A_298 = arith.constant 0 : i32
      %dma_start3A_299 = tpu.memref_slice %arg3[%dma_start3A_297, %dma_start3A_298] : memref<40000x128xf32, #tpu.memory_space<hbm>> -> memref<40000x128xf32, #tpu.memory_space<hbm>>
      tpu.enqueue_indirect_dma source(%dma_start3A_299 : memref<40000x128xf32, #tpu.memory_space<hbm>>) target(%arg20 : memref<80x128xf32, #tpu.memory_space<vmem>>) offsets(%arg12 : memref<80xi32, #tpu.memory_space<vmem>>) semaphore(%arg28 : memref<!tpu.dma_semaphore, #tpu.memory_space<semaphore_mem>>)
    } else {
    }
    %eq3A_191 = arith.constant 0 : i32
    %eq3A_192 = arith.cmpi eq, %arg0, %eq3A_191 : i32
    %convert_element_type3A_193 = arith.extui %eq3A_192 : i1 to i32
    %cond3A_194 = arith.constant 0 : i32
    %cond3A_195 = arith.cmpi ne, %convert_element_type3A_193, %cond3A_194 : i32
    scf.if %cond3A_195 {
      %dma_wait3A_297 = arith.constant 0 : i32
      %dma_wait3A_298 = arith.constant 0 : i32
      %dma_wait3A_299 = tpu.memref_slice %arg2[%dma_wait3A_297, %dma_wait3A_298] : memref<40000x128xf32, #tpu.memory_space<hbm>> -> memref<40000x128xf32, #tpu.memory_space<hbm>>
      tpu.wait_indirect_dma semaphore(%arg27 : memref<!tpu.dma_semaphore, #tpu.memory_space<semaphore_mem>>) src(%dma_wait3A_299 : memref<40000x128xf32, #tpu.memory_space<hbm>>) dst(%arg19 : memref<80x128xf32, #tpu.memory_space<vmem>>)
    } else {
    }
    %ne3A_196 = arith.constant 0 : i32
    %ne3A_197 = arith.cmpi ne, %arg0, %ne3A_196 : i32
    %convert_element_type3A_198 = arith.extui %ne3A_197 : i1 to i32
    %cond3A_199 = arith.constant 0 : i32
    %cond3A_200 = arith.cmpi ne, %convert_element_type3A_198, %cond3A_199 : i32
    scf.if %cond3A_200 {
      %dma_wait3A_297 = arith.constant 0 : i32
      %dma_wait3A_298 = arith.constant 0 : i32
      %dma_wait3A_299 = tpu.memref_slice %arg3[%dma_wait3A_297, %dma_wait3A_298] : memref<40000x128xf32, #tpu.memory_space<hbm>> -> memref<40000x128xf32, #tpu.memory_space<hbm>>
      tpu.wait_indirect_dma semaphore(%arg27 : memref<!tpu.dma_semaphore, #tpu.memory_space<semaphore_mem>>) src(%dma_wait3A_299 : memref<40000x128xf32, #tpu.memory_space<hbm>>) dst(%arg19 : memref<80x128xf32, #tpu.memory_space<vmem>>)
    } else {
    }
    "tpu.region"() ({
      %run_scoped3A = tpu.sem_alloc : memref<!tpu.dma_semaphore, #tpu.memory_space<semaphore_mem>>
      %dma_start3A_297 = arith.constant 0 : i32
      %dma_start3A_298 = arith.constant 0 : i32
      %dma_start3A_299 = tpu.memref_slice %arg8[%dma_start3A_297, %dma_start3A_298] : memref<10000x128xf32, #tpu.memory_space<vmem_shared>> -> memref<10000x128xf32, #tpu.memory_space<vmem_shared>>
      tpu.enqueue_indirect_dma source(%arg19 : memref<80x128xf32, #tpu.memory_space<vmem>>) target(%dma_start3A_299 : memref<10000x128xf32, #tpu.memory_space<vmem_shared>>) offsets(%arg15 : memref<80xi32, #tpu.memory_space<vmem>>) semaphore(%run_scoped3A : memref<!tpu.dma_semaphore, #tpu.memory_space<semaphore_mem>>) {add = true}
      %dma_wait3A_300 = arith.constant 0 : i32
      %dma_wait3A_301 = arith.constant 0 : i32
      %dma_wait3A_302 = tpu.memref_slice %arg8[%dma_wait3A_300, %dma_wait3A_301] : memref<10000x128xf32, #tpu.memory_space<vmem_shared>> -> memref<10000x128xf32, #tpu.memory_space<vmem_shared>>
      tpu.wait_indirect_dma semaphore(%run_scoped3A : memref<!tpu.dma_semaphore, #tpu.memory_space<semaphore_mem>>) src(%arg19 : memref<80x128xf32, #tpu.memory_space<vmem>>) dst(%dma_wait3A_302 : memref<10000x128xf32, #tpu.memory_space<vmem_shared>>)
      tpu.yield
    }) : () -> ()
    %add3A_201 = arith.constant 249 : i32
    %add3A_202 = arith.addi %mul3A_0, %add3A_201 : i32
    %dma_start3A_203 = arith.constant 0 : i32
    %dma_start3A_204 = tpu.memref_slice %arg4[%add3A_202, %dma_start3A_203] : memref<4000x80xi32, #tpu.memory_space<hbm>> -> memref<1x80xi32, #tpu.memory_space<hbm>>
    %dma_start3A_205 = tpu.memref_squeeze %dma_start3A_204 : memref<1x80xi32, #tpu.memory_space<hbm>> -> memref<80xi32, #tpu.memory_space<hbm>>
    %dma_start3A_206 = arith.constant 0 : i32
    %dma_start3A_207 = tpu.memref_slice %arg4[%add3A_202, %dma_start3A_206] : memref<4000x80xi32, #tpu.memory_space<hbm>> -> memref<1x80xi32, #tpu.memory_space<hbm>>
    %dma_start3A_208 = tpu.memref_squeeze %dma_start3A_207 : memref<1x80xi32, #tpu.memory_space<hbm>> -> memref<80xi32, #tpu.memory_space<hbm>>
    tpu.enqueue_dma source(%dma_start3A_208 : memref<80xi32, #tpu.memory_space<hbm>>) target(%arg10 : memref<80xi32, #tpu.memory_space<vmem>>) target_semaphore(%arg22 : memref<!tpu.dma_semaphore, #tpu.memory_space<semaphore_mem>>)
    %add3A_209 = arith.constant 249 : i32
    %add3A_210 = arith.addi %mul3A_0, %add3A_209 : i32
    %dma_start3A_211 = arith.constant 0 : i32
    %dma_start3A_212 = tpu.memref_slice %arg5[%add3A_210, %dma_start3A_211] : memref<4000x80xi32, #tpu.memory_space<hbm>> -> memref<1x80xi32, #tpu.memory_space<hbm>>
    %dma_start3A_213 = tpu.memref_squeeze %dma_start3A_212 : memref<1x80xi32, #tpu.memory_space<hbm>> -> memref<80xi32, #tpu.memory_space<hbm>>
    %dma_start3A_214 = arith.constant 0 : i32
    %dma_start3A_215 = tpu.memref_slice %arg5[%add3A_210, %dma_start3A_214] : memref<4000x80xi32, #tpu.memory_space<hbm>> -> memref<1x80xi32, #tpu.memory_space<hbm>>
    %dma_start3A_216 = tpu.memref_squeeze %dma_start3A_215 : memref<1x80xi32, #tpu.memory_space<hbm>> -> memref<80xi32, #tpu.memory_space<hbm>>
    tpu.enqueue_dma source(%dma_start3A_216 : memref<80xi32, #tpu.memory_space<hbm>>) target(%arg14 : memref<80xi32, #tpu.memory_space<vmem>>) target_semaphore(%arg22 : memref<!tpu.dma_semaphore, #tpu.memory_space<semaphore_mem>>)
    %dma_wait3A_217 = arith.constant 0 : i32
    %dma_wait3A_218 = tpu.memref_slice %arg4[%mul3A_0, %dma_wait3A_217] : memref<4000x80xi32, #tpu.memory_space<hbm>> -> memref<1x80xi32, #tpu.memory_space<hbm>>
    %dma_wait3A_219 = tpu.memref_squeeze %dma_wait3A_218 : memref<1x80xi32, #tpu.memory_space<hbm>> -> memref<80xi32, #tpu.memory_space<hbm>>
    %dma_wait3A_220 = arith.constant 0 : i32
    %dma_wait3A_221 = tpu.memref_slice %arg4[%mul3A_0, %dma_wait3A_220] : memref<4000x80xi32, #tpu.memory_space<hbm>> -> memref<1x80xi32, #tpu.memory_space<hbm>>
    %dma_wait3A_222 = tpu.memref_squeeze %dma_wait3A_221 : memref<1x80xi32, #tpu.memory_space<hbm>> -> memref<80xi32, #tpu.memory_space<hbm>>
    tpu.wait_dma2 semaphore(%arg21 : memref<!tpu.dma_semaphore, #tpu.memory_space<semaphore_mem>>) src(%dma_wait3A_222 : memref<80xi32, #tpu.memory_space<hbm>>) dst(%arg9 : memref<80xi32, #tpu.memory_space<vmem>>)
    %dma_wait3A_223 = arith.constant 0 : i32
    %dma_wait3A_224 = tpu.memref_slice %arg5[%mul3A_0, %dma_wait3A_223] : memref<4000x80xi32, #tpu.memory_space<hbm>> -> memref<1x80xi32, #tpu.memory_space<hbm>>
    %dma_wait3A_225 = tpu.memref_squeeze %dma_wait3A_224 : memref<1x80xi32, #tpu.memory_space<hbm>> -> memref<80xi32, #tpu.memory_space<hbm>>
    %dma_wait3A_226 = arith.constant 0 : i32
    %dma_wait3A_227 = tpu.memref_slice %arg5[%mul3A_0, %dma_wait3A_226] : memref<4000x80xi32, #tpu.memory_space<hbm>> -> memref<1x80xi32, #tpu.memory_space<hbm>>
    %dma_wait3A_228 = tpu.memref_squeeze %dma_wait3A_227 : memref<1x80xi32, #tpu.memory_space<hbm>> -> memref<80xi32, #tpu.memory_space<hbm>>
    tpu.wait_dma2 semaphore(%arg21 : memref<!tpu.dma_semaphore, #tpu.memory_space<semaphore_mem>>) src(%dma_wait3A_228 : memref<80xi32, #tpu.memory_space<hbm>>) dst(%arg13 : memref<80xi32, #tpu.memory_space<vmem>>)
    %eq3A_229 = arith.constant 0 : i32
    %eq3A_230 = arith.cmpi eq, %arg0, %eq3A_229 : i32
    %convert_element_type3A_231 = arith.extui %eq3A_230 : i1 to i32
    %cond3A_232 = arith.constant 0 : i32
    %cond3A_233 = arith.cmpi ne, %convert_element_type3A_231, %cond3A_232 : i32
    scf.if %cond3A_233 {
      %dma_start3A_297 = arith.constant 0 : i32
      %dma_start3A_298 = arith.constant 0 : i32
      %dma_start3A_299 = tpu.memref_slice %arg2[%dma_start3A_297, %dma_start3A_298] : memref<40000x128xf32, #tpu.memory_space<hbm>> -> memref<40000x128xf32, #tpu.memory_space<hbm>>
      tpu.enqueue_indirect_dma source(%dma_start3A_299 : memref<40000x128xf32, #tpu.memory_space<hbm>>) target(%arg17 : memref<80x128xf32, #tpu.memory_space<vmem>>) offsets(%arg9 : memref<80xi32, #tpu.memory_space<vmem>>) semaphore(%arg25 : memref<!tpu.dma_semaphore, #tpu.memory_space<semaphore_mem>>)
    } else {
    }
    %ne3A_234 = arith.constant 0 : i32
    %ne3A_235 = arith.cmpi ne, %arg0, %ne3A_234 : i32
    %convert_element_type3A_236 = arith.extui %ne3A_235 : i1 to i32
    %cond3A_237 = arith.constant 0 : i32
    %cond3A_238 = arith.cmpi ne, %convert_element_type3A_236, %cond3A_237 : i32
    scf.if %cond3A_238 {
      %dma_start3A_297 = arith.constant 0 : i32
      %dma_start3A_298 = arith.constant 0 : i32
      %dma_start3A_299 = tpu.memref_slice %arg3[%dma_start3A_297, %dma_start3A_298] : memref<40000x128xf32, #tpu.memory_space<hbm>> -> memref<40000x128xf32, #tpu.memory_space<hbm>>
      tpu.enqueue_indirect_dma source(%dma_start3A_299 : memref<40000x128xf32, #tpu.memory_space<hbm>>) target(%arg17 : memref<80x128xf32, #tpu.memory_space<vmem>>) offsets(%arg9 : memref<80xi32, #tpu.memory_space<vmem>>) semaphore(%arg25 : memref<!tpu.dma_semaphore, #tpu.memory_space<semaphore_mem>>)
    } else {
    }
    %eq3A_239 = arith.constant 0 : i32
    %eq3A_240 = arith.cmpi eq, %arg0, %eq3A_239 : i32
    %convert_element_type3A_241 = arith.extui %eq3A_240 : i1 to i32
    %cond3A_242 = arith.constant 0 : i32
    %cond3A_243 = arith.cmpi ne, %convert_element_type3A_241, %cond3A_242 : i32
    scf.if %cond3A_243 {
      %dma_wait3A_297 = arith.constant 0 : i32
      %dma_wait3A_298 = arith.constant 0 : i32
      %dma_wait3A_299 = tpu.memref_slice %arg2[%dma_wait3A_297, %dma_wait3A_298] : memref<40000x128xf32, #tpu.memory_space<hbm>> -> memref<40000x128xf32, #tpu.memory_space<hbm>>
      tpu.wait_indirect_dma semaphore(%arg28 : memref<!tpu.dma_semaphore, #tpu.memory_space<semaphore_mem>>) src(%dma_wait3A_299 : memref<40000x128xf32, #tpu.memory_space<hbm>>) dst(%arg20 : memref<80x128xf32, #tpu.memory_space<vmem>>)
    } else {
    }
    %ne3A_244 = arith.constant 0 : i32
    %ne3A_245 = arith.cmpi ne, %arg0, %ne3A_244 : i32
    %convert_element_type3A_246 = arith.extui %ne3A_245 : i1 to i32
    %cond3A_247 = arith.constant 0 : i32
    %cond3A_248 = arith.cmpi ne, %convert_element_type3A_246, %cond3A_247 : i32
    scf.if %cond3A_248 {
      %dma_wait3A_297 = arith.constant 0 : i32
      %dma_wait3A_298 = arith.constant 0 : i32
      %dma_wait3A_299 = tpu.memref_slice %arg3[%dma_wait3A_297, %dma_wait3A_298] : memref<40000x128xf32, #tpu.memory_space<hbm>> -> memref<40000x128xf32, #tpu.memory_space<hbm>>
      tpu.wait_indirect_dma semaphore(%arg28 : memref<!tpu.dma_semaphore, #tpu.memory_space<semaphore_mem>>) src(%dma_wait3A_299 : memref<40000x128xf32, #tpu.memory_space<hbm>>) dst(%arg20 : memref<80x128xf32, #tpu.memory_space<vmem>>)
    } else {
    }
    "tpu.region"() ({
      %run_scoped3A = tpu.sem_alloc : memref<!tpu.dma_semaphore, #tpu.memory_space<semaphore_mem>>
      %dma_start3A_297 = arith.constant 0 : i32
      %dma_start3A_298 = arith.constant 0 : i32
      %dma_start3A_299 = tpu.memref_slice %arg8[%dma_start3A_297, %dma_start3A_298] : memref<10000x128xf32, #tpu.memory_space<vmem_shared>> -> memref<10000x128xf32, #tpu.memory_space<vmem_shared>>
      tpu.enqueue_indirect_dma source(%arg20 : memref<80x128xf32, #tpu.memory_space<vmem>>) target(%dma_start3A_299 : memref<10000x128xf32, #tpu.memory_space<vmem_shared>>) offsets(%arg16 : memref<80xi32, #tpu.memory_space<vmem>>) semaphore(%run_scoped3A : memref<!tpu.dma_semaphore, #tpu.memory_space<semaphore_mem>>) {add = true}
      %dma_wait3A_300 = arith.constant 0 : i32
      %dma_wait3A_301 = arith.constant 0 : i32
      %dma_wait3A_302 = tpu.memref_slice %arg8[%dma_wait3A_300, %dma_wait3A_301] : memref<10000x128xf32, #tpu.memory_space<vmem_shared>> -> memref<10000x128xf32, #tpu.memory_space<vmem_shared>>
      tpu.wait_indirect_dma semaphore(%run_scoped3A : memref<!tpu.dma_semaphore, #tpu.memory_space<semaphore_mem>>) src(%arg20 : memref<80x128xf32, #tpu.memory_space<vmem>>) dst(%dma_wait3A_302 : memref<10000x128xf32, #tpu.memory_space<vmem_shared>>)
      tpu.yield
    }) : () -> ()
    %dma_wait3A_249 = arith.constant 0 : i32
    %dma_wait3A_250 = tpu.memref_slice %arg4[%mul3A_0, %dma_wait3A_249] : memref<4000x80xi32, #tpu.memory_space<hbm>> -> memref<1x80xi32, #tpu.memory_space<hbm>>
    %dma_wait3A_251 = tpu.memref_squeeze %dma_wait3A_250 : memref<1x80xi32, #tpu.memory_space<hbm>> -> memref<80xi32, #tpu.memory_space<hbm>>
    %dma_wait3A_252 = arith.constant 0 : i32
    %dma_wait3A_253 = tpu.memref_slice %arg4[%mul3A_0, %dma_wait3A_252] : memref<4000x80xi32, #tpu.memory_space<hbm>> -> memref<1x80xi32, #tpu.memory_space<hbm>>
    %dma_wait3A_254 = tpu.memref_squeeze %dma_wait3A_253 : memref<1x80xi32, #tpu.memory_space<hbm>> -> memref<80xi32, #tpu.memory_space<hbm>>
    tpu.wait_dma2 semaphore(%arg22 : memref<!tpu.dma_semaphore, #tpu.memory_space<semaphore_mem>>) src(%dma_wait3A_254 : memref<80xi32, #tpu.memory_space<hbm>>) dst(%arg10 : memref<80xi32, #tpu.memory_space<vmem>>)
    %dma_wait3A_255 = arith.constant 0 : i32
    %dma_wait3A_256 = tpu.memref_slice %arg5[%mul3A_0, %dma_wait3A_255] : memref<4000x80xi32, #tpu.memory_space<hbm>> -> memref<1x80xi32, #tpu.memory_space<hbm>>
    %dma_wait3A_257 = tpu.memref_squeeze %dma_wait3A_256 : memref<1x80xi32, #tpu.memory_space<hbm>> -> memref<80xi32, #tpu.memory_space<hbm>>
    %dma_wait3A_258 = arith.constant 0 : i32
    %dma_wait3A_259 = tpu.memref_slice %arg5[%mul3A_0, %dma_wait3A_258] : memref<4000x80xi32, #tpu.memory_space<hbm>> -> memref<1x80xi32, #tpu.memory_space<hbm>>
    %dma_wait3A_260 = tpu.memref_squeeze %dma_wait3A_259 : memref<1x80xi32, #tpu.memory_space<hbm>> -> memref<80xi32, #tpu.memory_space<hbm>>
    tpu.wait_dma2 semaphore(%arg22 : memref<!tpu.dma_semaphore, #tpu.memory_space<semaphore_mem>>) src(%dma_wait3A_260 : memref<80xi32, #tpu.memory_space<hbm>>) dst(%arg14 : memref<80xi32, #tpu.memory_space<vmem>>)
    %eq3A_261 = arith.constant 0 : i32
    %eq3A_262 = arith.cmpi eq, %arg0, %eq3A_261 : i32
    %convert_element_type3A_263 = arith.extui %eq3A_262 : i1 to i32
    %cond3A_264 = arith.constant 0 : i32
    %cond3A_265 = arith.cmpi ne, %convert_element_type3A_263, %cond3A_264 : i32
    scf.if %cond3A_265 {
      %dma_start3A_297 = arith.constant 0 : i32
      %dma_start3A_298 = arith.constant 0 : i32
      %dma_start3A_299 = tpu.memref_slice %arg2[%dma_start3A_297, %dma_start3A_298] : memref<40000x128xf32, #tpu.memory_space<hbm>> -> memref<40000x128xf32, #tpu.memory_space<hbm>>
      tpu.enqueue_indirect_dma source(%dma_start3A_299 : memref<40000x128xf32, #tpu.memory_space<hbm>>) target(%arg18 : memref<80x128xf32, #tpu.memory_space<vmem>>) offsets(%arg10 : memref<80xi32, #tpu.memory_space<vmem>>) semaphore(%arg26 : memref<!tpu.dma_semaphore, #tpu.memory_space<semaphore_mem>>)
    } else {
    }
    %ne3A_266 = arith.constant 0 : i32
    %ne3A_267 = arith.cmpi ne, %arg0, %ne3A_266 : i32
    %convert_element_type3A_268 = arith.extui %ne3A_267 : i1 to i32
    %cond3A_269 = arith.constant 0 : i32
    %cond3A_270 = arith.cmpi ne, %convert_element_type3A_268, %cond3A_269 : i32
    scf.if %cond3A_270 {
      %dma_start3A_297 = arith.constant 0 : i32
      %dma_start3A_298 = arith.constant 0 : i32
      %dma_start3A_299 = tpu.memref_slice %arg3[%dma_start3A_297, %dma_start3A_298] : memref<40000x128xf32, #tpu.memory_space<hbm>> -> memref<40000x128xf32, #tpu.memory_space<hbm>>
      tpu.enqueue_indirect_dma source(%dma_start3A_299 : memref<40000x128xf32, #tpu.memory_space<hbm>>) target(%arg18 : memref<80x128xf32, #tpu.memory_space<vmem>>) offsets(%arg10 : memref<80xi32, #tpu.memory_space<vmem>>) semaphore(%arg26 : memref<!tpu.dma_semaphore, #tpu.memory_space<semaphore_mem>>)
    } else {
    }
    %eq3A_271 = arith.constant 0 : i32
    %eq3A_272 = arith.cmpi eq, %arg0, %eq3A_271 : i32
    %convert_element_type3A_273 = arith.extui %eq3A_272 : i1 to i32
    %cond3A_274 = arith.constant 0 : i32
    %cond3A_275 = arith.cmpi ne, %convert_element_type3A_273, %cond3A_274 : i32
    scf.if %cond3A_275 {
      %dma_wait3A_297 = arith.constant 0 : i32
      %dma_wait3A_298 = arith.constant 0 : i32
      %dma_wait3A_299 = tpu.memref_slice %arg2[%dma_wait3A_297, %dma_wait3A_298] : memref<40000x128xf32, #tpu.memory_space<hbm>> -> memref<40000x128xf32, #tpu.memory_space<hbm>>
      tpu.wait_indirect_dma semaphore(%arg25 : memref<!tpu.dma_semaphore, #tpu.memory_space<semaphore_mem>>) src(%dma_wait3A_299 : memref<40000x128xf32, #tpu.memory_space<hbm>>) dst(%arg17 : memref<80x128xf32, #tpu.memory_space<vmem>>)
    } else {
    }
    %ne3A_276 = arith.constant 0 : i32
    %ne3A_277 = arith.cmpi ne, %arg0, %ne3A_276 : i32
    %convert_element_type3A_278 = arith.extui %ne3A_277 : i1 to i32
    %cond3A_279 = arith.constant 0 : i32
    %cond3A_280 = arith.cmpi ne, %convert_element_type3A_278, %cond3A_279 : i32
    scf.if %cond3A_280 {
      %dma_wait3A_297 = arith.constant 0 : i32
      %dma_wait3A_298 = arith.constant 0 : i32
      %dma_wait3A_299 = tpu.memref_slice %arg3[%dma_wait3A_297, %dma_wait3A_298] : memref<40000x128xf32, #tpu.memory_space<hbm>> -> memref<40000x128xf32, #tpu.memory_space<hbm>>
      tpu.wait_indirect_dma semaphore(%arg25 : memref<!tpu.dma_semaphore, #tpu.memory_space<semaphore_mem>>) src(%dma_wait3A_299 : memref<40000x128xf32, #tpu.memory_space<hbm>>) dst(%arg17 : memref<80x128xf32, #tpu.memory_space<vmem>>)
    } else {
    }
    "tpu.region"() ({
      %run_scoped3A = tpu.sem_alloc : memref<!tpu.dma_semaphore, #tpu.memory_space<semaphore_mem>>
      %dma_start3A_297 = arith.constant 0 : i32
      %dma_start3A_298 = arith.constant 0 : i32
      %dma_start3A_299 = tpu.memref_slice %arg8[%dma_start3A_297, %dma_start3A_298] : memref<10000x128xf32, #tpu.memory_space<vmem_shared>> -> memref<10000x128xf32, #tpu.memory_space<vmem_shared>>
      tpu.enqueue_indirect_dma source(%arg17 : memref<80x128xf32, #tpu.memory_space<vmem>>) target(%dma_start3A_299 : memref<10000x128xf32, #tpu.memory_space<vmem_shared>>) offsets(%arg13 : memref<80xi32, #tpu.memory_space<vmem>>) semaphore(%run_scoped3A : memref<!tpu.dma_semaphore, #tpu.memory_space<semaphore_mem>>) {add = true}
      %dma_wait3A_300 = arith.constant 0 : i32
      %dma_wait3A_301 = arith.constant 0 : i32
      %dma_wait3A_302 = tpu.memref_slice %arg8[%dma_wait3A_300, %dma_wait3A_301] : memref<10000x128xf32, #tpu.memory_space<vmem_shared>> -> memref<10000x128xf32, #tpu.memory_space<vmem_shared>>
      tpu.wait_indirect_dma semaphore(%run_scoped3A : memref<!tpu.dma_semaphore, #tpu.memory_space<semaphore_mem>>) src(%arg17 : memref<80x128xf32, #tpu.memory_space<vmem>>) dst(%dma_wait3A_302 : memref<10000x128xf32, #tpu.memory_space<vmem_shared>>)
      tpu.yield
    }) : () -> ()
    %eq3A_281 = arith.constant 0 : i32
    %eq3A_282 = arith.cmpi eq, %arg0, %eq3A_281 : i32
    %convert_element_type3A_283 = arith.extui %eq3A_282 : i1 to i32
    %cond3A_284 = arith.constant 0 : i32
    %cond3A_285 = arith.cmpi ne, %convert_element_type3A_283, %cond3A_284 : i32
    scf.if %cond3A_285 {
      %dma_wait3A_297 = arith.constant 0 : i32
      %dma_wait3A_298 = arith.constant 0 : i32
      %dma_wait3A_299 = tpu.memref_slice %arg2[%dma_wait3A_297, %dma_wait3A_298] : memref<40000x128xf32, #tpu.memory_space<hbm>> -> memref<40000x128xf32, #tpu.memory_space<hbm>>
      tpu.wait_indirect_dma semaphore(%arg26 : memref<!tpu.dma_semaphore, #tpu.memory_space<semaphore_mem>>) src(%dma_wait3A_299 : memref<40000x128xf32, #tpu.memory_space<hbm>>) dst(%arg18 : memref<80x128xf32, #tpu.memory_space<vmem>>)
    } else {
    }
    %ne3A_286 = arith.constant 0 : i32
    %ne3A_287 = arith.cmpi ne, %arg0, %ne3A_286 : i32
    %convert_element_type3A_288 = arith.extui %ne3A_287 : i1 to i32
    %cond3A_289 = arith.constant 0 : i32
    %cond3A_290 = arith.cmpi ne, %convert_element_type3A_288, %cond3A_289 : i32
    scf.if %cond3A_290 {
      %dma_wait3A_297 = arith.constant 0 : i32
      %dma_wait3A_298 = arith.constant 0 : i32
      %dma_wait3A_299 = tpu.memref_slice %arg3[%dma_wait3A_297, %dma_wait3A_298] : memref<40000x128xf32, #tpu.memory_space<hbm>> -> memref<40000x128xf32, #tpu.memory_space<hbm>>
      tpu.wait_indirect_dma semaphore(%arg26 : memref<!tpu.dma_semaphore, #tpu.memory_space<semaphore_mem>>) src(%dma_wait3A_299 : memref<40000x128xf32, #tpu.memory_space<hbm>>) dst(%arg18 : memref<80x128xf32, #tpu.memory_space<vmem>>)
    } else {
    }
    "tpu.region"() ({
      %run_scoped3A = tpu.sem_alloc : memref<!tpu.dma_semaphore, #tpu.memory_space<semaphore_mem>>
      %dma_start3A_297 = arith.constant 0 : i32
      %dma_start3A_298 = arith.constant 0 : i32
      %dma_start3A_299 = tpu.memref_slice %arg8[%dma_start3A_297, %dma_start3A_298] : memref<10000x128xf32, #tpu.memory_space<vmem_shared>> -> memref<10000x128xf32, #tpu.memory_space<vmem_shared>>
      tpu.enqueue_indirect_dma source(%arg18 : memref<80x128xf32, #tpu.memory_space<vmem>>) target(%dma_start3A_299 : memref<10000x128xf32, #tpu.memory_space<vmem_shared>>) offsets(%arg14 : memref<80xi32, #tpu.memory_space<vmem>>) semaphore(%run_scoped3A : memref<!tpu.dma_semaphore, #tpu.memory_space<semaphore_mem>>) {add = true}
      %dma_wait3A_300 = arith.constant 0 : i32
      %dma_wait3A_301 = arith.constant 0 : i32
      %dma_wait3A_302 = tpu.memref_slice %arg8[%dma_wait3A_300, %dma_wait3A_301] : memref<10000x128xf32, #tpu.memory_space<vmem_shared>> -> memref<10000x128xf32, #tpu.memory_space<vmem_shared>>
      tpu.wait_indirect_dma semaphore(%run_scoped3A : memref<!tpu.dma_semaphore, #tpu.memory_space<semaphore_mem>>) src(%arg18 : memref<80x128xf32, #tpu.memory_space<vmem>>) dst(%dma_wait3A_302 : memref<10000x128xf32, #tpu.memory_space<vmem_shared>>)
      tpu.yield
    }) : () -> ()
    %barrier3A_291 = arith.constant 0 : index
    tpu.barrier barrier_id(%barrier3A_291)
    %lt3A_292 = arith.constant 10 : i32
    %lt3A_293 = arith.cmpi slt, %arg1, %lt3A_292 : i32
    %convert_element_type3A_294 = arith.extui %lt3A_293 : i1 to i32
    %cond3A_295 = arith.constant 0 : i32
    %cond3A_296 = arith.cmpi ne, %convert_element_type3A_294, %cond3A_295 : i32
    scf.if %cond3A_296 {
      %mul3A_297 = arith.constant 1000 : i32
      %mul3A_298 = arith.muli %arg1, %mul3A_297 : i32
      %mul3A_299 = arith.constant 10000 : i32
      %mul3A_300 = arith.muli %arg0, %mul3A_299 : i32
      %mul3A_301 = arith.constant 1000 : i32
      %mul3A_302 = arith.muli %arg1, %mul3A_301 : i32
      %add3A_303 = arith.addi %mul3A_300, %mul3A_302 : i32
      "tpu.region"() ({
        %run_scoped3A = tpu.sem_alloc : memref<!tpu.dma_semaphore, #tpu.memory_space<semaphore_mem>>
        %dma_start3A_304 = arith.constant 0 : i32
        %dma_start3A_305 = tpu.memref_slice %arg7[%add3A_303, %dma_start3A_304] : memref<20000x128xf32, #tpu.memory_space<hbm>> -> memref<1000x128xf32, #tpu.memory_space<hbm>>
        %dma_start3A_306 = arith.constant 0 : i32
        %dma_start3A_307 = tpu.memref_slice %arg8[%mul3A_298, %dma_start3A_306] : memref<10000x128xf32, #tpu.memory_space<vmem_shared>> -> memref<1000x128xf32, #tpu.memory_space<vmem_shared>>
        tpu.enqueue_dma source(%dma_start3A_307 : memref<1000x128xf32, #tpu.memory_space<vmem_shared>>) target(%dma_start3A_305 : memref<1000x128xf32, #tpu.memory_space<hbm>>) target_semaphore(%run_scoped3A : memref<!tpu.dma_semaphore, #tpu.memory_space<semaphore_mem>>)
        %dma_wait3A_308 = arith.constant 0 : i32
        %dma_wait3A_309 = tpu.memref_slice %arg7[%add3A_303, %dma_wait3A_308] : memref<20000x128xf32, #tpu.memory_space<hbm>> -> memref<1000x128xf32, #tpu.memory_space<hbm>>
        %dma_wait3A_310 = arith.constant 0 : i32
        %dma_wait3A_311 = tpu.memref_slice %arg8[%mul3A_298, %dma_wait3A_310] : memref<10000x128xf32, #tpu.memory_space<vmem_shared>> -> memref<1000x128xf32, #tpu.memory_space<vmem_shared>>
        tpu.wait_dma2 semaphore(%run_scoped3A : memref<!tpu.dma_semaphore, #tpu.memory_space<semaphore_mem>>) src(%dma_wait3A_311 : memref<1000x128xf32, #tpu.memory_space<vmem_shared>>) dst(%dma_wait3A_309 : memref<1000x128xf32, #tpu.memory_space<hbm>>)
        tpu.yield
      }) : () -> ()
    } else {
    }
    return
  }
}

#map = affine_map<(d0, d1) -> (0, 0)>
module attributes {stable_mosaic.version = 14 : i64} {
  func.func @body(%arg0: i32, %arg1: i32, %arg2: memref<40000x128xf32, #tpu.memory_space<hbm>>, %arg3: memref<40000x128xf32, #tpu.memory_space<hbm>>, %arg4: memref<4000x80xi32, #tpu.memory_space<hbm>>, %arg5: memref<4000x80xi32, #tpu.memory_space<hbm>>, %arg6: memref<10000x128xf32, #tpu.memory_space<hbm>>, %arg7: memref<20000x128xf32, #tpu.memory_space<hbm>>, %arg8: memref<10000x128xf32, #tpu.memory_space<vmem_shared>>, %arg9: memref<80xi32, #tpu.memory_space<vmem>>, %arg10: memref<80xi32, #tpu.memory_space<vmem>>, %arg11: memref<80xi32, #tpu.memory_space<vmem>>, %arg12: memref<80xi32, #tpu.memory_space<vmem>>, %arg13: memref<80xi32, #tpu.memory_space<vmem>>, %arg14: memref<80xi32, #tpu.memory_space<vmem>>, %arg15: memref<80xi32, #tpu.memory_space<vmem>>, %arg16: memref<80xi32, #tpu.memory_space<vmem>>, %arg17: memref<80x128xf32, #tpu.memory_space<vmem>>, %arg18: memref<80x128xf32, #tpu.memory_space<vmem>>, %arg19: memref<80x128xf32, #tpu.memory_space<vmem>>, %arg20: memref<80x128xf32, #tpu.memory_space<vmem>>, %arg21: memref<!tpu.dma_semaphore, #tpu.memory_space<semaphore_mem>>, %arg22: memref<!tpu.dma_semaphore, #tpu.memory_space<semaphore_mem>>, %arg23: memref<!tpu.dma_semaphore, #tpu.memory_space<semaphore_mem>>, %arg24: memref<!tpu.dma_semaphore, #tpu.memory_space<semaphore_mem>>, %arg25: memref<!tpu.dma_semaphore, #tpu.memory_space<semaphore_mem>>, %arg26: memref<!tpu.dma_semaphore, #tpu.memory_space<semaphore_mem>>, %arg27: memref<!tpu.dma_semaphore, #tpu.memory_space<semaphore_mem>>, %arg28: memref<!tpu.dma_semaphore, #tpu.memory_space<semaphore_mem>>) attributes {dimension_semantics = [#tpu.dimension_semantics<core_parallel>, #tpu.dimension_semantics<subcore_parallel>], iteration_bounds = array<i64: 2, 16>, scalar_prefetch = 0 : i64, scratch_operands = 21 : i64, tpu.core_type = #tpu.core_type<sc_vector_subcore>, window_params = [{transform_indices = #map}, {transform_indices = #map}, {transform_indices = #map}, {transform_indices = #map}, {transform_indices = #map}, {transform_indices = #map}]} {
    %mul3A = arith.constant 250 : i32
    %mul3A_0 = arith.muli %arg1, %mul3A : i32
    %lt3A = arith.constant 10 : i32
    %lt3A_1 = arith.cmpi slt, %arg1, %lt3A : i32
    %convert_element_type3A = arith.extui %lt3A_1 : i1 to i32
    %cond3A = arith.constant 0 : i32
    %cond3A_2 = arith.cmpi ne, %convert_element_type3A, %cond3A : i32
    scf.if %cond3A_2 {
      %mul3A_297 = arith.constant 1000 : i32
      %mul3A_298 = arith.muli %arg1, %mul3A_297 : i32
      %mul3A_299 = arith.constant 1000 : i32
      %mul3A_300 = arith.muli %arg1, %mul3A_299 : i32
      "tpu.region"() ({
        %run_scoped3A = tpu.sem_alloc : memref<!tpu.dma_semaphore, #tpu.memory_space<semaphore_mem>>
        %dma_start3A_301 = arith.constant 0 : i32
        %dma_start3A_302 = tpu.memref_slice %arg8[%mul3A_300, %dma_start3A_301] : memref<10000x128xf32, #tpu.memory_space<vmem_shared>> -> memref<1000x128xf32, #tpu.memory_space<vmem_shared>>
        %dma_start3A_303 = arith.constant 0 : i32
        %dma_start3A_304 = tpu.memref_slice %arg6[%mul3A_298, %dma_start3A_303] : memref<10000x128xf32, #tpu.memory_space<hbm>> -> memref<1000x128xf32, #tpu.memory_space<hbm>>
        tpu.enqueue_dma source(%dma_start3A_304 : memref<1000x128xf32, #tpu.memory_space<hbm>>) target(%dma_start3A_302 : memref<1000x128xf32, #tpu.memory_space<vmem_shared>>) target_semaphore(%run_scoped3A : memref<!tpu.dma_semaphore, #tpu.memory_space<semaphore_mem>>)
        %dma_wait3A_305 = arith.constant 0 : i32
        %dma_wait3A_306 = tpu.memref_slice %arg8[%mul3A_300, %dma_wait3A_305] : memref<10000x128xf32, #tpu.memory_space<vmem_shared>> -> memref<1000x128xf32, #tpu.memory_space<vmem_shared>>
        %dma_wait3A_307 = arith.constant 0 : i32
        %dma_wait3A_308 = tpu.memref_slice %arg6[%mul3A_298, %dma_wait3A_307] : memref<10000x128xf32, #tpu.memory_space<hbm>> -> memref<1000x128xf32, #tpu.memory_space<hbm>>
        tpu.wait_dma2 semaphore(%run_scoped3A : memref<!tpu.dma_semaphore, #tpu.memory_space<semaphore_mem>>) src(%dma_wait3A_308 : memref<1000x128xf32, #tpu.memory_space<hbm>>) dst(%dma_wait3A_306 : memref<1000x128xf32, #tpu.memory_space<vmem_shared>>)
        tpu.yield
      }) : () -> ()
    } else {
    }
    %barrier3A = arith.constant 0 : index
    tpu.barrier barrier_id(%barrier3A)
    %add3A = arith.constant 0 : i32
    %add3A_3 = arith.addi %mul3A_0, %add3A : i32
    %dma_start3A = arith.constant 0 : i32
    %dma_start3A_4 = tpu.memref_slice %arg4[%add3A_3, %dma_start3A] : memref<4000x80xi32, #tpu.memory_space<hbm>> -> memref<1x80xi32, #tpu.memory_space<hbm>>
    %dma_start3A_5 = tpu.memref_squeeze %dma_start3A_4 : memref<1x80xi32, #tpu.memory_space<hbm>> -> memref<80xi32, #tpu.memory_space<hbm>>
    %dma_start3A_6 = arith.constant 0 : i32
    %dma_start3A_7 = tpu.memref_slice %arg4[%add3A_3, %dma_start3A_6] : memref<4000x80xi32, #tpu.memory_space<hbm>> -> memref<1x80xi32, #tpu.memory_space<hbm>>
    %dma_start3A_8 = tpu.memref_squeeze %dma_start3A_7 : memref<1x80xi32, #tpu.memory_space<hbm>> -> memref<80xi32, #tpu.memory_space<hbm>>
    tpu.enqueue_dma source(%dma_start3A_8 : memref<80xi32, #tpu.memory_space<hbm>>) target(%arg9 : memref<80xi32, #tpu.memory_space<vmem>>) target_semaphore(%arg21 : memref<!tpu.dma_semaphore, #tpu.memory_space<semaphore_mem>>)
    %add3A_9 = arith.constant 0 : i32
    %add3A_10 = arith.addi %mul3A_0, %add3A_9 : i32
    %dma_start3A_11 = arith.constant 0 : i32
    %dma_start3A_12 = tpu.memref_slice %arg5[%add3A_10, %dma_start3A_11] : memref<4000x80xi32, #tpu.memory_space<hbm>> -> memref<1x80xi32, #tpu.memory_space<hbm>>
    %dma_start3A_13 = tpu.memref_squeeze %dma_start3A_12 : memref<1x80xi32, #tpu.memory_space<hbm>> -> memref<80xi32, #tpu.memory_space<hbm>>
    %dma_start3A_14 = arith.constant 0 : i32
    %dma_start3A_15 = tpu.memref_slice %arg5[%add3A_10, %dma_start3A_14] : memref<4000x80xi32, #tpu.memory_space<hbm>> -> memref<1x80xi32, #tpu.memory_space<hbm>>
    %dma_start3A_16 = tpu.memref_squeeze %dma_start3A_15 : memref<1x80xi32, #tpu.memory_space<hbm>> -> memref<80xi32, #tpu.memory_space<hbm>>
    tpu.enqueue_dma source(%dma_start3A_16 : memref<80xi32, #tpu.memory_space<hbm>>) target(%arg13 : memref<80xi32, #tpu.memory_space<vmem>>) target_semaphore(%arg21 : memref<!tpu.dma_semaphore, #tpu.memory_space<semaphore_mem>>)
    %add3A_17 = arith.constant 1 : i32
    %add3A_18 = arith.addi %mul3A_0, %add3A_17 : i32
    %dma_start3A_19 = arith.constant 0 : i32
    %dma_start3A_20 = tpu.memref_slice %arg4[%add3A_18, %dma_start3A_19] : memref<4000x80xi32, #tpu.memory_space<hbm>> -> memref<1x80xi32, #tpu.memory_space<hbm>>
    %dma_start3A_21 = tpu.memref_squeeze %dma_start3A_20 : memref<1x80xi32, #tpu.memory_space<hbm>> -> memref<80xi32, #tpu.memory_space<hbm>>
    %dma_start3A_22 = arith.constant 0 : i32
    %dma_start3A_23 = tpu.memref_slice %arg4[%add3A_18, %dma_start3A_22] : memref<4000x80xi32, #tpu.memory_space<hbm>> -> memref<1x80xi32, #tpu.memory_space<hbm>>
    %dma_start3A_24 = tpu.memref_squeeze %dma_start3A_23 : memref<1x80xi32, #tpu.memory_space<hbm>> -> memref<80xi32, #tpu.memory_space<hbm>>
    tpu.enqueue_dma source(%dma_start3A_24 : memref<80xi32, #tpu.memory_space<hbm>>) target(%arg10 : memref<80xi32, #tpu.memory_space<vmem>>) target_semaphore(%arg22 : memref<!tpu.dma_semaphore, #tpu.memory_space<semaphore_mem>>)
    %add3A_25 = arith.constant 1 : i32
    %add3A_26 = arith.addi %mul3A_0, %add3A_25 : i32
    %dma_start3A_27 = arith.constant 0 : i32
    %dma_start3A_28 = tpu.memref_slice %arg5[%add3A_26, %dma_start3A_27] : memref<4000x80xi32, #tpu.memory_space<hbm>> -> memref<1x80xi32, #tpu.memory_space<hbm>>
    %dma_start3A_29 = tpu.memref_squeeze %dma_start3A_28 : memref<1x80xi32, #tpu.memory_space<hbm>> -> memref<80xi32, #tpu.memory_space<hbm>>
    %dma_start3A_30 = arith.constant 0 : i32
    %dma_start3A_31 = tpu.memref_slice %arg5[%add3A_26, %dma_start3A_30] : memref<4000x80xi32, #tpu.memory_space<hbm>> -> memref<1x80xi32, #tpu.memory_space<hbm>>
    %dma_start3A_32 = tpu.memref_squeeze %dma_start3A_31 : memref<1x80xi32, #tpu.memory_space<hbm>> -> memref<80xi32, #tpu.memory_space<hbm>>
    tpu.enqueue_dma source(%dma_start3A_32 : memref<80xi32, #tpu.memory_space<hbm>>) target(%arg14 : memref<80xi32, #tpu.memory_space<vmem>>) target_semaphore(%arg22 : memref<!tpu.dma_semaphore, #tpu.memory_space<semaphore_mem>>)
    %add3A_33 = arith.constant 2 : i32
    %add3A_34 = arith.addi %mul3A_0, %add3A_33 : i32
    %dma_start3A_35 = arith.constant 0 : i32
    %dma_start3A_36 = tpu.memref_slice %arg4[%add3A_34, %dma_start3A_35] : memref<4000x80xi32, #tpu.memory_space<hbm>> -> memref<1x80xi32, #tpu.memory_space<hbm>>
    %dma_start3A_37 = tpu.memref_squeeze %dma_start3A_36 : memref<1x80xi32, #tpu.memory_space<hbm>> -> memref<80xi32, #tpu.memory_space<hbm>>
    %dma_start3A_38 = arith.constant 0 : i32
    %dma_start3A_39 = tpu.memref_slice %arg4[%add3A_34, %dma_start3A_38] : memref<4000x80xi32, #tpu.memory_space<hbm>> -> memref<1x80xi32, #tpu.memory_space<hbm>>
    %dma_start3A_40 = tpu.memref_squeeze %dma_start3A_39 : memref<1x80xi32, #tpu.memory_space<hbm>> -> memref<80xi32, #tpu.memory_space<hbm>>
    tpu.enqueue_dma source(%dma_start3A_40 : memref<80xi32, #tpu.memory_space<hbm>>) target(%arg11 : memref<80xi32, #tpu.memory_space<vmem>>) target_semaphore(%arg23 : memref<!tpu.dma_semaphore, #tpu.memory_space<semaphore_mem>>)
    %add3A_41 = arith.constant 2 : i32
    %add3A_42 = arith.addi %mul3A_0, %add3A_41 : i32
    %dma_start3A_43 = arith.constant 0 : i32
    %dma_start3A_44 = tpu.memref_slice %arg5[%add3A_42, %dma_start3A_43] : memref<4000x80xi32, #tpu.memory_space<hbm>> -> memref<1x80xi32, #tpu.memory_space<hbm>>
    %dma_start3A_45 = tpu.memref_squeeze %dma_start3A_44 : memref<1x80xi32, #tpu.memory_space<hbm>> -> memref<80xi32, #tpu.memory_space<hbm>>
    %dma_start3A_46 = arith.constant 0 : i32
    %dma_start3A_47 = tpu.memref_slice %arg5[%add3A_42, %dma_start3A_46] : memref<4000x80xi32, #tpu.memory_space<hbm>> -> memref<1x80xi32, #tpu.memory_space<hbm>>
    %dma_start3A_48 = tpu.memref_squeeze %dma_start3A_47 : memref<1x80xi32, #tpu.memory_space<hbm>> -> memref<80xi32, #tpu.memory_space<hbm>>
    tpu.enqueue_dma source(%dma_start3A_48 : memref<80xi32, #tpu.memory_space<hbm>>) target(%arg15 : memref<80xi32, #tpu.memory_space<vmem>>) target_semaphore(%arg23 : memref<!tpu.dma_semaphore, #tpu.memory_space<semaphore_mem>>)
    %dma_wait3A = arith.constant 0 : i32
    %dma_wait3A_49 = tpu.memref_slice %arg4[%mul3A_0, %dma_wait3A] : memref<4000x80xi32, #tpu.memory_space<hbm>> -> memref<1x80xi32, #tpu.memory_space<hbm>>
    %dma_wait3A_50 = tpu.memref_squeeze %dma_wait3A_49 : memref<1x80xi32, #tpu.memory_space<hbm>> -> memref<80xi32, #tpu.memory_space<hbm>>
    %dma_wait3A_51 = arith.constant 0 : i32
    %dma_wait3A_52 = tpu.memref_slice %arg4[%mul3A_0, %dma_wait3A_51] : memref<4000x80xi32, #tpu.memory_space<hbm>> -> memref<1x80xi32, #tpu.memory_space<hbm>>
    %dma_wait3A_53 = tpu.memref_squeeze %dma_wait3A_52 : memref<1x80xi32, #tpu.memory_space<hbm>> -> memref<80xi32, #tpu.memory_space<hbm>>
    tpu.wait_dma2 semaphore(%arg21 : memref<!tpu.dma_semaphore, #tpu.memory_space<semaphore_mem>>) src(%dma_wait3A_53 : memref<80xi32, #tpu.memory_space<hbm>>) dst(%arg9 : memref<80xi32, #tpu.memory_space<vmem>>)
    %dma_wait3A_54 = arith.constant 0 : i32
    %dma_wait3A_55 = tpu.memref_slice %arg5[%mul3A_0, %dma_wait3A_54] : memref<4000x80xi32, #tpu.memory_space<hbm>> -> memref<1x80xi32, #tpu.memory_space<hbm>>
    %dma_wait3A_56 = tpu.memref_squeeze %dma_wait3A_55 : memref<1x80xi32, #tpu.memory_space<hbm>> -> memref<80xi32, #tpu.memory_space<hbm>>
    %dma_wait3A_57 = arith.constant 0 : i32
    %dma_wait3A_58 = tpu.memref_slice %arg5[%mul3A_0, %dma_wait3A_57] : memref<4000x80xi32, #tpu.memory_space<hbm>> -> memref<1x80xi32, #tpu.memory_space<hbm>>
    %dma_wait3A_59 = tpu.memref_squeeze %dma_wait3A_58 : memref<1x80xi32, #tpu.memory_space<hbm>> -> memref<80xi32, #tpu.memory_space<hbm>>
    tpu.wait_dma2 semaphore(%arg21 : memref<!tpu.dma_semaphore, #tpu.memory_space<semaphore_mem>>) src(%dma_wait3A_59 : memref<80xi32, #tpu.memory_space<hbm>>) dst(%arg13 : memref<80xi32, #tpu.memory_space<vmem>>)
    %eq3A = arith.constant 0 : i32
    %eq3A_60 = arith.cmpi eq, %arg0, %eq3A : i32
    %convert_element_type3A_61 = arith.extui %eq3A_60 : i1 to i32
    %cond3A_62 = arith.constant 0 : i32
    %cond3A_63 = arith.cmpi ne, %convert_element_type3A_61, %cond3A_62 : i32
    scf.if %cond3A_63 {
      %dma_start3A_297 = arith.constant 0 : i32
      %dma_start3A_298 = arith.constant 0 : i32
      %dma_start3A_299 = tpu.memref_slice %arg2[%dma_start3A_297, %dma_start3A_298] : memref<40000x128xf32, #tpu.memory_space<hbm>> -> memref<40000x128xf32, #tpu.memory_space<hbm>>
      tpu.enqueue_indirect_dma source(%dma_start3A_299 : memref<40000x128xf32, #tpu.memory_space<hbm>>) target(%arg17 : memref<80x128xf32, #tpu.memory_space<vmem>>) offsets(%arg9 : memref<80xi32, #tpu.memory_space<vmem>>) semaphore(%arg25 : memref<!tpu.dma_semaphore, #tpu.memory_space<semaphore_mem>>)
    } else {
    }
    %ne3A = arith.constant 0 : i32
    %ne3A_64 = arith.cmpi ne, %arg0, %ne3A : i32
    %convert_element_type3A_65 = arith.extui %ne3A_64 : i1 to i32
    %cond3A_66 = arith.constant 0 : i32
    %cond3A_67 = arith.cmpi ne, %convert_element_type3A_65, %cond3A_66 : i32
    scf.if %cond3A_67 {
      %dma_start3A_297 = arith.constant 0 : i32
      %dma_start3A_298 = arith.constant 0 : i32
      %dma_start3A_299 = tpu.memref_slice %arg3[%dma_start3A_297, %dma_start3A_298] : memref<40000x128xf32, #tpu.memory_space<hbm>> -> memref<40000x128xf32, #tpu.memory_space<hbm>>
      tpu.enqueue_indirect_dma source(%dma_start3A_299 : memref<40000x128xf32, #tpu.memory_space<hbm>>) target(%arg17 : memref<80x128xf32, #tpu.memory_space<vmem>>) offsets(%arg9 : memref<80xi32, #tpu.memory_space<vmem>>) semaphore(%arg25 : memref<!tpu.dma_semaphore, #tpu.memory_space<semaphore_mem>>)
    } else {
    }
    %dma_wait3A_68 = arith.constant 0 : i32
    %dma_wait3A_69 = tpu.memref_slice %arg4[%mul3A_0, %dma_wait3A_68] : memref<4000x80xi32, #tpu.memory_space<hbm>> -> memref<1x80xi32, #tpu.memory_space<hbm>>
    %dma_wait3A_70 = tpu.memref_squeeze %dma_wait3A_69 : memref<1x80xi32, #tpu.memory_space<hbm>> -> memref<80xi32, #tpu.memory_space<hbm>>
    %dma_wait3A_71 = arith.constant 0 : i32
    %dma_wait3A_72 = tpu.memref_slice %arg4[%mul3A_0, %dma_wait3A_71] : memref<4000x80xi32, #tpu.memory_space<hbm>> -> memref<1x80xi32, #tpu.memory_space<hbm>>
    %dma_wait3A_73 = tpu.memref_squeeze %dma_wait3A_72 : memref<1x80xi32, #tpu.memory_space<hbm>> -> memref<80xi32, #tpu.memory_space<hbm>>
    tpu.wait_dma2 semaphore(%arg22 : memref<!tpu.dma_semaphore, #tpu.memory_space<semaphore_mem>>) src(%dma_wait3A_73 : memref<80xi32, #tpu.memory_space<hbm>>) dst(%arg10 : memref<80xi32, #tpu.memory_space<vmem>>)
    %dma_wait3A_74 = arith.constant 0 : i32
    %dma_wait3A_75 = tpu.memref_slice %arg5[%mul3A_0, %dma_wait3A_74] : memref<4000x80xi32, #tpu.memory_space<hbm>> -> memref<1x80xi32, #tpu.memory_space<hbm>>
    %dma_wait3A_76 = tpu.memref_squeeze %dma_wait3A_75 : memref<1x80xi32, #tpu.memory_space<hbm>> -> memref<80xi32, #tpu.memory_space<hbm>>
    %dma_wait3A_77 = arith.constant 0 : i32
    %dma_wait3A_78 = tpu.memref_slice %arg5[%mul3A_0, %dma_wait3A_77] : memref<4000x80xi32, #tpu.memory_space<hbm>> -> memref<1x80xi32, #tpu.memory_space<hbm>>
    %dma_wait3A_79 = tpu.memref_squeeze %dma_wait3A_78 : memref<1x80xi32, #tpu.memory_space<hbm>> -> memref<80xi32, #tpu.memory_space<hbm>>
    tpu.wait_dma2 semaphore(%arg22 : memref<!tpu.dma_semaphore, #tpu.memory_space<semaphore_mem>>) src(%dma_wait3A_79 : memref<80xi32, #tpu.memory_space<hbm>>) dst(%arg14 : memref<80xi32, #tpu.memory_space<vmem>>)
    %eq3A_80 = arith.constant 0 : i32
    %eq3A_81 = arith.cmpi eq, %arg0, %eq3A_80 : i32
    %convert_element_type3A_82 = arith.extui %eq3A_81 : i1 to i32
    %cond3A_83 = arith.constant 0 : i32
    %cond3A_84 = arith.cmpi ne, %convert_element_type3A_82, %cond3A_83 : i32
    scf.if %cond3A_84 {
      %dma_start3A_297 = arith.constant 0 : i32
      %dma_start3A_298 = arith.constant 0 : i32
      %dma_start3A_299 = tpu.memref_slice %arg2[%dma_start3A_297, %dma_start3A_298] : memref<40000x128xf32, #tpu.memory_space<hbm>> -> memref<40000x128xf32, #tpu.memory_space<hbm>>
      tpu.enqueue_indirect_dma source(%dma_start3A_299 : memref<40000x128xf32, #tpu.memory_space<hbm>>) target(%arg18 : memref<80x128xf32, #tpu.memory_space<vmem>>) offsets(%arg10 : memref<80xi32, #tpu.memory_space<vmem>>) semaphore(%arg26 : memref<!tpu.dma_semaphore, #tpu.memory_space<semaphore_mem>>)
    } else {
    }
    %ne3A_85 = arith.constant 0 : i32
    %ne3A_86 = arith.cmpi ne, %arg0, %ne3A_85 : i32
    %convert_element_type3A_87 = arith.extui %ne3A_86 : i1 to i32
    %cond3A_88 = arith.constant 0 : i32
    %cond3A_89 = arith.cmpi ne, %convert_element_type3A_87, %cond3A_88 : i32
    scf.if %cond3A_89 {
      %dma_start3A_297 = arith.constant 0 : i32
      %dma_start3A_298 = arith.constant 0 : i32
      %dma_start3A_299 = tpu.memref_slice %arg3[%dma_start3A_297, %dma_start3A_298] : memref<40000x128xf32, #tpu.memory_space<hbm>> -> memref<40000x128xf32, #tpu.memory_space<hbm>>
      tpu.enqueue_indirect_dma source(%dma_start3A_299 : memref<40000x128xf32, #tpu.memory_space<hbm>>) target(%arg18 : memref<80x128xf32, #tpu.memory_space<vmem>>) offsets(%arg10 : memref<80xi32, #tpu.memory_space<vmem>>) semaphore(%arg26 : memref<!tpu.dma_semaphore, #tpu.memory_space<semaphore_mem>>)
    } else {
    }
    %eq3A_90 = arith.constant 0 : i32
    %eq3A_91 = arith.cmpi eq, %arg0, %eq3A_90 : i32
    %convert_element_type3A_92 = arith.extui %eq3A_91 : i1 to i32
    %cond3A_93 = arith.constant 0 : i32
    %cond3A_94 = arith.cmpi ne, %convert_element_type3A_92, %cond3A_93 : i32
    scf.if %cond3A_94 {
      %dma_wait3A_297 = arith.constant 0 : i32
      %dma_wait3A_298 = arith.constant 0 : i32
      %dma_wait3A_299 = tpu.memref_slice %arg2[%dma_wait3A_297, %dma_wait3A_298] : memref<40000x128xf32, #tpu.memory_space<hbm>> -> memref<40000x128xf32, #tpu.memory_space<hbm>>
      tpu.wait_indirect_dma semaphore(%arg25 : memref<!tpu.dma_semaphore, #tpu.memory_space<semaphore_mem>>) src(%dma_wait3A_299 : memref<40000x128xf32, #tpu.memory_space<hbm>>) dst(%arg17 : memref<80x128xf32, #tpu.memory_space<vmem>>)
    } else {
    }
    %ne3A_95 = arith.constant 0 : i32
    %ne3A_96 = arith.cmpi ne, %arg0, %ne3A_95 : i32
    %convert_element_type3A_97 = arith.extui %ne3A_96 : i1 to i32
    %cond3A_98 = arith.constant 0 : i32
    %cond3A_99 = arith.cmpi ne, %convert_element_type3A_97, %cond3A_98 : i32
    scf.if %cond3A_99 {
      %dma_wait3A_297 = arith.constant 0 : i32
      %dma_wait3A_298 = arith.constant 0 : i32
      %dma_wait3A_299 = tpu.memref_slice %arg3[%dma_wait3A_297, %dma_wait3A_298] : memref<40000x128xf32, #tpu.memory_space<hbm>> -> memref<40000x128xf32, #tpu.memory_space<hbm>>
      tpu.wait_indirect_dma semaphore(%arg25 : memref<!tpu.dma_semaphore, #tpu.memory_space<semaphore_mem>>) src(%dma_wait3A_299 : memref<40000x128xf32, #tpu.memory_space<hbm>>) dst(%arg17 : memref<80x128xf32, #tpu.memory_space<vmem>>)
    } else {
    }
    "tpu.region"() ({
      %run_scoped3A = tpu.sem_alloc : memref<!tpu.dma_semaphore, #tpu.memory_space<semaphore_mem>>
      %dma_start3A_297 = arith.constant 0 : i32
      %dma_start3A_298 = arith.constant 0 : i32
      %dma_start3A_299 = tpu.memref_slice %arg8[%dma_start3A_297, %dma_start3A_298] : memref<10000x128xf32, #tpu.memory_space<vmem_shared>> -> memref<10000x128xf32, #tpu.memory_space<vmem_shared>>
      tpu.enqueue_indirect_dma source(%arg17 : memref<80x128xf32, #tpu.memory_space<vmem>>) target(%dma_start3A_299 : memref<10000x128xf32, #tpu.memory_space<vmem_shared>>) offsets(%arg13 : memref<80xi32, #tpu.memory_space<vmem>>) semaphore(%run_scoped3A : memref<!tpu.dma_semaphore, #tpu.memory_space<semaphore_mem>>) {add = true}
      %dma_wait3A_300 = arith.constant 0 : i32
      %dma_wait3A_301 = arith.constant 0 : i32
      %dma_wait3A_302 = tpu.memref_slice %arg8[%dma_wait3A_300, %dma_wait3A_301] : memref<10000x128xf32, #tpu.memory_space<vmem_shared>> -> memref<10000x128xf32, #tpu.memory_space<vmem_shared>>
      tpu.wait_indirect_dma semaphore(%run_scoped3A : memref<!tpu.dma_semaphore, #tpu.memory_space<semaphore_mem>>) src(%arg17 : memref<80x128xf32, #tpu.memory_space<vmem>>) dst(%dma_wait3A_302 : memref<10000x128xf32, #tpu.memory_space<vmem_shared>>)
      tpu.yield
    }) : () -> ()
    %add3A_100 = arith.constant 3 : i32
    %add3A_101 = arith.addi %mul3A_0, %add3A_100 : i32
    %dma_start3A_102 = arith.constant 0 : i32
    %dma_start3A_103 = tpu.memref_slice %arg4[%add3A_101, %dma_start3A_102] : memref<4000x80xi32, #tpu.memory_space<hbm>> -> memref<1x80xi32, #tpu.memory_space<hbm>>
    %dma_start3A_104 = tpu.memref_squeeze %dma_start3A_103 : memref<1x80xi32, #tpu.memory_space<hbm>> -> memref<80xi32, #tpu.memory_space<hbm>>
    %dma_start3A_105 = arith.constant 0 : i32
    %dma_start3A_106 = tpu.memref_slice %arg4[%add3A_101, %dma_start3A_105] : memref<4000x80xi32, #tpu.memory_space<hbm>> -> memref<1x80xi32, #tpu.memory_space<hbm>>
    %dma_start3A_107 = tpu.memref_squeeze %dma_start3A_106 : memref<1x80xi32, #tpu.memory_space<hbm>> -> memref<80xi32, #tpu.memory_space<hbm>>
    tpu.enqueue_dma source(%dma_start3A_107 : memref<80xi32, #tpu.memory_space<hbm>>) target(%arg12 : memref<80xi32, #tpu.memory_space<vmem>>) target_semaphore(%arg24 : memref<!tpu.dma_semaphore, #tpu.memory_space<semaphore_mem>>)
    %add3A_108 = arith.constant 3 : i32
    %add3A_109 = arith.addi %mul3A_0, %add3A_108 : i32
    %dma_start3A_110 = arith.constant 0 : i32
    %dma_start3A_111 = tpu.memref_slice %arg5[%add3A_109, %dma_start3A_110] : memref<4000x80xi32, #tpu.memory_space<hbm>> -> memref<1x80xi32, #tpu.memory_space<hbm>>
    %dma_start3A_112 = tpu.memref_squeeze %dma_start3A_111 : memref<1x80xi32, #tpu.memory_space<hbm>> -> memref<80xi32, #tpu.memory_space<hbm>>
    %dma_start3A_113 = arith.constant 0 : i32
    %dma_start3A_114 = tpu.memref_slice %arg5[%add3A_109, %dma_start3A_113] : memref<4000x80xi32, #tpu.memory_space<hbm>> -> memref<1x80xi32, #tpu.memory_space<hbm>>
    %dma_start3A_115 = tpu.memref_squeeze %dma_start3A_114 : memref<1x80xi32, #tpu.memory_space<hbm>> -> memref<80xi32, #tpu.memory_space<hbm>>
    tpu.enqueue_dma source(%dma_start3A_115 : memref<80xi32, #tpu.memory_space<hbm>>) target(%arg16 : memref<80xi32, #tpu.memory_space<vmem>>) target_semaphore(%arg24 : memref<!tpu.dma_semaphore, #tpu.memory_space<semaphore_mem>>)
    %scan3A = arith.constant 0 : i32
    %scan3A_116 = arith.constant 0 : i32
    %scan3A_117 = arith.constant 61 : i32
    %scan3A_118 = arith.addi %scan3A_116, %scan3A_117 : i32
    %scan3A_119 = arith.constant 1 : i32
    scf.for %scan3A_297 = %scan3A_116 to %scan3A_118 step %scan3A_119  : i32 {
      %mul3A_298 = arith.constant 4 : i32
      %mul3A_299 = arith.muli %scan3A_297, %mul3A_298 : i32
      %add3A_300 = arith.constant 1 : i32
      %add3A_301 = arith.addi %mul3A_299, %add3A_300 : i32
      %add3A_302 = arith.constant 0 : i32
      %add3A_303 = arith.addi %add3A_301, %add3A_302 : i32
      %dma_wait3A_304 = arith.constant 0 : i32
      %dma_wait3A_305 = tpu.memref_slice %arg4[%mul3A_0, %dma_wait3A_304] : memref<4000x80xi32, #tpu.memory_space<hbm>> -> memref<1x80xi32, #tpu.memory_space<hbm>>
      %dma_wait3A_306 = tpu.memref_squeeze %dma_wait3A_305 : memref<1x80xi32, #tpu.memory_space<hbm>> -> memref<80xi32, #tpu.memory_space<hbm>>
      %dma_wait3A_307 = arith.constant 0 : i32
      %dma_wait3A_308 = tpu.memref_slice %arg4[%mul3A_0, %dma_wait3A_307] : memref<4000x80xi32, #tpu.memory_space<hbm>> -> memref<1x80xi32, #tpu.memory_space<hbm>>
      %dma_wait3A_309 = tpu.memref_squeeze %dma_wait3A_308 : memref<1x80xi32, #tpu.memory_space<hbm>> -> memref<80xi32, #tpu.memory_space<hbm>>
      tpu.wait_dma2 semaphore(%arg23 : memref<!tpu.dma_semaphore, #tpu.memory_space<semaphore_mem>>) src(%dma_wait3A_309 : memref<80xi32, #tpu.memory_space<hbm>>) dst(%arg11 : memref<80xi32, #tpu.memory_space<vmem>>)
      %dma_wait3A_310 = arith.constant 0 : i32
      %dma_wait3A_311 = tpu.memref_slice %arg5[%mul3A_0, %dma_wait3A_310] : memref<4000x80xi32, #tpu.memory_space<hbm>> -> memref<1x80xi32, #tpu.memory_space<hbm>>
      %dma_wait3A_312 = tpu.memref_squeeze %dma_wait3A_311 : memref<1x80xi32, #tpu.memory_space<hbm>> -> memref<80xi32, #tpu.memory_space<hbm>>
      %dma_wait3A_313 = arith.constant 0 : i32
      %dma_wait3A_314 = tpu.memref_slice %arg5[%mul3A_0, %dma_wait3A_313] : memref<4000x80xi32, #tpu.memory_space<hbm>> -> memref<1x80xi32, #tpu.memory_space<hbm>>
      %dma_wait3A_315 = tpu.memref_squeeze %dma_wait3A_314 : memref<1x80xi32, #tpu.memory_space<hbm>> -> memref<80xi32, #tpu.memory_space<hbm>>
      tpu.wait_dma2 semaphore(%arg23 : memref<!tpu.dma_semaphore, #tpu.memory_space<semaphore_mem>>) src(%dma_wait3A_315 : memref<80xi32, #tpu.memory_space<hbm>>) dst(%arg15 : memref<80xi32, #tpu.memory_space<vmem>>)
      %add3A_316 = arith.constant 1 : i32
      %add3A_317 = arith.addi %add3A_303, %add3A_316 : i32
      %eq3A_318 = arith.constant 0 : i32
      %eq3A_319 = arith.cmpi eq, %arg0, %eq3A_318 : i32
      %convert_element_type3A_320 = arith.extui %eq3A_319 : i1 to i32
      %cond3A_321 = arith.constant 0 : i32
      %cond3A_322 = arith.cmpi ne, %convert_element_type3A_320, %cond3A_321 : i32
      scf.if %cond3A_322 {
        %dma_start3A_522 = arith.constant 0 : i32
        %dma_start3A_523 = arith.constant 0 : i32
        %dma_start3A_524 = tpu.memref_slice %arg2[%dma_start3A_522, %dma_start3A_523] : memref<40000x128xf32, #tpu.memory_space<hbm>> -> memref<40000x128xf32, #tpu.memory_space<hbm>>
        tpu.enqueue_indirect_dma source(%dma_start3A_524 : memref<40000x128xf32, #tpu.memory_space<hbm>>) target(%arg19 : memref<80x128xf32, #tpu.memory_space<vmem>>) offsets(%arg11 : memref<80xi32, #tpu.memory_space<vmem>>) semaphore(%arg27 : memref<!tpu.dma_semaphore, #tpu.memory_space<semaphore_mem>>)
      } else {
      }
      %ne3A_323 = arith.constant 0 : i32
      %ne3A_324 = arith.cmpi ne, %arg0, %ne3A_323 : i32
      %convert_element_type3A_325 = arith.extui %ne3A_324 : i1 to i32
      %cond3A_326 = arith.constant 0 : i32
      %cond3A_327 = arith.cmpi ne, %convert_element_type3A_325, %cond3A_326 : i32
      scf.if %cond3A_327 {
        %dma_start3A_522 = arith.constant 0 : i32
        %dma_start3A_523 = arith.constant 0 : i32
        %dma_start3A_524 = tpu.memref_slice %arg3[%dma_start3A_522, %dma_start3A_523] : memref<40000x128xf32, #tpu.memory_space<hbm>> -> memref<40000x128xf32, #tpu.memory_space<hbm>>
        tpu.enqueue_indirect_dma source(%dma_start3A_524 : memref<40000x128xf32, #tpu.memory_space<hbm>>) target(%arg19 : memref<80x128xf32, #tpu.memory_space<vmem>>) offsets(%arg11 : memref<80xi32, #tpu.memory_space<vmem>>) semaphore(%arg27 : memref<!tpu.dma_semaphore, #tpu.memory_space<semaphore_mem>>)
      } else {
      }
      %eq3A_328 = arith.constant 0 : i32
      %eq3A_329 = arith.cmpi eq, %arg0, %eq3A_328 : i32
      %convert_element_type3A_330 = arith.extui %eq3A_329 : i1 to i32
      %cond3A_331 = arith.constant 0 : i32
      %cond3A_332 = arith.cmpi ne, %convert_element_type3A_330, %cond3A_331 : i32
      scf.if %cond3A_332 {
        %dma_wait3A_522 = arith.constant 0 : i32
        %dma_wait3A_523 = arith.constant 0 : i32
        %dma_wait3A_524 = tpu.memref_slice %arg2[%dma_wait3A_522, %dma_wait3A_523] : memref<40000x128xf32, #tpu.memory_space<hbm>> -> memref<40000x128xf32, #tpu.memory_space<hbm>>
        tpu.wait_indirect_dma semaphore(%arg26 : memref<!tpu.dma_semaphore, #tpu.memory_space<semaphore_mem>>) src(%dma_wait3A_524 : memref<40000x128xf32, #tpu.memory_space<hbm>>) dst(%arg18 : memref<80x128xf32, #tpu.memory_space<vmem>>)
      } else {
      }
      %ne3A_333 = arith.constant 0 : i32
      %ne3A_334 = arith.cmpi ne, %arg0, %ne3A_333 : i32
      %convert_element_type3A_335 = arith.extui %ne3A_334 : i1 to i32
      %cond3A_336 = arith.constant 0 : i32
      %cond3A_337 = arith.cmpi ne, %convert_element_type3A_335, %cond3A_336 : i32
      scf.if %cond3A_337 {
        %dma_wait3A_522 = arith.constant 0 : i32
        %dma_wait3A_523 = arith.constant 0 : i32
        %dma_wait3A_524 = tpu.memref_slice %arg3[%dma_wait3A_522, %dma_wait3A_523] : memref<40000x128xf32, #tpu.memory_space<hbm>> -> memref<40000x128xf32, #tpu.memory_space<hbm>>
        tpu.wait_indirect_dma semaphore(%arg26 : memref<!tpu.dma_semaphore, #tpu.memory_space<semaphore_mem>>) src(%dma_wait3A_524 : memref<40000x128xf32, #tpu.memory_space<hbm>>) dst(%arg18 : memref<80x128xf32, #tpu.memory_space<vmem>>)
      } else {
      }
      "tpu.region"() ({
        %run_scoped3A = tpu.sem_alloc : memref<!tpu.dma_semaphore, #tpu.memory_space<semaphore_mem>>
        %dma_start3A_522 = arith.constant 0 : i32
        %dma_start3A_523 = arith.constant 0 : i32
        %dma_start3A_524 = tpu.memref_slice %arg8[%dma_start3A_522, %dma_start3A_523] : memref<10000x128xf32, #tpu.memory_space<vmem_shared>> -> memref<10000x128xf32, #tpu.memory_space<vmem_shared>>
        tpu.enqueue_indirect_dma source(%arg18 : memref<80x128xf32, #tpu.memory_space<vmem>>) target(%dma_start3A_524 : memref<10000x128xf32, #tpu.memory_space<vmem_shared>>) offsets(%arg14 : memref<80xi32, #tpu.memory_space<vmem>>) semaphore(%run_scoped3A : memref<!tpu.dma_semaphore, #tpu.memory_space<semaphore_mem>>) {add = true}
        %dma_wait3A_525 = arith.constant 0 : i32
        %dma_wait3A_526 = arith.constant 0 : i32
        %dma_wait3A_527 = tpu.memref_slice %arg8[%dma_wait3A_525, %dma_wait3A_526] : memref<10000x128xf32, #tpu.memory_space<vmem_shared>> -> memref<10000x128xf32, #tpu.memory_space<vmem_shared>>
        tpu.wait_indirect_dma semaphore(%run_scoped3A : memref<!tpu.dma_semaphore, #tpu.memory_space<semaphore_mem>>) src(%arg18 : memref<80x128xf32, #tpu.memory_space<vmem>>) dst(%dma_wait3A_527 : memref<10000x128xf32, #tpu.memory_space<vmem_shared>>)
        tpu.yield
      }) : () -> ()
      %add3A_338 = arith.constant 3 : i32
      %add3A_339 = arith.addi %add3A_303, %add3A_338 : i32
      %add3A_340 = arith.addi %mul3A_0, %add3A_339 : i32
      %dma_start3A_341 = arith.constant 0 : i32
      %dma_start3A_342 = tpu.memref_slice %arg4[%add3A_340, %dma_start3A_341] : memref<4000x80xi32, #tpu.memory_space<hbm>> -> memref<1x80xi32, #tpu.memory_space<hbm>>
      %dma_start3A_343 = tpu.memref_squeeze %dma_start3A_342 : memref<1x80xi32, #tpu.memory_space<hbm>> -> memref<80xi32, #tpu.memory_space<hbm>>
      %dma_start3A_344 = arith.constant 0 : i32
      %dma_start3A_345 = tpu.memref_slice %arg4[%add3A_340, %dma_start3A_344] : memref<4000x80xi32, #tpu.memory_space<hbm>> -> memref<1x80xi32, #tpu.memory_space<hbm>>
      %dma_start3A_346 = tpu.memref_squeeze %dma_start3A_345 : memref<1x80xi32, #tpu.memory_space<hbm>> -> memref<80xi32, #tpu.memory_space<hbm>>
      tpu.enqueue_dma source(%dma_start3A_346 : memref<80xi32, #tpu.memory_space<hbm>>) target(%arg9 : memref<80xi32, #tpu.memory_space<vmem>>) target_semaphore(%arg21 : memref<!tpu.dma_semaphore, #tpu.memory_space<semaphore_mem>>)
      %add3A_347 = arith.addi %mul3A_0, %add3A_339 : i32
      %dma_start3A_348 = arith.constant 0 : i32
      %dma_start3A_349 = tpu.memref_slice %arg5[%add3A_347, %dma_start3A_348] : memref<4000x80xi32, #tpu.memory_space<hbm>> -> memref<1x80xi32, #tpu.memory_space<hbm>>
      %dma_start3A_350 = tpu.memref_squeeze %dma_start3A_349 : memref<1x80xi32, #tpu.memory_space<hbm>> -> memref<80xi32, #tpu.memory_space<hbm>>
      %dma_start3A_351 = arith.constant 0 : i32
      %dma_start3A_352 = tpu.memref_slice %arg5[%add3A_347, %dma_start3A_351] : memref<4000x80xi32, #tpu.memory_space<hbm>> -> memref<1x80xi32, #tpu.memory_space<hbm>>
      %dma_start3A_353 = tpu.memref_squeeze %dma_start3A_352 : memref<1x80xi32, #tpu.memory_space<hbm>> -> memref<80xi32, #tpu.memory_space<hbm>>
      tpu.enqueue_dma source(%dma_start3A_353 : memref<80xi32, #tpu.memory_space<hbm>>) target(%arg13 : memref<80xi32, #tpu.memory_space<vmem>>) target_semaphore(%arg21 : memref<!tpu.dma_semaphore, #tpu.memory_space<semaphore_mem>>)
      %mul3A_354 = arith.constant 4 : i32
      %mul3A_355 = arith.muli %scan3A_297, %mul3A_354 : i32
      %add3A_356 = arith.constant 1 : i32
      %add3A_357 = arith.addi %mul3A_355, %add3A_356 : i32
      %add3A_358 = arith.constant 1 : i32
      %add3A_359 = arith.addi %add3A_357, %add3A_358 : i32
      %dma_wait3A_360 = arith.constant 0 : i32
      %dma_wait3A_361 = tpu.memref_slice %arg4[%mul3A_0, %dma_wait3A_360] : memref<4000x80xi32, #tpu.memory_space<hbm>> -> memref<1x80xi32, #tpu.memory_space<hbm>>
      %dma_wait3A_362 = tpu.memref_squeeze %dma_wait3A_361 : memref<1x80xi32, #tpu.memory_space<hbm>> -> memref<80xi32, #tpu.memory_space<hbm>>
      %dma_wait3A_363 = arith.constant 0 : i32
      %dma_wait3A_364 = tpu.memref_slice %arg4[%mul3A_0, %dma_wait3A_363] : memref<4000x80xi32, #tpu.memory_space<hbm>> -> memref<1x80xi32, #tpu.memory_space<hbm>>
      %dma_wait3A_365 = tpu.memref_squeeze %dma_wait3A_364 : memref<1x80xi32, #tpu.memory_space<hbm>> -> memref<80xi32, #tpu.memory_space<hbm>>
      tpu.wait_dma2 semaphore(%arg24 : memref<!tpu.dma_semaphore, #tpu.memory_space<semaphore_mem>>) src(%dma_wait3A_365 : memref<80xi32, #tpu.memory_space<hbm>>) dst(%arg12 : memref<80xi32, #tpu.memory_space<vmem>>)
      %dma_wait3A_366 = arith.constant 0 : i32
      %dma_wait3A_367 = tpu.memref_slice %arg5[%mul3A_0, %dma_wait3A_366] : memref<4000x80xi32, #tpu.memory_space<hbm>> -> memref<1x80xi32, #tpu.memory_space<hbm>>
      %dma_wait3A_368 = tpu.memref_squeeze %dma_wait3A_367 : memref<1x80xi32, #tpu.memory_space<hbm>> -> memref<80xi32, #tpu.memory_space<hbm>>
      %dma_wait3A_369 = arith.constant 0 : i32
      %dma_wait3A_370 = tpu.memref_slice %arg5[%mul3A_0, %dma_wait3A_369] : memref<4000x80xi32, #tpu.memory_space<hbm>> -> memref<1x80xi32, #tpu.memory_space<hbm>>
      %dma_wait3A_371 = tpu.memref_squeeze %dma_wait3A_370 : memref<1x80xi32, #tpu.memory_space<hbm>> -> memref<80xi32, #tpu.memory_space<hbm>>
      tpu.wait_dma2 semaphore(%arg24 : memref<!tpu.dma_semaphore, #tpu.memory_space<semaphore_mem>>) src(%dma_wait3A_371 : memref<80xi32, #tpu.memory_space<hbm>>) dst(%arg16 : memref<80xi32, #tpu.memory_space<vmem>>)
      %add3A_372 = arith.constant 1 : i32
      %add3A_373 = arith.addi %add3A_359, %add3A_372 : i32
      %eq3A_374 = arith.constant 0 : i32
      %eq3A_375 = arith.cmpi eq, %arg0, %eq3A_374 : i32
      %convert_element_type3A_376 = arith.extui %eq3A_375 : i1 to i32
      %cond3A_377 = arith.constant 0 : i32
      %cond3A_378 = arith.cmpi ne, %convert_element_type3A_376, %cond3A_377 : i32
      scf.if %cond3A_378 {
        %dma_start3A_522 = arith.constant 0 : i32
        %dma_start3A_523 = arith.constant 0 : i32
        %dma_start3A_524 = tpu.memref_slice %arg2[%dma_start3A_522, %dma_start3A_523] : memref<40000x128xf32, #tpu.memory_space<hbm>> -> memref<40000x128xf32, #tpu.memory_space<hbm>>
        tpu.enqueue_indirect_dma source(%dma_start3A_524 : memref<40000x128xf32, #tpu.memory_space<hbm>>) target(%arg20 : memref<80x128xf32, #tpu.memory_space<vmem>>) offsets(%arg12 : memref<80xi32, #tpu.memory_space<vmem>>) semaphore(%arg28 : memref<!tpu.dma_semaphore, #tpu.memory_space<semaphore_mem>>)
      } else {
      }
      %ne3A_379 = arith.constant 0 : i32
      %ne3A_380 = arith.cmpi ne, %arg0, %ne3A_379 : i32
      %convert_element_type3A_381 = arith.extui %ne3A_380 : i1 to i32
      %cond3A_382 = arith.constant 0 : i32
      %cond3A_383 = arith.cmpi ne, %convert_element_type3A_381, %cond3A_382 : i32
      scf.if %cond3A_383 {
        %dma_start3A_522 = arith.constant 0 : i32
        %dma_start3A_523 = arith.constant 0 : i32
        %dma_start3A_524 = tpu.memref_slice %arg3[%dma_start3A_522, %dma_start3A_523] : memref<40000x128xf32, #tpu.memory_space<hbm>> -> memref<40000x128xf32, #tpu.memory_space<hbm>>
        tpu.enqueue_indirect_dma source(%dma_start3A_524 : memref<40000x128xf32, #tpu.memory_space<hbm>>) target(%arg20 : memref<80x128xf32, #tpu.memory_space<vmem>>) offsets(%arg12 : memref<80xi32, #tpu.memory_space<vmem>>) semaphore(%arg28 : memref<!tpu.dma_semaphore, #tpu.memory_space<semaphore_mem>>)
      } else {
      }
      %eq3A_384 = arith.constant 0 : i32
      %eq3A_385 = arith.cmpi eq, %arg0, %eq3A_384 : i32
      %convert_element_type3A_386 = arith.extui %eq3A_385 : i1 to i32
      %cond3A_387 = arith.constant 0 : i32
      %cond3A_388 = arith.cmpi ne, %convert_element_type3A_386, %cond3A_387 : i32
      scf.if %cond3A_388 {
        %dma_wait3A_522 = arith.constant 0 : i32
        %dma_wait3A_523 = arith.constant 0 : i32
        %dma_wait3A_524 = tpu.memref_slice %arg2[%dma_wait3A_522, %dma_wait3A_523] : memref<40000x128xf32, #tpu.memory_space<hbm>> -> memref<40000x128xf32, #tpu.memory_space<hbm>>
        tpu.wait_indirect_dma semaphore(%arg27 : memref<!tpu.dma_semaphore, #tpu.memory_space<semaphore_mem>>) src(%dma_wait3A_524 : memref<40000x128xf32, #tpu.memory_space<hbm>>) dst(%arg19 : memref<80x128xf32, #tpu.memory_space<vmem>>)
      } else {
      }
      %ne3A_389 = arith.constant 0 : i32
      %ne3A_390 = arith.cmpi ne, %arg0, %ne3A_389 : i32
      %convert_element_type3A_391 = arith.extui %ne3A_390 : i1 to i32
      %cond3A_392 = arith.constant 0 : i32
      %cond3A_393 = arith.cmpi ne, %convert_element_type3A_391, %cond3A_392 : i32
      scf.if %cond3A_393 {
        %dma_wait3A_522 = arith.constant 0 : i32
        %dma_wait3A_523 = arith.constant 0 : i32
        %dma_wait3A_524 = tpu.memref_slice %arg3[%dma_wait3A_522, %dma_wait3A_523] : memref<40000x128xf32, #tpu.memory_space<hbm>> -> memref<40000x128xf32, #tpu.memory_space<hbm>>
        tpu.wait_indirect_dma semaphore(%arg27 : memref<!tpu.dma_semaphore, #tpu.memory_space<semaphore_mem>>) src(%dma_wait3A_524 : memref<40000x128xf32, #tpu.memory_space<hbm>>) dst(%arg19 : memref<80x128xf32, #tpu.memory_space<vmem>>)
      } else {
      }
      "tpu.region"() ({
        %run_scoped3A = tpu.sem_alloc : memref<!tpu.dma_semaphore, #tpu.memory_space<semaphore_mem>>
        %dma_start3A_522 = arith.constant 0 : i32
        %dma_start3A_523 = arith.constant 0 : i32
        %dma_start3A_524 = tpu.memref_slice %arg8[%dma_start3A_522, %dma_start3A_523] : memref<10000x128xf32, #tpu.memory_space<vmem_shared>> -> memref<10000x128xf32, #tpu.memory_space<vmem_shared>>
        tpu.enqueue_indirect_dma source(%arg19 : memref<80x128xf32, #tpu.memory_space<vmem>>) target(%dma_start3A_524 : memref<10000x128xf32, #tpu.memory_space<vmem_shared>>) offsets(%arg15 : memref<80xi32, #tpu.memory_space<vmem>>) semaphore(%run_scoped3A : memref<!tpu.dma_semaphore, #tpu.memory_space<semaphore_mem>>) {add = true}
        %dma_wait3A_525 = arith.constant 0 : i32
        %dma_wait3A_526 = arith.constant 0 : i32
        %dma_wait3A_527 = tpu.memref_slice %arg8[%dma_wait3A_525, %dma_wait3A_526] : memref<10000x128xf32, #tpu.memory_space<vmem_shared>> -> memref<10000x128xf32, #tpu.memory_space<vmem_shared>>
        tpu.wait_indirect_dma semaphore(%run_scoped3A : memref<!tpu.dma_semaphore, #tpu.memory_space<semaphore_mem>>) src(%arg19 : memref<80x128xf32, #tpu.memory_space<vmem>>) dst(%dma_wait3A_527 : memref<10000x128xf32, #tpu.memory_space<vmem_shared>>)
        tpu.yield
      }) : () -> ()
      %add3A_394 = arith.constant 3 : i32
      %add3A_395 = arith.addi %add3A_359, %add3A_394 : i32
      %add3A_396 = arith.addi %mul3A_0, %add3A_395 : i32
      %dma_start3A_397 = arith.constant 0 : i32
      %dma_start3A_398 = tpu.memref_slice %arg4[%add3A_396, %dma_start3A_397] : memref<4000x80xi32, #tpu.memory_space<hbm>> -> memref<1x80xi32, #tpu.memory_space<hbm>>
      %dma_start3A_399 = tpu.memref_squeeze %dma_start3A_398 : memref<1x80xi32, #tpu.memory_space<hbm>> -> memref<80xi32, #tpu.memory_space<hbm>>
      %dma_start3A_400 = arith.constant 0 : i32
      %dma_start3A_401 = tpu.memref_slice %arg4[%add3A_396, %dma_start3A_400] : memref<4000x80xi32, #tpu.memory_space<hbm>> -> memref<1x80xi32, #tpu.memory_space<hbm>>
      %dma_start3A_402 = tpu.memref_squeeze %dma_start3A_401 : memref<1x80xi32, #tpu.memory_space<hbm>> -> memref<80xi32, #tpu.memory_space<hbm>>
      tpu.enqueue_dma source(%dma_start3A_402 : memref<80xi32, #tpu.memory_space<hbm>>) target(%arg10 : memref<80xi32, #tpu.memory_space<vmem>>) target_semaphore(%arg22 : memref<!tpu.dma_semaphore, #tpu.memory_space<semaphore_mem>>)
      %add3A_403 = arith.addi %mul3A_0, %add3A_395 : i32
      %dma_start3A_404 = arith.constant 0 : i32
      %dma_start3A_405 = tpu.memref_slice %arg5[%add3A_403, %dma_start3A_404] : memref<4000x80xi32, #tpu.memory_space<hbm>> -> memref<1x80xi32, #tpu.memory_space<hbm>>
      %dma_start3A_406 = tpu.memref_squeeze %dma_start3A_405 : memref<1x80xi32, #tpu.memory_space<hbm>> -> memref<80xi32, #tpu.memory_space<hbm>>
      %dma_start3A_407 = arith.constant 0 : i32
      %dma_start3A_408 = tpu.memref_slice %arg5[%add3A_403, %dma_start3A_407] : memref<4000x80xi32, #tpu.memory_space<hbm>> -> memref<1x80xi32, #tpu.memory_space<hbm>>
      %dma_start3A_409 = tpu.memref_squeeze %dma_start3A_408 : memref<1x80xi32, #tpu.memory_space<hbm>> -> memref<80xi32, #tpu.memory_space<hbm>>
      tpu.enqueue_dma source(%dma_start3A_409 : memref<80xi32, #tpu.memory_space<hbm>>) target(%arg14 : memref<80xi32, #tpu.memory_space<vmem>>) target_semaphore(%arg22 : memref<!tpu.dma_semaphore, #tpu.memory_space<semaphore_mem>>)
      %mul3A_410 = arith.constant 4 : i32
      %mul3A_411 = arith.muli %scan3A_297, %mul3A_410 : i32
      %add3A_412 = arith.constant 1 : i32
      %add3A_413 = arith.addi %mul3A_411, %add3A_412 : i32
      %add3A_414 = arith.constant 2 : i32
      %add3A_415 = arith.addi %add3A_413, %add3A_414 : i32
      %dma_wait3A_416 = arith.constant 0 : i32
      %dma_wait3A_417 = tpu.memref_slice %arg4[%mul3A_0, %dma_wait3A_416] : memref<4000x80xi32, #tpu.memory_space<hbm>> -> memref<1x80xi32, #tpu.memory_space<hbm>>
      %dma_wait3A_418 = tpu.memref_squeeze %dma_wait3A_417 : memref<1x80xi32, #tpu.memory_space<hbm>> -> memref<80xi32, #tpu.memory_space<hbm>>
      %dma_wait3A_419 = arith.constant 0 : i32
      %dma_wait3A_420 = tpu.memref_slice %arg4[%mul3A_0, %dma_wait3A_419] : memref<4000x80xi32, #tpu.memory_space<hbm>> -> memref<1x80xi32, #tpu.memory_space<hbm>>
      %dma_wait3A_421 = tpu.memref_squeeze %dma_wait3A_420 : memref<1x80xi32, #tpu.memory_space<hbm>> -> memref<80xi32, #tpu.memory_space<hbm>>
      tpu.wait_dma2 semaphore(%arg21 : memref<!tpu.dma_semaphore, #tpu.memory_space<semaphore_mem>>) src(%dma_wait3A_421 : memref<80xi32, #tpu.memory_space<hbm>>) dst(%arg9 : memref<80xi32, #tpu.memory_space<vmem>>)
      %dma_wait3A_422 = arith.constant 0 : i32
      %dma_wait3A_423 = tpu.memref_slice %arg5[%mul3A_0, %dma_wait3A_422] : memref<4000x80xi32, #tpu.memory_space<hbm>> -> memref<1x80xi32, #tpu.memory_space<hbm>>
      %dma_wait3A_424 = tpu.memref_squeeze %dma_wait3A_423 : memref<1x80xi32, #tpu.memory_space<hbm>> -> memref<80xi32, #tpu.memory_space<hbm>>
      %dma_wait3A_425 = arith.constant 0 : i32
      %dma_wait3A_426 = tpu.memref_slice %arg5[%mul3A_0, %dma_wait3A_425] : memref<4000x80xi32, #tpu.memory_space<hbm>> -> memref<1x80xi32, #tpu.memory_space<hbm>>
      %dma_wait3A_427 = tpu.memref_squeeze %dma_wait3A_426 : memref<1x80xi32, #tpu.memory_space<hbm>> -> memref<80xi32, #tpu.memory_space<hbm>>
      tpu.wait_dma2 semaphore(%arg21 : memref<!tpu.dma_semaphore, #tpu.memory_space<semaphore_mem>>) src(%dma_wait3A_427 : memref<80xi32, #tpu.memory_space<hbm>>) dst(%arg13 : memref<80xi32, #tpu.memory_space<vmem>>)
      %add3A_428 = arith.constant 1 : i32
      %add3A_429 = arith.addi %add3A_415, %add3A_428 : i32
      %eq3A_430 = arith.constant 0 : i32
      %eq3A_431 = arith.cmpi eq, %arg0, %eq3A_430 : i32
      %convert_element_type3A_432 = arith.extui %eq3A_431 : i1 to i32
      %cond3A_433 = arith.constant 0 : i32
      %cond3A_434 = arith.cmpi ne, %convert_element_type3A_432, %cond3A_433 : i32
      scf.if %cond3A_434 {
        %dma_start3A_522 = arith.constant 0 : i32
        %dma_start3A_523 = arith.constant 0 : i32
        %dma_start3A_524 = tpu.memref_slice %arg2[%dma_start3A_522, %dma_start3A_523] : memref<40000x128xf32, #tpu.memory_space<hbm>> -> memref<40000x128xf32, #tpu.memory_space<hbm>>
        tpu.enqueue_indirect_dma source(%dma_start3A_524 : memref<40000x128xf32, #tpu.memory_space<hbm>>) target(%arg17 : memref<80x128xf32, #tpu.memory_space<vmem>>) offsets(%arg9 : memref<80xi32, #tpu.memory_space<vmem>>) semaphore(%arg25 : memref<!tpu.dma_semaphore, #tpu.memory_space<semaphore_mem>>)
      } else {
      }
      %ne3A_435 = arith.constant 0 : i32
      %ne3A_436 = arith.cmpi ne, %arg0, %ne3A_435 : i32
      %convert_element_type3A_437 = arith.extui %ne3A_436 : i1 to i32
      %cond3A_438 = arith.constant 0 : i32
      %cond3A_439 = arith.cmpi ne, %convert_element_type3A_437, %cond3A_438 : i32
      scf.if %cond3A_439 {
        %dma_start3A_522 = arith.constant 0 : i32
        %dma_start3A_523 = arith.constant 0 : i32
        %dma_start3A_524 = tpu.memref_slice %arg3[%dma_start3A_522, %dma_start3A_523] : memref<40000x128xf32, #tpu.memory_space<hbm>> -> memref<40000x128xf32, #tpu.memory_space<hbm>>
        tpu.enqueue_indirect_dma source(%dma_start3A_524 : memref<40000x128xf32, #tpu.memory_space<hbm>>) target(%arg17 : memref<80x128xf32, #tpu.memory_space<vmem>>) offsets(%arg9 : memref<80xi32, #tpu.memory_space<vmem>>) semaphore(%arg25 : memref<!tpu.dma_semaphore, #tpu.memory_space<semaphore_mem>>)
      } else {
      }
      %eq3A_440 = arith.constant 0 : i32
      %eq3A_441 = arith.cmpi eq, %arg0, %eq3A_440 : i32
      %convert_element_type3A_442 = arith.extui %eq3A_441 : i1 to i32
      %cond3A_443 = arith.constant 0 : i32
      %cond3A_444 = arith.cmpi ne, %convert_element_type3A_442, %cond3A_443 : i32
      scf.if %cond3A_444 {
        %dma_wait3A_522 = arith.constant 0 : i32
        %dma_wait3A_523 = arith.constant 0 : i32
        %dma_wait3A_524 = tpu.memref_slice %arg2[%dma_wait3A_522, %dma_wait3A_523] : memref<40000x128xf32, #tpu.memory_space<hbm>> -> memref<40000x128xf32, #tpu.memory_space<hbm>>
        tpu.wait_indirect_dma semaphore(%arg28 : memref<!tpu.dma_semaphore, #tpu.memory_space<semaphore_mem>>) src(%dma_wait3A_524 : memref<40000x128xf32, #tpu.memory_space<hbm>>) dst(%arg20 : memref<80x128xf32, #tpu.memory_space<vmem>>)
      } else {
      }
      %ne3A_445 = arith.constant 0 : i32
      %ne3A_446 = arith.cmpi ne, %arg0, %ne3A_445 : i32
      %convert_element_type3A_447 = arith.extui %ne3A_446 : i1 to i32
      %cond3A_448 = arith.constant 0 : i32
      %cond3A_449 = arith.cmpi ne, %convert_element_type3A_447, %cond3A_448 : i32
      scf.if %cond3A_449 {
        %dma_wait3A_522 = arith.constant 0 : i32
        %dma_wait3A_523 = arith.constant 0 : i32
        %dma_wait3A_524 = tpu.memref_slice %arg3[%dma_wait3A_522, %dma_wait3A_523] : memref<40000x128xf32, #tpu.memory_space<hbm>> -> memref<40000x128xf32, #tpu.memory_space<hbm>>
        tpu.wait_indirect_dma semaphore(%arg28 : memref<!tpu.dma_semaphore, #tpu.memory_space<semaphore_mem>>) src(%dma_wait3A_524 : memref<40000x128xf32, #tpu.memory_space<hbm>>) dst(%arg20 : memref<80x128xf32, #tpu.memory_space<vmem>>)
      } else {
      }
      "tpu.region"() ({
        %run_scoped3A = tpu.sem_alloc : memref<!tpu.dma_semaphore, #tpu.memory_space<semaphore_mem>>
        %dma_start3A_522 = arith.constant 0 : i32
        %dma_start3A_523 = arith.constant 0 : i32
        %dma_start3A_524 = tpu.memref_slice %arg8[%dma_start3A_522, %dma_start3A_523] : memref<10000x128xf32, #tpu.memory_space<vmem_shared>> -> memref<10000x128xf32, #tpu.memory_space<vmem_shared>>
        tpu.enqueue_indirect_dma source(%arg20 : memref<80x128xf32, #tpu.memory_space<vmem>>) target(%dma_start3A_524 : memref<10000x128xf32, #tpu.memory_space<vmem_shared>>) offsets(%arg16 : memref<80xi32, #tpu.memory_space<vmem>>) semaphore(%run_scoped3A : memref<!tpu.dma_semaphore, #tpu.memory_space<semaphore_mem>>) {add = true}
        %dma_wait3A_525 = arith.constant 0 : i32
        %dma_wait3A_526 = arith.constant 0 : i32
        %dma_wait3A_527 = tpu.memref_slice %arg8[%dma_wait3A_525, %dma_wait3A_526] : memref<10000x128xf32, #tpu.memory_space<vmem_shared>> -> memref<10000x128xf32, #tpu.memory_space<vmem_shared>>
        tpu.wait_indirect_dma semaphore(%run_scoped3A : memref<!tpu.dma_semaphore, #tpu.memory_space<semaphore_mem>>) src(%arg20 : memref<80x128xf32, #tpu.memory_space<vmem>>) dst(%dma_wait3A_527 : memref<10000x128xf32, #tpu.memory_space<vmem_shared>>)
        tpu.yield
      }) : () -> ()
      %add3A_450 = arith.constant 3 : i32
      %add3A_451 = arith.addi %add3A_415, %add3A_450 : i32
      %add3A_452 = arith.addi %mul3A_0, %add3A_451 : i32
      %dma_start3A_453 = arith.constant 0 : i32
      %dma_start3A_454 = tpu.memref_slice %arg4[%add3A_452, %dma_start3A_453] : memref<4000x80xi32, #tpu.memory_space<hbm>> -> memref<1x80xi32, #tpu.memory_space<hbm>>
      %dma_start3A_455 = tpu.memref_squeeze %dma_start3A_454 : memref<1x80xi32, #tpu.memory_space<hbm>> -> memref<80xi32, #tpu.memory_space<hbm>>
      %dma_start3A_456 = arith.constant 0 : i32
      %dma_start3A_457 = tpu.memref_slice %arg4[%add3A_452, %dma_start3A_456] : memref<4000x80xi32, #tpu.memory_space<hbm>> -> memref<1x80xi32, #tpu.memory_space<hbm>>
      %dma_start3A_458 = tpu.memref_squeeze %dma_start3A_457 : memref<1x80xi32, #tpu.memory_space<hbm>> -> memref<80xi32, #tpu.memory_space<hbm>>
      tpu.enqueue_dma source(%dma_start3A_458 : memref<80xi32, #tpu.memory_space<hbm>>) target(%arg11 : memref<80xi32, #tpu.memory_space<vmem>>) target_semaphore(%arg23 : memref<!tpu.dma_semaphore, #tpu.memory_space<semaphore_mem>>)
      %add3A_459 = arith.addi %mul3A_0, %add3A_451 : i32
      %dma_start3A_460 = arith.constant 0 : i32
      %dma_start3A_461 = tpu.memref_slice %arg5[%add3A_459, %dma_start3A_460] : memref<4000x80xi32, #tpu.memory_space<hbm>> -> memref<1x80xi32, #tpu.memory_space<hbm>>
      %dma_start3A_462 = tpu.memref_squeeze %dma_start3A_461 : memref<1x80xi32, #tpu.memory_space<hbm>> -> memref<80xi32, #tpu.memory_space<hbm>>
      %dma_start3A_463 = arith.constant 0 : i32
      %dma_start3A_464 = tpu.memref_slice %arg5[%add3A_459, %dma_start3A_463] : memref<4000x80xi32, #tpu.memory_space<hbm>> -> memref<1x80xi32, #tpu.memory_space<hbm>>
      %dma_start3A_465 = tpu.memref_squeeze %dma_start3A_464 : memref<1x80xi32, #tpu.memory_space<hbm>> -> memref<80xi32, #tpu.memory_space<hbm>>
      tpu.enqueue_dma source(%dma_start3A_465 : memref<80xi32, #tpu.memory_space<hbm>>) target(%arg15 : memref<80xi32, #tpu.memory_space<vmem>>) target_semaphore(%arg23 : memref<!tpu.dma_semaphore, #tpu.memory_space<semaphore_mem>>)
      %mul3A_466 = arith.constant 4 : i32
      %mul3A_467 = arith.muli %scan3A_297, %mul3A_466 : i32
      %add3A_468 = arith.constant 1 : i32
      %add3A_469 = arith.addi %mul3A_467, %add3A_468 : i32
      %add3A_470 = arith.constant 3 : i32
      %add3A_471 = arith.addi %add3A_469, %add3A_470 : i32
      %dma_wait3A_472 = arith.constant 0 : i32
      %dma_wait3A_473 = tpu.memref_slice %arg4[%mul3A_0, %dma_wait3A_472] : memref<4000x80xi32, #tpu.memory_space<hbm>> -> memref<1x80xi32, #tpu.memory_space<hbm>>
      %dma_wait3A_474 = tpu.memref_squeeze %dma_wait3A_473 : memref<1x80xi32, #tpu.memory_space<hbm>> -> memref<80xi32, #tpu.memory_space<hbm>>
      %dma_wait3A_475 = arith.constant 0 : i32
      %dma_wait3A_476 = tpu.memref_slice %arg4[%mul3A_0, %dma_wait3A_475] : memref<4000x80xi32, #tpu.memory_space<hbm>> -> memref<1x80xi32, #tpu.memory_space<hbm>>
      %dma_wait3A_477 = tpu.memref_squeeze %dma_wait3A_476 : memref<1x80xi32, #tpu.memory_space<hbm>> -> memref<80xi32, #tpu.memory_space<hbm>>
      tpu.wait_dma2 semaphore(%arg22 : memref<!tpu.dma_semaphore, #tpu.memory_space<semaphore_mem>>) src(%dma_wait3A_477 : memref<80xi32, #tpu.memory_space<hbm>>) dst(%arg10 : memref<80xi32, #tpu.memory_space<vmem>>)
      %dma_wait3A_478 = arith.constant 0 : i32
      %dma_wait3A_479 = tpu.memref_slice %arg5[%mul3A_0, %dma_wait3A_478] : memref<4000x80xi32, #tpu.memory_space<hbm>> -> memref<1x80xi32, #tpu.memory_space<hbm>>
      %dma_wait3A_480 = tpu.memref_squeeze %dma_wait3A_479 : memref<1x80xi32, #tpu.memory_space<hbm>> -> memref<80xi32, #tpu.memory_space<hbm>>
      %dma_wait3A_481 = arith.constant 0 : i32
      %dma_wait3A_482 = tpu.memref_slice %arg5[%mul3A_0, %dma_wait3A_481] : memref<4000x80xi32, #tpu.memory_space<hbm>> -> memref<1x80xi32, #tpu.memory_space<hbm>>
      %dma_wait3A_483 = tpu.memref_squeeze %dma_wait3A_482 : memref<1x80xi32, #tpu.memory_space<hbm>> -> memref<80xi32, #tpu.memory_space<hbm>>
      tpu.wait_dma2 semaphore(%arg22 : memref<!tpu.dma_semaphore, #tpu.memory_space<semaphore_mem>>) src(%dma_wait3A_483 : memref<80xi32, #tpu.memory_space<hbm>>) dst(%arg14 : memref<80xi32, #tpu.memory_space<vmem>>)
      %add3A_484 = arith.constant 1 : i32
      %add3A_485 = arith.addi %add3A_471, %add3A_484 : i32
      %eq3A_486 = arith.constant 0 : i32
      %eq3A_487 = arith.cmpi eq, %arg0, %eq3A_486 : i32
      %convert_element_type3A_488 = arith.extui %eq3A_487 : i1 to i32
      %cond3A_489 = arith.constant 0 : i32
      %cond3A_490 = arith.cmpi ne, %convert_element_type3A_488, %cond3A_489 : i32
      scf.if %cond3A_490 {
        %dma_start3A_522 = arith.constant 0 : i32
        %dma_start3A_523 = arith.constant 0 : i32
        %dma_start3A_524 = tpu.memref_slice %arg2[%dma_start3A_522, %dma_start3A_523] : memref<40000x128xf32, #tpu.memory_space<hbm>> -> memref<40000x128xf32, #tpu.memory_space<hbm>>
        tpu.enqueue_indirect_dma source(%dma_start3A_524 : memref<40000x128xf32, #tpu.memory_space<hbm>>) target(%arg18 : memref<80x128xf32, #tpu.memory_space<vmem>>) offsets(%arg10 : memref<80xi32, #tpu.memory_space<vmem>>) semaphore(%arg26 : memref<!tpu.dma_semaphore, #tpu.memory_space<semaphore_mem>>)
      } else {
      }
      %ne3A_491 = arith.constant 0 : i32
      %ne3A_492 = arith.cmpi ne, %arg0, %ne3A_491 : i32
      %convert_element_type3A_493 = arith.extui %ne3A_492 : i1 to i32
      %cond3A_494 = arith.constant 0 : i32
      %cond3A_495 = arith.cmpi ne, %convert_element_type3A_493, %cond3A_494 : i32
      scf.if %cond3A_495 {
        %dma_start3A_522 = arith.constant 0 : i32
        %dma_start3A_523 = arith.constant 0 : i32
        %dma_start3A_524 = tpu.memref_slice %arg3[%dma_start3A_522, %dma_start3A_523] : memref<40000x128xf32, #tpu.memory_space<hbm>> -> memref<40000x128xf32, #tpu.memory_space<hbm>>
        tpu.enqueue_indirect_dma source(%dma_start3A_524 : memref<40000x128xf32, #tpu.memory_space<hbm>>) target(%arg18 : memref<80x128xf32, #tpu.memory_space<vmem>>) offsets(%arg10 : memref<80xi32, #tpu.memory_space<vmem>>) semaphore(%arg26 : memref<!tpu.dma_semaphore, #tpu.memory_space<semaphore_mem>>)
      } else {
      }
      %eq3A_496 = arith.constant 0 : i32
      %eq3A_497 = arith.cmpi eq, %arg0, %eq3A_496 : i32
      %convert_element_type3A_498 = arith.extui %eq3A_497 : i1 to i32
      %cond3A_499 = arith.constant 0 : i32
      %cond3A_500 = arith.cmpi ne, %convert_element_type3A_498, %cond3A_499 : i32
      scf.if %cond3A_500 {
        %dma_wait3A_522 = arith.constant 0 : i32
        %dma_wait3A_523 = arith.constant 0 : i32
        %dma_wait3A_524 = tpu.memref_slice %arg2[%dma_wait3A_522, %dma_wait3A_523] : memref<40000x128xf32, #tpu.memory_space<hbm>> -> memref<40000x128xf32, #tpu.memory_space<hbm>>
        tpu.wait_indirect_dma semaphore(%arg25 : memref<!tpu.dma_semaphore, #tpu.memory_space<semaphore_mem>>) src(%dma_wait3A_524 : memref<40000x128xf32, #tpu.memory_space<hbm>>) dst(%arg17 : memref<80x128xf32, #tpu.memory_space<vmem>>)
      } else {
      }
      %ne3A_501 = arith.constant 0 : i32
      %ne3A_502 = arith.cmpi ne, %arg0, %ne3A_501 : i32
      %convert_element_type3A_503 = arith.extui %ne3A_502 : i1 to i32
      %cond3A_504 = arith.constant 0 : i32
      %cond3A_505 = arith.cmpi ne, %convert_element_type3A_503, %cond3A_504 : i32
      scf.if %cond3A_505 {
        %dma_wait3A_522 = arith.constant 0 : i32
        %dma_wait3A_523 = arith.constant 0 : i32
        %dma_wait3A_524 = tpu.memref_slice %arg3[%dma_wait3A_522, %dma_wait3A_523] : memref<40000x128xf32, #tpu.memory_space<hbm>> -> memref<40000x128xf32, #tpu.memory_space<hbm>>
        tpu.wait_indirect_dma semaphore(%arg25 : memref<!tpu.dma_semaphore, #tpu.memory_space<semaphore_mem>>) src(%dma_wait3A_524 : memref<40000x128xf32, #tpu.memory_space<hbm>>) dst(%arg17 : memref<80x128xf32, #tpu.memory_space<vmem>>)
      } else {
      }
      "tpu.region"() ({
        %run_scoped3A = tpu.sem_alloc : memref<!tpu.dma_semaphore, #tpu.memory_space<semaphore_mem>>
        %dma_start3A_522 = arith.constant 0 : i32
        %dma_start3A_523 = arith.constant 0 : i32
        %dma_start3A_524 = tpu.memref_slice %arg8[%dma_start3A_522, %dma_start3A_523] : memref<10000x128xf32, #tpu.memory_space<vmem_shared>> -> memref<10000x128xf32, #tpu.memory_space<vmem_shared>>
        tpu.enqueue_indirect_dma source(%arg17 : memref<80x128xf32, #tpu.memory_space<vmem>>) target(%dma_start3A_524 : memref<10000x128xf32, #tpu.memory_space<vmem_shared>>) offsets(%arg13 : memref<80xi32, #tpu.memory_space<vmem>>) semaphore(%run_scoped3A : memref<!tpu.dma_semaphore, #tpu.memory_space<semaphore_mem>>) {add = true}
        %dma_wait3A_525 = arith.constant 0 : i32
        %dma_wait3A_526 = arith.constant 0 : i32
        %dma_wait3A_527 = tpu.memref_slice %arg8[%dma_wait3A_525, %dma_wait3A_526] : memref<10000x128xf32, #tpu.memory_space<vmem_shared>> -> memref<10000x128xf32, #tpu.memory_space<vmem_shared>>
        tpu.wait_indirect_dma semaphore(%run_scoped3A : memref<!tpu.dma_semaphore, #tpu.memory_space<semaphore_mem>>) src(%arg17 : memref<80x128xf32, #tpu.memory_space<vmem>>) dst(%dma_wait3A_527 : memref<10000x128xf32, #tpu.memory_space<vmem_shared>>)
        tpu.yield
      }) : () -> ()
      %add3A_506 = arith.constant 3 : i32
      %add3A_507 = arith.addi %add3A_471, %add3A_506 : i32
      %add3A_508 = arith.addi %mul3A_0, %add3A_507 : i32
      %dma_start3A_509 = arith.constant 0 : i32
      %dma_start3A_510 = tpu.memref_slice %arg4[%add3A_508, %dma_start3A_509] : memref<4000x80xi32, #tpu.memory_space<hbm>> -> memref<1x80xi32, #tpu.memory_space<hbm>>
      %dma_start3A_511 = tpu.memref_squeeze %dma_start3A_510 : memref<1x80xi32, #tpu.memory_space<hbm>> -> memref<80xi32, #tpu.memory_space<hbm>>
      %dma_start3A_512 = arith.constant 0 : i32
      %dma_start3A_513 = tpu.memref_slice %arg4[%add3A_508, %dma_start3A_512] : memref<4000x80xi32, #tpu.memory_space<hbm>> -> memref<1x80xi32, #tpu.memory_space<hbm>>
      %dma_start3A_514 = tpu.memref_squeeze %dma_start3A_513 : memref<1x80xi32, #tpu.memory_space<hbm>> -> memref<80xi32, #tpu.memory_space<hbm>>
      tpu.enqueue_dma source(%dma_start3A_514 : memref<80xi32, #tpu.memory_space<hbm>>) target(%arg12 : memref<80xi32, #tpu.memory_space<vmem>>) target_semaphore(%arg24 : memref<!tpu.dma_semaphore, #tpu.memory_space<semaphore_mem>>)
      %add3A_515 = arith.addi %mul3A_0, %add3A_507 : i32
      %dma_start3A_516 = arith.constant 0 : i32
      %dma_start3A_517 = tpu.memref_slice %arg5[%add3A_515, %dma_start3A_516] : memref<4000x80xi32, #tpu.memory_space<hbm>> -> memref<1x80xi32, #tpu.memory_space<hbm>>
      %dma_start3A_518 = tpu.memref_squeeze %dma_start3A_517 : memref<1x80xi32, #tpu.memory_space<hbm>> -> memref<80xi32, #tpu.memory_space<hbm>>
      %dma_start3A_519 = arith.constant 0 : i32
      %dma_start3A_520 = tpu.memref_slice %arg5[%add3A_515, %dma_start3A_519] : memref<4000x80xi32, #tpu.memory_space<hbm>> -> memref<1x80xi32, #tpu.memory_space<hbm>>
      %dma_start3A_521 = tpu.memref_squeeze %dma_start3A_520 : memref<1x80xi32, #tpu.memory_space<hbm>> -> memref<80xi32, #tpu.memory_space<hbm>>
      tpu.enqueue_dma source(%dma_start3A_521 : memref<80xi32, #tpu.memory_space<hbm>>) target(%arg16 : memref<80xi32, #tpu.memory_space<vmem>>) target_semaphore(%arg24 : memref<!tpu.dma_semaphore, #tpu.memory_space<semaphore_mem>>)
    }
    %scan3A_120 = arith.constant 61 : i32
    %dma_wait3A_121 = arith.constant 0 : i32
    %dma_wait3A_122 = tpu.memref_slice %arg4[%mul3A_0, %dma_wait3A_121] : memref<4000x80xi32, #tpu.memory_space<hbm>> -> memref<1x80xi32, #tpu.memory_space<hbm>>
    %dma_wait3A_123 = tpu.memref_squeeze %dma_wait3A_122 : memref<1x80xi32, #tpu.memory_space<hbm>> -> memref<80xi32, #tpu.memory_space<hbm>>
    %dma_wait3A_124 = arith.constant 0 : i32
    %dma_wait3A_125 = tpu.memref_slice %arg4[%mul3A_0, %dma_wait3A_124] : memref<4000x80xi32, #tpu.memory_space<hbm>> -> memref<1x80xi32, #tpu.memory_space<hbm>>
    %dma_wait3A_126 = tpu.memref_squeeze %dma_wait3A_125 : memref<1x80xi32, #tpu.memory_space<hbm>> -> memref<80xi32, #tpu.memory_space<hbm>>
    tpu.wait_dma2 semaphore(%arg23 : memref<!tpu.dma_semaphore, #tpu.memory_space<semaphore_mem>>) src(%dma_wait3A_126 : memref<80xi32, #tpu.memory_space<hbm>>) dst(%arg11 : memref<80xi32, #tpu.memory_space<vmem>>)
    %dma_wait3A_127 = arith.constant 0 : i32
    %dma_wait3A_128 = tpu.memref_slice %arg5[%mul3A_0, %dma_wait3A_127] : memref<4000x80xi32, #tpu.memory_space<hbm>> -> memref<1x80xi32, #tpu.memory_space<hbm>>
    %dma_wait3A_129 = tpu.memref_squeeze %dma_wait3A_128 : memref<1x80xi32, #tpu.memory_space<hbm>> -> memref<80xi32, #tpu.memory_space<hbm>>
    %dma_wait3A_130 = arith.constant 0 : i32
    %dma_wait3A_131 = tpu.memref_slice %arg5[%mul3A_0, %dma_wait3A_130] : memref<4000x80xi32, #tpu.memory_space<hbm>> -> memref<1x80xi32, #tpu.memory_space<hbm>>
    %dma_wait3A_132 = tpu.memref_squeeze %dma_wait3A_131 : memref<1x80xi32, #tpu.memory_space<hbm>> -> memref<80xi32, #tpu.memory_space<hbm>>
    tpu.wait_dma2 semaphore(%arg23 : memref<!tpu.dma_semaphore, #tpu.memory_space<semaphore_mem>>) src(%dma_wait3A_132 : memref<80xi32, #tpu.memory_space<hbm>>) dst(%arg15 : memref<80xi32, #tpu.memory_space<vmem>>)
    %eq3A_133 = arith.constant 0 : i32
    %eq3A_134 = arith.cmpi eq, %arg0, %eq3A_133 : i32
    %convert_element_type3A_135 = arith.extui %eq3A_134 : i1 to i32
    %cond3A_136 = arith.constant 0 : i32
    %cond3A_137 = arith.cmpi ne, %convert_element_type3A_135, %cond3A_136 : i32
    scf.if %cond3A_137 {
      %dma_start3A_297 = arith.constant 0 : i32
      %dma_start3A_298 = arith.constant 0 : i32
      %dma_start3A_299 = tpu.memref_slice %arg2[%dma_start3A_297, %dma_start3A_298] : memref<40000x128xf32, #tpu.memory_space<hbm>> -> memref<40000x128xf32, #tpu.memory_space<hbm>>
      tpu.enqueue_indirect_dma source(%dma_start3A_299 : memref<40000x128xf32, #tpu.memory_space<hbm>>) target(%arg19 : memref<80x128xf32, #tpu.memory_space<vmem>>) offsets(%arg11 : memref<80xi32, #tpu.memory_space<vmem>>) semaphore(%arg27 : memref<!tpu.dma_semaphore, #tpu.memory_space<semaphore_mem>>)
    } else {
    }
    %ne3A_138 = arith.constant 0 : i32
    %ne3A_139 = arith.cmpi ne, %arg0, %ne3A_138 : i32
    %convert_element_type3A_140 = arith.extui %ne3A_139 : i1 to i32
    %cond3A_141 = arith.constant 0 : i32
    %cond3A_142 = arith.cmpi ne, %convert_element_type3A_140, %cond3A_141 : i32
    scf.if %cond3A_142 {
      %dma_start3A_297 = arith.constant 0 : i32
      %dma_start3A_298 = arith.constant 0 : i32
      %dma_start3A_299 = tpu.memref_slice %arg3[%dma_start3A_297, %dma_start3A_298] : memref<40000x128xf32, #tpu.memory_space<hbm>> -> memref<40000x128xf32, #tpu.memory_space<hbm>>
      tpu.enqueue_indirect_dma source(%dma_start3A_299 : memref<40000x128xf32, #tpu.memory_space<hbm>>) target(%arg19 : memref<80x128xf32, #tpu.memory_space<vmem>>) offsets(%arg11 : memref<80xi32, #tpu.memory_space<vmem>>) semaphore(%arg27 : memref<!tpu.dma_semaphore, #tpu.memory_space<semaphore_mem>>)
    } else {
    }
    %eq3A_143 = arith.constant 0 : i32
    %eq3A_144 = arith.cmpi eq, %arg0, %eq3A_143 : i32
    %convert_element_type3A_145 = arith.extui %eq3A_144 : i1 to i32
    %cond3A_146 = arith.constant 0 : i32
    %cond3A_147 = arith.cmpi ne, %convert_element_type3A_145, %cond3A_146 : i32
    scf.if %cond3A_147 {
      %dma_wait3A_297 = arith.constant 0 : i32
      %dma_wait3A_298 = arith.constant 0 : i32
      %dma_wait3A_299 = tpu.memref_slice %arg2[%dma_wait3A_297, %dma_wait3A_298] : memref<40000x128xf32, #tpu.memory_space<hbm>> -> memref<40000x128xf32, #tpu.memory_space<hbm>>
      tpu.wait_indirect_dma semaphore(%arg26 : memref<!tpu.dma_semaphore, #tpu.memory_space<semaphore_mem>>) src(%dma_wait3A_299 : memref<40000x128xf32, #tpu.memory_space<hbm>>) dst(%arg18 : memref<80x128xf32, #tpu.memory_space<vmem>>)
    } else {
    }
    %ne3A_148 = arith.constant 0 : i32
    %ne3A_149 = arith.cmpi ne, %arg0, %ne3A_148 : i32
    %convert_element_type3A_150 = arith.extui %ne3A_149 : i1 to i32
    %cond3A_151 = arith.constant 0 : i32
    %cond3A_152 = arith.cmpi ne, %convert_element_type3A_150, %cond3A_151 : i32
    scf.if %cond3A_152 {
      %dma_wait3A_297 = arith.constant 0 : i32
      %dma_wait3A_298 = arith.constant 0 : i32
      %dma_wait3A_299 = tpu.memref_slice %arg3[%dma_wait3A_297, %dma_wait3A_298] : memref<40000x128xf32, #tpu.memory_space<hbm>> -> memref<40000x128xf32, #tpu.memory_space<hbm>>
      tpu.wait_indirect_dma semaphore(%arg26 : memref<!tpu.dma_semaphore, #tpu.memory_space<semaphore_mem>>) src(%dma_wait3A_299 : memref<40000x128xf32, #tpu.memory_space<hbm>>) dst(%arg18 : memref<80x128xf32, #tpu.memory_space<vmem>>)
    } else {
    }
    "tpu.region"() ({
      %run_scoped3A = tpu.sem_alloc : memref<!tpu.dma_semaphore, #tpu.memory_space<semaphore_mem>>
      %dma_start3A_297 = arith.constant 0 : i32
      %dma_start3A_298 = arith.constant 0 : i32
      %dma_start3A_299 = tpu.memref_slice %arg8[%dma_start3A_297, %dma_start3A_298] : memref<10000x128xf32, #tpu.memory_space<vmem_shared>> -> memref<10000x128xf32, #tpu.memory_space<vmem_shared>>
      tpu.enqueue_indirect_dma source(%arg18 : memref<80x128xf32, #tpu.memory_space<vmem>>) target(%dma_start3A_299 : memref<10000x128xf32, #tpu.memory_space<vmem_shared>>) offsets(%arg14 : memref<80xi32, #tpu.memory_space<vmem>>) semaphore(%run_scoped3A : memref<!tpu.dma_semaphore, #tpu.memory_space<semaphore_mem>>) {add = true}
      %dma_wait3A_300 = arith.constant 0 : i32
      %dma_wait3A_301 = arith.constant 0 : i32
      %dma_wait3A_302 = tpu.memref_slice %arg8[%dma_wait3A_300, %dma_wait3A_301] : memref<10000x128xf32, #tpu.memory_space<vmem_shared>> -> memref<10000x128xf32, #tpu.memory_space<vmem_shared>>
      tpu.wait_indirect_dma semaphore(%run_scoped3A : memref<!tpu.dma_semaphore, #tpu.memory_space<semaphore_mem>>) src(%arg18 : memref<80x128xf32, #tpu.memory_space<vmem>>) dst(%dma_wait3A_302 : memref<10000x128xf32, #tpu.memory_space<vmem_shared>>)
      tpu.yield
    }) : () -> ()
    %add3A_153 = arith.constant 248 : i32
    %add3A_154 = arith.addi %mul3A_0, %add3A_153 : i32
    %dma_start3A_155 = arith.constant 0 : i32
    %dma_start3A_156 = tpu.memref_slice %arg4[%add3A_154, %dma_start3A_155] : memref<4000x80xi32, #tpu.memory_space<hbm>> -> memref<1x80xi32, #tpu.memory_space<hbm>>
    %dma_start3A_157 = tpu.memref_squeeze %dma_start3A_156 : memref<1x80xi32, #tpu.memory_space<hbm>> -> memref<80xi32, #tpu.memory_space<hbm>>
    %dma_start3A_158 = arith.constant 0 : i32
    %dma_start3A_159 = tpu.memref_slice %arg4[%add3A_154, %dma_start3A_158] : memref<4000x80xi32, #tpu.memory_space<hbm>> -> memref<1x80xi32, #tpu.memory_space<hbm>>
    %dma_start3A_160 = tpu.memref_squeeze %dma_start3A_159 : memref<1x80xi32, #tpu.memory_space<hbm>> -> memref<80xi32, #tpu.memory_space<hbm>>
    tpu.enqueue_dma source(%dma_start3A_160 : memref<80xi32, #tpu.memory_space<hbm>>) target(%arg9 : memref<80xi32, #tpu.memory_space<vmem>>) target_semaphore(%arg21 : memref<!tpu.dma_semaphore, #tpu.memory_space<semaphore_mem>>)
    %add3A_161 = arith.constant 248 : i32
    %add3A_162 = arith.addi %mul3A_0, %add3A_161 : i32
    %dma_start3A_163 = arith.constant 0 : i32
    %dma_start3A_164 = tpu.memref_slice %arg5[%add3A_162, %dma_start3A_163] : memref<4000x80xi32, #tpu.memory_space<hbm>> -> memref<1x80xi32, #tpu.memory_space<hbm>>
    %dma_start3A_165 = tpu.memref_squeeze %dma_start3A_164 : memref<1x80xi32, #tpu.memory_space<hbm>> -> memref<80xi32, #tpu.memory_space<hbm>>
    %dma_start3A_166 = arith.constant 0 : i32
    %dma_start3A_167 = tpu.memref_slice %arg5[%add3A_162, %dma_start3A_166] : memref<4000x80xi32, #tpu.memory_space<hbm>> -> memref<1x80xi32, #tpu.memory_space<hbm>>
    %dma_start3A_168 = tpu.memref_squeeze %dma_start3A_167 : memref<1x80xi32, #tpu.memory_space<hbm>> -> memref<80xi32, #tpu.memory_space<hbm>>
    tpu.enqueue_dma source(%dma_start3A_168 : memref<80xi32, #tpu.memory_space<hbm>>) target(%arg13 : memref<80xi32, #tpu.memory_space<vmem>>) target_semaphore(%arg21 : memref<!tpu.dma_semaphore, #tpu.memory_space<semaphore_mem>>)
    %dma_wait3A_169 = arith.constant 0 : i32
    %dma_wait3A_170 = tpu.memref_slice %arg4[%mul3A_0, %dma_wait3A_169] : memref<4000x80xi32, #tpu.memory_space<hbm>> -> memref<1x80xi32, #tpu.memory_space<hbm>>
    %dma_wait3A_171 = tpu.memref_squeeze %dma_wait3A_170 : memref<1x80xi32, #tpu.memory_space<hbm>> -> memref<80xi32, #tpu.memory_space<hbm>>
    %dma_wait3A_172 = arith.constant 0 : i32
    %dma_wait3A_173 = tpu.memref_slice %arg4[%mul3A_0, %dma_wait3A_172] : memref<4000x80xi32, #tpu.memory_space<hbm>> -> memref<1x80xi32, #tpu.memory_space<hbm>>
    %dma_wait3A_174 = tpu.memref_squeeze %dma_wait3A_173 : memref<1x80xi32, #tpu.memory_space<hbm>> -> memref<80xi32, #tpu.memory_space<hbm>>
    tpu.wait_dma2 semaphore(%arg24 : memref<!tpu.dma_semaphore, #tpu.memory_space<semaphore_mem>>) src(%dma_wait3A_174 : memref<80xi32, #tpu.memory_space<hbm>>) dst(%arg12 : memref<80xi32, #tpu.memory_space<vmem>>)
    %dma_wait3A_175 = arith.constant 0 : i32
    %dma_wait3A_176 = tpu.memref_slice %arg5[%mul3A_0, %dma_wait3A_175] : memref<4000x80xi32, #tpu.memory_space<hbm>> -> memref<1x80xi32, #tpu.memory_space<hbm>>
    %dma_wait3A_177 = tpu.memref_squeeze %dma_wait3A_176 : memref<1x80xi32, #tpu.memory_space<hbm>> -> memref<80xi32, #tpu.memory_space<hbm>>
    %dma_wait3A_178 = arith.constant 0 : i32
    %dma_wait3A_179 = tpu.memref_slice %arg5[%mul3A_0, %dma_wait3A_178] : memref<4000x80xi32, #tpu.memory_space<hbm>> -> memref<1x80xi32, #tpu.memory_space<hbm>>
    %dma_wait3A_180 = tpu.memref_squeeze %dma_wait3A_179 : memref<1x80xi32, #tpu.memory_space<hbm>> -> memref<80xi32, #tpu.memory_space<hbm>>
    tpu.wait_dma2 semaphore(%arg24 : memref<!tpu.dma_semaphore, #tpu.memory_space<semaphore_mem>>) src(%dma_wait3A_180 : memref<80xi32, #tpu.memory_space<hbm>>) dst(%arg16 : memref<80xi32, #tpu.memory_space<vmem>>)
    %eq3A_181 = arith.constant 0 : i32
    %eq3A_182 = arith.cmpi eq, %arg0, %eq3A_181 : i32
    %convert_element_type3A_183 = arith.extui %eq3A_182 : i1 to i32
    %cond3A_184 = arith.constant 0 : i32
    %cond3A_185 = arith.cmpi ne, %convert_element_type3A_183, %cond3A_184 : i32
    scf.if %cond3A_185 {
      %dma_start3A_297 = arith.constant 0 : i32
      %dma_start3A_298 = arith.constant 0 : i32
      %dma_start3A_299 = tpu.memref_slice %arg2[%dma_start3A_297, %dma_start3A_298] : memref<40000x128xf32, #tpu.memory_space<hbm>> -> memref<40000x128xf32, #tpu.memory_space<hbm>>
      tpu.enqueue_indirect_dma source(%dma_start3A_299 : memref<40000x128xf32, #tpu.memory_space<hbm>>) target(%arg20 : memref<80x128xf32, #tpu.memory_space<vmem>>) offsets(%arg12 : memref<80xi32, #tpu.memory_space<vmem>>) semaphore(%arg28 : memref<!tpu.dma_semaphore, #tpu.memory_space<semaphore_mem>>)
    } else {
    }
    %ne3A_186 = arith.constant 0 : i32
    %ne3A_187 = arith.cmpi ne, %arg0, %ne3A_186 : i32
    %convert_element_type3A_188 = arith.extui %ne3A_187 : i1 to i32
    %cond3A_189 = arith.constant 0 : i32
    %cond3A_190 = arith.cmpi ne, %convert_element_type3A_188, %cond3A_189 : i32
    scf.if %cond3A_190 {
      %dma_start3A_297 = arith.constant 0 : i32
      %dma_start3A_298 = arith.constant 0 : i32
      %dma_start3A_299 = tpu.memref_slice %arg3[%dma_start3A_297, %dma_start3A_298] : memref<40000x128xf32, #tpu.memory_space<hbm>> -> memref<40000x128xf32, #tpu.memory_space<hbm>>
      tpu.enqueue_indirect_dma source(%dma_start3A_299 : memref<40000x128xf32, #tpu.memory_space<hbm>>) target(%arg20 : memref<80x128xf32, #tpu.memory_space<vmem>>) offsets(%arg12 : memref<80xi32, #tpu.memory_space<vmem>>) semaphore(%arg28 : memref<!tpu.dma_semaphore, #tpu.memory_space<semaphore_mem>>)
    } else {
    }
    %eq3A_191 = arith.constant 0 : i32
    %eq3A_192 = arith.cmpi eq, %arg0, %eq3A_191 : i32
    %convert_element_type3A_193 = arith.extui %eq3A_192 : i1 to i32
    %cond3A_194 = arith.constant 0 : i32
    %cond3A_195 = arith.cmpi ne, %convert_element_type3A_193, %cond3A_194 : i32
    scf.if %cond3A_195 {
      %dma_wait3A_297 = arith.constant 0 : i32
      %dma_wait3A_298 = arith.constant 0 : i32
      %dma_wait3A_299 = tpu.memref_slice %arg2[%dma_wait3A_297, %dma_wait3A_298] : memref<40000x128xf32, #tpu.memory_space<hbm>> -> memref<40000x128xf32, #tpu.memory_space<hbm>>
      tpu.wait_indirect_dma semaphore(%arg27 : memref<!tpu.dma_semaphore, #tpu.memory_space<semaphore_mem>>) src(%dma_wait3A_299 : memref<40000x128xf32, #tpu.memory_space<hbm>>) dst(%arg19 : memref<80x128xf32, #tpu.memory_space<vmem>>)
    } else {
    }
    %ne3A_196 = arith.constant 0 : i32
    %ne3A_197 = arith.cmpi ne, %arg0, %ne3A_196 : i32
    %convert_element_type3A_198 = arith.extui %ne3A_197 : i1 to i32
    %cond3A_199 = arith.constant 0 : i32
    %cond3A_200 = arith.cmpi ne, %convert_element_type3A_198, %cond3A_199 : i32
    scf.if %cond3A_200 {
      %dma_wait3A_297 = arith.constant 0 : i32
      %dma_wait3A_298 = arith.constant 0 : i32
      %dma_wait3A_299 = tpu.memref_slice %arg3[%dma_wait3A_297, %dma_wait3A_298] : memref<40000x128xf32, #tpu.memory_space<hbm>> -> memref<40000x128xf32, #tpu.memory_space<hbm>>
      tpu.wait_indirect_dma semaphore(%arg27 : memref<!tpu.dma_semaphore, #tpu.memory_space<semaphore_mem>>) src(%dma_wait3A_299 : memref<40000x128xf32, #tpu.memory_space<hbm>>) dst(%arg19 : memref<80x128xf32, #tpu.memory_space<vmem>>)
    } else {
    }
    "tpu.region"() ({
      %run_scoped3A = tpu.sem_alloc : memref<!tpu.dma_semaphore, #tpu.memory_space<semaphore_mem>>
      %dma_start3A_297 = arith.constant 0 : i32
      %dma_start3A_298 = arith.constant 0 : i32
      %dma_start3A_299 = tpu.memref_slice %arg8[%dma_start3A_297, %dma_start3A_298] : memref<10000x128xf32, #tpu.memory_space<vmem_shared>> -> memref<10000x128xf32, #tpu.memory_space<vmem_shared>>
      tpu.enqueue_indirect_dma source(%arg19 : memref<80x128xf32, #tpu.memory_space<vmem>>) target(%dma_start3A_299 : memref<10000x128xf32, #tpu.memory_space<vmem_shared>>) offsets(%arg15 : memref<80xi32, #tpu.memory_space<vmem>>) semaphore(%run_scoped3A : memref<!tpu.dma_semaphore, #tpu.memory_space<semaphore_mem>>) {add = true}
      %dma_wait3A_300 = arith.constant 0 : i32
      %dma_wait3A_301 = arith.constant 0 : i32
      %dma_wait3A_302 = tpu.memref_slice %arg8[%dma_wait3A_300, %dma_wait3A_301] : memref<10000x128xf32, #tpu.memory_space<vmem_shared>> -> memref<10000x128xf32, #tpu.memory_space<vmem_shared>>
      tpu.wait_indirect_dma semaphore(%run_scoped3A : memref<!tpu.dma_semaphore, #tpu.memory_space<semaphore_mem>>) src(%arg19 : memref<80x128xf32, #tpu.memory_space<vmem>>) dst(%dma_wait3A_302 : memref<10000x128xf32, #tpu.memory_space<vmem_shared>>)
      tpu.yield
    }) : () -> ()
    %add3A_201 = arith.constant 249 : i32
    %add3A_202 = arith.addi %mul3A_0, %add3A_201 : i32
    %dma_start3A_203 = arith.constant 0 : i32
    %dma_start3A_204 = tpu.memref_slice %arg4[%add3A_202, %dma_start3A_203] : memref<4000x80xi32, #tpu.memory_space<hbm>> -> memref<1x80xi32, #tpu.memory_space<hbm>>
    %dma_start3A_205 = tpu.memref_squeeze %dma_start3A_204 : memref<1x80xi32, #tpu.memory_space<hbm>> -> memref<80xi32, #tpu.memory_space<hbm>>
    %dma_start3A_206 = arith.constant 0 : i32
    %dma_start3A_207 = tpu.memref_slice %arg4[%add3A_202, %dma_start3A_206] : memref<4000x80xi32, #tpu.memory_space<hbm>> -> memref<1x80xi32, #tpu.memory_space<hbm>>
    %dma_start3A_208 = tpu.memref_squeeze %dma_start3A_207 : memref<1x80xi32, #tpu.memory_space<hbm>> -> memref<80xi32, #tpu.memory_space<hbm>>
    tpu.enqueue_dma source(%dma_start3A_208 : memref<80xi32, #tpu.memory_space<hbm>>) target(%arg10 : memref<80xi32, #tpu.memory_space<vmem>>) target_semaphore(%arg22 : memref<!tpu.dma_semaphore, #tpu.memory_space<semaphore_mem>>)
    %add3A_209 = arith.constant 249 : i32
    %add3A_210 = arith.addi %mul3A_0, %add3A_209 : i32
    %dma_start3A_211 = arith.constant 0 : i32
    %dma_start3A_212 = tpu.memref_slice %arg5[%add3A_210, %dma_start3A_211] : memref<4000x80xi32, #tpu.memory_space<hbm>> -> memref<1x80xi32, #tpu.memory_space<hbm>>
    %dma_start3A_213 = tpu.memref_squeeze %dma_start3A_212 : memref<1x80xi32, #tpu.memory_space<hbm>> -> memref<80xi32, #tpu.memory_space<hbm>>
    %dma_start3A_214 = arith.constant 0 : i32
    %dma_start3A_215 = tpu.memref_slice %arg5[%add3A_210, %dma_start3A_214] : memref<4000x80xi32, #tpu.memory_space<hbm>> -> memref<1x80xi32, #tpu.memory_space<hbm>>
    %dma_start3A_216 = tpu.memref_squeeze %dma_start3A_215 : memref<1x80xi32, #tpu.memory_space<hbm>> -> memref<80xi32, #tpu.memory_space<hbm>>
    tpu.enqueue_dma source(%dma_start3A_216 : memref<80xi32, #tpu.memory_space<hbm>>) target(%arg14 : memref<80xi32, #tpu.memory_space<vmem>>) target_semaphore(%arg22 : memref<!tpu.dma_semaphore, #tpu.memory_space<semaphore_mem>>)
    %dma_wait3A_217 = arith.constant 0 : i32
    %dma_wait3A_218 = tpu.memref_slice %arg4[%mul3A_0, %dma_wait3A_217] : memref<4000x80xi32, #tpu.memory_space<hbm>> -> memref<1x80xi32, #tpu.memory_space<hbm>>
    %dma_wait3A_219 = tpu.memref_squeeze %dma_wait3A_218 : memref<1x80xi32, #tpu.memory_space<hbm>> -> memref<80xi32, #tpu.memory_space<hbm>>
    %dma_wait3A_220 = arith.constant 0 : i32
    %dma_wait3A_221 = tpu.memref_slice %arg4[%mul3A_0, %dma_wait3A_220] : memref<4000x80xi32, #tpu.memory_space<hbm>> -> memref<1x80xi32, #tpu.memory_space<hbm>>
    %dma_wait3A_222 = tpu.memref_squeeze %dma_wait3A_221 : memref<1x80xi32, #tpu.memory_space<hbm>> -> memref<80xi32, #tpu.memory_space<hbm>>
    tpu.wait_dma2 semaphore(%arg21 : memref<!tpu.dma_semaphore, #tpu.memory_space<semaphore_mem>>) src(%dma_wait3A_222 : memref<80xi32, #tpu.memory_space<hbm>>) dst(%arg9 : memref<80xi32, #tpu.memory_space<vmem>>)
    %dma_wait3A_223 = arith.constant 0 : i32
    %dma_wait3A_224 = tpu.memref_slice %arg5[%mul3A_0, %dma_wait3A_223] : memref<4000x80xi32, #tpu.memory_space<hbm>> -> memref<1x80xi32, #tpu.memory_space<hbm>>
    %dma_wait3A_225 = tpu.memref_squeeze %dma_wait3A_224 : memref<1x80xi32, #tpu.memory_space<hbm>> -> memref<80xi32, #tpu.memory_space<hbm>>
    %dma_wait3A_226 = arith.constant 0 : i32
    %dma_wait3A_227 = tpu.memref_slice %arg5[%mul3A_0, %dma_wait3A_226] : memref<4000x80xi32, #tpu.memory_space<hbm>> -> memref<1x80xi32, #tpu.memory_space<hbm>>
    %dma_wait3A_228 = tpu.memref_squeeze %dma_wait3A_227 : memref<1x80xi32, #tpu.memory_space<hbm>> -> memref<80xi32, #tpu.memory_space<hbm>>
    tpu.wait_dma2 semaphore(%arg21 : memref<!tpu.dma_semaphore, #tpu.memory_space<semaphore_mem>>) src(%dma_wait3A_228 : memref<80xi32, #tpu.memory_space<hbm>>) dst(%arg13 : memref<80xi32, #tpu.memory_space<vmem>>)
    %eq3A_229 = arith.constant 0 : i32
    %eq3A_230 = arith.cmpi eq, %arg0, %eq3A_229 : i32
    %convert_element_type3A_231 = arith.extui %eq3A_230 : i1 to i32
    %cond3A_232 = arith.constant 0 : i32
    %cond3A_233 = arith.cmpi ne, %convert_element_type3A_231, %cond3A_232 : i32
    scf.if %cond3A_233 {
      %dma_start3A_297 = arith.constant 0 : i32
      %dma_start3A_298 = arith.constant 0 : i32
      %dma_start3A_299 = tpu.memref_slice %arg2[%dma_start3A_297, %dma_start3A_298] : memref<40000x128xf32, #tpu.memory_space<hbm>> -> memref<40000x128xf32, #tpu.memory_space<hbm>>
      tpu.enqueue_indirect_dma source(%dma_start3A_299 : memref<40000x128xf32, #tpu.memory_space<hbm>>) target(%arg17 : memref<80x128xf32, #tpu.memory_space<vmem>>) offsets(%arg9 : memref<80xi32, #tpu.memory_space<vmem>>) semaphore(%arg25 : memref<!tpu.dma_semaphore, #tpu.memory_space<semaphore_mem>>)
    } else {
    }
    %ne3A_234 = arith.constant 0 : i32
    %ne3A_235 = arith.cmpi ne, %arg0, %ne3A_234 : i32
    %convert_element_type3A_236 = arith.extui %ne3A_235 : i1 to i32
    %cond3A_237 = arith.constant 0 : i32
    %cond3A_238 = arith.cmpi ne, %convert_element_type3A_236, %cond3A_237 : i32
    scf.if %cond3A_238 {
      %dma_start3A_297 = arith.constant 0 : i32
      %dma_start3A_298 = arith.constant 0 : i32
      %dma_start3A_299 = tpu.memref_slice %arg3[%dma_start3A_297, %dma_start3A_298] : memref<40000x128xf32, #tpu.memory_space<hbm>> -> memref<40000x128xf32, #tpu.memory_space<hbm>>
      tpu.enqueue_indirect_dma source(%dma_start3A_299 : memref<40000x128xf32, #tpu.memory_space<hbm>>) target(%arg17 : memref<80x128xf32, #tpu.memory_space<vmem>>) offsets(%arg9 : memref<80xi32, #tpu.memory_space<vmem>>) semaphore(%arg25 : memref<!tpu.dma_semaphore, #tpu.memory_space<semaphore_mem>>)
    } else {
    }
    %eq3A_239 = arith.constant 0 : i32
    %eq3A_240 = arith.cmpi eq, %arg0, %eq3A_239 : i32
    %convert_element_type3A_241 = arith.extui %eq3A_240 : i1 to i32
    %cond3A_242 = arith.constant 0 : i32
    %cond3A_243 = arith.cmpi ne, %convert_element_type3A_241, %cond3A_242 : i32
    scf.if %cond3A_243 {
      %dma_wait3A_297 = arith.constant 0 : i32
      %dma_wait3A_298 = arith.constant 0 : i32
      %dma_wait3A_299 = tpu.memref_slice %arg2[%dma_wait3A_297, %dma_wait3A_298] : memref<40000x128xf32, #tpu.memory_space<hbm>> -> memref<40000x128xf32, #tpu.memory_space<hbm>>
      tpu.wait_indirect_dma semaphore(%arg28 : memref<!tpu.dma_semaphore, #tpu.memory_space<semaphore_mem>>) src(%dma_wait3A_299 : memref<40000x128xf32, #tpu.memory_space<hbm>>) dst(%arg20 : memref<80x128xf32, #tpu.memory_space<vmem>>)
    } else {
    }
    %ne3A_244 = arith.constant 0 : i32
    %ne3A_245 = arith.cmpi ne, %arg0, %ne3A_244 : i32
    %convert_element_type3A_246 = arith.extui %ne3A_245 : i1 to i32
    %cond3A_247 = arith.constant 0 : i32
    %cond3A_248 = arith.cmpi ne, %convert_element_type3A_246, %cond3A_247 : i32
    scf.if %cond3A_248 {
      %dma_wait3A_297 = arith.constant 0 : i32
      %dma_wait3A_298 = arith.constant 0 : i32
      %dma_wait3A_299 = tpu.memref_slice %arg3[%dma_wait3A_297, %dma_wait3A_298] : memref<40000x128xf32, #tpu.memory_space<hbm>> -> memref<40000x128xf32, #tpu.memory_space<hbm>>
      tpu.wait_indirect_dma semaphore(%arg28 : memref<!tpu.dma_semaphore, #tpu.memory_space<semaphore_mem>>) src(%dma_wait3A_299 : memref<40000x128xf32, #tpu.memory_space<hbm>>) dst(%arg20 : memref<80x128xf32, #tpu.memory_space<vmem>>)
    } else {
    }
    "tpu.region"() ({
      %run_scoped3A = tpu.sem_alloc : memref<!tpu.dma_semaphore, #tpu.memory_space<semaphore_mem>>
      %dma_start3A_297 = arith.constant 0 : i32
      %dma_start3A_298 = arith.constant 0 : i32
      %dma_start3A_299 = tpu.memref_slice %arg8[%dma_start3A_297, %dma_start3A_298] : memref<10000x128xf32, #tpu.memory_space<vmem_shared>> -> memref<10000x128xf32, #tpu.memory_space<vmem_shared>>
      tpu.enqueue_indirect_dma source(%arg20 : memref<80x128xf32, #tpu.memory_space<vmem>>) target(%dma_start3A_299 : memref<10000x128xf32, #tpu.memory_space<vmem_shared>>) offsets(%arg16 : memref<80xi32, #tpu.memory_space<vmem>>) semaphore(%run_scoped3A : memref<!tpu.dma_semaphore, #tpu.memory_space<semaphore_mem>>) {add = true}
      %dma_wait3A_300 = arith.constant 0 : i32
      %dma_wait3A_301 = arith.constant 0 : i32
      %dma_wait3A_302 = tpu.memref_slice %arg8[%dma_wait3A_300, %dma_wait3A_301] : memref<10000x128xf32, #tpu.memory_space<vmem_shared>> -> memref<10000x128xf32, #tpu.memory_space<vmem_shared>>
      tpu.wait_indirect_dma semaphore(%run_scoped3A : memref<!tpu.dma_semaphore, #tpu.memory_space<semaphore_mem>>) src(%arg20 : memref<80x128xf32, #tpu.memory_space<vmem>>) dst(%dma_wait3A_302 : memref<10000x128xf32, #tpu.memory_space<vmem_shared>>)
      tpu.yield
    }) : () -> ()
    %dma_wait3A_249 = arith.constant 0 : i32
    %dma_wait3A_250 = tpu.memref_slice %arg4[%mul3A_0, %dma_wait3A_249] : memref<4000x80xi32, #tpu.memory_space<hbm>> -> memref<1x80xi32, #tpu.memory_space<hbm>>
    %dma_wait3A_251 = tpu.memref_squeeze %dma_wait3A_250 : memref<1x80xi32, #tpu.memory_space<hbm>> -> memref<80xi32, #tpu.memory_space<hbm>>
    %dma_wait3A_252 = arith.constant 0 : i32
    %dma_wait3A_253 = tpu.memref_slice %arg4[%mul3A_0, %dma_wait3A_252] : memref<4000x80xi32, #tpu.memory_space<hbm>> -> memref<1x80xi32, #tpu.memory_space<hbm>>
    %dma_wait3A_254 = tpu.memref_squeeze %dma_wait3A_253 : memref<1x80xi32, #tpu.memory_space<hbm>> -> memref<80xi32, #tpu.memory_space<hbm>>
    tpu.wait_dma2 semaphore(%arg22 : memref<!tpu.dma_semaphore, #tpu.memory_space<semaphore_mem>>) src(%dma_wait3A_254 : memref<80xi32, #tpu.memory_space<hbm>>) dst(%arg10 : memref<80xi32, #tpu.memory_space<vmem>>)
    %dma_wait3A_255 = arith.constant 0 : i32
    %dma_wait3A_256 = tpu.memref_slice %arg5[%mul3A_0, %dma_wait3A_255] : memref<4000x80xi32, #tpu.memory_space<hbm>> -> memref<1x80xi32, #tpu.memory_space<hbm>>
    %dma_wait3A_257 = tpu.memref_squeeze %dma_wait3A_256 : memref<1x80xi32, #tpu.memory_space<hbm>> -> memref<80xi32, #tpu.memory_space<hbm>>
    %dma_wait3A_258 = arith.constant 0 : i32
    %dma_wait3A_259 = tpu.memref_slice %arg5[%mul3A_0, %dma_wait3A_258] : memref<4000x80xi32, #tpu.memory_space<hbm>> -> memref<1x80xi32, #tpu.memory_space<hbm>>
    %dma_wait3A_260 = tpu.memref_squeeze %dma_wait3A_259 : memref<1x80xi32, #tpu.memory_space<hbm>> -> memref<80xi32, #tpu.memory_space<hbm>>
    tpu.wait_dma2 semaphore(%arg22 : memref<!tpu.dma_semaphore, #tpu.memory_space<semaphore_mem>>) src(%dma_wait3A_260 : memref<80xi32, #tpu.memory_space<hbm>>) dst(%arg14 : memref<80xi32, #tpu.memory_space<vmem>>)
    %eq3A_261 = arith.constant 0 : i32
    %eq3A_262 = arith.cmpi eq, %arg0, %eq3A_261 : i32
    %convert_element_type3A_263 = arith.extui %eq3A_262 : i1 to i32
    %cond3A_264 = arith.constant 0 : i32
    %cond3A_265 = arith.cmpi ne, %convert_element_type3A_263, %cond3A_264 : i32
    scf.if %cond3A_265 {
      %dma_start3A_297 = arith.constant 0 : i32
      %dma_start3A_298 = arith.constant 0 : i32
      %dma_start3A_299 = tpu.memref_slice %arg2[%dma_start3A_297, %dma_start3A_298] : memref<40000x128xf32, #tpu.memory_space<hbm>> -> memref<40000x128xf32, #tpu.memory_space<hbm>>
      tpu.enqueue_indirect_dma source(%dma_start3A_299 : memref<40000x128xf32, #tpu.memory_space<hbm>>) target(%arg18 : memref<80x128xf32, #tpu.memory_space<vmem>>) offsets(%arg10 : memref<80xi32, #tpu.memory_space<vmem>>) semaphore(%arg26 : memref<!tpu.dma_semaphore, #tpu.memory_space<semaphore_mem>>)
    } else {
    }
    %ne3A_266 = arith.constant 0 : i32
    %ne3A_267 = arith.cmpi ne, %arg0, %ne3A_266 : i32
    %convert_element_type3A_268 = arith.extui %ne3A_267 : i1 to i32
    %cond3A_269 = arith.constant 0 : i32
    %cond3A_270 = arith.cmpi ne, %convert_element_type3A_268, %cond3A_269 : i32
    scf.if %cond3A_270 {
      %dma_start3A_297 = arith.constant 0 : i32
      %dma_start3A_298 = arith.constant 0 : i32
      %dma_start3A_299 = tpu.memref_slice %arg3[%dma_start3A_297, %dma_start3A_298] : memref<40000x128xf32, #tpu.memory_space<hbm>> -> memref<40000x128xf32, #tpu.memory_space<hbm>>
      tpu.enqueue_indirect_dma source(%dma_start3A_299 : memref<40000x128xf32, #tpu.memory_space<hbm>>) target(%arg18 : memref<80x128xf32, #tpu.memory_space<vmem>>) offsets(%arg10 : memref<80xi32, #tpu.memory_space<vmem>>) semaphore(%arg26 : memref<!tpu.dma_semaphore, #tpu.memory_space<semaphore_mem>>)
    } else {
    }
    %eq3A_271 = arith.constant 0 : i32
    %eq3A_272 = arith.cmpi eq, %arg0, %eq3A_271 : i32
    %convert_element_type3A_273 = arith.extui %eq3A_272 : i1 to i32
    %cond3A_274 = arith.constant 0 : i32
    %cond3A_275 = arith.cmpi ne, %convert_element_type3A_273, %cond3A_274 : i32
    scf.if %cond3A_275 {
      %dma_wait3A_297 = arith.constant 0 : i32
      %dma_wait3A_298 = arith.constant 0 : i32
      %dma_wait3A_299 = tpu.memref_slice %arg2[%dma_wait3A_297, %dma_wait3A_298] : memref<40000x128xf32, #tpu.memory_space<hbm>> -> memref<40000x128xf32, #tpu.memory_space<hbm>>
      tpu.wait_indirect_dma semaphore(%arg25 : memref<!tpu.dma_semaphore, #tpu.memory_space<semaphore_mem>>) src(%dma_wait3A_299 : memref<40000x128xf32, #tpu.memory_space<hbm>>) dst(%arg17 : memref<80x128xf32, #tpu.memory_space<vmem>>)
    } else {
    }
    %ne3A_276 = arith.constant 0 : i32
    %ne3A_277 = arith.cmpi ne, %arg0, %ne3A_276 : i32
    %convert_element_type3A_278 = arith.extui %ne3A_277 : i1 to i32
    %cond3A_279 = arith.constant 0 : i32
    %cond3A_280 = arith.cmpi ne, %convert_element_type3A_278, %cond3A_279 : i32
    scf.if %cond3A_280 {
      %dma_wait3A_297 = arith.constant 0 : i32
      %dma_wait3A_298 = arith.constant 0 : i32
      %dma_wait3A_299 = tpu.memref_slice %arg3[%dma_wait3A_297, %dma_wait3A_298] : memref<40000x128xf32, #tpu.memory_space<hbm>> -> memref<40000x128xf32, #tpu.memory_space<hbm>>
      tpu.wait_indirect_dma semaphore(%arg25 : memref<!tpu.dma_semaphore, #tpu.memory_space<semaphore_mem>>) src(%dma_wait3A_299 : memref<40000x128xf32, #tpu.memory_space<hbm>>) dst(%arg17 : memref<80x128xf32, #tpu.memory_space<vmem>>)
    } else {
    }
    "tpu.region"() ({
      %run_scoped3A = tpu.sem_alloc : memref<!tpu.dma_semaphore, #tpu.memory_space<semaphore_mem>>
      %dma_start3A_297 = arith.constant 0 : i32
      %dma_start3A_298 = arith.constant 0 : i32
      %dma_start3A_299 = tpu.memref_slice %arg8[%dma_start3A_297, %dma_start3A_298] : memref<10000x128xf32, #tpu.memory_space<vmem_shared>> -> memref<10000x128xf32, #tpu.memory_space<vmem_shared>>
      tpu.enqueue_indirect_dma source(%arg17 : memref<80x128xf32, #tpu.memory_space<vmem>>) target(%dma_start3A_299 : memref<10000x128xf32, #tpu.memory_space<vmem_shared>>) offsets(%arg13 : memref<80xi32, #tpu.memory_space<vmem>>) semaphore(%run_scoped3A : memref<!tpu.dma_semaphore, #tpu.memory_space<semaphore_mem>>) {add = true}
      %dma_wait3A_300 = arith.constant 0 : i32
      %dma_wait3A_301 = arith.constant 0 : i32
      %dma_wait3A_302 = tpu.memref_slice %arg8[%dma_wait3A_300, %dma_wait3A_301] : memref<10000x128xf32, #tpu.memory_space<vmem_shared>> -> memref<10000x128xf32, #tpu.memory_space<vmem_shared>>
      tpu.wait_indirect_dma semaphore(%run_scoped3A : memref<!tpu.dma_semaphore, #tpu.memory_space<semaphore_mem>>) src(%arg17 : memref<80x128xf32, #tpu.memory_space<vmem>>) dst(%dma_wait3A_302 : memref<10000x128xf32, #tpu.memory_space<vmem_shared>>)
      tpu.yield
    }) : () -> ()
    %eq3A_281 = arith.constant 0 : i32
    %eq3A_282 = arith.cmpi eq, %arg0, %eq3A_281 : i32
    %convert_element_type3A_283 = arith.extui %eq3A_282 : i1 to i32
    %cond3A_284 = arith.constant 0 : i32
    %cond3A_285 = arith.cmpi ne, %convert_element_type3A_283, %cond3A_284 : i32
    scf.if %cond3A_285 {
      %dma_wait3A_297 = arith.constant 0 : i32
      %dma_wait3A_298 = arith.constant 0 : i32
      %dma_wait3A_299 = tpu.memref_slice %arg2[%dma_wait3A_297, %dma_wait3A_298] : memref<40000x128xf32, #tpu.memory_space<hbm>> -> memref<40000x128xf32, #tpu.memory_space<hbm>>
      tpu.wait_indirect_dma semaphore(%arg26 : memref<!tpu.dma_semaphore, #tpu.memory_space<semaphore_mem>>) src(%dma_wait3A_299 : memref<40000x128xf32, #tpu.memory_space<hbm>>) dst(%arg18 : memref<80x128xf32, #tpu.memory_space<vmem>>)
    } else {
    }
    %ne3A_286 = arith.constant 0 : i32
    %ne3A_287 = arith.cmpi ne, %arg0, %ne3A_286 : i32
    %convert_element_type3A_288 = arith.extui %ne3A_287 : i1 to i32
    %cond3A_289 = arith.constant 0 : i32
    %cond3A_290 = arith.cmpi ne, %convert_element_type3A_288, %cond3A_289 : i32
    scf.if %cond3A_290 {
      %dma_wait3A_297 = arith.constant 0 : i32
      %dma_wait3A_298 = arith.constant 0 : i32
      %dma_wait3A_299 = tpu.memref_slice %arg3[%dma_wait3A_297, %dma_wait3A_298] : memref<40000x128xf32, #tpu.memory_space<hbm>> -> memref<40000x128xf32, #tpu.memory_space<hbm>>
      tpu.wait_indirect_dma semaphore(%arg26 : memref<!tpu.dma_semaphore, #tpu.memory_space<semaphore_mem>>) src(%dma_wait3A_299 : memref<40000x128xf32, #tpu.memory_space<hbm>>) dst(%arg18 : memref<80x128xf32, #tpu.memory_space<vmem>>)
    } else {
    }
    "tpu.region"() ({
      %run_scoped3A = tpu.sem_alloc : memref<!tpu.dma_semaphore, #tpu.memory_space<semaphore_mem>>
      %dma_start3A_297 = arith.constant 0 : i32
      %dma_start3A_298 = arith.constant 0 : i32
      %dma_start3A_299 = tpu.memref_slice %arg8[%dma_start3A_297, %dma_start3A_298] : memref<10000x128xf32, #tpu.memory_space<vmem_shared>> -> memref<10000x128xf32, #tpu.memory_space<vmem_shared>>
      tpu.enqueue_indirect_dma source(%arg18 : memref<80x128xf32, #tpu.memory_space<vmem>>) target(%dma_start3A_299 : memref<10000x128xf32, #tpu.memory_space<vmem_shared>>) offsets(%arg14 : memref<80xi32, #tpu.memory_space<vmem>>) semaphore(%run_scoped3A : memref<!tpu.dma_semaphore, #tpu.memory_space<semaphore_mem>>) {add = true}
      %dma_wait3A_300 = arith.constant 0 : i32
      %dma_wait3A_301 = arith.constant 0 : i32
      %dma_wait3A_302 = tpu.memref_slice %arg8[%dma_wait3A_300, %dma_wait3A_301] : memref<10000x128xf32, #tpu.memory_space<vmem_shared>> -> memref<10000x128xf32, #tpu.memory_space<vmem_shared>>
      tpu.wait_indirect_dma semaphore(%run_scoped3A : memref<!tpu.dma_semaphore, #tpu.memory_space<semaphore_mem>>) src(%arg18 : memref<80x128xf32, #tpu.memory_space<vmem>>) dst(%dma_wait3A_302 : memref<10000x128xf32, #tpu.memory_space<vmem_shared>>)
      tpu.yield
    }) : () -> ()
    %barrier3A_291 = arith.constant 0 : index
    tpu.barrier barrier_id(%barrier3A_291)
    %lt3A_292 = arith.constant 10 : i32
    %lt3A_293 = arith.cmpi slt, %arg1, %lt3A_292 : i32
    %convert_element_type3A_294 = arith.extui %lt3A_293 : i1 to i32
    %cond3A_295 = arith.constant 0 : i32
    %cond3A_296 = arith.cmpi ne, %convert_element_type3A_294, %cond3A_295 : i32
    scf.if %cond3A_296 {
      %mul3A_297 = arith.constant 1000 : i32
      %mul3A_298 = arith.muli %arg1, %mul3A_297 : i32
      %mul3A_299 = arith.constant 10000 : i32
      %mul3A_300 = arith.muli %arg0, %mul3A_299 : i32
      %mul3A_301 = arith.constant 1000 : i32
      %mul3A_302 = arith.muli %arg1, %mul3A_301 : i32
      %add3A_303 = arith.addi %mul3A_300, %mul3A_302 : i32
      "tpu.region"() ({
        %run_scoped3A = tpu.sem_alloc : memref<!tpu.dma_semaphore, #tpu.memory_space<semaphore_mem>>
        %dma_start3A_304 = arith.constant 0 : i32
        %dma_start3A_305 = tpu.memref_slice %arg7[%add3A_303, %dma_start3A_304] : memref<20000x128xf32, #tpu.memory_space<hbm>> -> memref<1000x128xf32, #tpu.memory_space<hbm>>
        %dma_start3A_306 = arith.constant 0 : i32
        %dma_start3A_307 = tpu.memref_slice %arg8[%mul3A_298, %dma_start3A_306] : memref<10000x128xf32, #tpu.memory_space<vmem_shared>> -> memref<1000x128xf32, #tpu.memory_space<vmem_shared>>
        tpu.enqueue_dma source(%dma_start3A_307 : memref<1000x128xf32, #tpu.memory_space<vmem_shared>>) target(%dma_start3A_305 : memref<1000x128xf32, #tpu.memory_space<hbm>>) target_semaphore(%run_scoped3A : memref<!tpu.dma_semaphore, #tpu.memory_space<semaphore_mem>>)
        %dma_wait3A_308 = arith.constant 0 : i32
        %dma_wait3A_309 = tpu.memref_slice %arg7[%add3A_303, %dma_wait3A_308] : memref<20000x128xf32, #tpu.memory_space<hbm>> -> memref<1000x128xf32, #tpu.memory_space<hbm>>
        %dma_wait3A_310 = arith.constant 0 : i32
        %dma_wait3A_311 = tpu.memref_slice %arg8[%mul3A_298, %dma_wait3A_310] : memref<10000x128xf32, #tpu.memory_space<vmem_shared>> -> memref<1000x128xf32, #tpu.memory_space<vmem_shared>>
        tpu.wait_dma2 semaphore(%run_scoped3A : memref<!tpu.dma_semaphore, #tpu.memory_space<semaphore_mem>>) src(%dma_wait3A_311 : memref<1000x128xf32, #tpu.memory_space<vmem_shared>>) dst(%dma_wait3A_309 : memref<1000x128xf32, #tpu.memory_space<hbm>>)
        tpu.yield
      }) : () -> ()
    } else {
    }
    return
  }
}

module attributes {stable_mosaic.version = 14 : i64} {
  func.func @_tables_body(%arg0: i32, %arg1: i32, %arg2: memref<1000x128xf32, #tpu.memory_space<vmem>>, %arg3: memref<1x128x256xf32, #tpu.memory_space<vmem>>, %arg4: memref<1000x128xf32, #tpu.memory_space<vmem>>, %arg5: memref<1000x128xf32, #tpu.memory_space<vmem>>) attributes {dimension_semantics = [#tpu.dimension_semantics<arbitrary>, #tpu.dimension_semantics<arbitrary>], iteration_bounds = array<i64: 4, 10>, scalar_prefetch = 0 : i64, scratch_operands = 0 : i64, tpu.core_type = #tpu.core_type<tc>, window_params = [{transform_indices = @transform_0, window_bounds = array<i64: 1000, 128>}, {transform_indices = @transform_1, window_bounds = array<i64: 1, 128, 256>}, {transform_indices = @transform_2, window_bounds = array<i64: 1000, 128>}, {transform_indices = @transform_3, window_bounds = array<i64: 1000, 128>}]} {
    %get3A = arith.constant 0 : index
    %get3A_0 = arith.constant 0 : index
    %get3A_1 = vector.load %arg2[%get3A, %get3A_0] : memref<1000x128xf32, #tpu.memory_space<vmem>>, vector<1000x128xf32>
    %get3A_2 = arith.constant 0 : index
    %get3A_3 = arith.constant 0 : index
    %get3A_4 = arith.constant 0 : index
    %get3A_5 = vector.load %arg3[%get3A_2, %get3A_3, %get3A_4] : memref<1x128x256xf32, #tpu.memory_space<vmem>>, vector<1x128x256xf32>
    %get3A_6 = vector.shape_cast %get3A_5 : vector<1x128x256xf32> to vector<128x256xf32>
    %dot_general3A = arith.constant dense<0.000000e+00> : vector<1000x256xf32>
    %dot_general3A_7 = tpu.matmul %get3A_1, %get3A_6, %dot_general3A {dimension_numbers = #tpu.dot_dimension_numbers<[1], [0], [0], [1], [0, 0, 1, 1], [], []>, transpose_lhs_hint = false} : vector<1000x128xf32>, vector<128x256xf32>, vector<1000x256xf32> -> vector<1000x256xf32>
    %slice3A = vector.extract_strided_slice %dot_general3A_7 {offsets = [0, 0], sizes = [1000, 128], strides = [1, 1]} : vector<1000x256xf32> to vector<1000x128xf32>
    %swap3A = arith.constant 0 : index
    %swap3A_8 = arith.constant 0 : index
    %swap3A_9 = vector.load %arg4[%swap3A, %swap3A_8] : memref<1000x128xf32, #tpu.memory_space<vmem>>, vector<1000x128xf32>
    tpu.vector_store %arg4[%swap3A, %swap3A_8], %slice3A {strides = array<i32>} : memref<1000x128xf32, #tpu.memory_space<vmem>>, vector<1000x128xf32>,
    %slice3A_10 = vector.extract_strided_slice %dot_general3A_7 {offsets = [0, 128], sizes = [1000, 128], strides = [1, 1]} : vector<1000x256xf32> to vector<1000x128xf32>
    %swap3A_11 = arith.constant 0 : index
    %swap3A_12 = arith.constant 0 : index
    %swap3A_13 = vector.load %arg5[%swap3A_11, %swap3A_12] : memref<1000x128xf32, #tpu.memory_space<vmem>>, vector<1000x128xf32>
    tpu.vector_store %arg5[%swap3A_11, %swap3A_12], %slice3A_10 {strides = array<i32>} : memref<1000x128xf32, #tpu.memory_space<vmem>>, vector<1000x128xf32>,
    return
  }
  func.func @transform_0(%arg0: i32, %arg1: i32) -> (i32, i32) {
    %c0_i32 = arith.constant 0 : i32
    %c0_i32_0 = arith.constant 0 : i32
    return %arg1, %c0_i32 : i32, i32
  }
  func.func @transform_1(%arg0: i32, %arg1: i32) -> (i32, i32, i32) {
    %c0_i32 = arith.constant 0 : i32
    %c0_i32_0 = arith.constant 0 : i32
    %c0_i32_1 = arith.constant 0 : i32
    return %arg0, %c0_i32, %c0_i32_0 : i32, i32, i32
  }
  func.func @transform_2(%arg0: i32, %arg1: i32) -> (i32, i32) {
    %mul3A = arith.constant 10 : i32
    %mul3A_0 = arith.muli %arg0, %mul3A : i32
    %add3A = arith.addi %mul3A_0, %arg1 : i32
    %c0_i32 = arith.constant 0 : i32
    %c0_i32_1 = arith.constant 0 : i32
    return %add3A, %c0_i32 : i32, i32
  }
  func.func @transform_3(%arg0: i32, %arg1: i32) -> (i32, i32) {
    %mul3A = arith.constant 10 : i32
    %mul3A_0 = arith.muli %arg0, %mul3A : i32
    %add3A = arith.addi %mul3A_0, %arg1 : i32
    %c0_i32 = arith.constant 0 : i32
    %c0_i32_1 = arith.constant 0 : i32
    return %add3A, %c0_i32 : i32, i32
  }
}

module attributes {stable_mosaic.version = 14 : i64} {
  func.func @_combine2_body(%arg0: i32, %arg1: memref<1000x256xf32, #tpu.memory_space<vmem>>, %arg2: memref<10x1x256xf32, #tpu.memory_space<vmem>>, %arg3: memref<10x1x256xf32, #tpu.memory_space<vmem>>, %arg4: memref<1x256xf32, #tpu.memory_space<vmem>>, %arg5: memref<1x256xf32, #tpu.memory_space<vmem>>, %arg6: memref<1000x256xf32, #tpu.memory_space<vmem>>) attributes {dimension_semantics = [#tpu.dimension_semantics<arbitrary>], iteration_bounds = array<i64: 10>, scalar_prefetch = 0 : i64, scratch_operands = 0 : i64, tpu.core_type = #tpu.core_type<tc>, window_params = [{transform_indices = @transform_0, window_bounds = array<i64: 1000, 256>}, {pipeline_mode = #tpu.pipeline_mode<synchronous>, transform_indices = @transform_1, window_bounds = array<i64: 10, 1, 256>}, {pipeline_mode = #tpu.pipeline_mode<synchronous>, transform_indices = @transform_2, window_bounds = array<i64: 10, 1, 256>}, {pipeline_mode = #tpu.pipeline_mode<synchronous>, transform_indices = @transform_3, window_bounds = array<i64: 1, 256>}, {pipeline_mode = #tpu.pipeline_mode<synchronous>, transform_indices = @transform_4, window_bounds = array<i64: 1, 256>}, {transform_indices = @transform_5, window_bounds = array<i64: 1000, 256>}]} {
    %get3A = arith.constant 0 : index
    %get3A_0 = arith.constant 0 : index
    %get3A_1 = arith.constant 0 : index
    %get3A_2 = vector.load %arg2[%get3A, %get3A_0, %get3A_1] : memref<10x1x256xf32, #tpu.memory_space<vmem>>, vector<10x1x256xf32>
    %reshape3A = vector.shape_cast %get3A_2 : vector<10x1x256xf32> to vector<10x256xf32>
    %reduce_sum3A = arith.constant dense<0.000000e+00> : vector<256xf32>
    %reduce_sum3A_3 = vector.multi_reduction <add>, %reshape3A, %reduce_sum3A [0] : vector<10x256xf32> to vector<256xf32>
    %broadcast_in_dim3A = vector.shape_cast %reduce_sum3A_3 : vector<256xf32> to vector<1x256xf32>
    %mul3A = arith.constant 9.99999974E-5 : f32
    %mul3A_4 = vector.broadcast %mul3A : f32 to vector<1x256xf32>
    %mul3A_5 = arith.mulf %broadcast_in_dim3A, %mul3A_4 : vector<1x256xf32>
    %get3A_6 = arith.constant 0 : index
    %get3A_7 = arith.constant 0 : index
    %get3A_8 = arith.constant 0 : index
    %get3A_9 = vector.load %arg3[%get3A_6, %get3A_7, %get3A_8] : memref<10x1x256xf32, #tpu.memory_space<vmem>>, vector<10x1x256xf32>
    %reshape3A_10 = vector.shape_cast %get3A_9 : vector<10x1x256xf32> to vector<10x256xf32>
    %reduce_sum3A_11 = arith.constant dense<0.000000e+00> : vector<256xf32>
    %reduce_sum3A_12 = vector.multi_reduction <add>, %reshape3A_10, %reduce_sum3A_11 [0] : vector<10x256xf32> to vector<256xf32>
    %broadcast_in_dim3A_13 = vector.shape_cast %reduce_sum3A_12 : vector<256xf32> to vector<1x256xf32>
    %mul3A_14 = arith.constant 9.99999974E-5 : f32
    %mul3A_15 = vector.broadcast %mul3A_14 : f32 to vector<1x256xf32>
    %mul3A_16 = arith.mulf %broadcast_in_dim3A_13, %mul3A_15 : vector<1x256xf32>
    %mul3A_17 = arith.mulf %mul3A_5, %mul3A_5 : vector<1x256xf32>
    %sub3A = arith.subf %mul3A_16, %mul3A_17 : vector<1x256xf32>
    %add3A = arith.constant 9.99999974E-6 : f32
    %add3A_18 = vector.broadcast %add3A : f32 to vector<1x256xf32>
    %add3A_19 = arith.addf %sub3A, %add3A_18 : vector<1x256xf32>
    %rsqrt3A = math.rsqrt %add3A_19 : vector<1x256xf32>
    %get3A_20 = arith.constant 0 : index
    %get3A_21 = arith.constant 0 : index
    %get3A_22 = vector.load %arg1[%get3A_20, %get3A_21] : memref<1000x256xf32, #tpu.memory_space<vmem>>, vector<1000x256xf32>
    %sub3A_23 = vector.broadcast %mul3A_5 : vector<1x256xf32> to vector<1000x256xf32>
    %sub3A_24 = arith.subf %get3A_22, %sub3A_23 : vector<1000x256xf32>
    %mul3A_25 = vector.broadcast %rsqrt3A : vector<1x256xf32> to vector<1000x256xf32>
    %mul3A_26 = arith.mulf %sub3A_24, %mul3A_25 : vector<1000x256xf32>
    %get3A_27 = arith.constant 0 : index
    %get3A_28 = arith.constant 0 : index
    %get3A_29 = vector.load %arg4[%get3A_27, %get3A_28] : memref<1x256xf32, #tpu.memory_space<vmem>>, vector<1x256xf32>
    %mul3A_30 = vector.broadcast %get3A_29 : vector<1x256xf32> to vector<1000x256xf32>
    %mul3A_31 = arith.mulf %mul3A_26, %mul3A_30 : vector<1000x256xf32>
    %get3A_32 = arith.constant 0 : index
    %get3A_33 = arith.constant 0 : index
    %get3A_34 = vector.load %arg5[%get3A_32, %get3A_33] : memref<1x256xf32, #tpu.memory_space<vmem>>, vector<1x256xf32>
    %add3A_35 = vector.broadcast %get3A_34 : vector<1x256xf32> to vector<1000x256xf32>
    %add3A_36 = arith.addf %mul3A_31, %add3A_35 : vector<1000x256xf32>
    %max3A = arith.constant 0.000000e+00 : f32
    %max3A_37 = vector.broadcast %max3A : f32 to vector<1000x256xf32>
    %max3A_38 = arith.maximumf %add3A_36, %max3A_37 : vector<1000x256xf32>
    %swap3A = arith.constant 0 : index
    %swap3A_39 = arith.constant 0 : index
    %swap3A_40 = vector.load %arg6[%swap3A, %swap3A_39] : memref<1000x256xf32, #tpu.memory_space<vmem>>, vector<1000x256xf32>
    tpu.vector_store %arg6[%swap3A, %swap3A_39], %max3A_38 {strides = array<i32>} : memref<1000x256xf32, #tpu.memory_space<vmem>>, vector<1000x256xf32>,
    return
  }
  func.func @transform_0(%arg0: i32) -> (i32, i32) {
    %c0_i32 = arith.constant 0 : i32
    %c0_i32_0 = arith.constant 0 : i32
    return %arg0, %c0_i32 : i32, i32
  }
  func.func @transform_1(%arg0: i32) -> (i32, i32, i32) {
    %c0_i32 = arith.constant 0 : i32
    %c0_i32_0 = arith.constant 0 : i32
    %c0_i32_1 = arith.constant 0 : i32
    %c0_i32_2 = arith.constant 0 : i32
    return %c0_i32, %c0_i32_0, %c0_i32_1 : i32, i32, i32
  }
  func.func @transform_2(%arg0: i32) -> (i32, i32, i32) {
    %c0_i32 = arith.constant 0 : i32
    %c0_i32_0 = arith.constant 0 : i32
    %c0_i32_1 = arith.constant 0 : i32
    %c0_i32_2 = arith.constant 0 : i32
    return %c0_i32, %c0_i32_0, %c0_i32_1 : i32, i32, i32
  }
  func.func @transform_3(%arg0: i32) -> (i32, i32) {
    %c0_i32 = arith.constant 0 : i32
    %c0_i32_0 = arith.constant 0 : i32
    %c0_i32_1 = arith.constant 0 : i32
    return %c0_i32, %c0_i32_0 : i32, i32
  }
  func.func @transform_4(%arg0: i32) -> (i32, i32) {
    %c0_i32 = arith.constant 0 : i32
    %c0_i32_0 = arith.constant 0 : i32
    %c0_i32_1 = arith.constant 0 : i32
    return %c0_i32, %c0_i32_0 : i32, i32
  }
  func.func @transform_5(%arg0: i32) -> (i32, i32) {
    %c0_i32 = arith.constant 0 : i32
    %c0_i32_0 = arith.constant 0 : i32
    return %arg0, %c0_i32 : i32, i32
  }
}

module attributes {stable_mosaic.version = 14 : i64} {
  func.func @_combine1_body(%arg0: i32, %arg1: memref<1000x128xf32, #tpu.memory_space<vmem>>, %arg2: memref<128x256xf32, #tpu.memory_space<vmem>>, %arg3: memref<1000x128xf32, #tpu.memory_space<vmem>>, %arg4: memref<1000x128xf32, #tpu.memory_space<vmem>>, %arg5: memref<1000x128xf32, #tpu.memory_space<vmem>>, %arg6: memref<1000x128xf32, #tpu.memory_space<vmem>>, %arg7: memref<1x256xf32, #tpu.memory_space<vmem>>, %arg8: memref<1000x256xf32, #tpu.memory_space<vmem>>, %arg9: memref<1x1x256xf32, #tpu.memory_space<vmem>>, %arg10: memref<1x1x256xf32, #tpu.memory_space<vmem>>) attributes {dimension_semantics = [#tpu.dimension_semantics<arbitrary>], iteration_bounds = array<i64: 10>, scalar_prefetch = 0 : i64, scratch_operands = 0 : i64, tpu.core_type = #tpu.core_type<tc>, window_params = [{transform_indices = @transform_0, window_bounds = array<i64: 1000, 128>}, {pipeline_mode = #tpu.pipeline_mode<synchronous>, transform_indices = @transform_1, window_bounds = array<i64: 128, 256>}, {transform_indices = @transform_2, window_bounds = array<i64: 1000, 128>}, {transform_indices = @transform_3, window_bounds = array<i64: 1000, 128>}, {transform_indices = @transform_4, window_bounds = array<i64: 1000, 128>}, {transform_indices = @transform_5, window_bounds = array<i64: 1000, 128>}, {pipeline_mode = #tpu.pipeline_mode<synchronous>, transform_indices = @transform_6, window_bounds = array<i64: 1, 256>}, {transform_indices = @transform_7, window_bounds = array<i64: 1000, 256>}, {transform_indices = @transform_8, window_bounds = array<i64: 1, 1, 256>}, {transform_indices = @transform_9, window_bounds = array<i64: 1, 1, 256>}]} {
    %get3A = arith.constant 0 : index
    %get3A_0 = arith.constant 0 : index
    %get3A_1 = vector.load %arg3[%get3A, %get3A_0] : memref<1000x128xf32, #tpu.memory_space<vmem>>, vector<1000x128xf32>
    %get3A_2 = arith.constant 0 : index
    %get3A_3 = arith.constant 0 : index
    %get3A_4 = vector.load %arg4[%get3A_2, %get3A_3] : memref<1000x128xf32, #tpu.memory_space<vmem>>, vector<1000x128xf32>
    %concatenate3A = tpu.concatenate %get3A_1, %get3A_4 in 1 : vector<1000x128xf32>, vector<1000x128xf32> -> vector<1000x256xf32>
    %get3A_5 = arith.constant 0 : index
    %get3A_6 = arith.constant 0 : index
    %get3A_7 = vector.load %arg5[%get3A_5, %get3A_6] : memref<1000x128xf32, #tpu.memory_space<vmem>>, vector<1000x128xf32>
    %slice3A = vector.extract_strided_slice %get3A_7 {offsets = [0, 0], sizes = [1000, 1], strides = [1, 1]} : vector<1000x128xf32> to vector<1000x1xf32>
    %get3A_8 = arith.constant 0 : index
    %get3A_9 = arith.constant 0 : index
    %get3A_10 = vector.load %arg6[%get3A_8, %get3A_9] : memref<1000x128xf32, #tpu.memory_space<vmem>>, vector<1000x128xf32>
    %slice3A_11 = vector.extract_strided_slice %get3A_10 {offsets = [0, 0], sizes = [1000, 1], strides = [1, 1]} : vector<1000x128xf32> to vector<1000x1xf32>
    %add3A = arith.addf %slice3A, %slice3A_11 : vector<1000x1xf32>
    %max3A = arith.constant 1.000000e+00 : f32
    %max3A_12 = vector.broadcast %max3A : f32 to vector<1000x1xf32>
    %max3A_13 = arith.maximumf %add3A, %max3A_12 : vector<1000x1xf32>
    %get3A_14 = arith.constant 0 : index
    %get3A_15 = arith.constant 0 : index
    %get3A_16 = vector.load %arg1[%get3A_14, %get3A_15] : memref<1000x128xf32, #tpu.memory_space<vmem>>, vector<1000x128xf32>
    %get3A_17 = arith.constant 0 : index
    %get3A_18 = arith.constant 0 : index
    %get3A_19 = vector.load %arg2[%get3A_17, %get3A_18] : memref<128x256xf32, #tpu.memory_space<vmem>>, vector<128x256xf32>
    %dot_general3A = arith.constant dense<0.000000e+00> : vector<1000x256xf32>
    %dot_general3A_20 = tpu.matmul %get3A_16, %get3A_19, %dot_general3A {dimension_numbers = #tpu.dot_dimension_numbers<[1], [0], [0], [1], [0, 0, 1, 1], [], []>, transpose_lhs_hint = false} : vector<1000x128xf32>, vector<128x256xf32>, vector<1000x256xf32> -> vector<1000x256xf32>
    %div3A = vector.broadcast %max3A_13 : vector<1000x1xf32> to vector<1000x256xf32>
    %div3A_21 = arith.divf %concatenate3A, %div3A : vector<1000x256xf32>
    %add3A_22 = arith.addf %dot_general3A_20, %div3A_21 : vector<1000x256xf32>
    %get3A_23 = arith.constant 0 : index
    %get3A_24 = arith.constant 0 : index
    %get3A_25 = vector.load %arg7[%get3A_23, %get3A_24] : memref<1x256xf32, #tpu.memory_space<vmem>>, vector<1x256xf32>
    %add3A_26 = vector.broadcast %get3A_25 : vector<1x256xf32> to vector<1000x256xf32>
    %add3A_27 = arith.addf %add3A_22, %add3A_26 : vector<1000x256xf32>
    %swap3A = arith.constant 0 : index
    %swap3A_28 = arith.constant 0 : index
    %swap3A_29 = vector.load %arg8[%swap3A, %swap3A_28] : memref<1000x256xf32, #tpu.memory_space<vmem>>, vector<1000x256xf32>
    tpu.vector_store %arg8[%swap3A, %swap3A_28], %add3A_27 {strides = array<i32>} : memref<1000x256xf32, #tpu.memory_space<vmem>>, vector<1000x256xf32>,
    %reduce_sum3A = arith.constant dense<0.000000e+00> : vector<256xf32>
    %reduce_sum3A_30 = vector.multi_reduction <add>, %add3A_27, %reduce_sum3A [0] : vector<1000x256xf32> to vector<256xf32>
    %reshape3A = vector.shape_cast %reduce_sum3A_30 : vector<256xf32> to vector<1x1x256xf32>
    %swap3A_31 = arith.constant 0 : index
    %swap3A_32 = arith.constant 0 : index
    %swap3A_33 = arith.constant 0 : index
    %swap3A_34 = vector.load %arg9[%swap3A_31, %swap3A_32, %swap3A_33] : memref<1x1x256xf32, #tpu.memory_space<vmem>>, vector<1x1x256xf32>
    tpu.vector_store %arg9[%swap3A_31, %swap3A_32, %swap3A_33], %reshape3A {strides = array<i32>} : memref<1x1x256xf32, #tpu.memory_space<vmem>>, vector<1x1x256xf32>,
    %mul3A = arith.mulf %add3A_27, %add3A_27 : vector<1000x256xf32>
    %reduce_sum3A_35 = arith.constant dense<0.000000e+00> : vector<256xf32>
    %reduce_sum3A_36 = vector.multi_reduction <add>, %mul3A, %reduce_sum3A_35 [0] : vector<1000x256xf32> to vector<256xf32>
    %reshape3A_37 = vector.shape_cast %reduce_sum3A_36 : vector<256xf32> to vector<1x1x256xf32>
    %swap3A_38 = arith.constant 0 : index
    %swap3A_39 = arith.constant 0 : index
    %swap3A_40 = arith.constant 0 : index
    %swap3A_41 = vector.load %arg10[%swap3A_38, %swap3A_39, %swap3A_40] : memref<1x1x256xf32, #tpu.memory_space<vmem>>, vector<1x1x256xf32>
    tpu.vector_store %arg10[%swap3A_38, %swap3A_39, %swap3A_40], %reshape3A_37 {strides = array<i32>} : memref<1x1x256xf32, #tpu.memory_space<vmem>>, vector<1x1x256xf32>,
    return
  }
  func.func @transform_0(%arg0: i32) -> (i32, i32) {
    %c0_i32 = arith.constant 0 : i32
    %c0_i32_0 = arith.constant 0 : i32
    return %arg0, %c0_i32 : i32, i32
  }
  func.func @transform_1(%arg0: i32) -> (i32, i32) {
    %c0_i32 = arith.constant 0 : i32
    %c0_i32_0 = arith.constant 0 : i32
    %c0_i32_1 = arith.constant 0 : i32
    return %c0_i32, %c0_i32_0 : i32, i32
  }
  func.func @transform_2(%arg0: i32) -> (i32, i32) {
    %c0_i32 = arith.constant 0 : i32
    %c0_i32_0 = arith.constant 0 : i32
    return %arg0, %c0_i32 : i32, i32
  }
  func.func @transform_3(%arg0: i32) -> (i32, i32) {
    %add3A = arith.constant 10 : i32
    %add3A_0 = arith.addi %add3A, %arg0 : i32
    %c0_i32 = arith.constant 0 : i32
    %c0_i32_1 = arith.constant 0 : i32
    return %add3A_0, %c0_i32 : i32, i32
  }
  func.func @transform_4(%arg0: i32) -> (i32, i32) {
    %c0_i32 = arith.constant 0 : i32
    %c0_i32_0 = arith.constant 0 : i32
    return %arg0, %c0_i32 : i32, i32
  }
  func.func @transform_5(%arg0: i32) -> (i32, i32) {
    %add3A = arith.constant 10 : i32
    %add3A_0 = arith.addi %add3A, %arg0 : i32
    %c0_i32 = arith.constant 0 : i32
    %c0_i32_1 = arith.constant 0 : i32
    return %add3A_0, %c0_i32 : i32, i32
  }
  func.func @transform_6(%arg0: i32) -> (i32, i32) {
    %c0_i32 = arith.constant 0 : i32
    %c0_i32_0 = arith.constant 0 : i32
    %c0_i32_1 = arith.constant 0 : i32
    return %c0_i32, %c0_i32_0 : i32, i32
  }
  func.func @transform_7(%arg0: i32) -> (i32, i32) {
    %c0_i32 = arith.constant 0 : i32
    %c0_i32_0 = arith.constant 0 : i32
    return %arg0, %c0_i32 : i32, i32
  }
  func.func @transform_8(%arg0: i32) -> (i32, i32, i32) {
    %c0_i32 = arith.constant 0 : i32
    %c0_i32_0 = arith.constant 0 : i32
    %c0_i32_1 = arith.constant 0 : i32
    return %arg0, %c0_i32, %c0_i32_0 : i32, i32, i32
  }
  func.func @transform_9(%arg0: i32) -> (i32, i32, i32) {
    %c0_i32 = arith.constant 0 : i32
    %c0_i32_0 = arith.constant 0 : i32
    %c0_i32_1 = arith.constant 0 : i32
    return %arg0, %c0_i32, %c0_i32_0 : i32, i32, i32
  }
}

module attributes {stable_mosaic.version = 14 : i64} {
  func.func @_tables_body(%arg0: i32, %arg1: i32, %arg2: memref<1000x256xf32, #tpu.memory_space<vmem>>, %arg3: memref<1x256x256xf32, #tpu.memory_space<vmem>>, %arg4: memref<1000x128xf32, #tpu.memory_space<vmem>>, %arg5: memref<1000x128xf32, #tpu.memory_space<vmem>>) attributes {dimension_semantics = [#tpu.dimension_semantics<arbitrary>, #tpu.dimension_semantics<arbitrary>], iteration_bounds = array<i64: 4, 10>, scalar_prefetch = 0 : i64, scratch_operands = 0 : i64, tpu.core_type = #tpu.core_type<tc>, window_params = [{transform_indices = @transform_0, window_bounds = array<i64: 1000, 256>}, {transform_indices = @transform_1, window_bounds = array<i64: 1, 256, 256>}, {transform_indices = @transform_2, window_bounds = array<i64: 1000, 128>}, {transform_indices = @transform_3, window_bounds = array<i64: 1000, 128>}]} {
    %get3A = arith.constant 0 : index
    %get3A_0 = arith.constant 0 : index
    %get3A_1 = vector.load %arg2[%get3A, %get3A_0] : memref<1000x256xf32, #tpu.memory_space<vmem>>, vector<1000x256xf32>
    %get3A_2 = arith.constant 0 : index
    %get3A_3 = arith.constant 0 : index
    %get3A_4 = arith.constant 0 : index
    %get3A_5 = vector.load %arg3[%get3A_2, %get3A_3, %get3A_4] : memref<1x256x256xf32, #tpu.memory_space<vmem>>, vector<1x256x256xf32>
    %get3A_6 = vector.shape_cast %get3A_5 : vector<1x256x256xf32> to vector<256x256xf32>
    %dot_general3A = arith.constant dense<0.000000e+00> : vector<1000x256xf32>
    %dot_general3A_7 = tpu.matmul %get3A_1, %get3A_6, %dot_general3A {dimension_numbers = #tpu.dot_dimension_numbers<[1], [0], [0], [1], [0, 0, 1, 1], [], []>, transpose_lhs_hint = false} : vector<1000x256xf32>, vector<256x256xf32>, vector<1000x256xf32> -> vector<1000x256xf32>
    %slice3A = vector.extract_strided_slice %dot_general3A_7 {offsets = [0, 0], sizes = [1000, 128], strides = [1, 1]} : vector<1000x256xf32> to vector<1000x128xf32>
    %swap3A = arith.constant 0 : index
    %swap3A_8 = arith.constant 0 : index
    %swap3A_9 = vector.load %arg4[%swap3A, %swap3A_8] : memref<1000x128xf32, #tpu.memory_space<vmem>>, vector<1000x128xf32>
    tpu.vector_store %arg4[%swap3A, %swap3A_8], %slice3A {strides = array<i32>} : memref<1000x128xf32, #tpu.memory_space<vmem>>, vector<1000x128xf32>,
    %slice3A_10 = vector.extract_strided_slice %dot_general3A_7 {offsets = [0, 128], sizes = [1000, 128], strides = [1, 1]} : vector<1000x256xf32> to vector<1000x128xf32>
    %swap3A_11 = arith.constant 0 : index
    %swap3A_12 = arith.constant 0 : index
    %swap3A_13 = vector.load %arg5[%swap3A_11, %swap3A_12] : memref<1000x128xf32, #tpu.memory_space<vmem>>, vector<1000x128xf32>
    tpu.vector_store %arg5[%swap3A_11, %swap3A_12], %slice3A_10 {strides = array<i32>} : memref<1000x128xf32, #tpu.memory_space<vmem>>, vector<1000x128xf32>,
    return
  }
  func.func @transform_0(%arg0: i32, %arg1: i32) -> (i32, i32) {
    %c0_i32 = arith.constant 0 : i32
    %c0_i32_0 = arith.constant 0 : i32
    return %arg1, %c0_i32 : i32, i32
  }
  func.func @transform_1(%arg0: i32, %arg1: i32) -> (i32, i32, i32) {
    %c0_i32 = arith.constant 0 : i32
    %c0_i32_0 = arith.constant 0 : i32
    %c0_i32_1 = arith.constant 0 : i32
    return %arg0, %c0_i32, %c0_i32_0 : i32, i32, i32
  }
  func.func @transform_2(%arg0: i32, %arg1: i32) -> (i32, i32) {
    %mul3A = arith.constant 10 : i32
    %mul3A_0 = arith.muli %arg0, %mul3A : i32
    %add3A = arith.addi %mul3A_0, %arg1 : i32
    %c0_i32 = arith.constant 0 : i32
    %c0_i32_1 = arith.constant 0 : i32
    return %add3A, %c0_i32 : i32, i32
  }
  func.func @transform_3(%arg0: i32, %arg1: i32) -> (i32, i32) {
    %mul3A = arith.constant 10 : i32
    %mul3A_0 = arith.muli %arg0, %mul3A : i32
    %add3A = arith.addi %mul3A_0, %arg1 : i32
    %c0_i32 = arith.constant 0 : i32
    %c0_i32_1 = arith.constant 0 : i32
    return %add3A, %c0_i32 : i32, i32
  }
}

module attributes {stable_mosaic.version = 14 : i64} {
  func.func @_combine1_body(%arg0: i32, %arg1: memref<1000x256xf32, #tpu.memory_space<vmem>>, %arg2: memref<256x256xf32, #tpu.memory_space<vmem>>, %arg3: memref<1000x128xf32, #tpu.memory_space<vmem>>, %arg4: memref<1000x128xf32, #tpu.memory_space<vmem>>, %arg5: memref<1000x128xf32, #tpu.memory_space<vmem>>, %arg6: memref<1000x128xf32, #tpu.memory_space<vmem>>, %arg7: memref<1x256xf32, #tpu.memory_space<vmem>>, %arg8: memref<1000x256xf32, #tpu.memory_space<vmem>>, %arg9: memref<1x1x256xf32, #tpu.memory_space<vmem>>, %arg10: memref<1x1x256xf32, #tpu.memory_space<vmem>>) attributes {dimension_semantics = [#tpu.dimension_semantics<arbitrary>], iteration_bounds = array<i64: 10>, scalar_prefetch = 0 : i64, scratch_operands = 0 : i64, tpu.core_type = #tpu.core_type<tc>, window_params = [{transform_indices = @transform_0, window_bounds = array<i64: 1000, 256>}, {pipeline_mode = #tpu.pipeline_mode<synchronous>, transform_indices = @transform_1, window_bounds = array<i64: 256, 256>}, {transform_indices = @transform_2, window_bounds = array<i64: 1000, 128>}, {transform_indices = @transform_3, window_bounds = array<i64: 1000, 128>}, {transform_indices = @transform_4, window_bounds = array<i64: 1000, 128>}, {transform_indices = @transform_5, window_bounds = array<i64: 1000, 128>}, {pipeline_mode = #tpu.pipeline_mode<synchronous>, transform_indices = @transform_6, window_bounds = array<i64: 1, 256>}, {transform_indices = @transform_7, window_bounds = array<i64: 1000, 256>}, {transform_indices = @transform_8, window_bounds = array<i64: 1, 1, 256>}, {transform_indices = @transform_9, window_bounds = array<i64: 1, 1, 256>}]} {
    %get3A = arith.constant 0 : index
    %get3A_0 = arith.constant 0 : index
    %get3A_1 = vector.load %arg3[%get3A, %get3A_0] : memref<1000x128xf32, #tpu.memory_space<vmem>>, vector<1000x128xf32>
    %get3A_2 = arith.constant 0 : index
    %get3A_3 = arith.constant 0 : index
    %get3A_4 = vector.load %arg4[%get3A_2, %get3A_3] : memref<1000x128xf32, #tpu.memory_space<vmem>>, vector<1000x128xf32>
    %concatenate3A = tpu.concatenate %get3A_1, %get3A_4 in 1 : vector<1000x128xf32>, vector<1000x128xf32> -> vector<1000x256xf32>
    %get3A_5 = arith.constant 0 : index
    %get3A_6 = arith.constant 0 : index
    %get3A_7 = vector.load %arg5[%get3A_5, %get3A_6] : memref<1000x128xf32, #tpu.memory_space<vmem>>, vector<1000x128xf32>
    %slice3A = vector.extract_strided_slice %get3A_7 {offsets = [0, 0], sizes = [1000, 1], strides = [1, 1]} : vector<1000x128xf32> to vector<1000x1xf32>
    %get3A_8 = arith.constant 0 : index
    %get3A_9 = arith.constant 0 : index
    %get3A_10 = vector.load %arg6[%get3A_8, %get3A_9] : memref<1000x128xf32, #tpu.memory_space<vmem>>, vector<1000x128xf32>
    %slice3A_11 = vector.extract_strided_slice %get3A_10 {offsets = [0, 0], sizes = [1000, 1], strides = [1, 1]} : vector<1000x128xf32> to vector<1000x1xf32>
    %add3A = arith.addf %slice3A, %slice3A_11 : vector<1000x1xf32>
    %max3A = arith.constant 1.000000e+00 : f32
    %max3A_12 = vector.broadcast %max3A : f32 to vector<1000x1xf32>
    %max3A_13 = arith.maximumf %add3A, %max3A_12 : vector<1000x1xf32>
    %get3A_14 = arith.constant 0 : index
    %get3A_15 = arith.constant 0 : index
    %get3A_16 = vector.load %arg1[%get3A_14, %get3A_15] : memref<1000x256xf32, #tpu.memory_space<vmem>>, vector<1000x256xf32>
    %get3A_17 = arith.constant 0 : index
    %get3A_18 = arith.constant 0 : index
    %get3A_19 = vector.load %arg2[%get3A_17, %get3A_18] : memref<256x256xf32, #tpu.memory_space<vmem>>, vector<256x256xf32>
    %dot_general3A = arith.constant dense<0.000000e+00> : vector<1000x256xf32>
    %dot_general3A_20 = tpu.matmul %get3A_16, %get3A_19, %dot_general3A {dimension_numbers = #tpu.dot_dimension_numbers<[1], [0], [0], [1], [0, 0, 1, 1], [], []>, transpose_lhs_hint = false} : vector<1000x256xf32>, vector<256x256xf32>, vector<1000x256xf32> -> vector<1000x256xf32>
    %div3A = vector.broadcast %max3A_13 : vector<1000x1xf32> to vector<1000x256xf32>
    %div3A_21 = arith.divf %concatenate3A, %div3A : vector<1000x256xf32>
    %add3A_22 = arith.addf %dot_general3A_20, %div3A_21 : vector<1000x256xf32>
    %get3A_23 = arith.constant 0 : index
    %get3A_24 = arith.constant 0 : index
    %get3A_25 = vector.load %arg7[%get3A_23, %get3A_24] : memref<1x256xf32, #tpu.memory_space<vmem>>, vector<1x256xf32>
    %add3A_26 = vector.broadcast %get3A_25 : vector<1x256xf32> to vector<1000x256xf32>
    %add3A_27 = arith.addf %add3A_22, %add3A_26 : vector<1000x256xf32>
    %swap3A = arith.constant 0 : index
    %swap3A_28 = arith.constant 0 : index
    %swap3A_29 = vector.load %arg8[%swap3A, %swap3A_28] : memref<1000x256xf32, #tpu.memory_space<vmem>>, vector<1000x256xf32>
    tpu.vector_store %arg8[%swap3A, %swap3A_28], %add3A_27 {strides = array<i32>} : memref<1000x256xf32, #tpu.memory_space<vmem>>, vector<1000x256xf32>,
    %reduce_sum3A = arith.constant dense<0.000000e+00> : vector<256xf32>
    %reduce_sum3A_30 = vector.multi_reduction <add>, %add3A_27, %reduce_sum3A [0] : vector<1000x256xf32> to vector<256xf32>
    %reshape3A = vector.shape_cast %reduce_sum3A_30 : vector<256xf32> to vector<1x1x256xf32>
    %swap3A_31 = arith.constant 0 : index
    %swap3A_32 = arith.constant 0 : index
    %swap3A_33 = arith.constant 0 : index
    %swap3A_34 = vector.load %arg9[%swap3A_31, %swap3A_32, %swap3A_33] : memref<1x1x256xf32, #tpu.memory_space<vmem>>, vector<1x1x256xf32>
    tpu.vector_store %arg9[%swap3A_31, %swap3A_32, %swap3A_33], %reshape3A {strides = array<i32>} : memref<1x1x256xf32, #tpu.memory_space<vmem>>, vector<1x1x256xf32>,
    %mul3A = arith.mulf %add3A_27, %add3A_27 : vector<1000x256xf32>
    %reduce_sum3A_35 = arith.constant dense<0.000000e+00> : vector<256xf32>
    %reduce_sum3A_36 = vector.multi_reduction <add>, %mul3A, %reduce_sum3A_35 [0] : vector<1000x256xf32> to vector<256xf32>
    %reshape3A_37 = vector.shape_cast %reduce_sum3A_36 : vector<256xf32> to vector<1x1x256xf32>
    %swap3A_38 = arith.constant 0 : index
    %swap3A_39 = arith.constant 0 : index
    %swap3A_40 = arith.constant 0 : index
    %swap3A_41 = vector.load %arg10[%swap3A_38, %swap3A_39, %swap3A_40] : memref<1x1x256xf32, #tpu.memory_space<vmem>>, vector<1x1x256xf32>
    tpu.vector_store %arg10[%swap3A_38, %swap3A_39, %swap3A_40], %reshape3A_37 {strides = array<i32>} : memref<1x1x256xf32, #tpu.memory_space<vmem>>, vector<1x1x256xf32>,
    return
  }
  func.func @transform_0(%arg0: i32) -> (i32, i32) {
    %c0_i32 = arith.constant 0 : i32
    %c0_i32_0 = arith.constant 0 : i32
    return %arg0, %c0_i32 : i32, i32
  }
  func.func @transform_1(%arg0: i32) -> (i32, i32) {
    %c0_i32 = arith.constant 0 : i32
    %c0_i32_0 = arith.constant 0 : i32
    %c0_i32_1 = arith.constant 0 : i32
    return %c0_i32, %c0_i32_0 : i32, i32
  }
  func.func @transform_2(%arg0: i32) -> (i32, i32) {
    %c0_i32 = arith.constant 0 : i32
    %c0_i32_0 = arith.constant 0 : i32
    return %arg0, %c0_i32 : i32, i32
  }
  func.func @transform_3(%arg0: i32) -> (i32, i32) {
    %add3A = arith.constant 10 : i32
    %add3A_0 = arith.addi %add3A, %arg0 : i32
    %c0_i32 = arith.constant 0 : i32
    %c0_i32_1 = arith.constant 0 : i32
    return %add3A_0, %c0_i32 : i32, i32
  }
  func.func @transform_4(%arg0: i32) -> (i32, i32) {
    %c0_i32 = arith.constant 0 : i32
    %c0_i32_0 = arith.constant 0 : i32
    return %arg0, %c0_i32 : i32, i32
  }
  func.func @transform_5(%arg0: i32) -> (i32, i32) {
    %add3A = arith.constant 10 : i32
    %add3A_0 = arith.addi %add3A, %arg0 : i32
    %c0_i32 = arith.constant 0 : i32
    %c0_i32_1 = arith.constant 0 : i32
    return %add3A_0, %c0_i32 : i32, i32
  }
  func.func @transform_6(%arg0: i32) -> (i32, i32) {
    %c0_i32 = arith.constant 0 : i32
    %c0_i32_0 = arith.constant 0 : i32
    %c0_i32_1 = arith.constant 0 : i32
    return %c0_i32, %c0_i32_0 : i32, i32
  }
  func.func @transform_7(%arg0: i32) -> (i32, i32) {
    %c0_i32 = arith.constant 0 : i32
    %c0_i32_0 = arith.constant 0 : i32
    return %arg0, %c0_i32 : i32, i32
  }
  func.func @transform_8(%arg0: i32) -> (i32, i32, i32) {
    %c0_i32 = arith.constant 0 : i32
    %c0_i32_0 = arith.constant 0 : i32
    %c0_i32_1 = arith.constant 0 : i32
    return %arg0, %c0_i32, %c0_i32_0 : i32, i32, i32
  }
  func.func @transform_9(%arg0: i32) -> (i32, i32, i32) {
    %c0_i32 = arith.constant 0 : i32
    %c0_i32_0 = arith.constant 0 : i32
    %c0_i32_1 = arith.constant 0 : i32
    return %arg0, %c0_i32, %c0_i32_0 : i32, i32, i32
  }
}

module attributes {stable_mosaic.version = 14 : i64} {
  func.func @_heads_body(%arg0: i32, %arg1: memref<1000x256xf32, #tpu.memory_space<vmem>>, %arg2: memref<3x256x1024xf32, #tpu.memory_space<vmem>>, %arg3: memref<3x1024xf32, #tpu.memory_space<vmem>>, %arg4: memref<3x1024x1xf32, #tpu.memory_space<vmem>>, %arg5: memref<3x1xf32, #tpu.memory_space<vmem>>, %arg6: memref<1000x3xf32, #tpu.memory_space<vmem>>) attributes {dimension_semantics = [#tpu.dimension_semantics<arbitrary>], iteration_bounds = array<i64: 10>, scalar_prefetch = 0 : i64, scratch_operands = 0 : i64, tpu.core_type = #tpu.core_type<tc>, window_params = [{transform_indices = @transform_0, window_bounds = array<i64: 1000, 256>}, {pipeline_mode = #tpu.pipeline_mode<synchronous>, transform_indices = @transform_1, window_bounds = array<i64: 3, 256, 1024>}, {pipeline_mode = #tpu.pipeline_mode<synchronous>, transform_indices = @transform_2, window_bounds = array<i64: 3, 1024>}, {pipeline_mode = #tpu.pipeline_mode<synchronous>, transform_indices = @transform_3, window_bounds = array<i64: 3, 1024, 1>}, {pipeline_mode = #tpu.pipeline_mode<synchronous>, transform_indices = @transform_4, window_bounds = array<i64: 3, 1>}, {transform_indices = @transform_5, window_bounds = array<i64: 1000, 3>}]} {
    %get3A = arith.constant 0 : index
    %get3A_0 = arith.constant 0 : index
    %get3A_1 = vector.load %arg1[%get3A, %get3A_0] : memref<1000x256xf32, #tpu.memory_space<vmem>>, vector<1000x256xf32>
    %get3A_2 = arith.constant 0 : index
    %get3A_3 = arith.constant 0 : index
    %get3A_4 = arith.constant 0 : index
    %get3A_5 = vector.load %arg2[%get3A_2, %get3A_3, %get3A_4] : memref<3x256x1024xf32, #tpu.memory_space<vmem>>, vector<3x256x1024xf32>
    %get3A_6 = arith.constant 0 : index
    %get3A_7 = arith.constant 0 : index
    %get3A_8 = vector.load %arg3[%get3A_6, %get3A_7] : memref<3x1024xf32, #tpu.memory_space<vmem>>, vector<3x1024xf32>
    %get3A_9 = arith.constant 0 : index
    %get3A_10 = arith.constant 0 : index
    %get3A_11 = arith.constant 0 : index
    %get3A_12 = vector.load %arg4[%get3A_9, %get3A_10, %get3A_11] : memref<3x1024x1xf32, #tpu.memory_space<vmem>>, vector<3x1024x1xf32>
    %get3A_13 = arith.constant 0 : index
    %get3A_14 = arith.constant 0 : index
    %get3A_15 = vector.load %arg5[%get3A_13, %get3A_14] : memref<3x1xf32, #tpu.memory_space<vmem>>, vector<3x1xf32>
    %slice3A = vector.extract_strided_slice %get3A_5 {offsets = [0, 0, 0], sizes = [1, 256, 1024], strides = [1, 1, 1]} : vector<3x256x1024xf32> to vector<1x256x1024xf32>
    %squeeze3A = vector.shape_cast %slice3A : vector<1x256x1024xf32> to vector<256x1024xf32>
    %dot_general3A = arith.constant dense<0.000000e+00> : vector<1000x1024xf32>
    %dot_general3A_16 = tpu.matmul %get3A_1, %squeeze3A, %dot_general3A {dimension_numbers = #tpu.dot_dimension_numbers<[1], [0], [0], [1], [0, 0, 1, 1], [], []>, transpose_lhs_hint = false} : vector<1000x256xf32>, vector<256x1024xf32>, vector<1000x1024xf32> -> vector<1000x1024xf32>
    %slice3A_17 = vector.extract_strided_slice %get3A_8 {offsets = [0, 0], sizes = [1, 1024], strides = [1, 1]} : vector<3x1024xf32> to vector<1x1024xf32>
    %squeeze3A_18 = vector.shape_cast %slice3A_17 : vector<1x1024xf32> to vector<1024xf32>
    %broadcast_in_dim3A = vector.shape_cast %squeeze3A_18 : vector<1024xf32> to vector<1x1024xf32>
    %add3A = vector.broadcast %broadcast_in_dim3A : vector<1x1024xf32> to vector<1000x1024xf32>
    %add3A_19 = arith.addf %dot_general3A_16, %add3A : vector<1000x1024xf32>
    %max3A = arith.constant 0.000000e+00 : f32
    %max3A_20 = vector.broadcast %max3A : f32 to vector<1000x1024xf32>
    %max3A_21 = arith.maximumf %add3A_19, %max3A_20 : vector<1000x1024xf32>
    %slice3A_22 = vector.extract_strided_slice %get3A_12 {offsets = [0, 0, 0], sizes = [1, 1024, 1], strides = [1, 1, 1]} : vector<3x1024x1xf32> to vector<1x1024x1xf32>
    %squeeze3A_23 = vector.shape_cast %slice3A_22 : vector<1x1024x1xf32> to vector<1024xf32>
    %broadcast_in_dim3A_24 = vector.shape_cast %squeeze3A_23 : vector<1024xf32> to vector<1x1024xf32>
    %mul3A = vector.broadcast %broadcast_in_dim3A_24 : vector<1x1024xf32> to vector<1000x1024xf32>
    %mul3A_25 = arith.mulf %max3A_21, %mul3A : vector<1000x1024xf32>
    %reduce_sum3A = arith.constant dense<0.000000e+00> : vector<1000xf32>
    %reduce_sum3A_26 = vector.multi_reduction <add>, %mul3A_25, %reduce_sum3A [1] : vector<1000x1024xf32> to vector<1000xf32>
    %broadcast_in_dim3A_27 = vector.shape_cast %reduce_sum3A_26 : vector<1000xf32> to vector<1000x1xf32>
    %slice3A_28 = vector.extract_strided_slice %get3A_15 {offsets = [0, 0], sizes = [1, 1], strides = [1, 1]} : vector<3x1xf32> to vector<1x1xf32>
    %squeeze3A_29 = vector.extract %slice3A_28[0, 0] : f32 from vector<1x1xf32>
    %add3A_30 = vector.broadcast %squeeze3A_29 : f32 to vector<1000x1xf32>
    %add3A_31 = arith.addf %broadcast_in_dim3A_27, %add3A_30 : vector<1000x1xf32>
    %slice3A_32 = vector.extract_strided_slice %get3A_5 {offsets = [1, 0, 0], sizes = [1, 256, 1024], strides = [1, 1, 1]} : vector<3x256x1024xf32> to vector<1x256x1024xf32>
    %squeeze3A_33 = vector.shape_cast %slice3A_32 : vector<1x256x1024xf32> to vector<256x1024xf32>
    %dot_general3A_34 = arith.constant dense<0.000000e+00> : vector<1000x1024xf32>
    %dot_general3A_35 = tpu.matmul %get3A_1, %squeeze3A_33, %dot_general3A_34 {dimension_numbers = #tpu.dot_dimension_numbers<[1], [0], [0], [1], [0, 0, 1, 1], [], []>, transpose_lhs_hint = false} : vector<1000x256xf32>, vector<256x1024xf32>, vector<1000x1024xf32> -> vector<1000x1024xf32>
    %slice3A_36 = vector.extract_strided_slice %get3A_8 {offsets = [1, 0], sizes = [1, 1024], strides = [1, 1]} : vector<3x1024xf32> to vector<1x1024xf32>
    %squeeze3A_37 = vector.shape_cast %slice3A_36 : vector<1x1024xf32> to vector<1024xf32>
    %broadcast_in_dim3A_38 = vector.shape_cast %squeeze3A_37 : vector<1024xf32> to vector<1x1024xf32>
    %add3A_39 = vector.broadcast %broadcast_in_dim3A_38 : vector<1x1024xf32> to vector<1000x1024xf32>
    %add3A_40 = arith.addf %dot_general3A_35, %add3A_39 : vector<1000x1024xf32>
    %max3A_41 = arith.constant 0.000000e+00 : f32
    %max3A_42 = vector.broadcast %max3A_41 : f32 to vector<1000x1024xf32>
    %max3A_43 = arith.maximumf %add3A_40, %max3A_42 : vector<1000x1024xf32>
    %slice3A_44 = vector.extract_strided_slice %get3A_12 {offsets = [1, 0, 0], sizes = [1, 1024, 1], strides = [1, 1, 1]} : vector<3x1024x1xf32> to vector<1x1024x1xf32>
    %squeeze3A_45 = vector.shape_cast %slice3A_44 : vector<1x1024x1xf32> to vector<1024xf32>
    %broadcast_in_dim3A_46 = vector.shape_cast %squeeze3A_45 : vector<1024xf32> to vector<1x1024xf32>
    %mul3A_47 = vector.broadcast %broadcast_in_dim3A_46 : vector<1x1024xf32> to vector<1000x1024xf32>
    %mul3A_48 = arith.mulf %max3A_43, %mul3A_47 : vector<1000x1024xf32>
    %reduce_sum3A_49 = arith.constant dense<0.000000e+00> : vector<1000xf32>
    %reduce_sum3A_50 = vector.multi_reduction <add>, %mul3A_48, %reduce_sum3A_49 [1] : vector<1000x1024xf32> to vector<1000xf32>
    %broadcast_in_dim3A_51 = vector.shape_cast %reduce_sum3A_50 : vector<1000xf32> to vector<1000x1xf32>
    %slice3A_52 = vector.extract_strided_slice %get3A_15 {offsets = [1, 0], sizes = [1, 1], strides = [1, 1]} : vector<3x1xf32> to vector<1x1xf32>
    %squeeze3A_53 = vector.extract %slice3A_52[0, 0] : f32 from vector<1x1xf32>
    %add3A_54 = vector.broadcast %squeeze3A_53 : f32 to vector<1000x1xf32>
    %add3A_55 = arith.addf %broadcast_in_dim3A_51, %add3A_54 : vector<1000x1xf32>
    %slice3A_56 = vector.extract_strided_slice %get3A_5 {offsets = [2, 0, 0], sizes = [1, 256, 1024], strides = [1, 1, 1]} : vector<3x256x1024xf32> to vector<1x256x1024xf32>
    %squeeze3A_57 = vector.shape_cast %slice3A_56 : vector<1x256x1024xf32> to vector<256x1024xf32>
    %dot_general3A_58 = arith.constant dense<0.000000e+00> : vector<1000x1024xf32>
    %dot_general3A_59 = tpu.matmul %get3A_1, %squeeze3A_57, %dot_general3A_58 {dimension_numbers = #tpu.dot_dimension_numbers<[1], [0], [0], [1], [0, 0, 1, 1], [], []>, transpose_lhs_hint = false} : vector<1000x256xf32>, vector<256x1024xf32>, vector<1000x1024xf32> -> vector<1000x1024xf32>
    %slice3A_60 = vector.extract_strided_slice %get3A_8 {offsets = [2, 0], sizes = [1, 1024], strides = [1, 1]} : vector<3x1024xf32> to vector<1x1024xf32>
    %squeeze3A_61 = vector.shape_cast %slice3A_60 : vector<1x1024xf32> to vector<1024xf32>
    %broadcast_in_dim3A_62 = vector.shape_cast %squeeze3A_61 : vector<1024xf32> to vector<1x1024xf32>
    %add3A_63 = vector.broadcast %broadcast_in_dim3A_62 : vector<1x1024xf32> to vector<1000x1024xf32>
    %add3A_64 = arith.addf %dot_general3A_59, %add3A_63 : vector<1000x1024xf32>
    %max3A_65 = arith.constant 0.000000e+00 : f32
    %max3A_66 = vector.broadcast %max3A_65 : f32 to vector<1000x1024xf32>
    %max3A_67 = arith.maximumf %add3A_64, %max3A_66 : vector<1000x1024xf32>
    %slice3A_68 = vector.extract_strided_slice %get3A_12 {offsets = [2, 0, 0], sizes = [1, 1024, 1], strides = [1, 1, 1]} : vector<3x1024x1xf32> to vector<1x1024x1xf32>
    %squeeze3A_69 = vector.shape_cast %slice3A_68 : vector<1x1024x1xf32> to vector<1024xf32>
    %broadcast_in_dim3A_70 = vector.shape_cast %squeeze3A_69 : vector<1024xf32> to vector<1x1024xf32>
    %mul3A_71 = vector.broadcast %broadcast_in_dim3A_70 : vector<1x1024xf32> to vector<1000x1024xf32>
    %mul3A_72 = arith.mulf %max3A_67, %mul3A_71 : vector<1000x1024xf32>
    %reduce_sum3A_73 = arith.constant dense<0.000000e+00> : vector<1000xf32>
    %reduce_sum3A_74 = vector.multi_reduction <add>, %mul3A_72, %reduce_sum3A_73 [1] : vector<1000x1024xf32> to vector<1000xf32>
    %broadcast_in_dim3A_75 = vector.shape_cast %reduce_sum3A_74 : vector<1000xf32> to vector<1000x1xf32>
    %slice3A_76 = vector.extract_strided_slice %get3A_15 {offsets = [2, 0], sizes = [1, 1], strides = [1, 1]} : vector<3x1xf32> to vector<1x1xf32>
    %squeeze3A_77 = vector.extract %slice3A_76[0, 0] : f32 from vector<1x1xf32>
    %add3A_78 = vector.broadcast %squeeze3A_77 : f32 to vector<1000x1xf32>
    %add3A_79 = arith.addf %broadcast_in_dim3A_75, %add3A_78 : vector<1000x1xf32>
    %concatenate3A = tpu.concatenate %add3A_31, %add3A_55, %add3A_79 in 1 : vector<1000x1xf32>, vector<1000x1xf32>, vector<1000x1xf32> -> vector<1000x3xf32>
    %swap3A = arith.constant 0 : index
    %swap3A_80 = arith.constant 0 : index
    %swap3A_81 = vector.load %arg6[%swap3A, %swap3A_80] : memref<1000x3xf32, #tpu.memory_space<vmem>>, vector<1000x3xf32>
    tpu.vector_store %arg6[%swap3A, %swap3A_80], %concatenate3A {strides = array<i32>} : memref<1000x3xf32, #tpu.memory_space<vmem>>, vector<1000x3xf32>,
    return
  }
  func.func @transform_0(%arg0: i32) -> (i32, i32) {
    %c0_i32 = arith.constant 0 : i32
    %c0_i32_0 = arith.constant 0 : i32
    return %arg0, %c0_i32 : i32, i32
  }
  func.func @transform_1(%arg0: i32) -> (i32, i32, i32) {
    %c0_i32 = arith.constant 0 : i32
    %c0_i32_0 = arith.constant 0 : i32
    %c0_i32_1 = arith.constant 0 : i32
    %c0_i32_2 = arith.constant 0 : i32
    return %c0_i32, %c0_i32_0, %c0_i32_1 : i32, i32, i32
  }
  func.func @transform_2(%arg0: i32) -> (i32, i32) {
    %c0_i32 = arith.constant 0 : i32
    %c0_i32_0 = arith.constant 0 : i32
    %c0_i32_1 = arith.constant 0 : i32
    return %c0_i32, %c0_i32_0 : i32, i32
  }
  func.func @transform_3(%arg0: i32) -> (i32, i32, i32) {
    %c0_i32 = arith.constant 0 : i32
    %c0_i32_0 = arith.constant 0 : i32
    %c0_i32_1 = arith.constant 0 : i32
    %c0_i32_2 = arith.constant 0 : i32
    return %c0_i32, %c0_i32_0, %c0_i32_1 : i32, i32, i32
  }
  func.func @transform_4(%arg0: i32) -> (i32, i32) {
    %c0_i32 = arith.constant 0 : i32
    %c0_i32_0 = arith.constant 0 : i32
    %c0_i32_1 = arith.constant 0 : i32
    return %c0_i32, %c0_i32_0 : i32, i32
  }
  func.func @transform_5(%arg0: i32) -> (i32, i32) {
    %c0_i32 = arith.constant 0 : i32
    %c0_i32_0 = arith.constant 0 : i32
    return %arg0, %c0_i32 : i32, i32
  }
}

</mosaic_0001>

<sc_bundles>
// kernel: kernel.16.cloned.1.call-start
scs
__scs_entry_jumppad:
0x0: {  	(pc) =	sbr.rel $0x88, $3  }
0x1: {  	(tag) =	ssettag $0x0;
	lr =	simm.s32 $0x1  }
0x2: {  	[smem:$0x3F8B] =	sst lr;
	_ =	strace $0xD0000000  }
0x3: {  	_ = 	snop  }
0x4: {  	_ = 	snop  }
0x5: {  	_ = 	snop  }
0x6: {  	_ = 	snop  }
0x7: {  	_ = 	snop  }
__scs_overlays_trampoline_lowered:
0x8: {  	[smem:$0x3F9A] =	sst s0  }
0x9: {  	[smem:$0x3F9B] =	sst s1  }
0xa: {  	[smem:$0x3F9C] =	sst s2  }
0xb: {  	[smem:$0x3F9D] =	sst s3  }
0xc: {  	[smem:$0x3F9E] =	sst s4  }
0xd: {  	[smem:$0x3F9F] =	sst s5  }
0xe: {  	[smem:$0x3FA0] =	sst s6  }
0xf: {  	[smem:$0x3FA1] =	sst s7  }
0x10: {  	[smem:$0x3FA2] =	sst s8  }
0x11: {  	[smem:$0x3FA3] =	sst s9;
	s0 =	simm.s32 @!p0 $0x0  }
0x12: {  	s1 =	sld [smem:$0x3F89];
	s0 =	simm.s32 @p0 $0x1  }
0x13: {  	[smem:$0x3FA4] =	sst s0;
	s0 =	simm.s32 @!p1 $0x0  }
0x14: {  	s2 =	sld [smem:$0x3F88];
	s0 =	simm.s32 @p1 $0x1  }
0x15: {  	[smem:$0x3FA5] =	sst s0;
	s0 =	simm.s32 @!p2 $0x0  }
0x16: {  	s3 =	sld [smem:$0x3FDB];
	s0 =	simm.s32 @p2 $0x1  }
0x17: {  	s4 =	simm.s32 $0x1BF5;
	[smem:$0x3FA7] =	sst s0  }
0x18: {  	s0 =	sld [smem:$0x3F8A];
	_ =	swait.ge [sflag:s4], $0x0  }
0x19: {  	s7 =	sld [smem:$0x3F8B]  }
0x1a: {  	s8 =	sadd.s32 $0xFFFFE003, lr  }
0x1b: {  	s9 =	sadd.s32 $0xFFFFFEF7, lr;
	s5 =	simm.s32 $0xFFFFFFFF;
	p2 =	slt.u32 s8, $0xFFFFF086  }
0x1c: {  	p1 =	slt.u32 s9, $0xF7A;
	s5 =	simm.s32 @!p2 $0x0  }
0x1d: {  	s5 =	simm.s32 @p1 $0x1;
	p0 =	seq.s32 s7, s2  }
0x1e: {  	s7 =	smul.u32 @!p0 $0xF7A, s2;
	p2 =	seq.s32 @!p0 s5, $0x0  }
0x1f: {  	s9 =	smul.u32 $0xF7A, s1;
	s8 =	simm.s32 @!p0 $0x1BF5;
	p2 =	por !p2, p0  }
0x20: {  	[sflag:s8] =	ssyncset.s32 @!p0 $0xFFFFF086;
	s6 =	sadd.s32 @!p0 s3, s7;
	s7 =	simm.s32 @!p0 $0x108  }
0x21: {  	s3 =	sadd.s32 s3, s9;
	s6 =	sadd.s32 @!p0 $0x88, s6;
	s7 =	simm.s32 @p2 $0x1082  }
0x22: {  	[simem:s7], [sflag:s8] =	dma.local @!p0 [hbm:s6], $0xF7A  }
0x23: {  	s9 =	sor.u32 $0xD0000000, s2;
	s6 =	simm.s32 $0x108;
	_ =	swait.ge @!p0 [sflag:s8], $0x0  }
0x24: {  	s3 =	sadd.s32 $0x88, s3;
	s6 =	simm.s32 @!p1 $0x1082;
	[sflag:s4] =	ssyncset.s32 $0xFFFFF086  }
0x25: {  	[simem:s6], [sflag:s4] =	dma.local [hbm:s3], $0xF7A  }
0x26: {  	[smem:$0x3F8B] =	sst s1;
	(tag) =	ssettag s2;
	_ =	strace s9  }
0x27: {  	s1 =	sld [smem:$0x3F9B]  }
0x28: {  	s2 =	sld [smem:$0x3F9C]  }
0x29: {  	s4 =	sld [smem:$0x3F9E]  }
0x2a: {  	p0 =	seq.s32 s5, $0x0;
	s5 =	sld [smem:$0x3F9F]  }
0x2b: {  	s6 =	sld [smem:$0x3FA0]  }
0x2c: {  	s7 =	sld [smem:$0x3FA1]  }
0x2d: {  	s3 =	simm.s32 $0x108;
	s8 =	sld [smem:$0x3FA2]  }
0x2e: {  	s3 =	simm.s32 @!p0 $0x1082;
	s9 =	sld [smem:$0x3FA3]  }
0x2f: {  	lr =	sadd.s32 s0, s3;
	s0 =	sld [smem:$0x3F9A]  }
0x30: {  	s3 =	sld [smem:$0x3F9D]  }
0x31: {  	[smem:$0x3FA6] =	sst s10  }
0x32: {  	s10 =	sld [smem:$0x3FA4];
	_ =	sdelay $0x3  }
0x33: {  	p0 =	seq.s32 s10, $0x1;
	s10 =	sld [smem:$0x3FA6];
	_ =	sdelay $0x3  }
0x34: {  	[smem:$0x3FA6] =	sst s10  }
0x35: {  	s10 =	sld [smem:$0x3FA5];
	_ =	sdelay $0x3  }
0x36: {  	p1 =	seq.s32 s10, $0x1;
	s10 =	sld [smem:$0x3FA6];
	_ =	sdelay $0x3  }
0x37: {  	[smem:$0x3FA6] =	sst s10  }
0x38: {  	s10 =	sld [smem:$0x3FA7]  }
0x39: {  	_ = 	snop;
	(pc) =	sbr.ind lr, $3  }
0x3a: {  	_ = 	snop  }
0x3b: {  	_ = 	snop  }
0x3c: {  	p2 =	seq.s32 s10, $0x1;
	s10 =	sld [smem:$0x3FA6]  }
0x3d: {  	_ =	shalt  }
0x3e: {  	_ =	shalt  }
0x3f: {  	_ =	shalt  }
0x40: {  	_ =	shalt  }
0x41: {  	_ =	shalt  }
0x42: {  	_ =	shalt  }
0x43: {  	_ =	shalt  }
0x44: {  	_ =	shalt  }
0x45: {  	_ =	shalt  }
0x46: {  	_ =	shalt  }
0x47: {  	_ =	shalt  }
0x48: {  	_ =	shalt  }
0x49: {  	_ =	shalt  }
0x4a: {  	_ =	shalt  }
0x4b: {  	_ =	shalt  }
0x4c: {  	_ =	shalt  }
0x4d: {  	_ =	shalt  }
0x4e: {  	_ =	shalt  }
0x4f: {  	_ =	shalt  }
0x50: {  	_ =	shalt  }
0x51: {  	_ =	shalt  }
0x52: {  	_ =	shalt  }
0x53: {  	_ =	shalt  }
0x54: {  	_ =	shalt  }
0x55: {  	_ =	shalt  }
0x56: {  	_ =	shalt  }
0x57: {  	_ =	shalt  }
0x58: {  	_ =	shalt  }
0x59: {  	_ =	shalt  }
0x5a: {  	_ =	shalt  }
0x5b: {  	_ =	shalt  }
0x5c: {  	_ =	shalt  }
0x5d: {  	_ =	shalt  }
0x5e: {  	_ =	shalt  }
0x5f: {  	_ =	shalt  }
0x60: {  	_ =	shalt  }
0x61: {  	_ =	shalt  }
0x62: {  	_ =	shalt  }
0x63: {  	_ =	shalt  }
0x64: {  	_ =	shalt  }
0x65: {  	_ =	shalt  }
0x66: {  	_ =	shalt  }
0x67: {  	_ =	shalt  }
0x68: {  	_ =	shalt  }
0x69: {  	_ =	shalt  }
0x6a: {  	_ =	shalt  }
0x6b: {  	_ =	shalt  }
0x6c: {  	_ =	shalt  }
0x6d: {  	_ =	shalt  }
0x6e: {  	_ =	shalt  }
0x6f: {  	_ =	shalt  }
0x70: {  	_ =	shalt  }
0x71: {  	_ =	shalt  }
0x72: {  	_ =	shalt  }
0x73: {  	_ =	shalt  }
0x74: {  	_ =	shalt  }
0x75: {  	_ =	shalt  }
0x76: {  	_ =	shalt  }
0x77: {  	_ =	shalt  }
0x78: {  	_ =	shalt  }
0x79: {  	_ =	shalt  }
0x7a: {  	_ =	shalt  }
0x7b: {  	_ =	shalt  }
0x7c: {  	_ =	shalt  }
0x7d: {  	_ =	shalt  }
0x7e: {  	_ =	shalt  }
0x7f: {  	_ =	shalt  }
0x80: {  	_ =	shalt  }
0x81: {  	_ =	shalt  }
0x82: {  	_ =	shalt  }
0x83: {  	_ =	shalt  }
0x84: {  	_ =	shalt  }
0x85: {  	_ =	shalt  }
0x86: {  	_ =	shalt  }
0x87: {  	_ =	shalt  }
.Lfunc_end0:
.L_simem_size_0:
called_computation_lowered:
.L_overlay_start_0:
0x88: {  	s2 =	sld [smem:$0x3FD9]  }
0x89: {  	s3 =	sld [smem:$0x3FFE];
	_ =	sdelay $0x1  }
0x8a: {  	s1 =	srdreg.scid  }
0x8b: {  	s0 =	sand.u32 $0x1, s1  }
0x8c: {  	s17 =	sshll.u32 s0, $0xA;
	s2 =	sadd.s32 s3, s2  }
0x8d: {  	s2 =	sadd.s32 s2, s17  }
0x8e: {  	[smem:$0x3FB2] =	sst s2  }
0x8f: {  	_ = 	snop  }
0x90: {  	s18 =	sld [smem:$0x3FD0];
	(tm) =	ssettm $0x1  }
0x91: {  	s19 =	sld [smem:$0x3FFB];
	_ =	sdelay $0x3  }
0x92: {  	_ =	strace s19  }
0x93: {  	s2 =	sld [smem:$0x3FFC];
	_ =	sdelay $0x3  }
0x94: {  	_ =	strace s2  }
0x95: {  	s2 =	sld [smem:$0x3FFD];
	_ =	sdelay $0x3  }
0x96: {  	_ =	strace s2  }
0x97: {  	_ =	strace $0x8FFFFFFF  }
0x98: {  	s20 =	sld [smem:$0x3FDB];
	_ =	sdelay $0x1  }
0x99: {  	s4 =	simm.s32 $_scs_section_size  }
0x9a: {  	s5 =	simm.s32 $_size__tile_overlayer_lowered;
	s6 =	simm.s32 $_tile_overlayer_lowered  }
0x9b: {  	s7 =	simm.s32 $0x1BFF;
	s21 =	sshll.u32 s6, $0x1;
	s4 =	sadd.s32 s4, s20  }
0x9c: {  	s22 =	simm.s32 $0x0;
	s5 =	sshll.u32 s5, $0x1;
	s6 =	sadd.s32 s21, s4  }
0x9d: {  	[timem:s22], [sflag:s7] =	dma.local [hbm:s6], s5  }
0x9e: {  	_ =	swait.ge [sflag:s7], s5  }
0x9f: {  	s5 =	ssub.s32 $0x0, s5;
	[sflag:s7] =	ssyncset.done $0x0  }
0xa0: {  	[sflag:s7] =	ssyncadd.s32 s5;
	_ =	sdelay $0x1  }
0xa1: {  	s23 =	simm.s32 $0x1B8B  }
0xa2: {  	_ =	swait.ge [sflag:s23], $0x1  }
0xa3: {  	[sflag:s23] =	ssyncset.done $0x0  }
0xa4: {  	[sflag:s23] =	ssyncadd.s32 $0xFFFFFFFF  }
0xa5: {  	s5 =	sld [smem:$0x0]  }
0xa6: {  	s6 =	sand.u32 $0xFFFFFFFE, s1  }
0xa7: {  	p0 =	sne.s32 s1, s6  }
0xa8: {  	s6 =	sshll.u32 @p0 s6, $0xE  }
0xa9: {  	s6 =	sadd.s32 @p0 $0x11B8D, s6;
	s7 =	sshll.u32 @p0 s5, $0x11  }
0xaa: {  	s6 =	sor.u32 @p0 s7, s6  }
0xab: {  	[sflag:s6] =	ssyncadd.remote.s32 @p0 $0x1;
	_ =	sdelay $0x1  }
0xac: {  	s6 =	simm.s32 @p0 $0x1B8D  }
0xad: {  	_ =	swait.eq @p0 [sflag:s6], $0x1  }
0xae: {  	[sflag:s6] =	ssyncadd.s32 @p0 $0xFFFFFFFF  }
0xaf: {  	s7 =	sshll.u32 @!p0 s1, $0xE  }
0xb0: {  	s7 =	sor.u32 @!p0 $0x4000, s7;
	s6 =	simm.s32 @!p0 $0x1B8D  }
0xb1: {  	s5 =	sshll.u32 @!p0 s5, $0x11;
	s7 =	sadd.s32 @!p0 $0x11B8D, s7;
	_ =	swait.eq @!p0 [sflag:s6], $0x1  }
0xb2: {  	s5 =	sor.u32 @!p0 s5, s7;
	[sflag:s6] =	ssyncadd.s32 @!p0 $0xFFFFFFFF  }
0xb3: {  	s25 =	simm.s32 $0x1B8E;
	s24 =	sld [smem:$0x3FFE];
	[sflag:s5] =	ssyncadd.remote.s32 @!p0 $0x1  }
0xb4: {  	s26 =	simm.s32 $execute0_lowered;
	[smem:$0x3FD2] =	sst s25  }
0xb5: {  	s6 =	sshll.u32 s26, $0x1;
	_ =	strace $0x80000049;
	[dreg:$0x1] =	wrdreg $0xFFFFFFFF  }
0xb6: {  	s28 =	simm.s32 $_size_execute0_lowered;
	s4 =	sadd.s32 s4, s6;
	[dreg:$0x0] =	wrdreg $0x0  }
0xb7: {  	s6 =	sshll.u32 s28, $0x1;
	[dreg:$0x2] =	wrdreg s4  }
0xb8: {  	[dreg:$0x3] =	wrdreg s6  }
0xb9: {  	[dreg:$0x4] =	wrdreg $0xC0  }
0xba: {  	_ =	task [dreg:s22], $0x5FFFF  }
0xbb: {  	[dreg:$0x1] =	wrdreg $0xFFFFFFFF  }
0xbc: {  	[dreg:$0x0] =	wrdreg $0x60  }
0xbd: {  	[dreg:$0x2] =	wrdreg s24  }
0xbe: {  	[dreg:$0x3] =	wrdreg s18  }
0xbf: {  	[dreg:$0x4] =	wrdreg $0x0  }
0xc0: {  	[dreg:$0x5] =	wrdreg $0x9  }
0xc1: {  	_ =	task.clear_ibuf [dreg:s22], $0x6FFFF;
	_ =	strace $0x90000049  }
0xc2: {  	s29 =	simm.s32 $0x9;
	_ =	strace $0x8000004B  }
0xc3: {  	_ =	swait.ge [sflag:s29], $0x1  }
0xc4: {  	[sflag:s29] =	ssyncadd.s32 $0xFFFFFFFF  }
0xc5: {  	_ =	strace $0x9000004B  }
0xc6: {  	_ =	sfence  }
0xc7: {  	s30 =	sld [smem:$0x0];
	_ =	sdelay $0x2  }
0xc8: {  	s31 =	sshll.u32 s1, $0xD;
	s1 =	sshrl.u32 s1, $0x2  }
0xc9: {  	s4 =	sand.u32 $0x4000, s31;
	s1 =	sadd.s32 s1, s30  }
0xca: {  	s0 =	sor.u32 s4, s0;
	s1 =	sshll.u32 s1, $0x11  }
0xcb: {  	s0 =	sor.u32 s1, s0  }
0xcc: {  	s0 =	sadd.s32 $0x8F2B, s0  }
0xcd: {  	[sflag:s0] =	ssyncadd.remote.s32 $0x1  }
0xce: {  	_ =	sfence.sel $0xFFFF  }
0xcf: {  	[dreg:$0x0] =	wrdreg $0xFFFFFFFF;
	(pc) =	sbr.abs _section_cstart, $3  }
0xd0: {  	[dreg:$0x1] =	wrdreg $0xFFFFFFFF  }
0xd1: {  	_ =	task.clear_ibuf [dreg:s22], $0x2FFFF;
	_ =	strace $0x9FFFFFFF  }
0xd2: {  	(tm) =	ssettm $0x7FFFFFFF  }
0xd3: {  	_ =	shalt  }
tec
execute0_lowered:
.L_overlay_start_1:
0x0: {  	(tag) =	ssettag $0x1  }
0x1: {  	s0 =	rddreg [dreg:$0x0]  }
0x2: {  	s3 =	rddreg [dreg:$0x2];
	s4 =	simm.s32 $0x0  }
0x3: {  	s1 =	stileid.u32;
	s2 =	srdreg.scid;
	s19 =	simm.s32 $0x13A80  }
0x4: {  	s20 =	simm.s32 $0x5;
	s28 =	simm.s32 $0x2;
	s29 =	simm.s32 $0x3  }
0x5: {  	s30 =	simm.s32 $0x4;
	s31 =	simm.s32 $0x0;
	s5 =	smul.u32 $0x3E80, s1  }
0x6: {  	[smem:$0x7FF] =	sst s4;
	s2 =	sand.u32 $0x1, s2;
	s9 =	smul.u32 $0x7D000, s1  }
0x7: {  	s12 =	sadd.s32 $0x4800, s0;
	s25 =	smul.u32 $0x7D, s1;
	p0 =	sgt.u32 s1, $0x9  }
0x8: {  	_ =	strace $0x8000004A;
	s6 =	smul.u32 $0x27100, s2;
	s7 =	sshll.u32 s2, $0x4  }
0x9: {  	s21 =	ssub.s32 $0x2, s2;
	s2 =	smul.u32 $0x7D0, s2;
	s7 =	sor.u32 s1, s7  }
0xa: {  	s8 =	sadd.s32 s5, s0;
	s11 =	sshrl.u32 s21, $0x1;
	s10 =	smul.u32 $0x3E80, s7  }
0xb: {  	s9 =	sshrl.u32 s9, $0x2;
	s5 =	sadd.s32 s5, s6;
	s7 =	smul.u32 $0x280, s7  }
0xc: {  	s13 =	ssub.s32 s21, s11;
	s18 =	sadd.s32 s9, s3;
	s2 =	sadd.s32 s25, s2  }
0xd: {  	s21 =	simm.s32 $0x13880;
	s25 =	simm.s32 $0x50;
	s0 =	sadd.s32 s5, s0  }
0xe: {  	s5 =	sadd.s32 $0x15C400, s8;
	s2 =	sshll.u32 s2, $0x4;
	s18 =	sshrl.u32 @!p0 s18, $0x3  }
0xf: {  	s22 =	sand.u32 $0x7FC00, s10;
	s23 =	sand.u32 $0x380, s7;
	s24 =	sshrl.u32 s10, $0x3  }
0x10: {  	s11 =	sadd.s32 $0x1D1800, s0;
	s26 =	sadd.s32 s2, s12;
	s2 =	sshll.u32 @!p0 s1, $0x6  }
0x11: {  	s6 =	sor.u32 s23, s22;
	s10 =	sadd.s32 s12, s24;
	s14 =	sadd.s32 $0x60, s26  }
0x12: {  	s15 =	sadd.s32 $0x50, s26;
	s16 =	sadd.s32 $0x40, s26;
	s17 =	sor.u32 @!p0 $0x1C05, s2  }
0x13: {  	s22 =	simm.s32 $0x13900;
	s23 =	simm.s32 $0x13980;
	s24 =	simm.s32 $0x1  }
0x14: {  	s6 =	sshrl.u32 s6, $0x3;
	s7 =	sadd.s32 $0x10, s10;
	s8 =	sadd.s32 $0x20, s10  }
0x15: {  	s9 =	sadd.s32 $0x30, s10;
	s10 =	sadd.s32 $0x7C0, s10;
	s6 =	sadd.s32 s12, s6  }
0x16: {  	s12 =	smax.u32 s13, $0x1;
	s13 =	sadd.s32 $0x70, s26;
	s26 =	simm.s32 $0x13A00  }
.LBB2_1:
0x17: {  	[spmem:s18], [sflag:s17] =	dma.local @!p0 [hbm:s5], $0x3E80  }
0x18: {  	s0 =	simm.s32 @!p0 $0x5  }
0x19: {  	_ =	swait.ge @!p0 [sflag:s0], $0x3E80  }
0x1a: {  	[sflag:s0] =	ssyncset.done @!p0 $0x0  }
0x1b: {  	[sflag:s0] =	ssyncadd.s32 @!p0 $0xFFFFC180  }
0x1c: {  	s0 =	rddreg [dreg:$0x1]  }
0x1d: {  	[tilespmem:s19], [sflag:$0x5] =	stream.linear.gather [hbm4b:s0+s4], $0x2800, $0x38;
	[tilespmem:$0x16280] =	vst v63  }
0x1e: {  	_ =	swait.ge [sflag:s20], $0x2800  }
0x1f: {  	[sflag:s20] =	ssyncset.done $0x0  }
0x20: {  	[sflag:s20] =	ssyncadd.s32 $0xFFFFD800  }
0x21: {  	[bflag:$0x0] =	sbarrier.arrive $0xFFFF  }
0x22: {  	[tilespmem:s21], [sflag:$0x1] =	stream.linear.gather [hbm4b:s6+s4], $0x80, $0x38;
	[tilespmem:$0x16280] =	vst v63  }
0x23: {  	_ = 	snop  }
0x24: {  	[tilespmem:s22], [sflag:$0x2] =	stream.linear.gather [hbm4b:s7+s4], $0x80, $0x38;
	[tilespmem:$0x16280] =	vst v63  }
0x25: {  	_ = 	snop  }
0x26: {  	[tilespmem:s23], [sflag:$0x3] =	stream.linear.gather [hbm4b:s8+s4], $0x80, $0x38;
	[tilespmem:$0x16280] =	vst v63  }
0x27: {  	_ =	swait.ge [sflag:s24], $0x80  }
0x28: {  	[sflag:s24] =	ssyncset.done $0x0  }
0x29: {  	[sflag:s24] =	ssyncadd.s32 $0xFFFFFF80  }
0x2a: {  	[spmem:s3] =	stream.indirect.scatter.add.f32 [tilespmem:s19], [sflag:$0x5], $0x80, s21, s25, $0xb8;
	[tilespmem:$0x16280] =	vst v63  }
0x2b: {  	_ =	swait.ge [sflag:s20], $0x2800  }
0x2c: {  	[sflag:s20] =	ssyncset.done $0x0  }
0x2d: {  	[sflag:s20] =	ssyncadd.s32 $0xFFFFD800  }
0x2e: {  	[tilespmem:s26], [sflag:$0x4] =	stream.linear.gather [hbm4b:s9+s4], $0x80, $0x38;
	[tilespmem:$0x16280] =	vst v63  }
0x2f: {  	_ =	swait.ge [sflag:s28], $0x80  }
0x30: {  	[sflag:s28] =	ssyncset.done $0x0  }
0x31: {  	[sflag:s28] =	ssyncadd.s32 $0xFFFFFF80  }
0x32: {  	[spmem:s3] =	stream.indirect.scatter.add.f32 [tilespmem:s19], [sflag:$0x5], $0x80, s22, s25, $0xb8;
	[tilespmem:$0x16280] =	vst v63  }
0x33: {  	_ =	swait.ge [sflag:s20], $0x2800  }
0x34: {  	[sflag:s20] =	ssyncset.done $0x0  }
0x35: {  	s2 =	sadd.s32 $0x0, s16;
	[sflag:s20] =	ssyncadd.s32 $0xFFFFD800  }
0x36: {  	[tilespmem:s21], [sflag:$0x1] =	stream.linear.gather [hbm4b:s2+s4], $0x80, $0x38;
	[tilespmem:$0x16280] =	vst v63  }
0x37: {  	_ =	swait.ge [sflag:s29], $0x80  }
0x38: {  	[sflag:s29] =	ssyncset.done $0x0  }
0x39: {  	[sflag:s29] =	ssyncadd.s32 $0xFFFFFF80  }
0x3a: {  	[spmem:s3] =	stream.indirect.scatter.add.f32 [tilespmem:s19], [sflag:$0x5], $0x80, s23, s25, $0xb8;
	[tilespmem:$0x16280] =	vst v63  }
0x3b: {  	_ =	swait.ge [sflag:s20], $0x2800  }
0x3c: {  	[sflag:s20] =	ssyncset.done $0x0  }
0x3d: {  	s1 =	sadd.s32 $0x0, s15;
	[sflag:s20] =	ssyncadd.s32 $0xFFFFD800  }
0x3e: {  	[tilespmem:s22], [sflag:$0x2] =	stream.linear.gather [hbm4b:s1+s4], $0x80, $0x38;
	[tilespmem:$0x16280] =	vst v63  }
0x3f: {  	_ =	swait.ge [sflag:s30], $0x80  }
0x40: {  	[sflag:s30] =	ssyncset.done $0x0  }
0x41: {  	[sflag:s30] =	ssyncadd.s32 $0xFFFFFF80  }
0x42: {  	[spmem:s3] =	stream.indirect.scatter.add.f32 [tilespmem:s19], [sflag:$0x5], $0x80, s26, s25, $0xb8;
	[tilespmem:$0x16280] =	vst v63  }
0x43: {  	_ =	swait.ge [sflag:s20], $0x2800  }
0x44: {  	[sflag:s20] =	ssyncset.done $0x0  }
0x45: {  	s2 =	sadd.s32 $0x0, s14;
	[sflag:s20] =	ssyncadd.s32 $0xFFFFD800  }
0x46: {  	[tilespmem:s23], [sflag:$0x3] =	stream.linear.gather [hbm4b:s2+s4], $0x80, $0x38;
	[tilespmem:$0x16280] =	vst v63  }
0x47: {  	_ =	swait.ge [sflag:s24], $0x80  }
0x48: {  	[sflag:s24] =	ssyncset.done $0x0  }
0x49: {  	[sflag:s24] =	ssyncadd.s32 $0xFFFFFF80  }
0x4a: {  	[spmem:s3] =	stream.indirect.scatter.add.f32 [tilespmem:s19], [sflag:$0x5], $0x80, s21, s25, $0xb8;
	[tilespmem:$0x16280] =	vst v63  }
0x4b: {  	_ =	swait.ge [sflag:s20], $0x2800  }
0x4c: {  	[sflag:s20] =	ssyncset.done $0x0  }
0x4d: {  	s0 =	simm.s32 $0x40;
	s2 =	sadd.s32 $0x0, s13;
	[sflag:s20] =	ssyncadd.s32 $0xFFFFD800  }
.LBB2_2:
0x4e: {  	[tilespmem:s26], [sflag:$0x4] =	stream.linear.gather [hbm4b:s2+s4], $0x80, $0x38;
	[tilespmem:$0x16280] =	vst v63  }
0x4f: {  	s2 =	smov.u32 s0  }
0x50: {  	p1 =	sne.s32 s0, $0x740;
	s0 =	sadd.s32 $0x40, s0;
	_ =	swait.ge [sflag:s28], $0x80  }
0x51: {  	[sflag:s28] =	ssyncset.done $0x0  }
0x52: {  	[sflag:s28] =	ssyncadd.s32 $0xFFFFFF80  }
0x53: {  	[spmem:s3] =	stream.indirect.scatter.add.f32 [tilespmem:s19], [sflag:$0x5], $0x80, s22, s25, $0xb8;
	[tilespmem:$0x16280] =	vst v63  }
0x54: {  	_ =	swait.ge [sflag:s20], $0x2800  }
0x55: {  	[sflag:s20] =	ssyncset.done $0x0  }
0x56: {  	s1 =	sadd.s32 s2, s16;
	[sflag:s20] =	ssyncadd.s32 $0xFFFFD800  }
0x57: {  	[tilespmem:s21], [sflag:$0x1] =	stream.linear.gather [hbm4b:s1+s4], $0x80, $0x38;
	[tilespmem:$0x16280] =	vst v63  }
0x58: {  	_ =	swait.ge [sflag:s29], $0x80  }
0x59: {  	[sflag:s29] =	ssyncset.done $0x0  }
0x5a: {  	[sflag:s29] =	ssyncadd.s32 $0xFFFFFF80  }
0x5b: {  	[spmem:s3] =	stream.indirect.scatter.add.f32 [tilespmem:s19], [sflag:$0x5], $0x80, s23, s25, $0xb8;
	[tilespmem:$0x16280] =	vst v63  }
0x5c: {  	_ =	swait.ge [sflag:s20], $0x2800  }
0x5d: {  	[sflag:s20] =	ssyncset.done $0x0  }
0x5e: {  	s1 =	sadd.s32 s2, s15;
	[sflag:s20] =	ssyncadd.s32 $0xFFFFD800  }
0x5f: {  	[tilespmem:s22], [sflag:$0x2] =	stream.linear.gather [hbm4b:s1+s4], $0x80, $0x38;
	[tilespmem:$0x16280] =	vst v63  }
0x60: {  	_ =	swait.ge [sflag:s30], $0x80  }
0x61: {  	[sflag:s30] =	ssyncset.done $0x0  }
0x62: {  	[sflag:s30] =	ssyncadd.s32 $0xFFFFFF80  }
0x63: {  	[spmem:s3] =	stream.indirect.scatter.add.f32 [tilespmem:s19], [sflag:$0x5], $0x80, s26, s25, $0xb8;
	[tilespmem:$0x16280] =	vst v63  }
0x64: {  	_ =	swait.ge [sflag:s20], $0x2800  }
0x65: {  	[sflag:s20] =	ssyncset.done $0x0  }
0x66: {  	s1 =	sadd.s32 s2, s14;
	[sflag:s20] =	ssyncadd.s32 $0xFFFFD800  }
0x67: {  	[tilespmem:s23], [sflag:$0x3] =	stream.linear.gather [hbm4b:s1+s4], $0x80, $0x38;
	[tilespmem:$0x16280] =	vst v63  }
0x68: {  	_ =	swait.ge [sflag:s24], $0x80  }
0x69: {  	[sflag:s24] =	ssyncset.done $0x0  }
.Ltmp0:
0x6a: {  	[sflag:s24] =	ssyncadd.s32 $0xFFFFFF80;
	(pc) =	sbr.rel @p1 .LBB2_2-.Ltmp0, $4  }
0x6b: {  	[spmem:s3] =	stream.indirect.scatter.add.f32 [tilespmem:s19], [sflag:$0x5], $0x80, s21, s25, $0xb8;
	[tilespmem:$0x16280] =	vst v63  }
0x6c: {  	_ =	swait.ge [sflag:s20], $0x2800  }
0x6d: {  	[sflag:s20] =	ssyncset.done $0x0  }
0x6e: {  	s2 =	sadd.s32 s2, s13;
	[sflag:s20] =	ssyncadd.s32 $0xFFFFD800  }
0x6f: {  	[tilespmem:s26], [sflag:$0x4] =	stream.linear.gather [hbm4b:s2+s4], $0x80, $0x38;
	[tilespmem:$0x16280] =	vst v63  }
0x70: {  	_ =	swait.ge [sflag:s28], $0x80  }
0x71: {  	[sflag:s28] =	ssyncset.done $0x0  }
0x72: {  	[sflag:s28] =	ssyncadd.s32 $0xFFFFFF80  }
0x73: {  	[spmem:s3] =	stream.indirect.scatter.add.f32 [tilespmem:s19], [sflag:$0x5], $0x80, s22, s25, $0xb8;
	[tilespmem:$0x16280] =	vst v63  }
0x74: {  	_ =	swait.ge [sflag:s20], $0x2800  }
0x75: {  	[sflag:s20] =	ssyncset.done $0x0  }
0x76: {  	[sflag:s20] =	ssyncadd.s32 $0xFFFFD800  }
0x77: {  	[tilespmem:s21], [sflag:$0x1] =	stream.linear.gather [hbm4b:s10+s4], $0x80, $0x38;
	[tilespmem:$0x16280] =	vst v63  }
0x78: {  	_ =	swait.ge [sflag:s29], $0x80  }
0x79: {  	[sflag:s29] =	ssyncset.done $0x0  }
0x7a: {  	[sflag:s29] =	ssyncadd.s32 $0xFFFFFF80  }
0x7b: {  	[spmem:s3] =	stream.indirect.scatter.add.f32 [tilespmem:s19], [sflag:$0x5], $0x80, s23, s25, $0xb8;
	[tilespmem:$0x16280] =	vst v63  }
0x7c: {  	_ =	swait.ge [sflag:s20], $0x2800  }
0x7d: {  	[sflag:s20] =	ssyncset.done $0x0  }
0x7e: {  	[sflag:s20] =	ssyncadd.s32 $0xFFFFD800  }
0x7f: {  	_ =	swait.ge [sflag:s30], $0x80  }
0x80: {  	[sflag:s30] =	ssyncset.done $0x0  }
0x81: {  	[sflag:s30] =	ssyncadd.s32 $0xFFFFFF80  }
0x82: {  	[spmem:s3] =	stream.indirect.scatter.add.f32 [tilespmem:s19], [sflag:$0x5], $0x80, s26, s25, $0xb8;
	[tilespmem:$0x16280] =	vst v63  }
0x83: {  	_ =	swait.ge [sflag:s20], $0x2800  }
0x84: {  	[sflag:s20] =	ssyncset.done $0x0  }
0x85: {  	[sflag:s20] =	ssyncadd.s32 $0xFFFFD800  }
0x86: {  	_ =	swait.ge [sflag:s24], $0x80  }
0x87: {  	[sflag:s24] =	ssyncset.done $0x0  }
0x88: {  	[sflag:s24] =	ssyncadd.s32 $0xFFFFFF80  }
0x89: {  	[spmem:s3] =	stream.indirect.scatter.add.f32 [tilespmem:s19], [sflag:$0x5], $0x80, s21, s25, $0xb8;
	[tilespmem:$0x16280] =	vst v63  }
0x8a: {  	_ =	swait.ge [sflag:s20], $0x2800  }
0x8b: {  	s31 =	sadd.s32 $0x1, s31;
	[sflag:s20] =	ssyncset.done $0x0  }
0x8c: {  	p1 =	sne.s32 s31, s12;
	[sflag:s20] =	ssyncadd.s32 $0xFFFFD800  }
.Ltmp1:
0x8d: {  	s0 =	simm.s32 @!p0 $0x5;
	[bflag:$0x0] =	sbarrier.arrive $0xFFFF;
	(pc) =	sbr.rel @p1 .LBB2_1-.Ltmp1, $4  }
0x8e: {  	[hbm:s11], [sflag:s17] =	dma.local @!p0 [spmem:s18], $0x3E80  }
0x8f: {  	_ =	swait.ge @!p0 [sflag:s0], $0x3E80  }
0x90: {  	[sflag:s0] =	ssyncset.done @!p0 $0x0  }
0x91: {  	[sflag:s0] =	ssyncadd.s32 @!p0 $0xFFFFC180  }
0x92: {  	_ =	sfence.sel $0x180000  }
0x93: {  	[bflag:$0x0] =	sbarrier.arrive $0xFFFF  }
0x94: {  	_ =	strace $0x9000004A  }
0x95: {  	s0 =	stileid.u32;
	[bflag:$0x2] =	sbarrier.arrive $0xFFFF  }
0x96: {  	p0 =	sne.s32 s0, $0x0;
	s0 =	rddreg [dreg:$0x3]  }
0x97: {  	s0 =	sadd.s32 @!p0 $0x100000, s0  }
0x98: {  	[sflag:s0] =	ssyncadd.tile.s32 @!p0 $0x1;
	_ =	shalt  }
.Lfunc_end2:
_tile_overlayer_lowered:
.L_overlay_start_2:
0x99: {  	(tag) =	ssettag $0x2  }
0x9a: {  	s0 =	rddreg [dreg:$0x0];
	s2 =	stileid.u32  }
0x9b: {  	s1 =	rddreg [dreg:$0x1];
	p0 =	sne.s32 s2, $0x0  }
0x9c: {  	s3 =	rddreg [dreg:$0x2];
	[bflag:$0x3] =	sbarrier.arrive $0xFFFF;
	s2 =	simm.s32 @!p0 $0x1C05  }
0x9d: {  	[timem:s3], [sflag:s2] =	dma.local @!p0 [hbm:s0], s1  }
0x9e: {  	s0 =	simm.s32 @!p0 $0x5  }
0x9f: {  	_ =	swait.ge @!p0 [sflag:s0], s1  }
0xa0: {  	s1 =	ssub.s32 @!p0 $0x0, s1;
	[sflag:s0] =	ssyncset.done @!p0 $0x0  }
0xa1: {  	[sflag:s0] =	ssyncadd.s32 @!p0 s1  }
0xa2: {  	[bflag:$0x3] =	sbarrier.arrive $0xFFFF  }
0xa3: {  	_ =	shalt  }

// kernel: kernel.19.cloned.1.call-start
scs
__scs_entry_jumppad:
0x0: {  	(pc) =	sbr.rel $0x88, $3  }
0x1: {  	(tag) =	ssettag $0x0;
	lr =	simm.s32 $0x1  }
0x2: {  	[smem:$0x3F8B] =	sst lr;
	_ =	strace $0xD0000000  }
0x3: {  	_ = 	snop  }
0x4: {  	_ = 	snop  }
0x5: {  	_ = 	snop  }
0x6: {  	_ = 	snop  }
0x7: {  	_ = 	snop  }
__scs_overlays_trampoline_lowered:
0x8: {  	[smem:$0x3F9A] =	sst s0  }
0x9: {  	[smem:$0x3F9B] =	sst s1  }
0xa: {  	[smem:$0x3F9C] =	sst s2  }
0xb: {  	[smem:$0x3F9D] =	sst s3  }
0xc: {  	[smem:$0x3F9E] =	sst s4  }
0xd: {  	[smem:$0x3F9F] =	sst s5  }
0xe: {  	[smem:$0x3FA0] =	sst s6  }
0xf: {  	[smem:$0x3FA1] =	sst s7  }
0x10: {  	[smem:$0x3FA2] =	sst s8  }
0x11: {  	[smem:$0x3FA3] =	sst s9;
	s0 =	simm.s32 @!p0 $0x0  }
0x12: {  	s1 =	sld [smem:$0x3F89];
	s0 =	simm.s32 @p0 $0x1  }
0x13: {  	[smem:$0x3FA4] =	sst s0;
	s0 =	simm.s32 @!p1 $0x0  }
0x14: {  	s2 =	sld [smem:$0x3F88];
	s0 =	simm.s32 @p1 $0x1  }
0x15: {  	[smem:$0x3FA5] =	sst s0;
	s0 =	simm.s32 @!p2 $0x0  }
0x16: {  	s3 =	sld [smem:$0x3FDB];
	s0 =	simm.s32 @p2 $0x1  }
0x17: {  	s4 =	simm.s32 $0x1BF5;
	[smem:$0x3FA7] =	sst s0  }
0x18: {  	s0 =	sld [smem:$0x3F8A];
	_ =	swait.ge [sflag:s4], $0x0  }
0x19: {  	s7 =	sld [smem:$0x3F8B]  }
0x1a: {  	s8 =	sadd.s32 $0xFFFFE003, lr  }
0x1b: {  	s9 =	sadd.s32 $0xFFFFFEF7, lr;
	s5 =	simm.s32 $0xFFFFFFFF;
	p2 =	slt.u32 s8, $0xFFFFF086  }
0x1c: {  	p1 =	slt.u32 s9, $0xF7A;
	s5 =	simm.s32 @!p2 $0x0  }
0x1d: {  	s5 =	simm.s32 @p1 $0x1;
	p0 =	seq.s32 s7, s2  }
0x1e: {  	s7 =	smul.u32 @!p0 $0xF7A, s2;
	p2 =	seq.s32 @!p0 s5, $0x0  }
0x1f: {  	s9 =	smul.u32 $0xF7A, s1;
	s8 =	simm.s32 @!p0 $0x1BF5;
	p2 =	por !p2, p0  }
0x20: {  	[sflag:s8] =	ssyncset.s32 @!p0 $0xFFFFF086;
	s6 =	sadd.s32 @!p0 s3, s7;
	s7 =	simm.s32 @!p0 $0x108  }
0x21: {  	s3 =	sadd.s32 s3, s9;
	s6 =	sadd.s32 @!p0 $0x88, s6;
	s7 =	simm.s32 @p2 $0x1082  }
0x22: {  	[simem:s7], [sflag:s8] =	dma.local @!p0 [hbm:s6], $0xF7A  }
0x23: {  	s9 =	sor.u32 $0xD0000000, s2;
	s6 =	simm.s32 $0x108;
	_ =	swait.ge @!p0 [sflag:s8], $0x0  }
0x24: {  	s3 =	sadd.s32 $0x88, s3;
	s6 =	simm.s32 @!p1 $0x1082;
	[sflag:s4] =	ssyncset.s32 $0xFFFFF086  }
0x25: {  	[simem:s6], [sflag:s4] =	dma.local [hbm:s3], $0xF7A  }
0x26: {  	[smem:$0x3F8B] =	sst s1;
	(tag) =	ssettag s2;
	_ =	strace s9  }
0x27: {  	s1 =	sld [smem:$0x3F9B]  }
0x28: {  	s2 =	sld [smem:$0x3F9C]  }
0x29: {  	s4 =	sld [smem:$0x3F9E]  }
0x2a: {  	p0 =	seq.s32 s5, $0x0;
	s5 =	sld [smem:$0x3F9F]  }
0x2b: {  	s6 =	sld [smem:$0x3FA0]  }
0x2c: {  	s7 =	sld [smem:$0x3FA1]  }
0x2d: {  	s3 =	simm.s32 $0x108;
	s8 =	sld [smem:$0x3FA2]  }
0x2e: {  	s3 =	simm.s32 @!p0 $0x1082;
	s9 =	sld [smem:$0x3FA3]  }
0x2f: {  	lr =	sadd.s32 s0, s3;
	s0 =	sld [smem:$0x3F9A]  }
0x30: {  	s3 =	sld [smem:$0x3F9D]  }
0x31: {  	[smem:$0x3FA6] =	sst s10  }
0x32: {  	s10 =	sld [smem:$0x3FA4];
	_ =	sdelay $0x3  }
0x33: {  	p0 =	seq.s32 s10, $0x1;
	s10 =	sld [smem:$0x3FA6];
	_ =	sdelay $0x3  }
0x34: {  	[smem:$0x3FA6] =	sst s10  }
0x35: {  	s10 =	sld [smem:$0x3FA5];
	_ =	sdelay $0x3  }
0x36: {  	p1 =	seq.s32 s10, $0x1;
	s10 =	sld [smem:$0x3FA6];
	_ =	sdelay $0x3  }
0x37: {  	[smem:$0x3FA6] =	sst s10  }
0x38: {  	s10 =	sld [smem:$0x3FA7]  }
0x39: {  	_ = 	snop;
	(pc) =	sbr.ind lr, $3  }
0x3a: {  	_ = 	snop  }
0x3b: {  	_ = 	snop  }
0x3c: {  	p2 =	seq.s32 s10, $0x1;
	s10 =	sld [smem:$0x3FA6]  }
0x3d: {  	_ =	shalt  }
0x3e: {  	_ =	shalt  }
0x3f: {  	_ =	shalt  }
0x40: {  	_ =	shalt  }
0x41: {  	_ =	shalt  }
0x42: {  	_ =	shalt  }
0x43: {  	_ =	shalt  }
0x44: {  	_ =	shalt  }
0x45: {  	_ =	shalt  }
0x46: {  	_ =	shalt  }
0x47: {  	_ =	shalt  }
0x48: {  	_ =	shalt  }
0x49: {  	_ =	shalt  }
0x4a: {  	_ =	shalt  }
0x4b: {  	_ =	shalt  }
0x4c: {  	_ =	shalt  }
0x4d: {  	_ =	shalt  }
0x4e: {  	_ =	shalt  }
0x4f: {  	_ =	shalt  }
0x50: {  	_ =	shalt  }
0x51: {  	_ =	shalt  }
0x52: {  	_ =	shalt  }
0x53: {  	_ =	shalt  }
0x54: {  	_ =	shalt  }
0x55: {  	_ =	shalt  }
0x56: {  	_ =	shalt  }
0x57: {  	_ =	shalt  }
0x58: {  	_ =	shalt  }
0x59: {  	_ =	shalt  }
0x5a: {  	_ =	shalt  }
0x5b: {  	_ =	shalt  }
0x5c: {  	_ =	shalt  }
0x5d: {  	_ =	shalt  }
0x5e: {  	_ =	shalt  }
0x5f: {  	_ =	shalt  }
0x60: {  	_ =	shalt  }
0x61: {  	_ =	shalt  }
0x62: {  	_ =	shalt  }
0x63: {  	_ =	shalt  }
0x64: {  	_ =	shalt  }
0x65: {  	_ =	shalt  }
0x66: {  	_ =	shalt  }
0x67: {  	_ =	shalt  }
0x68: {  	_ =	shalt  }
0x69: {  	_ =	shalt  }
0x6a: {  	_ =	shalt  }
0x6b: {  	_ =	shalt  }
0x6c: {  	_ =	shalt  }
0x6d: {  	_ =	shalt  }
0x6e: {  	_ =	shalt  }
0x6f: {  	_ =	shalt  }
0x70: {  	_ =	shalt  }
0x71: {  	_ =	shalt  }
0x72: {  	_ =	shalt  }
0x73: {  	_ =	shalt  }
0x74: {  	_ =	shalt  }
0x75: {  	_ =	shalt  }
0x76: {  	_ =	shalt  }
0x77: {  	_ =	shalt  }
0x78: {  	_ =	shalt  }
0x79: {  	_ =	shalt  }
0x7a: {  	_ =	shalt  }
0x7b: {  	_ =	shalt  }
0x7c: {  	_ =	shalt  }
0x7d: {  	_ =	shalt  }
0x7e: {  	_ =	shalt  }
0x7f: {  	_ =	shalt  }
0x80: {  	_ =	shalt  }
0x81: {  	_ =	shalt  }
0x82: {  	_ =	shalt  }
0x83: {  	_ =	shalt  }
0x84: {  	_ =	shalt  }
0x85: {  	_ =	shalt  }
0x86: {  	_ =	shalt  }
0x87: {  	_ =	shalt  }
.Lfunc_end0:
.L_simem_size_0:
called_computation.1_lowered:
.L_overlay_start_0:
0x88: {  	s2 =	sld [smem:$0x3FD9]  }
0x89: {  	s3 =	sld [smem:$0x3FFE];
	_ =	sdelay $0x1  }
0x8a: {  	s1 =	srdreg.scid  }
0x8b: {  	s0 =	sand.u32 $0x1, s1  }
0x8c: {  	s16 =	sshll.u32 s0, $0xA;
	s2 =	sadd.s32 s3, s2  }
0x8d: {  	s2 =	sadd.s32 s2, s16  }
0x8e: {  	[smem:$0x3FB2] =	sst s2  }
0x8f: {  	_ = 	snop  }
0x90: {  	(tm) =	ssettm $0x1  }
0x91: {  	s17 =	sld [smem:$0x3FFB];
	_ =	sdelay $0x3  }
0x92: {  	_ =	strace s17  }
0x93: {  	s2 =	sld [smem:$0x3FFC];
	_ =	sdelay $0x3  }
0x94: {  	_ =	strace s2  }
0x95: {  	s2 =	sld [smem:$0x3FFD];
	_ =	sdelay $0x3  }
0x96: {  	_ =	strace s2  }
0x97: {  	_ =	strace $0x8FFFFFFF  }
0x98: {  	s18 =	sld [smem:$0x3FDB];
	_ =	sdelay $0x1  }
0x99: {  	s19 =	simm.s32 $_scs_section_size  }
0x9a: {  	s4 =	simm.s32 $_size__tile_overlayer_lowered;
	s5 =	simm.s32 $_tile_overlayer_lowered  }
0x9b: {  	s22 =	simm.s32 $0x1BFF;
	s21 =	sshll.u32 s5, $0x1;
	s2 =	sadd.s32 s19, s18  }
0x9c: {  	s6 =	simm.s32 $0x0;
	s20 =	sshll.u32 s4, $0x1;
	s4 =	sadd.s32 s21, s2  }
0x9d: {  	[timem:s6], [sflag:s22] =	dma.local [hbm:s4], s20  }
0x9e: {  	_ =	swait.ge [sflag:s22], s20  }
0x9f: {  	s3 =	ssub.s32 $0x0, s20;
	[sflag:s22] =	ssyncset.done $0x0  }
0xa0: {  	[sflag:s22] =	ssyncadd.s32 s3;
	_ =	sdelay $0x1  }
0xa1: {  	s23 =	simm.s32 $0x1B8B  }
0xa2: {  	_ =	swait.ge [sflag:s23], $0x1  }
0xa3: {  	[sflag:s23] =	ssyncset.done $0x0  }
0xa4: {  	s25 =	simm.s32 $0x1B8E;
	s24 =	sld [smem:$0x3FFE];
	[sflag:s23] =	ssyncadd.s32 $0xFFFFFFFF  }
0xa5: {  	s26 =	simm.s32 $execute0_lowered;
	[smem:$0x3FD2] =	sst s25  }
0xa6: {  	s4 =	sshll.u32 s26, $0x1;
	_ =	strace $0x80000046;
	[dreg:$0x1] =	wrdreg $0xFFFFFFFF  }
0xa7: {  	s28 =	simm.s32 $_size_execute0_lowered;
	s2 =	sadd.s32 s2, s4;
	[dreg:$0x0] =	wrdreg $0x0  }
0xa8: {  	s4 =	sshll.u32 s28, $0x1;
	[dreg:$0x2] =	wrdreg s2  }
0xa9: {  	[dreg:$0x3] =	wrdreg s4  }
0xaa: {  	[dreg:$0x4] =	wrdreg $0xC0  }
0xab: {  	_ =	task [dreg:s6], $0x5FFFF  }
0xac: {  	[dreg:$0x1] =	wrdreg $0xFFFFFFFF  }
0xad: {  	[dreg:$0x0] =	wrdreg $0x60  }
0xae: {  	[dreg:$0x2] =	wrdreg s24  }
0xaf: {  	[dreg:$0x3] =	wrdreg $0x0  }
0xb0: {  	[dreg:$0x4] =	wrdreg $0xA  }
0xb1: {  	_ =	task.clear_ibuf [dreg:s6], $0x5FFFF;
	_ =	strace $0x90000046  }
0xb2: {  	s29 =	simm.s32 $0xA;
	_ =	strace $0x80000048  }
0xb3: {  	_ =	swait.ge [sflag:s29], $0x1  }
0xb4: {  	[sflag:s29] =	ssyncadd.s32 $0xFFFFFFFF  }
0xb5: {  	_ =	strace $0x90000048  }
0xb6: {  	_ =	sfence  }
0xb7: {  	s30 =	sld [smem:$0x0];
	_ =	sdelay $0x2  }
0xb8: {  	s31 =	sshll.u32 s1, $0xD;
	s1 =	sshrl.u32 s1, $0x2  }
0xb9: {  	s3 =	sand.u32 $0x4000, s31;
	s1 =	sadd.s32 s1, s30  }
0xba: {  	s0 =	sor.u32 s3, s0;
	s1 =	sshll.u32 s1, $0x11  }
0xbb: {  	s0 =	sor.u32 s1, s0  }
0xbc: {  	s0 =	sadd.s32 $0x8F2B, s0  }
0xbd: {  	[sflag:s0] =	ssyncadd.remote.s32 $0x1  }
0xbe: {  	_ =	sfence.sel $0xFFFF  }
0xbf: {  	[dreg:$0x0] =	wrdreg $0xFFFFFFFF;
	(pc) =	sbr.abs _section_cstart, $3  }
0xc0: {  	[dreg:$0x1] =	wrdreg $0xFFFFFFFF  }
0xc1: {  	_ =	task.clear_ibuf [dreg:s6], $0x2FFFF;
	_ =	strace $0x9FFFFFFF  }
0xc2: {  	(tm) =	ssettm $0x7FFFFFFF  }
0xc3: {  	_ =	shalt  }
tec
execute0_lowered:
.L_overlay_start_1:
0x0: {  	(tag) =	ssettag $0x1  }
0x1: {  	s0 =	rddreg [dreg:$0x0]  }
0x2: {  	s2 =	rddreg [dreg:$0x1]  }
0x3: {  	s14 =	stileid.u32;
	s1 =	srdreg.scid;
	s3 =	simm.s32 $0x0  }
0x4: {  	s28 =	simm.s32 $0x1;
	s29 =	simm.s32 $0x50;
	s4 =	smul.u32 $0x3E80, s14  }
0x5: {  	s30 =	simm.s32 $0x13C80;
	s31 =	simm.s32 $0x2;
	s8 =	smul.u32 $0x7D00, s14  }
0x6: {  	s1 =	sand.u32 $0x1, s1;
	[smem:$0x7FF] =	sst s3;
	s10 =	smul.u32 $0x7D000, s14  }
0x7: {  	s6 =	sadd.s32 $0x14200, s0;
	s7 =	sadd.s32 $0x4800, s0;
	s20 =	smul.u32 $0xFA0, s14  }
0x8: {  	s11 =	sshll.u32 s14, $0x8;
	s5 =	smul.u32 $0x27100, s1;
	_ =	strace $0x80000047  }
0x9: {  	s9 =	ssub.s32 $0x2, s1;
	s11 =	sand.u32 $0x300, s11;
	p0 =	seq.s32 s1, $0x0  }
0xa: {  	s12 =	sshrl.u32 s9, $0x1;
	s13 =	sand.u32 $0x7FC00, s8;
	s10 =	sshrl.u32 s10, $0x2  }
0xb: {  	s8 =	sshrl.u32 s8, $0x3;
	s5 =	sadd.s32 s4, s5;
	s4 =	sadd.s32 s4, s0  }
0xc: {  	s9 =	ssub.s32 s9, s12;
	s11 =	sor.u32 s11, s13;
	s10 =	sadd.s32 s10, s2  }
0xd: {  	s12 =	sadd.s32 $0x20, s8;
	s15 =	sadd.s32 $0x30, s8;
	s19 =	sadd.s32 $0xF90, s8  }
0xe: {  	s8 =	simm.s32 $0x18C80;
	[dreg:$0x5] =	wrdreg s10;
	s4 =	sadd.s32 $0x15C400, s4  }
0xf: {  	s5 =	sadd.s32 s5, s0;
	s13 =	sadd.s32 s6, s12;
	[dreg:$0x6] =	wrdreg s4  }
0x10: {  	s23 =	sshrl.u32 s11, $0x3;
	s17 =	sadd.s32 s6, s15;
	[dreg:$0xb] =	wrdreg s13  }
0x11: {  	s16 =	sadd.s32 $0x7C00, s11;
	s1 =	sadd.s32 s7, s15;
	[dreg:$0xd] =	wrdreg s17  }
0x12: {  	s21 =	sadd.s32 s6, s19;
	s22 =	sadd.s32 s7, s19;
	[dreg:$0xe] =	wrdreg s1  }
0x13: {  	s11 =	simm.s32 $0x1B480;
	s24 =	sadd.s32 s6, s23;
	[dreg:$0x11] =	wrdreg s21  }
0x14: {  	s25 =	sor.u32 $0x10, s23;
	s4 =	sadd.s32 s7, s23;
	[dreg:$0x12] =	wrdreg s22  }
0x15: {  	s18 =	sshrl.u32 s16, $0x3;
	s23 =	sadd.s32 $0x183600, s5;
	[dreg:$0x7] =	wrdreg s24  }
0x16: {  	s21 =	simm.s32 $0x13880;
	s22 =	simm.s32 $0x13A80;
	[dreg:$0x8] =	wrdreg s4  }
0x17: {  	s5 =	simm.s32 $0x13A00;
	s26 =	sadd.s32 s6, s25;
	[dreg:$0x13] =	wrdreg s23  }
0x18: {  	s13 =	simm.s32 $0x8;
	s10 =	sadd.s32 s7, s25;
	[dreg:$0x9] =	wrdreg s26  }
0x19: {  	s4 =	sadd.s32 s7, s12;
	s1 =	sadd.s32 s7, s18;
	[dreg:$0xa] =	wrdreg s10  }
0x1a: {  	s24 =	sadd.s32 s20, s6;
	s25 =	sadd.s32 s20, s7;
	[dreg:$0xc] =	wrdreg s4  }
0x1b: {  	s23 =	simm.s32 $0x13900;
	s7 =	simm.s32 $0x3;
	[dreg:$0x10] =	wrdreg s1  }
0x1c: {  	s12 =	simm.s32 $0x7;
	s4 =	sadd.s32 s6, s18;
	[dreg:$0x3] =	wrdreg s24  }
0x1d: {  	s1 =	simm.s32 $0x23C00;
	s26 =	smax.u32 s9, $0x1;
	[dreg:$0x4] =	wrdreg s25  }
0x1e: {  	s24 =	simm.s32 $0x13B00;
	s25 =	simm.s32 $0x13980;
	s6 =	simm.s32 $0x13C00  }
0x1f: {  	s9 =	simm.s32 $0x6;
	s10 =	simm.s32 $0x4;
	[dreg:$0xf] =	wrdreg s4  }
0x20: {  	s1 =	simm.s32 @!p0 $0xC0000;
	[dreg:$0x14] =	wrdreg s26;
	p0 =	sgt.u32 s14, $0x9  }
0x21: {  	s26 =	simm.s32 $0x13B80;
	s4 =	simm.s32 $0x9;
	s14 =	simm.s32 $0x0  }
0x22: {  	s20 =	sadd.s32 s1, s0;
	s0 =	simm.s32 $0x16480;
	s1 =	simm.s32 $0x5  }
.LBB2_1:
0x23: {  	s15 =	stileid.u32  }
0x24: {  	s15 =	sshll.u32 @!p0 s15, $0x6  }
0x25: {  	s16 =	sor.u32 @!p0 $0x1C09, s15;
	s15 =	rddreg [dreg:$0x5]  }
0x26: {  	s17 =	sshrl.u32 @!p0 s15, $0x3;
	s15 =	rddreg [dreg:$0x6]  }
0x27: {  	[dreg:$0x15] =	wrdreg s16  }
0x28: {  	[dreg:$0x16] =	wrdreg s17  }
0x29: {  	[spmem:s17], [sflag:s16] =	dma.local @!p0 [hbm:s15], $0x3E80  }
0x2a: {  	s17 =	simm.s32 @!p0 $0x9  }
0x2b: {  	_ =	swait.ge @!p0 [sflag:s17], $0x3E80  }
0x2c: {  	[sflag:s17] =	ssyncset.done @!p0 $0x0  }
0x2d: {  	[sflag:s17] =	ssyncadd.s32 @!p0 $0xFFFFC180  }
0x2e: {  	[bflag:$0x0] =	sbarrier.arrive $0xFFFF  }
0x2f: {  	s16 =	rddreg [dreg:$0x7]  }
0x30: {  	[tilespmem:s21], [sflag:$0x1] =	stream.linear.gather [hbm4b:s16+s3], $0x80, $0x38;
	[tilespmem:$0x1DC80] =	vst v63  }
0x31: {  	s17 =	rddreg [dreg:$0x8]  }
0x32: {  	[tilespmem:s22], [sflag:$0x1] =	stream.linear.gather [hbm4b:s17+s3], $0x80, $0x38;
	[tilespmem:$0x1DC80] =	vst v63  }
0x33: {  	s18 =	rddreg [dreg:$0x9]  }
0x34: {  	[tilespmem:s23], [sflag:$0x2] =	stream.linear.gather [hbm4b:s18+s3], $0x80, $0x38;
	[tilespmem:$0x1DC80] =	vst v63  }
0x35: {  	s19 =	rddreg [dreg:$0xa]  }
0x36: {  	[tilespmem:s24], [sflag:$0x2] =	stream.linear.gather [hbm4b:s19+s3], $0x80, $0x38;
	[tilespmem:$0x1DC80] =	vst v63  }
0x37: {  	s16 =	rddreg [dreg:$0xb]  }
0x38: {  	[tilespmem:s25], [sflag:$0x3] =	stream.linear.gather [hbm4b:s16+s3], $0x80, $0x38;
	[tilespmem:$0x1DC80] =	vst v63  }
0x39: {  	s17 =	rddreg [dreg:$0xc]  }
0x3a: {  	[tilespmem:s26], [sflag:$0x3] =	stream.linear.gather [hbm4b:s17+s3], $0x80, $0x38;
	[tilespmem:$0x1DC80] =	vst v63  }
0x3b: {  	_ =	swait.ge [sflag:s28], $0x80  }
0x3c: {  	[sflag:s28] =	ssyncset.done $0x0  }
0x3d: {  	[sflag:s28] =	ssyncadd.s32 $0xFFFFFF80  }
0x3e: {  	_ =	swait.ge [sflag:s28], $0x80  }
0x3f: {  	[sflag:s28] =	ssyncset.done $0x0  }
0x40: {  	[sflag:s28] =	ssyncadd.s32 $0xFFFFFF80  }
0x41: {  	[tilespmem:s30], [sflag:$0x5] =	stream.indirect.gather [hbm4b:s20+s29], $0x80, s21, s29, $0xb8;
	[tilespmem:$0x1DC80] =	vst v63  }
0x42: {  	_ =	swait.ge [sflag:s31], $0x80  }
0x43: {  	[sflag:s31] =	ssyncset.done $0x0  }
0x44: {  	[sflag:s31] =	ssyncadd.s32 $0xFFFFFF80  }
0x45: {  	_ =	swait.ge [sflag:s31], $0x80  }
0x46: {  	[sflag:s31] =	ssyncset.done $0x0  }
0x47: {  	[sflag:s31] =	ssyncadd.s32 $0xFFFFFF80  }
0x48: {  	[tilespmem:s0], [sflag:$0x6] =	stream.indirect.gather [hbm4b:s20+s29], $0x80, s23, s29, $0xb8;
	[tilespmem:$0x1DC80] =	vst v63  }
0x49: {  	_ =	swait.ge [sflag:s1], $0x2800  }
0x4a: {  	[sflag:s1] =	ssyncset.done $0x0  }
0x4b: {  	[sflag:s1] =	ssyncadd.s32 $0xFFFFD800  }
0x4c: {  	[spmem:s2] =	stream.indirect.scatter.add.f32 [tilespmem:s30], [sflag:$0x9], $0x80, s22, s29, $0xb8;
	[tilespmem:$0x1DC80] =	vst v63  }
0x4d: {  	_ =	swait.ge [sflag:s4], $0x2800  }
0x4e: {  	[sflag:s4] =	ssyncset.done $0x0  }
0x4f: {  	s18 =	rddreg [dreg:$0xd];
	[sflag:s4] =	ssyncadd.s32 $0xFFFFD800  }
0x50: {  	[tilespmem:s5], [sflag:$0x4] =	stream.linear.gather [hbm4b:s18+s3], $0x80, $0x38;
	[tilespmem:$0x1DC80] =	vst v63  }
0x51: {  	s19 =	rddreg [dreg:$0xe]  }
0x52: {  	[tilespmem:s6], [sflag:$0x4] =	stream.linear.gather [hbm4b:s19+s3], $0x80, $0x38;
	[tilespmem:$0x1DC80] =	vst v63  }
0x53: {  	_ =	swait.ge [sflag:s7], $0x80  }
0x54: {  	[sflag:s7] =	ssyncset.done $0x0  }
0x55: {  	[sflag:s7] =	ssyncadd.s32 $0xFFFFFF80  }
0x56: {  	_ =	swait.ge [sflag:s7], $0x80  }
0x57: {  	[sflag:s7] =	ssyncset.done $0x0  }
0x58: {  	[sflag:s7] =	ssyncadd.s32 $0xFFFFFF80  }
0x59: {  	[tilespmem:s8], [sflag:$0x7] =	stream.indirect.gather [hbm4b:s20+s29], $0x80, s25, s29, $0xb8;
	[tilespmem:$0x1DC80] =	vst v63  }
0x5a: {  	_ =	swait.ge [sflag:s9], $0x2800  }
0x5b: {  	[sflag:s9] =	ssyncset.done $0x0  }
0x5c: {  	[sflag:s9] =	ssyncadd.s32 $0xFFFFD800  }
0x5d: {  	[spmem:s2] =	stream.indirect.scatter.add.f32 [tilespmem:s0], [sflag:$0x9], $0x80, s24, s29, $0xb8;
	[tilespmem:$0x1DC80] =	vst v63  }
0x5e: {  	_ =	swait.ge [sflag:s4], $0x2800  }
0x5f: {  	s15 =	rddreg [dreg:$0x3]  }
0x60: {  	s18 =	rddreg [dreg:$0x4];
	[sflag:s4] =	ssyncset.done $0x0;
	s17 =	sadd.s32 $0x0, s15  }
0x61: {  	[sflag:s4] =	ssyncadd.s32 $0xFFFFD800;
	s18 =	sadd.s32 $0x0, s18;
	s19 =	sadd.s32 $0x40, s17  }
0x62: {  	[tilespmem:s21], [sflag:$0x1] =	stream.linear.gather [hbm4b:s19+s3], $0x80, $0x38;
	[tilespmem:$0x1DC80] =	vst v63  }
0x63: {  	s16 =	sadd.s32 $0x40, s18  }
0x64: {  	[tilespmem:s22], [sflag:$0x1] =	stream.linear.gather [hbm4b:s16+s3], $0x80, $0x38;
	[tilespmem:$0x1DC80] =	vst v63  }
0x65: {  	_ =	swait.ge [sflag:s10], $0x80  }
0x66: {  	[sflag:s10] =	ssyncset.done $0x0  }
0x67: {  	[sflag:s10] =	ssyncadd.s32 $0xFFFFFF80  }
0x68: {  	_ =	swait.ge [sflag:s10], $0x80  }
0x69: {  	[sflag:s10] =	ssyncset.done $0x0  }
0x6a: {  	[sflag:s10] =	ssyncadd.s32 $0xFFFFFF80  }
0x6b: {  	[tilespmem:s11], [sflag:$0x8] =	stream.indirect.gather [hbm4b:s20+s29], $0x80, s5, s29, $0xb8;
	[tilespmem:$0x1DC80] =	vst v63  }
0x6c: {  	_ =	swait.ge [sflag:s12], $0x2800  }
0x6d: {  	[sflag:s12] =	ssyncset.done $0x0  }
0x6e: {  	[sflag:s12] =	ssyncadd.s32 $0xFFFFD800  }
0x6f: {  	[spmem:s2] =	stream.indirect.scatter.add.f32 [tilespmem:s8], [sflag:$0x9], $0x80, s26, s29, $0xb8;
	[tilespmem:$0x1DC80] =	vst v63  }
0x70: {  	_ =	swait.ge [sflag:s4], $0x2800  }
0x71: {  	[sflag:s4] =	ssyncset.done $0x0  }
0x72: {  	s15 =	sadd.s32 $0x50, s17;
	[sflag:s4] =	ssyncadd.s32 $0xFFFFD800  }
0x73: {  	[tilespmem:s23], [sflag:$0x2] =	stream.linear.gather [hbm4b:s15+s3], $0x80, $0x38;
	[tilespmem:$0x1DC80] =	vst v63  }
0x74: {  	s16 =	sadd.s32 $0x50, s18  }
0x75: {  	[tilespmem:s24], [sflag:$0x2] =	stream.linear.gather [hbm4b:s16+s3], $0x80, $0x38;
	[tilespmem:$0x1DC80] =	vst v63  }
0x76: {  	_ =	swait.ge [sflag:s28], $0x80  }
0x77: {  	[sflag:s28] =	ssyncset.done $0x0  }
0x78: {  	[sflag:s28] =	ssyncadd.s32 $0xFFFFFF80  }
0x79: {  	_ =	swait.ge [sflag:s28], $0x80  }
0x7a: {  	[sflag:s28] =	ssyncset.done $0x0  }
0x7b: {  	[sflag:s28] =	ssyncadd.s32 $0xFFFFFF80  }
0x7c: {  	[tilespmem:s30], [sflag:$0x5] =	stream.indirect.gather [hbm4b:s20+s29], $0x80, s21, s29, $0xb8;
	[tilespmem:$0x1DC80] =	vst v63  }
0x7d: {  	_ =	swait.ge [sflag:s13], $0x2800  }
0x7e: {  	[sflag:s13] =	ssyncset.done $0x0  }
0x7f: {  	[sflag:s13] =	ssyncadd.s32 $0xFFFFD800  }
0x80: {  	[spmem:s2] =	stream.indirect.scatter.add.f32 [tilespmem:s11], [sflag:$0x9], $0x80, s6, s29, $0xb8;
	[tilespmem:$0x1DC80] =	vst v63  }
0x81: {  	_ =	swait.ge [sflag:s4], $0x2800  }
0x82: {  	[sflag:s4] =	ssyncset.done $0x0  }
0x83: {  	s15 =	sadd.s32 $0x60, s17;
	[sflag:s4] =	ssyncadd.s32 $0xFFFFD800  }
0x84: {  	[tilespmem:s25], [sflag:$0x3] =	stream.linear.gather [hbm4b:s15+s3], $0x80, $0x38;
	[tilespmem:$0x1DC80] =	vst v63  }
0x85: {  	s16 =	sadd.s32 $0x60, s18  }
0x86: {  	[tilespmem:s26], [sflag:$0x3] =	stream.linear.gather [hbm4b:s16+s3], $0x80, $0x38;
	[tilespmem:$0x1DC80] =	vst v63  }
0x87: {  	_ =	swait.ge [sflag:s31], $0x80  }
0x88: {  	[sflag:s31] =	ssyncset.done $0x0  }
0x89: {  	[sflag:s31] =	ssyncadd.s32 $0xFFFFFF80  }
0x8a: {  	_ =	swait.ge [sflag:s31], $0x80  }
0x8b: {  	[sflag:s31] =	ssyncset.done $0x0  }
0x8c: {  	[sflag:s31] =	ssyncadd.s32 $0xFFFFFF80  }
0x8d: {  	[tilespmem:s0], [sflag:$0x6] =	stream.indirect.gather [hbm4b:s20+s29], $0x80, s23, s29, $0xb8;
	[tilespmem:$0x1DC80] =	vst v63  }
0x8e: {  	_ =	swait.ge [sflag:s1], $0x2800  }
0x8f: {  	[sflag:s1] =	ssyncset.done $0x0  }
0x90: {  	[sflag:s1] =	ssyncadd.s32 $0xFFFFD800  }
0x91: {  	[spmem:s2] =	stream.indirect.scatter.add.f32 [tilespmem:s30], [sflag:$0x9], $0x80, s22, s29, $0xb8;
	[tilespmem:$0x1DC80] =	vst v63  }
0x92: {  	_ =	swait.ge [sflag:s4], $0x2800  }
0x93: {  	[sflag:s4] =	ssyncset.done $0x0  }
0x94: {  	s17 =	sadd.s32 $0x70, s17;
	[sflag:s4] =	ssyncadd.s32 $0xFFFFD800  }
0x95: {  	[tilespmem:s5], [sflag:$0x4] =	stream.linear.gather [hbm4b:s17+s3], $0x80, $0x38;
	[tilespmem:$0x1DC80] =	vst v63  }
0x96: {  	s18 =	sadd.s32 $0x70, s18;
	s17 =	simm.s32 $0x40  }
.LBB2_2:
0x97: {  	[tilespmem:s6], [sflag:$0x4] =	stream.linear.gather [hbm4b:s18+s3], $0x80, $0x38;
	[tilespmem:$0x1DC80] =	vst v63  }
0x98: {  	_ =	swait.ge [sflag:s7], $0x80  }
0x99: {  	[sflag:s7] =	ssyncset.done $0x0  }
0x9a: {  	[sflag:s7] =	ssyncadd.s32 $0xFFFFFF80  }
0x9b: {  	_ =	swait.ge [sflag:s7], $0x80  }
0x9c: {  	[sflag:s7] =	ssyncset.done $0x0  }
0x9d: {  	[sflag:s7] =	ssyncadd.s32 $0xFFFFFF80  }
0x9e: {  	[tilespmem:s8], [sflag:$0x7] =	stream.indirect.gather [hbm4b:s20+s29], $0x80, s25, s29, $0xb8;
	[tilespmem:$0x1DC80] =	vst v63  }
0x9f: {  	_ =	swait.ge [sflag:s9], $0x2800  }
0xa0: {  	[sflag:s9] =	ssyncset.done $0x0  }
0xa1: {  	[sflag:s9] =	ssyncadd.s32 $0xFFFFD800  }
0xa2: {  	[spmem:s2] =	stream.indirect.scatter.add.f32 [tilespmem:s0], [sflag:$0x9], $0x80, s24, s29, $0xb8;
	[tilespmem:$0x1DC80] =	vst v63  }
0xa3: {  	_ =	swait.ge [sflag:s4], $0x2800  }
0xa4: {  	s19 =	smov.u32 s17;
	s16 =	rddreg [dreg:$0x3]  }
0xa5: {  	s15 =	rddreg [dreg:$0x4];
	[sflag:s4] =	ssyncset.done $0x0;
	s18 =	sadd.s32 s19, s16  }
0xa6: {  	[sflag:s4] =	ssyncadd.s32 $0xFFFFD800;
	s19 =	sadd.s32 s19, s15;
	s16 =	sadd.s32 $0x40, s18  }
0xa7: {  	[tilespmem:s21], [sflag:$0x1] =	stream.linear.gather [hbm4b:s16+s3], $0x80, $0x38;
	[tilespmem:$0x1DC80] =	vst v63  }
0xa8: {  	s15 =	sadd.s32 $0x40, s19  }
0xa9: {  	[tilespmem:s22], [sflag:$0x1] =	stream.linear.gather [hbm4b:s15+s3], $0x80, $0x38;
	[tilespmem:$0x1DC80] =	vst v63  }
0xaa: {  	_ =	swait.ge [sflag:s10], $0x80  }
0xab: {  	[sflag:s10] =	ssyncset.done $0x0  }
0xac: {  	[sflag:s10] =	ssyncadd.s32 $0xFFFFFF80  }
0xad: {  	_ =	swait.ge [sflag:s10], $0x80  }
0xae: {  	[sflag:s10] =	ssyncset.done $0x0  }
0xaf: {  	[sflag:s10] =	ssyncadd.s32 $0xFFFFFF80  }
0xb0: {  	[tilespmem:s11], [sflag:$0x8] =	stream.indirect.gather [hbm4b:s20+s29], $0x80, s5, s29, $0xb8;
	[tilespmem:$0x1DC80] =	vst v63  }
0xb1: {  	_ =	swait.ge [sflag:s12], $0x2800  }
0xb2: {  	[sflag:s12] =	ssyncset.done $0x0  }
0xb3: {  	[sflag:s12] =	ssyncadd.s32 $0xFFFFD800  }
0xb4: {  	[spmem:s2] =	stream.indirect.scatter.add.f32 [tilespmem:s8], [sflag:$0x9], $0x80, s26, s29, $0xb8;
	[tilespmem:$0x1DC80] =	vst v63  }
0xb5: {  	_ =	swait.ge [sflag:s4], $0x2800  }
0xb6: {  	[sflag:s4] =	ssyncset.done $0x0  }
0xb7: {  	s16 =	sadd.s32 $0x50, s18;
	[sflag:s4] =	ssyncadd.s32 $0xFFFFD800  }
0xb8: {  	[tilespmem:s23], [sflag:$0x2] =	stream.linear.gather [hbm4b:s16+s3], $0x80, $0x38;
	[tilespmem:$0x1DC80] =	vst v63  }
0xb9: {  	s16 =	sadd.s32 $0x50, s19  }
0xba: {  	[tilespmem:s24], [sflag:$0x2] =	stream.linear.gather [hbm4b:s16+s3], $0x80, $0x38;
	[tilespmem:$0x1DC80] =	vst v63  }
0xbb: {  	_ =	swait.ge [sflag:s28], $0x80  }
0xbc: {  	[sflag:s28] =	ssyncset.done $0x0  }
0xbd: {  	[sflag:s28] =	ssyncadd.s32 $0xFFFFFF80  }
0xbe: {  	_ =	swait.ge [sflag:s28], $0x80  }
0xbf: {  	[sflag:s28] =	ssyncset.done $0x0  }
0xc0: {  	[sflag:s28] =	ssyncadd.s32 $0xFFFFFF80  }
0xc1: {  	[tilespmem:s30], [sflag:$0x5] =	stream.indirect.gather [hbm4b:s20+s29], $0x80, s21, s29, $0xb8;
	[tilespmem:$0x1DC80] =	vst v63  }
0xc2: {  	_ =	swait.ge [sflag:s13], $0x2800  }
0xc3: {  	[sflag:s13] =	ssyncset.done $0x0  }
0xc4: {  	[sflag:s13] =	ssyncadd.s32 $0xFFFFD800  }
0xc5: {  	[spmem:s2] =	stream.indirect.scatter.add.f32 [tilespmem:s11], [sflag:$0x9], $0x80, s6, s29, $0xb8;
	[tilespmem:$0x1DC80] =	vst v63  }
0xc6: {  	_ =	swait.ge [sflag:s4], $0x2800  }
0xc7: {  	[sflag:s4] =	ssyncset.done $0x0  }
0xc8: {  	s16 =	sadd.s32 $0x60, s18;
	[sflag:s4] =	ssyncadd.s32 $0xFFFFD800  }
0xc9: {  	[tilespmem:s25], [sflag:$0x3] =	stream.linear.gather [hbm4b:s16+s3], $0x80, $0x38;
	[tilespmem:$0x1DC80] =	vst v63  }
0xca: {  	s16 =	sadd.s32 $0x60, s19  }
0xcb: {  	[tilespmem:s26], [sflag:$0x3] =	stream.linear.gather [hbm4b:s16+s3], $0x80, $0x38;
	[tilespmem:$0x1DC80] =	vst v63  }
0xcc: {  	_ =	swait.ge [sflag:s31], $0x80  }
0xcd: {  	[sflag:s31] =	ssyncset.done $0x0  }
0xce: {  	[sflag:s31] =	ssyncadd.s32 $0xFFFFFF80  }
0xcf: {  	_ =	swait.ge [sflag:s31], $0x80  }
0xd0: {  	[sflag:s31] =	ssyncset.done $0x0  }
0xd1: {  	[sflag:s31] =	ssyncadd.s32 $0xFFFFFF80  }
0xd2: {  	[tilespmem:s0], [sflag:$0x6] =	stream.indirect.gather [hbm4b:s20+s29], $0x80, s23, s29, $0xb8;
	[tilespmem:$0x1DC80] =	vst v63  }
0xd3: {  	_ =	swait.ge [sflag:s1], $0x2800  }
0xd4: {  	[sflag:s1] =	ssyncset.done $0x0  }
0xd5: {  	p1 =	sne.s32 s17, $0xF00;
	[sflag:s1] =	ssyncadd.s32 $0xFFFFD800  }
0xd6: {  	[spmem:s2] =	stream.indirect.scatter.add.f32 [tilespmem:s30], [sflag:$0x9], $0x80, s22, s29, $0xb8;
	[tilespmem:$0x1DC80] =	vst v63  }
.Ltmp0:
0xd7: {  	_ =	swait.ge [sflag:s4], $0x2800;
	(pc) =	sbr.rel @p1 .LBB2_2-.Ltmp0, $4  }
0xd8: {  	[sflag:s4] =	ssyncset.done $0x0  }
0xd9: {  	s18 =	sadd.s32 $0x70, s18;
	[sflag:s4] =	ssyncadd.s32 $0xFFFFD800  }
0xda: {  	[tilespmem:s5], [sflag:$0x4] =	stream.linear.gather [hbm4b:s18+s3], $0x80, $0x38;
	[tilespmem:$0x1DC80] =	vst v63  }
0xdb: {  	s17 =	sadd.s32 $0x40, s17;
	s18 =	sadd.s32 $0x70, s19  }
0xdc: {  	[tilespmem:s6], [sflag:$0x4] =	stream.linear.gather [hbm4b:s18+s3], $0x80, $0x38;
	[tilespmem:$0x1DC80] =	vst v63  }
0xdd: {  	_ =	swait.ge [sflag:s7], $0x80  }
0xde: {  	[sflag:s7] =	ssyncset.done $0x0  }
0xdf: {  	[sflag:s7] =	ssyncadd.s32 $0xFFFFFF80  }
0xe0: {  	_ =	swait.ge [sflag:s7], $0x80  }
0xe1: {  	[sflag:s7] =	ssyncset.done $0x0  }
0xe2: {  	[sflag:s7] =	ssyncadd.s32 $0xFFFFFF80  }
0xe3: {  	[tilespmem:s8], [sflag:$0x7] =	stream.indirect.gather [hbm4b:s20+s29], $0x80, s25, s29, $0xb8;
	[tilespmem:$0x1DC80] =	vst v63  }
0xe4: {  	_ =	swait.ge [sflag:s9], $0x2800  }
0xe5: {  	[sflag:s9] =	ssyncset.done $0x0  }
0xe6: {  	[sflag:s9] =	ssyncadd.s32 $0xFFFFD800  }
0xe7: {  	[spmem:s2] =	stream.indirect.scatter.add.f32 [tilespmem:s0], [sflag:$0x9], $0x80, s24, s29, $0xb8;
	[tilespmem:$0x1DC80] =	vst v63  }
0xe8: {  	_ =	swait.ge [sflag:s4], $0x2800  }
0xe9: {  	[sflag:s4] =	ssyncset.done $0x0  }
0xea: {  	s15 =	rddreg [dreg:$0xf];
	[sflag:s4] =	ssyncadd.s32 $0xFFFFD800  }
0xeb: {  	[tilespmem:s21], [sflag:$0x1] =	stream.linear.gather [hbm4b:s15+s3], $0x80, $0x38;
	[tilespmem:$0x1DC80] =	vst v63  }
0xec: {  	s16 =	rddreg [dreg:$0x10]  }
0xed: {  	[tilespmem:s22], [sflag:$0x1] =	stream.linear.gather [hbm4b:s16+s3], $0x80, $0x38;
	[tilespmem:$0x1DC80] =	vst v63  }
0xee: {  	_ =	swait.ge [sflag:s10], $0x80  }
0xef: {  	[sflag:s10] =	ssyncset.done $0x0  }
0xf0: {  	[sflag:s10] =	ssyncadd.s32 $0xFFFFFF80  }
0xf1: {  	_ =	swait.ge [sflag:s10], $0x80  }
0xf2: {  	[sflag:s10] =	ssyncset.done $0x0  }
0xf3: {  	[sflag:s10] =	ssyncadd.s32 $0xFFFFFF80  }
0xf4: {  	[tilespmem:s11], [sflag:$0x8] =	stream.indirect.gather [hbm4b:s20+s29], $0x80, s5, s29, $0xb8;
	[tilespmem:$0x1DC80] =	vst v63  }
0xf5: {  	_ =	swait.ge [sflag:s12], $0x2800  }
0xf6: {  	[sflag:s12] =	ssyncset.done $0x0  }
0xf7: {  	[sflag:s12] =	ssyncadd.s32 $0xFFFFD800  }
0xf8: {  	[spmem:s2] =	stream.indirect.scatter.add.f32 [tilespmem:s8], [sflag:$0x9], $0x80, s26, s29, $0xb8;
	[tilespmem:$0x1DC80] =	vst v63  }
0xf9: {  	_ =	swait.ge [sflag:s4], $0x2800  }
0xfa: {  	[sflag:s4] =	ssyncset.done $0x0  }
0xfb: {  	s17 =	rddreg [dreg:$0x11];
	[sflag:s4] =	ssyncadd.s32 $0xFFFFD800  }
0xfc: {  	[tilespmem:s23], [sflag:$0x2] =	stream.linear.gather [hbm4b:s17+s3], $0x80, $0x38;
	[tilespmem:$0x1DC80] =	vst v63  }
0xfd: {  	s18 =	rddreg [dreg:$0x12]  }
0xfe: {  	[tilespmem:s24], [sflag:$0x2] =	stream.linear.gather [hbm4b:s18+s3], $0x80, $0x38;
	[tilespmem:$0x1DC80] =	vst v63  }
0xff: {  	_ =	swait.ge [sflag:s28], $0x80  }
0x100: {  	[sflag:s28] =	ssyncset.done $0x0  }
0x101: {  	[sflag:s28] =	ssyncadd.s32 $0xFFFFFF80  }
0x102: {  	_ =	swait.ge [sflag:s28], $0x80  }
0x103: {  	[sflag:s28] =	ssyncset.done $0x0  }
0x104: {  	[sflag:s28] =	ssyncadd.s32 $0xFFFFFF80  }
0x105: {  	[tilespmem:s30], [sflag:$0x5] =	stream.indirect.gather [hbm4b:s20+s29], $0x80, s21, s29, $0xb8;
	[tilespmem:$0x1DC80] =	vst v63  }
0x106: {  	_ =	swait.ge [sflag:s13], $0x2800  }
0x107: {  	[sflag:s13] =	ssyncset.done $0x0  }
0x108: {  	[sflag:s13] =	ssyncadd.s32 $0xFFFFD800  }
0x109: {  	[spmem:s2] =	stream.indirect.scatter.add.f32 [tilespmem:s11], [sflag:$0x9], $0x80, s6, s29, $0xb8;
	[tilespmem:$0x1DC80] =	vst v63  }
0x10a: {  	_ =	swait.ge [sflag:s4], $0x2800  }
0x10b: {  	[sflag:s4] =	ssyncset.done $0x0  }
0x10c: {  	[sflag:s4] =	ssyncadd.s32 $0xFFFFD800  }
0x10d: {  	_ =	swait.ge [sflag:s31], $0x80  }
0x10e: {  	[sflag:s31] =	ssyncset.done $0x0  }
0x10f: {  	[sflag:s31] =	ssyncadd.s32 $0xFFFFFF80  }
0x110: {  	_ =	swait.ge [sflag:s31], $0x80  }
0x111: {  	[sflag:s31] =	ssyncset.done $0x0  }
0x112: {  	[sflag:s31] =	ssyncadd.s32 $0xFFFFFF80  }
0x113: {  	[tilespmem:s0], [sflag:$0x6] =	stream.indirect.gather [hbm4b:s20+s29], $0x80, s23, s29, $0xb8;
	[tilespmem:$0x1DC80] =	vst v63  }
0x114: {  	_ =	swait.ge [sflag:s1], $0x2800  }
0x115: {  	[sflag:s1] =	ssyncset.done $0x0  }
0x116: {  	[sflag:s1] =	ssyncadd.s32 $0xFFFFD800  }
0x117: {  	[spmem:s2] =	stream.indirect.scatter.add.f32 [tilespmem:s30], [sflag:$0x9], $0x80, s22, s29, $0xb8;
	[tilespmem:$0x1DC80] =	vst v63  }
0x118: {  	_ =	swait.ge [sflag:s4], $0x2800  }
0x119: {  	[sflag:s4] =	ssyncset.done $0x0  }
0x11a: {  	[sflag:s4] =	ssyncadd.s32 $0xFFFFD800  }
0x11b: {  	_ =	swait.ge [sflag:s9], $0x2800  }
0x11c: {  	[sflag:s9] =	ssyncset.done $0x0  }
0x11d: {  	[sflag:s9] =	ssyncadd.s32 $0xFFFFD800  }
0x11e: {  	[spmem:s2] =	stream.indirect.scatter.add.f32 [tilespmem:s0], [sflag:$0x9], $0x80, s24, s29, $0xb8;
	[tilespmem:$0x1DC80] =	vst v63  }
0x11f: {  	_ =	swait.ge [sflag:s4], $0x2800  }
0x120: {  	[sflag:s4] =	ssyncset.done $0x0  }
0x121: {  	[sflag:s4] =	ssyncadd.s32 $0xFFFFD800  }
0x122: {  	[bflag:$0x0] =	sbarrier.arrive $0xFFFF  }
0x123: {  	s15 =	rddreg [dreg:$0x13]  }
0x124: {  	s16 =	rddreg [dreg:$0x15]  }
0x125: {  	s17 =	rddreg [dreg:$0x16]  }
0x126: {  	[hbm:s15], [sflag:s16] =	dma.local @!p0 [spmem:s17], $0x3E80  }
0x127: {  	s15 =	simm.s32 @!p0 $0x9  }
0x128: {  	_ =	swait.ge @!p0 [sflag:s15], $0x3E80  }
0x129: {  	s14 =	sadd.s32 $0x1, s14;
	s19 =	rddreg [dreg:$0x14]  }
0x12a: {  	p1 =	sne.s32 s14, s19  }
.Ltmp1:
0x12b: {  	_ = 	snop;
	(pc) =	sbr.rel @p1 .LBB2_1-.Ltmp1, $3  }
0x12c: {  	_ =	sdelay $0x1  }
0x12d: {  	[sflag:s15] =	ssyncset.done @!p0 $0x0  }
0x12e: {  	[sflag:s15] =	ssyncadd.s32 @!p0 $0xFFFFC180  }
0x12f: {  	_ =	sfence.sel $0x180000  }
0x130: {  	[bflag:$0x0] =	sbarrier.arrive $0xFFFF  }
0x131: {  	_ =	strace $0x90000047  }
0x132: {  	s0 =	stileid.u32;
	[bflag:$0x2] =	sbarrier.arrive $0xFFFF  }
0x133: {  	p0 =	sne.s32 s0, $0x0;
	s0 =	rddreg [dreg:$0x2]  }
0x134: {  	s0 =	sadd.s32 @!p0 $0x100000, s0  }
0x135: {  	[sflag:s0] =	ssyncadd.tile.s32 @!p0 $0x1;
	_ =	shalt  }
.Lfunc_end2:
_tile_overlayer_lowered:
.L_overlay_start_2:
0x136: {  	(tag) =	ssettag $0x2  }
0x137: {  	s0 =	rddreg [dreg:$0x0];
	s2 =	stileid.u32  }
0x138: {  	s1 =	rddreg [dreg:$0x1];
	p0 =	sne.s32 s2, $0x0  }
0x139: {  	s3 =	rddreg [dreg:$0x2];
	[bflag:$0x3] =	sbarrier.arrive $0xFFFF;
	s2 =	simm.s32 @!p0 $0x1C09  }
0x13a: {  	[timem:s3], [sflag:s2] =	dma.local @!p0 [hbm:s0], s1  }
0x13b: {  	s0 =	simm.s32 @!p0 $0x9  }
0x13c: {  	_ =	swait.ge @!p0 [sflag:s0], s1  }
0x13d: {  	s1 =	ssub.s32 @!p0 $0x0, s1;
	[sflag:s0] =	ssyncset.done @!p0 $0x0  }
0x13e: {  	[sflag:s0] =	ssyncadd.s32 @!p0 s1  }
0x13f: {  	[bflag:$0x3] =	sbarrier.arrive $0xFFFF  }
0x140: {  	_ =	shalt  }

// kernel: kernel.22.cloned.1.call-start
scs
__scs_entry_jumppad:
0x0: {  	(pc) =	sbr.rel $0x88, $3  }
0x1: {  	(tag) =	ssettag $0x0;
	lr =	simm.s32 $0x1  }
0x2: {  	[smem:$0x3F8B] =	sst lr;
	_ =	strace $0xD0000000  }
0x3: {  	_ = 	snop  }
0x4: {  	_ = 	snop  }
0x5: {  	_ = 	snop  }
0x6: {  	_ = 	snop  }
0x7: {  	_ = 	snop  }
__scs_overlays_trampoline_lowered:
0x8: {  	[smem:$0x3F9A] =	sst s0  }
0x9: {  	[smem:$0x3F9B] =	sst s1  }
0xa: {  	[smem:$0x3F9C] =	sst s2  }
0xb: {  	[smem:$0x3F9D] =	sst s3  }
0xc: {  	[smem:$0x3F9E] =	sst s4  }
0xd: {  	[smem:$0x3F9F] =	sst s5  }
0xe: {  	[smem:$0x3FA0] =	sst s6  }
0xf: {  	[smem:$0x3FA1] =	sst s7  }
0x10: {  	[smem:$0x3FA2] =	sst s8  }
0x11: {  	[smem:$0x3FA3] =	sst s9;
	s0 =	simm.s32 @!p0 $0x0  }
0x12: {  	s1 =	sld [smem:$0x3F89];
	s0 =	simm.s32 @p0 $0x1  }
0x13: {  	[smem:$0x3FA4] =	sst s0;
	s0 =	simm.s32 @!p1 $0x0  }
0x14: {  	s2 =	sld [smem:$0x3F88];
	s0 =	simm.s32 @p1 $0x1  }
0x15: {  	[smem:$0x3FA5] =	sst s0;
	s0 =	simm.s32 @!p2 $0x0  }
0x16: {  	s3 =	sld [smem:$0x3FDB];
	s0 =	simm.s32 @p2 $0x1  }
0x17: {  	s4 =	simm.s32 $0x1BF5;
	[smem:$0x3FA7] =	sst s0  }
0x18: {  	s0 =	sld [smem:$0x3F8A];
	_ =	swait.ge [sflag:s4], $0x0  }
0x19: {  	s7 =	sld [smem:$0x3F8B]  }
0x1a: {  	s8 =	sadd.s32 $0xFFFFE003, lr  }
0x1b: {  	s9 =	sadd.s32 $0xFFFFFEF7, lr;
	s5 =	simm.s32 $0xFFFFFFFF;
	p2 =	slt.u32 s8, $0xFFFFF086  }
0x1c: {  	p1 =	slt.u32 s9, $0xF7A;
	s5 =	simm.s32 @!p2 $0x0  }
0x1d: {  	s5 =	simm.s32 @p1 $0x1;
	p0 =	seq.s32 s7, s2  }
0x1e: {  	s7 =	smul.u32 @!p0 $0xF7A, s2;
	p2 =	seq.s32 @!p0 s5, $0x0  }
0x1f: {  	s9 =	smul.u32 $0xF7A, s1;
	s8 =	simm.s32 @!p0 $0x1BF5;
	p2 =	por !p2, p0  }
0x20: {  	[sflag:s8] =	ssyncset.s32 @!p0 $0xFFFFF086;
	s6 =	sadd.s32 @!p0 s3, s7;
	s7 =	simm.s32 @!p0 $0x108  }
0x21: {  	s3 =	sadd.s32 s3, s9;
	s6 =	sadd.s32 @!p0 $0x88, s6;
	s7 =	simm.s32 @p2 $0x1082  }
0x22: {  	[simem:s7], [sflag:s8] =	dma.local @!p0 [hbm:s6], $0xF7A  }
0x23: {  	s9 =	sor.u32 $0xD0000000, s2;
	s6 =	simm.s32 $0x108;
	_ =	swait.ge @!p0 [sflag:s8], $0x0  }
0x24: {  	s3 =	sadd.s32 $0x88, s3;
	s6 =	simm.s32 @!p1 $0x1082;
	[sflag:s4] =	ssyncset.s32 $0xFFFFF086  }
0x25: {  	[simem:s6], [sflag:s4] =	dma.local [hbm:s3], $0xF7A  }
0x26: {  	[smem:$0x3F8B] =	sst s1;
	(tag) =	ssettag s2;
	_ =	strace s9  }
0x27: {  	s1 =	sld [smem:$0x3F9B]  }
0x28: {  	s2 =	sld [smem:$0x3F9C]  }
0x29: {  	s4 =	sld [smem:$0x3F9E]  }
0x2a: {  	p0 =	seq.s32 s5, $0x0;
	s5 =	sld [smem:$0x3F9F]  }
0x2b: {  	s6 =	sld [smem:$0x3FA0]  }
0x2c: {  	s7 =	sld [smem:$0x3FA1]  }
0x2d: {  	s3 =	simm.s32 $0x108;
	s8 =	sld [smem:$0x3FA2]  }
0x2e: {  	s3 =	simm.s32 @!p0 $0x1082;
	s9 =	sld [smem:$0x3FA3]  }
0x2f: {  	lr =	sadd.s32 s0, s3;
	s0 =	sld [smem:$0x3F9A]  }
0x30: {  	s3 =	sld [smem:$0x3F9D]  }
0x31: {  	[smem:$0x3FA6] =	sst s10  }
0x32: {  	s10 =	sld [smem:$0x3FA4];
	_ =	sdelay $0x3  }
0x33: {  	p0 =	seq.s32 s10, $0x1;
	s10 =	sld [smem:$0x3FA6];
	_ =	sdelay $0x3  }
0x34: {  	[smem:$0x3FA6] =	sst s10  }
0x35: {  	s10 =	sld [smem:$0x3FA5];
	_ =	sdelay $0x3  }
0x36: {  	p1 =	seq.s32 s10, $0x1;
	s10 =	sld [smem:$0x3FA6];
	_ =	sdelay $0x3  }
0x37: {  	[smem:$0x3FA6] =	sst s10  }
0x38: {  	s10 =	sld [smem:$0x3FA7]  }
0x39: {  	_ = 	snop;
	(pc) =	sbr.ind lr, $3  }
0x3a: {  	_ = 	snop  }
0x3b: {  	_ = 	snop  }
0x3c: {  	p2 =	seq.s32 s10, $0x1;
	s10 =	sld [smem:$0x3FA6]  }
0x3d: {  	_ =	shalt  }
0x3e: {  	_ =	shalt  }
0x3f: {  	_ =	shalt  }
0x40: {  	_ =	shalt  }
0x41: {  	_ =	shalt  }
0x42: {  	_ =	shalt  }
0x43: {  	_ =	shalt  }
0x44: {  	_ =	shalt  }
0x45: {  	_ =	shalt  }
0x46: {  	_ =	shalt  }
0x47: {  	_ =	shalt  }
0x48: {  	_ =	shalt  }
0x49: {  	_ =	shalt  }
0x4a: {  	_ =	shalt  }
0x4b: {  	_ =	shalt  }
0x4c: {  	_ =	shalt  }
0x4d: {  	_ =	shalt  }
0x4e: {  	_ =	shalt  }
0x4f: {  	_ =	shalt  }
0x50: {  	_ =	shalt  }
0x51: {  	_ =	shalt  }
0x52: {  	_ =	shalt  }
0x53: {  	_ =	shalt  }
0x54: {  	_ =	shalt  }
0x55: {  	_ =	shalt  }
0x56: {  	_ =	shalt  }
0x57: {  	_ =	shalt  }
0x58: {  	_ =	shalt  }
0x59: {  	_ =	shalt  }
0x5a: {  	_ =	shalt  }
0x5b: {  	_ =	shalt  }
0x5c: {  	_ =	shalt  }
0x5d: {  	_ =	shalt  }
0x5e: {  	_ =	shalt  }
0x5f: {  	_ =	shalt  }
0x60: {  	_ =	shalt  }
0x61: {  	_ =	shalt  }
0x62: {  	_ =	shalt  }
0x63: {  	_ =	shalt  }
0x64: {  	_ =	shalt  }
0x65: {  	_ =	shalt  }
0x66: {  	_ =	shalt  }
0x67: {  	_ =	shalt  }
0x68: {  	_ =	shalt  }
0x69: {  	_ =	shalt  }
0x6a: {  	_ =	shalt  }
0x6b: {  	_ =	shalt  }
0x6c: {  	_ =	shalt  }
0x6d: {  	_ =	shalt  }
0x6e: {  	_ =	shalt  }
0x6f: {  	_ =	shalt  }
0x70: {  	_ =	shalt  }
0x71: {  	_ =	shalt  }
0x72: {  	_ =	shalt  }
0x73: {  	_ =	shalt  }
0x74: {  	_ =	shalt  }
0x75: {  	_ =	shalt  }
0x76: {  	_ =	shalt  }
0x77: {  	_ =	shalt  }
0x78: {  	_ =	shalt  }
0x79: {  	_ =	shalt  }
0x7a: {  	_ =	shalt  }
0x7b: {  	_ =	shalt  }
0x7c: {  	_ =	shalt  }
0x7d: {  	_ =	shalt  }
0x7e: {  	_ =	shalt  }
0x7f: {  	_ =	shalt  }
0x80: {  	_ =	shalt  }
0x81: {  	_ =	shalt  }
0x82: {  	_ =	shalt  }
0x83: {  	_ =	shalt  }
0x84: {  	_ =	shalt  }
0x85: {  	_ =	shalt  }
0x86: {  	_ =	shalt  }
0x87: {  	_ =	shalt  }
.Lfunc_end0:
.L_simem_size_0:
called_computation.2_lowered:
.L_overlay_start_0:
0x88: {  	s2 =	sld [smem:$0x3FD9]  }
0x89: {  	s3 =	sld [smem:$0x3FFE];
	_ =	sdelay $0x1  }
0x8a: {  	s1 =	srdreg.scid  }
0x8b: {  	s0 =	sand.u32 $0x1, s1  }
0x8c: {  	s16 =	sshll.u32 s0, $0xA;
	s2 =	sadd.s32 s3, s2  }
0x8d: {  	s2 =	sadd.s32 s2, s16  }
0x8e: {  	[smem:$0x3FB2] =	sst s2  }
0x8f: {  	_ = 	snop  }
0x90: {  	(tm) =	ssettm $0x1  }
0x91: {  	s17 =	sld [smem:$0x3FFB];
	_ =	sdelay $0x3  }
0x92: {  	_ =	strace s17  }
0x93: {  	s2 =	sld [smem:$0x3FFC];
	_ =	sdelay $0x3  }
0x94: {  	_ =	strace s2  }
0x95: {  	s2 =	sld [smem:$0x3FFD];
	_ =	sdelay $0x3  }
0x96: {  	_ =	strace s2  }
0x97: {  	_ =	strace $0x8FFFFFFF  }
0x98: {  	s18 =	sld [smem:$0x3FDB];
	_ =	sdelay $0x1  }
0x99: {  	s19 =	simm.s32 $_scs_section_size  }
0x9a: {  	s4 =	simm.s32 $_size__tile_overlayer_lowered;
	s5 =	simm.s32 $_tile_overlayer_lowered  }
0x9b: {  	s22 =	simm.s32 $0x1BFF;
	s21 =	sshll.u32 s5, $0x1;
	s2 =	sadd.s32 s19, s18  }
0x9c: {  	s6 =	simm.s32 $0x0;
	s20 =	sshll.u32 s4, $0x1;
	s4 =	sadd.s32 s21, s2  }
0x9d: {  	[timem:s6], [sflag:s22] =	dma.local [hbm:s4], s20  }
0x9e: {  	_ =	swait.ge [sflag:s22], s20  }
0x9f: {  	s3 =	ssub.s32 $0x0, s20;
	[sflag:s22] =	ssyncset.done $0x0  }
0xa0: {  	[sflag:s22] =	ssyncadd.s32 s3;
	_ =	sdelay $0x1  }
0xa1: {  	s23 =	simm.s32 $0x1B8B  }
0xa2: {  	_ =	swait.ge [sflag:s23], $0x1  }
0xa3: {  	[sflag:s23] =	ssyncset.done $0x0  }
0xa4: {  	s25 =	simm.s32 $0x1B8E;
	s24 =	sld [smem:$0x3FFE];
	[sflag:s23] =	ssyncadd.s32 $0xFFFFFFFF  }
0xa5: {  	s26 =	simm.s32 $execute0_lowered;
	[smem:$0x3FD2] =	sst s25  }
0xa6: {  	s4 =	sshll.u32 s26, $0x1;
	_ =	strace $0x8000004C;
	[dreg:$0x1] =	wrdreg $0xFFFFFFFF  }
0xa7: {  	s28 =	simm.s32 $_size_execute0_lowered;
	s2 =	sadd.s32 s2, s4;
	[dreg:$0x0] =	wrdreg $0x0  }
0xa8: {  	s4 =	sshll.u32 s28, $0x1;
	[dreg:$0x2] =	wrdreg s2  }
0xa9: {  	[dreg:$0x3] =	wrdreg s4  }
0xaa: {  	[dreg:$0x4] =	wrdreg $0xC0  }
0xab: {  	_ =	task [dreg:s6], $0x5FFFF  }
0xac: {  	[dreg:$0x1] =	wrdreg $0xFFFFFFFF  }
0xad: {  	[dreg:$0x0] =	wrdreg $0x60  }
0xae: {  	[dreg:$0x2] =	wrdreg s24  }
0xaf: {  	[dreg:$0x3] =	wrdreg $0x0  }
0xb0: {  	[dreg:$0x4] =	wrdreg $0x9  }
0xb1: {  	_ =	task.clear_ibuf [dreg:s6], $0x5FFFF;
	_ =	strace $0x9000004C  }
0xb2: {  	s29 =	simm.s32 $0x9;
	_ =	strace $0x8000004E  }
0xb3: {  	_ =	swait.ge [sflag:s29], $0x1  }
0xb4: {  	[sflag:s29] =	ssyncadd.s32 $0xFFFFFFFF  }
0xb5: {  	_ =	strace $0x9000004E  }
0xb6: {  	_ =	sfence  }
0xb7: {  	s30 =	sld [smem:$0x0];
	_ =	sdelay $0x2  }
0xb8: {  	s31 =	sshll.u32 s1, $0xD;
	s1 =	sshrl.u32 s1, $0x2  }
0xb9: {  	s3 =	sand.u32 $0x4000, s31;
	s1 =	sadd.s32 s1, s30  }
0xba: {  	s0 =	sor.u32 s3, s0;
	s1 =	sshll.u32 s1, $0x11  }
0xbb: {  	s0 =	sor.u32 s1, s0  }
0xbc: {  	s0 =	sadd.s32 $0x8F2B, s0  }
0xbd: {  	[sflag:s0] =	ssyncadd.remote.s32 $0x1  }
0xbe: {  	_ =	sfence.sel $0xFFFF  }
0xbf: {  	[dreg:$0x0] =	wrdreg $0xFFFFFFFF;
	(pc) =	sbr.abs _section_cstart, $3  }
0xc0: {  	[dreg:$0x1] =	wrdreg $0xFFFFFFFF  }
0xc1: {  	_ =	task.clear_ibuf [dreg:s6], $0x2FFFF;
	_ =	strace $0x9FFFFFFF  }
0xc2: {  	(tm) =	ssettm $0x7FFFFFFF  }
0xc3: {  	_ =	shalt  }
tec
execute0_lowered:
.L_overlay_start_1:
0x0: {  	(tag) =	ssettag $0x1  }
0x1: {  	s0 =	rddreg [dreg:$0x0]  }
0x2: {  	s2 =	rddreg [dreg:$0x1]  }
0x3: {  	s14 =	stileid.u32;
	s1 =	srdreg.scid;
	s3 =	simm.s32 $0x0  }
0x4: {  	s28 =	simm.s32 $0x1;
	s29 =	simm.s32 $0x50;
	s4 =	smul.u32 $0x3E80, s14  }
0x5: {  	s30 =	simm.s32 $0x13C80;
	s31 =	simm.s32 $0x2;
	s8 =	smul.u32 $0x7D00, s14  }
0x6: {  	s1 =	sand.u32 $0x1, s1;
	[smem:$0x7FF] =	sst s3;
	s10 =	smul.u32 $0x7D000, s14  }
0x7: {  	s6 =	sadd.s32 $0x14200, s0;
	s7 =	sadd.s32 $0x4800, s0;
	s20 =	smul.u32 $0xFA0, s14  }
0x8: {  	s11 =	sshll.u32 s14, $0x8;
	s5 =	smul.u32 $0x27100, s1;
	_ =	strace $0x8000004D  }
0x9: {  	s9 =	ssub.s32 $0x2, s1;
	s11 =	sand.u32 $0x300, s11;
	p0 =	seq.s32 s1, $0x0  }
0xa: {  	s12 =	sshrl.u32 s9, $0x1;
	s13 =	sand.u32 $0x7FC00, s8;
	s10 =	sshrl.u32 s10, $0x2  }
0xb: {  	s8 =	sshrl.u32 s8, $0x3;
	s5 =	sadd.s32 s4, s5;
	s4 =	sadd.s32 s4, s0  }
0xc: {  	s9 =	ssub.s32 s9, s12;
	s11 =	sor.u32 s11, s13;
	s10 =	sadd.s32 s10, s2  }
0xd: {  	s12 =	sadd.s32 $0x20, s8;
	s15 =	sadd.s32 $0x30, s8;
	s19 =	sadd.s32 $0xF90, s8  }
0xe: {  	s8 =	simm.s32 $0x18C80;
	[dreg:$0x5] =	wrdreg s10;
	s4 =	sadd.s32 $0x15C400, s4  }
0xf: {  	s5 =	sadd.s32 s5, s0;
	s13 =	sadd.s32 s6, s12;
	[dreg:$0x6] =	wrdreg s4  }
0x10: {  	s23 =	sshrl.u32 s11, $0x3;
	s17 =	sadd.s32 s6, s15;
	[dreg:$0xb] =	wrdreg s13  }
0x11: {  	s16 =	sadd.s32 $0x7C00, s11;
	s1 =	sadd.s32 s7, s15;
	[dreg:$0xd] =	wrdreg s17  }
0x12: {  	s21 =	sadd.s32 s6, s19;
	s22 =	sadd.s32 s7, s19;
	[dreg:$0xe] =	wrdreg s1  }
0x13: {  	s11 =	simm.s32 $0x1B480;
	s24 =	sadd.s32 s6, s23;
	[dreg:$0x11] =	wrdreg s21  }
0x14: {  	s25 =	sor.u32 $0x10, s23;
	s4 =	sadd.s32 s7, s23;
	[dreg:$0x12] =	wrdreg s22  }
0x15: {  	s18 =	sshrl.u32 s16, $0x3;
	s23 =	sadd.s32 $0x183600, s5;
	[dreg:$0x7] =	wrdreg s24  }
0x16: {  	s21 =	simm.s32 $0x13880;
	s22 =	simm.s32 $0x13A80;
	[dreg:$0x8] =	wrdreg s4  }
0x17: {  	s5 =	simm.s32 $0x13A00;
	s26 =	sadd.s32 s6, s25;
	[dreg:$0x13] =	wrdreg s23  }
0x18: {  	s13 =	simm.s32 $0x8;
	s10 =	sadd.s32 s7, s25;
	[dreg:$0x9] =	wrdreg s26  }
0x19: {  	s4 =	sadd.s32 s7, s12;
	s1 =	sadd.s32 s7, s18;
	[dreg:$0xa] =	wrdreg s10  }
0x1a: {  	s24 =	sadd.s32 s20, s6;
	s25 =	sadd.s32 s20, s7;
	[dreg:$0xc] =	wrdreg s4  }
0x1b: {  	s23 =	simm.s32 $0x13900;
	s7 =	simm.s32 $0x3;
	[dreg:$0x10] =	wrdreg s1  }
0x1c: {  	s12 =	simm.s32 $0x7;
	s4 =	sadd.s32 s6, s18;
	[dreg:$0x3] =	wrdreg s24  }
0x1d: {  	s1 =	simm.s32 $0x23C00;
	s26 =	smax.u32 s9, $0x1;
	[dreg:$0x4] =	wrdreg s25  }
0x1e: {  	s24 =	simm.s32 $0x13B00;
	s25 =	simm.s32 $0x13980;
	s6 =	simm.s32 $0x13C00  }
0x1f: {  	s9 =	simm.s32 $0x6;
	s10 =	simm.s32 $0x4;
	[dreg:$0xf] =	wrdreg s4  }
0x20: {  	s1 =	simm.s32 @!p0 $0xC0000;
	[dreg:$0x14] =	wrdreg s26;
	p0 =	sgt.u32 s14, $0x9  }
0x21: {  	s26 =	simm.s32 $0x13B80;
	s4 =	simm.s32 $0x9;
	s14 =	simm.s32 $0x0  }
0x22: {  	s20 =	sadd.s32 s1, s0;
	s0 =	simm.s32 $0x16480;
	s1 =	simm.s32 $0x5  }
.LBB2_1:
0x23: {  	s15 =	stileid.u32  }
0x24: {  	s15 =	sshll.u32 @!p0 s15, $0x6  }
0x25: {  	s16 =	sor.u32 @!p0 $0x1C09, s15;
	s15 =	rddreg [dreg:$0x5]  }
0x26: {  	s17 =	sshrl.u32 @!p0 s15, $0x3;
	s15 =	rddreg [dreg:$0x6]  }
0x27: {  	[dreg:$0x15] =	wrdreg s16  }
0x28: {  	[dreg:$0x16] =	wrdreg s17  }
0x29: {  	[spmem:s17], [sflag:s16] =	dma.local @!p0 [hbm:s15], $0x3E80  }
0x2a: {  	s17 =	simm.s32 @!p0 $0x9  }
0x2b: {  	_ =	swait.ge @!p0 [sflag:s17], $0x3E80  }
0x2c: {  	[sflag:s17] =	ssyncset.done @!p0 $0x0  }
0x2d: {  	[sflag:s17] =	ssyncadd.s32 @!p0 $0xFFFFC180  }
0x2e: {  	[bflag:$0x0] =	sbarrier.arrive $0xFFFF  }
0x2f: {  	s16 =	rddreg [dreg:$0x7]  }
0x30: {  	[tilespmem:s21], [sflag:$0x1] =	stream.linear.gather [hbm4b:s16+s3], $0x80, $0x38;
	[tilespmem:$0x1DC80] =	vst v63  }
0x31: {  	s17 =	rddreg [dreg:$0x8]  }
0x32: {  	[tilespmem:s22], [sflag:$0x1] =	stream.linear.gather [hbm4b:s17+s3], $0x80, $0x38;
	[tilespmem:$0x1DC80] =	vst v63  }
0x33: {  	s18 =	rddreg [dreg:$0x9]  }
0x34: {  	[tilespmem:s23], [sflag:$0x2] =	stream.linear.gather [hbm4b:s18+s3], $0x80, $0x38;
	[tilespmem:$0x1DC80] =	vst v63  }
0x35: {  	s19 =	rddreg [dreg:$0xa]  }
0x36: {  	[tilespmem:s24], [sflag:$0x2] =	stream.linear.gather [hbm4b:s19+s3], $0x80, $0x38;
	[tilespmem:$0x1DC80] =	vst v63  }
0x37: {  	s16 =	rddreg [dreg:$0xb]  }
0x38: {  	[tilespmem:s25], [sflag:$0x3] =	stream.linear.gather [hbm4b:s16+s3], $0x80, $0x38;
	[tilespmem:$0x1DC80] =	vst v63  }
0x39: {  	s17 =	rddreg [dreg:$0xc]  }
0x3a: {  	[tilespmem:s26], [sflag:$0x3] =	stream.linear.gather [hbm4b:s17+s3], $0x80, $0x38;
	[tilespmem:$0x1DC80] =	vst v63  }
0x3b: {  	_ =	swait.ge [sflag:s28], $0x80  }
0x3c: {  	[sflag:s28] =	ssyncset.done $0x0  }
0x3d: {  	[sflag:s28] =	ssyncadd.s32 $0xFFFFFF80  }
0x3e: {  	_ =	swait.ge [sflag:s28], $0x80  }
0x3f: {  	[sflag:s28] =	ssyncset.done $0x0  }
0x40: {  	[sflag:s28] =	ssyncadd.s32 $0xFFFFFF80  }
0x41: {  	[tilespmem:s30], [sflag:$0x5] =	stream.indirect.gather [hbm4b:s20+s29], $0x80, s21, s29, $0xb8;
	[tilespmem:$0x1DC80] =	vst v63  }
0x42: {  	_ =	swait.ge [sflag:s31], $0x80  }
0x43: {  	[sflag:s31] =	ssyncset.done $0x0  }
0x44: {  	[sflag:s31] =	ssyncadd.s32 $0xFFFFFF80  }
0x45: {  	_ =	swait.ge [sflag:s31], $0x80  }
0x46: {  	[sflag:s31] =	ssyncset.done $0x0  }
0x47: {  	[sflag:s31] =	ssyncadd.s32 $0xFFFFFF80  }
0x48: {  	[tilespmem:s0], [sflag:$0x6] =	stream.indirect.gather [hbm4b:s20+s29], $0x80, s23, s29, $0xb8;
	[tilespmem:$0x1DC80] =	vst v63  }
0x49: {  	_ =	swait.ge [sflag:s1], $0x2800  }
0x4a: {  	[sflag:s1] =	ssyncset.done $0x0  }
0x4b: {  	[sflag:s1] =	ssyncadd.s32 $0xFFFFD800  }
0x4c: {  	[spmem:s2] =	stream.indirect.scatter.add.f32 [tilespmem:s30], [sflag:$0x9], $0x80, s22, s29, $0xb8;
	[tilespmem:$0x1DC80] =	vst v63  }
0x4d: {  	_ =	swait.ge [sflag:s4], $0x2800  }
0x4e: {  	[sflag:s4] =	ssyncset.done $0x0  }
0x4f: {  	s18 =	rddreg [dreg:$0xd];
	[sflag:s4] =	ssyncadd.s32 $0xFFFFD800  }
0x50: {  	[tilespmem:s5], [sflag:$0x4] =	stream.linear.gather [hbm4b:s18+s3], $0x80, $0x38;
	[tilespmem:$0x1DC80] =	vst v63  }
0x51: {  	s19 =	rddreg [dreg:$0xe]  }
0x52: {  	[tilespmem:s6], [sflag:$0x4] =	stream.linear.gather [hbm4b:s19+s3], $0x80, $0x38;
	[tilespmem:$0x1DC80] =	vst v63  }
0x53: {  	_ =	swait.ge [sflag:s7], $0x80  }
0x54: {  	[sflag:s7] =	ssyncset.done $0x0  }
0x55: {  	[sflag:s7] =	ssyncadd.s32 $0xFFFFFF80  }
0x56: {  	_ =	swait.ge [sflag:s7], $0x80  }
0x57: {  	[sflag:s7] =	ssyncset.done $0x0  }
0x58: {  	[sflag:s7] =	ssyncadd.s32 $0xFFFFFF80  }
0x59: {  	[tilespmem:s8], [sflag:$0x7] =	stream.indirect.gather [hbm4b:s20+s29], $0x80, s25, s29, $0xb8;
	[tilespmem:$0x1DC80] =	vst v63  }
0x5a: {  	_ =	swait.ge [sflag:s9], $0x2800  }
0x5b: {  	[sflag:s9] =	ssyncset.done $0x0  }
0x5c: {  	[sflag:s9] =	ssyncadd.s32 $0xFFFFD800  }
0x5d: {  	[spmem:s2] =	stream.indirect.scatter.add.f32 [tilespmem:s0], [sflag:$0x9], $0x80, s24, s29, $0xb8;
	[tilespmem:$0x1DC80] =	vst v63  }
0x5e: {  	_ =	swait.ge [sflag:s4], $0x2800  }
0x5f: {  	s15 =	rddreg [dreg:$0x3]  }
0x60: {  	s18 =	rddreg [dreg:$0x4];
	[sflag:s4] =	ssyncset.done $0x0;
	s17 =	sadd.s32 $0x0, s15  }
0x61: {  	[sflag:s4] =	ssyncadd.s32 $0xFFFFD800;
	s18 =	sadd.s32 $0x0, s18;
	s19 =	sadd.s32 $0x40, s17  }
0x62: {  	[tilespmem:s21], [sflag:$0x1] =	stream.linear.gather [hbm4b:s19+s3], $0x80, $0x38;
	[tilespmem:$0x1DC80] =	vst v63  }
0x63: {  	s16 =	sadd.s32 $0x40, s18  }
0x64: {  	[tilespmem:s22], [sflag:$0x1] =	stream.linear.gather [hbm4b:s16+s3], $0x80, $0x38;
	[tilespmem:$0x1DC80] =	vst v63  }
0x65: {  	_ =	swait.ge [sflag:s10], $0x80  }
0x66: {  	[sflag:s10] =	ssyncset.done $0x0  }
0x67: {  	[sflag:s10] =	ssyncadd.s32 $0xFFFFFF80  }
0x68: {  	_ =	swait.ge [sflag:s10], $0x80  }
0x69: {  	[sflag:s10] =	ssyncset.done $0x0  }
0x6a: {  	[sflag:s10] =	ssyncadd.s32 $0xFFFFFF80  }
0x6b: {  	[tilespmem:s11], [sflag:$0x8] =	stream.indirect.gather [hbm4b:s20+s29], $0x80, s5, s29, $0xb8;
	[tilespmem:$0x1DC80] =	vst v63  }
0x6c: {  	_ =	swait.ge [sflag:s12], $0x2800  }
0x6d: {  	[sflag:s12] =	ssyncset.done $0x0  }
0x6e: {  	[sflag:s12] =	ssyncadd.s32 $0xFFFFD800  }
0x6f: {  	[spmem:s2] =	stream.indirect.scatter.add.f32 [tilespmem:s8], [sflag:$0x9], $0x80, s26, s29, $0xb8;
	[tilespmem:$0x1DC80] =	vst v63  }
0x70: {  	_ =	swait.ge [sflag:s4], $0x2800  }
0x71: {  	[sflag:s4] =	ssyncset.done $0x0  }
0x72: {  	s15 =	sadd.s32 $0x50, s17;
	[sflag:s4] =	ssyncadd.s32 $0xFFFFD800  }
0x73: {  	[tilespmem:s23], [sflag:$0x2] =	stream.linear.gather [hbm4b:s15+s3], $0x80, $0x38;
	[tilespmem:$0x1DC80] =	vst v63  }
0x74: {  	s16 =	sadd.s32 $0x50, s18  }
0x75: {  	[tilespmem:s24], [sflag:$0x2] =	stream.linear.gather [hbm4b:s16+s3], $0x80, $0x38;
	[tilespmem:$0x1DC80] =	vst v63  }
0x76: {  	_ =	swait.ge [sflag:s28], $0x80  }
0x77: {  	[sflag:s28] =	ssyncset.done $0x0  }
0x78: {  	[sflag:s28] =	ssyncadd.s32 $0xFFFFFF80  }
0x79: {  	_ =	swait.ge [sflag:s28], $0x80  }
0x7a: {  	[sflag:s28] =	ssyncset.done $0x0  }
0x7b: {  	[sflag:s28] =	ssyncadd.s32 $0xFFFFFF80  }
0x7c: {  	[tilespmem:s30], [sflag:$0x5] =	stream.indirect.gather [hbm4b:s20+s29], $0x80, s21, s29, $0xb8;
	[tilespmem:$0x1DC80] =	vst v63  }
0x7d: {  	_ =	swait.ge [sflag:s13], $0x2800  }
0x7e: {  	[sflag:s13] =	ssyncset.done $0x0  }
0x7f: {  	[sflag:s13] =	ssyncadd.s32 $0xFFFFD800  }
0x80: {  	[spmem:s2] =	stream.indirect.scatter.add.f32 [tilespmem:s11], [sflag:$0x9], $0x80, s6, s29, $0xb8;
	[tilespmem:$0x1DC80] =	vst v63  }
0x81: {  	_ =	swait.ge [sflag:s4], $0x2800  }
0x82: {  	[sflag:s4] =	ssyncset.done $0x0  }
0x83: {  	s15 =	sadd.s32 $0x60, s17;
	[sflag:s4] =	ssyncadd.s32 $0xFFFFD800  }
0x84: {  	[tilespmem:s25], [sflag:$0x3] =	stream.linear.gather [hbm4b:s15+s3], $0x80, $0x38;
	[tilespmem:$0x1DC80] =	vst v63  }
0x85: {  	s16 =	sadd.s32 $0x60, s18  }
0x86: {  	[tilespmem:s26], [sflag:$0x3] =	stream.linear.gather [hbm4b:s16+s3], $0x80, $0x38;
	[tilespmem:$0x1DC80] =	vst v63  }
0x87: {  	_ =	swait.ge [sflag:s31], $0x80  }
0x88: {  	[sflag:s31] =	ssyncset.done $0x0  }
0x89: {  	[sflag:s31] =	ssyncadd.s32 $0xFFFFFF80  }
0x8a: {  	_ =	swait.ge [sflag:s31], $0x80  }
0x8b: {  	[sflag:s31] =	ssyncset.done $0x0  }
0x8c: {  	[sflag:s31] =	ssyncadd.s32 $0xFFFFFF80  }
0x8d: {  	[tilespmem:s0], [sflag:$0x6] =	stream.indirect.gather [hbm4b:s20+s29], $0x80, s23, s29, $0xb8;
	[tilespmem:$0x1DC80] =	vst v63  }
0x8e: {  	_ =	swait.ge [sflag:s1], $0x2800  }
0x8f: {  	[sflag:s1] =	ssyncset.done $0x0  }
0x90: {  	[sflag:s1] =	ssyncadd.s32 $0xFFFFD800  }
0x91: {  	[spmem:s2] =	stream.indirect.scatter.add.f32 [tilespmem:s30], [sflag:$0x9], $0x80, s22, s29, $0xb8;
	[tilespmem:$0x1DC80] =	vst v63  }
0x92: {  	_ =	swait.ge [sflag:s4], $0x2800  }
0x93: {  	[sflag:s4] =	ssyncset.done $0x0  }
0x94: {  	s17 =	sadd.s32 $0x70, s17;
	[sflag:s4] =	ssyncadd.s32 $0xFFFFD800  }
0x95: {  	[tilespmem:s5], [sflag:$0x4] =	stream.linear.gather [hbm4b:s17+s3], $0x80, $0x38;
	[tilespmem:$0x1DC80] =	vst v63  }
0x96: {  	s18 =	sadd.s32 $0x70, s18;
	s17 =	simm.s32 $0x40  }
.LBB2_2:
0x97: {  	[tilespmem:s6], [sflag:$0x4] =	stream.linear.gather [hbm4b:s18+s3], $0x80, $0x38;
	[tilespmem:$0x1DC80] =	vst v63  }
0x98: {  	_ =	swait.ge [sflag:s7], $0x80  }
0x99: {  	[sflag:s7] =	ssyncset.done $0x0  }
0x9a: {  	[sflag:s7] =	ssyncadd.s32 $0xFFFFFF80  }
0x9b: {  	_ =	swait.ge [sflag:s7], $0x80  }
0x9c: {  	[sflag:s7] =	ssyncset.done $0x0  }
0x9d: {  	[sflag:s7] =	ssyncadd.s32 $0xFFFFFF80  }
0x9e: {  	[tilespmem:s8], [sflag:$0x7] =	stream.indirect.gather [hbm4b:s20+s29], $0x80, s25, s29, $0xb8;
	[tilespmem:$0x1DC80] =	vst v63  }
0x9f: {  	_ =	swait.ge [sflag:s9], $0x2800  }
0xa0: {  	[sflag:s9] =	ssyncset.done $0x0  }
0xa1: {  	[sflag:s9] =	ssyncadd.s32 $0xFFFFD800  }
0xa2: {  	[spmem:s2] =	stream.indirect.scatter.add.f32 [tilespmem:s0], [sflag:$0x9], $0x80, s24, s29, $0xb8;
	[tilespmem:$0x1DC80] =	vst v63  }
0xa3: {  	_ =	swait.ge [sflag:s4], $0x2800  }
0xa4: {  	s19 =	smov.u32 s17;
	s16 =	rddreg [dreg:$0x3]  }
0xa5: {  	s15 =	rddreg [dreg:$0x4];
	[sflag:s4] =	ssyncset.done $0x0;
	s18 =	sadd.s32 s19, s16  }
0xa6: {  	[sflag:s4] =	ssyncadd.s32 $0xFFFFD800;
	s19 =	sadd.s32 s19, s15;
	s16 =	sadd.s32 $0x40, s18  }
0xa7: {  	[tilespmem:s21], [sflag:$0x1] =	stream.linear.gather [hbm4b:s16+s3], $0x80, $0x38;
	[tilespmem:$0x1DC80] =	vst v63  }
0xa8: {  	s15 =	sadd.s32 $0x40, s19  }
0xa9: {  	[tilespmem:s22], [sflag:$0x1] =	stream.linear.gather [hbm4b:s15+s3], $0x80, $0x38;
	[tilespmem:$0x1DC80] =	vst v63  }
0xaa: {  	_ =	swait.ge [sflag:s10], $0x80  }
0xab: {  	[sflag:s10] =	ssyncset.done $0x0  }
0xac: {  	[sflag:s10] =	ssyncadd.s32 $0xFFFFFF80  }
0xad: {  	_ =	swait.ge [sflag:s10], $0x80  }
0xae: {  	[sflag:s10] =	ssyncset.done $0x0  }
0xaf: {  	[sflag:s10] =	ssyncadd.s32 $0xFFFFFF80  }
0xb0: {  	[tilespmem:s11], [sflag:$0x8] =	stream.indirect.gather [hbm4b:s20+s29], $0x80, s5, s29, $0xb8;
	[tilespmem:$0x1DC80] =	vst v63  }
0xb1: {  	_ =	swait.ge [sflag:s12], $0x2800  }
0xb2: {  	[sflag:s12] =	ssyncset.done $0x0  }
0xb3: {  	[sflag:s12] =	ssyncadd.s32 $0xFFFFD800  }
0xb4: {  	[spmem:s2] =	stream.indirect.scatter.add.f32 [tilespmem:s8], [sflag:$0x9], $0x80, s26, s29, $0xb8;
	[tilespmem:$0x1DC80] =	vst v63  }
0xb5: {  	_ =	swait.ge [sflag:s4], $0x2800  }
0xb6: {  	[sflag:s4] =	ssyncset.done $0x0  }
0xb7: {  	s16 =	sadd.s32 $0x50, s18;
	[sflag:s4] =	ssyncadd.s32 $0xFFFFD800  }
0xb8: {  	[tilespmem:s23], [sflag:$0x2] =	stream.linear.gather [hbm4b:s16+s3], $0x80, $0x38;
	[tilespmem:$0x1DC80] =	vst v63  }
0xb9: {  	s16 =	sadd.s32 $0x50, s19  }
0xba: {  	[tilespmem:s24], [sflag:$0x2] =	stream.linear.gather [hbm4b:s16+s3], $0x80, $0x38;
	[tilespmem:$0x1DC80] =	vst v63  }
0xbb: {  	_ =	swait.ge [sflag:s28], $0x80  }
0xbc: {  	[sflag:s28] =	ssyncset.done $0x0  }
0xbd: {  	[sflag:s28] =	ssyncadd.s32 $0xFFFFFF80  }
0xbe: {  	_ =	swait.ge [sflag:s28], $0x80  }
0xbf: {  	[sflag:s28] =	ssyncset.done $0x0  }
0xc0: {  	[sflag:s28] =	ssyncadd.s32 $0xFFFFFF80  }
0xc1: {  	[tilespmem:s30], [sflag:$0x5] =	stream.indirect.gather [hbm4b:s20+s29], $0x80, s21, s29, $0xb8;
	[tilespmem:$0x1DC80] =	vst v63  }
0xc2: {  	_ =	swait.ge [sflag:s13], $0x2800  }
0xc3: {  	[sflag:s13] =	ssyncset.done $0x0  }
0xc4: {  	[sflag:s13] =	ssyncadd.s32 $0xFFFFD800  }
0xc5: {  	[spmem:s2] =	stream.indirect.scatter.add.f32 [tilespmem:s11], [sflag:$0x9], $0x80, s6, s29, $0xb8;
	[tilespmem:$0x1DC80] =	vst v63  }
0xc6: {  	_ =	swait.ge [sflag:s4], $0x2800  }
0xc7: {  	[sflag:s4] =	ssyncset.done $0x0  }
0xc8: {  	s16 =	sadd.s32 $0x60, s18;
	[sflag:s4] =	ssyncadd.s32 $0xFFFFD800  }
0xc9: {  	[tilespmem:s25], [sflag:$0x3] =	stream.linear.gather [hbm4b:s16+s3], $0x80, $0x38;
	[tilespmem:$0x1DC80] =	vst v63  }
0xca: {  	s16 =	sadd.s32 $0x60, s19  }
0xcb: {  	[tilespmem:s26], [sflag:$0x3] =	stream.linear.gather [hbm4b:s16+s3], $0x80, $0x38;
	[tilespmem:$0x1DC80] =	vst v63  }
0xcc: {  	_ =	swait.ge [sflag:s31], $0x80  }
0xcd: {  	[sflag:s31] =	ssyncset.done $0x0  }
0xce: {  	[sflag:s31] =	ssyncadd.s32 $0xFFFFFF80  }
0xcf: {  	_ =	swait.ge [sflag:s31], $0x80  }
0xd0: {  	[sflag:s31] =	ssyncset.done $0x0  }
0xd1: {  	[sflag:s31] =	ssyncadd.s32 $0xFFFFFF80  }
0xd2: {  	[tilespmem:s0], [sflag:$0x6] =	stream.indirect.gather [hbm4b:s20+s29], $0x80, s23, s29, $0xb8;
	[tilespmem:$0x1DC80] =	vst v63  }
0xd3: {  	_ =	swait.ge [sflag:s1], $0x2800  }
0xd4: {  	[sflag:s1] =	ssyncset.done $0x0  }
0xd5: {  	p1 =	sne.s32 s17, $0xF00;
	[sflag:s1] =	ssyncadd.s32 $0xFFFFD800  }
0xd6: {  	[spmem:s2] =	stream.indirect.scatter.add.f32 [tilespmem:s30], [sflag:$0x9], $0x80, s22, s29, $0xb8;
	[tilespmem:$0x1DC80] =	vst v63  }
.Ltmp0:
0xd7: {  	_ =	swait.ge [sflag:s4], $0x2800;
	(pc) =	sbr.rel @p1 .LBB2_2-.Ltmp0, $4  }
0xd8: {  	[sflag:s4] =	ssyncset.done $0x0  }
0xd9: {  	s18 =	sadd.s32 $0x70, s18;
	[sflag:s4] =	ssyncadd.s32 $0xFFFFD800  }
0xda: {  	[tilespmem:s5], [sflag:$0x4] =	stream.linear.gather [hbm4b:s18+s3], $0x80, $0x38;
	[tilespmem:$0x1DC80] =	vst v63  }
0xdb: {  	s17 =	sadd.s32 $0x40, s17;
	s18 =	sadd.s32 $0x70, s19  }
0xdc: {  	[tilespmem:s6], [sflag:$0x4] =	stream.linear.gather [hbm4b:s18+s3], $0x80, $0x38;
	[tilespmem:$0x1DC80] =	vst v63  }
0xdd: {  	_ =	swait.ge [sflag:s7], $0x80  }
0xde: {  	[sflag:s7] =	ssyncset.done $0x0  }
0xdf: {  	[sflag:s7] =	ssyncadd.s32 $0xFFFFFF80  }
0xe0: {  	_ =	swait.ge [sflag:s7], $0x80  }
0xe1: {  	[sflag:s7] =	ssyncset.done $0x0  }
0xe2: {  	[sflag:s7] =	ssyncadd.s32 $0xFFFFFF80  }
0xe3: {  	[tilespmem:s8], [sflag:$0x7] =	stream.indirect.gather [hbm4b:s20+s29], $0x80, s25, s29, $0xb8;
	[tilespmem:$0x1DC80] =	vst v63  }
0xe4: {  	_ =	swait.ge [sflag:s9], $0x2800  }
0xe5: {  	[sflag:s9] =	ssyncset.done $0x0  }
0xe6: {  	[sflag:s9] =	ssyncadd.s32 $0xFFFFD800  }
0xe7: {  	[spmem:s2] =	stream.indirect.scatter.add.f32 [tilespmem:s0], [sflag:$0x9], $0x80, s24, s29, $0xb8;
	[tilespmem:$0x1DC80] =	vst v63  }
0xe8: {  	_ =	swait.ge [sflag:s4], $0x2800  }
0xe9: {  	[sflag:s4] =	ssyncset.done $0x0  }
0xea: {  	s15 =	rddreg [dreg:$0xf];
	[sflag:s4] =	ssyncadd.s32 $0xFFFFD800  }
0xeb: {  	[tilespmem:s21], [sflag:$0x1] =	stream.linear.gather [hbm4b:s15+s3], $0x80, $0x38;
	[tilespmem:$0x1DC80] =	vst v63  }
0xec: {  	s16 =	rddreg [dreg:$0x10]  }
0xed: {  	[tilespmem:s22], [sflag:$0x1] =	stream.linear.gather [hbm4b:s16+s3], $0x80, $0x38;
	[tilespmem:$0x1DC80] =	vst v63  }
0xee: {  	_ =	swait.ge [sflag:s10], $0x80  }
0xef: {  	[sflag:s10] =	ssyncset.done $0x0  }
0xf0: {  	[sflag:s10] =	ssyncadd.s32 $0xFFFFFF80  }
0xf1: {  	_ =	swait.ge [sflag:s10], $0x80  }
0xf2: {  	[sflag:s10] =	ssyncset.done $0x0  }
0xf3: {  	[sflag:s10] =	ssyncadd.s32 $0xFFFFFF80  }
0xf4: {  	[tilespmem:s11], [sflag:$0x8] =	stream.indirect.gather [hbm4b:s20+s29], $0x80, s5, s29, $0xb8;
	[tilespmem:$0x1DC80] =	vst v63  }
0xf5: {  	_ =	swait.ge [sflag:s12], $0x2800  }
0xf6: {  	[sflag:s12] =	ssyncset.done $0x0  }
0xf7: {  	[sflag:s12] =	ssyncadd.s32 $0xFFFFD800  }
0xf8: {  	[spmem:s2] =	stream.indirect.scatter.add.f32 [tilespmem:s8], [sflag:$0x9], $0x80, s26, s29, $0xb8;
	[tilespmem:$0x1DC80] =	vst v63  }
0xf9: {  	_ =	swait.ge [sflag:s4], $0x2800  }
0xfa: {  	[sflag:s4] =	ssyncset.done $0x0  }
0xfb: {  	s17 =	rddreg [dreg:$0x11];
	[sflag:s4] =	ssyncadd.s32 $0xFFFFD800  }
0xfc: {  	[tilespmem:s23], [sflag:$0x2] =	stream.linear.gather [hbm4b:s17+s3], $0x80, $0x38;
	[tilespmem:$0x1DC80] =	vst v63  }
0xfd: {  	s18 =	rddreg [dreg:$0x12]  }
0xfe: {  	[tilespmem:s24], [sflag:$0x2] =	stream.linear.gather [hbm4b:s18+s3], $0x80, $0x38;
	[tilespmem:$0x1DC80] =	vst v63  }
0xff: {  	_ =	swait.ge [sflag:s28], $0x80  }
0x100: {  	[sflag:s28] =	ssyncset.done $0x0  }
0x101: {  	[sflag:s28] =	ssyncadd.s32 $0xFFFFFF80  }
0x102: {  	_ =	swait.ge [sflag:s28], $0x80  }
0x103: {  	[sflag:s28] =	ssyncset.done $0x0  }
0x104: {  	[sflag:s28] =	ssyncadd.s32 $0xFFFFFF80  }
0x105: {  	[tilespmem:s30], [sflag:$0x5] =	stream.indirect.gather [hbm4b:s20+s29], $0x80, s21, s29, $0xb8;
	[tilespmem:$0x1DC80] =	vst v63  }
0x106: {  	_ =	swait.ge [sflag:s13], $0x2800  }
0x107: {  	[sflag:s13] =	ssyncset.done $0x0  }
0x108: {  	[sflag:s13] =	ssyncadd.s32 $0xFFFFD800  }
0x109: {  	[spmem:s2] =	stream.indirect.scatter.add.f32 [tilespmem:s11], [sflag:$0x9], $0x80, s6, s29, $0xb8;
	[tilespmem:$0x1DC80] =	vst v63  }
0x10a: {  	_ =	swait.ge [sflag:s4], $0x2800  }
0x10b: {  	[sflag:s4] =	ssyncset.done $0x0  }
0x10c: {  	[sflag:s4] =	ssyncadd.s32 $0xFFFFD800  }
0x10d: {  	_ =	swait.ge [sflag:s31], $0x80  }
0x10e: {  	[sflag:s31] =	ssyncset.done $0x0  }
0x10f: {  	[sflag:s31] =	ssyncadd.s32 $0xFFFFFF80  }
0x110: {  	_ =	swait.ge [sflag:s31], $0x80  }
0x111: {  	[sflag:s31] =	ssyncset.done $0x0  }
0x112: {  	[sflag:s31] =	ssyncadd.s32 $0xFFFFFF80  }
0x113: {  	[tilespmem:s0], [sflag:$0x6] =	stream.indirect.gather [hbm4b:s20+s29], $0x80, s23, s29, $0xb8;
	[tilespmem:$0x1DC80] =	vst v63  }
0x114: {  	_ =	swait.ge [sflag:s1], $0x2800  }
0x115: {  	[sflag:s1] =	ssyncset.done $0x0  }
0x116: {  	[sflag:s1] =	ssyncadd.s32 $0xFFFFD800  }
0x117: {  	[spmem:s2] =	stream.indirect.scatter.add.f32 [tilespmem:s30], [sflag:$0x9], $0x80, s22, s29, $0xb8;
	[tilespmem:$0x1DC80] =	vst v63  }
0x118: {  	_ =	swait.ge [sflag:s4], $0x2800  }
0x119: {  	[sflag:s4] =	ssyncset.done $0x0  }
0x11a: {  	[sflag:s4] =	ssyncadd.s32 $0xFFFFD800  }
0x11b: {  	_ =	swait.ge [sflag:s9], $0x2800  }
0x11c: {  	[sflag:s9] =	ssyncset.done $0x0  }
0x11d: {  	[sflag:s9] =	ssyncadd.s32 $0xFFFFD800  }
0x11e: {  	[spmem:s2] =	stream.indirect.scatter.add.f32 [tilespmem:s0], [sflag:$0x9], $0x80, s24, s29, $0xb8;
	[tilespmem:$0x1DC80] =	vst v63  }
0x11f: {  	_ =	swait.ge [sflag:s4], $0x2800  }
0x120: {  	[sflag:s4] =	ssyncset.done $0x0  }
0x121: {  	[sflag:s4] =	ssyncadd.s32 $0xFFFFD800  }
0x122: {  	[bflag:$0x0] =	sbarrier.arrive $0xFFFF  }
0x123: {  	s15 =	rddreg [dreg:$0x13]  }
0x124: {  	s16 =	rddreg [dreg:$0x15]  }
0x125: {  	s17 =	rddreg [dreg:$0x16]  }
0x126: {  	[hbm:s15], [sflag:s16] =	dma.local @!p0 [spmem:s17], $0x3E80  }
0x127: {  	s15 =	simm.s32 @!p0 $0x9  }
0x128: {  	_ =	swait.ge @!p0 [sflag:s15], $0x3E80  }
0x129: {  	s14 =	sadd.s32 $0x1, s14;
	s19 =	rddreg [dreg:$0x14]  }
0x12a: {  	p1 =	sne.s32 s14, s19  }
.Ltmp1:
0x12b: {  	_ = 	snop;
	(pc) =	sbr.rel @p1 .LBB2_1-.Ltmp1, $3  }
0x12c: {  	_ =	sdelay $0x1  }
0x12d: {  	[sflag:s15] =	ssyncset.done @!p0 $0x0  }
0x12e: {  	[sflag:s15] =	ssyncadd.s32 @!p0 $0xFFFFC180  }
0x12f: {  	_ =	sfence.sel $0x180000  }
0x130: {  	[bflag:$0x0] =	sbarrier.arrive $0xFFFF  }
0x131: {  	_ =	strace $0x9000004D  }
0x132: {  	s0 =	stileid.u32;
	[bflag:$0x2] =	sbarrier.arrive $0xFFFF  }
0x133: {  	p0 =	sne.s32 s0, $0x0;
	s0 =	rddreg [dreg:$0x2]  }
0x134: {  	s0 =	sadd.s32 @!p0 $0x100000, s0  }
0x135: {  	[sflag:s0] =	ssyncadd.tile.s32 @!p0 $0x1;
	_ =	shalt  }
.Lfunc_end2:
_tile_overlayer_lowered:
.L_overlay_start_2:
0x136: {  	(tag) =	ssettag $0x2  }
0x137: {  	s0 =	rddreg [dreg:$0x0];
	s2 =	stileid.u32  }
0x138: {  	s1 =	rddreg [dreg:$0x1];
	p0 =	sne.s32 s2, $0x0  }
0x139: {  	s3 =	rddreg [dreg:$0x2];
	[bflag:$0x3] =	sbarrier.arrive $0xFFFF;
	s2 =	simm.s32 @!p0 $0x1C09  }
0x13a: {  	[timem:s3], [sflag:s2] =	dma.local @!p0 [hbm:s0], s1  }
0x13b: {  	s0 =	simm.s32 @!p0 $0x9  }
0x13c: {  	_ =	swait.ge @!p0 [sflag:s0], s1  }
0x13d: {  	s1 =	ssub.s32 @!p0 $0x0, s1;
	[sflag:s0] =	ssyncset.done @!p0 $0x0  }
0x13e: {  	[sflag:s0] =	ssyncadd.s32 @!p0 s1  }
0x13f: {  	[bflag:$0x3] =	sbarrier.arrive $0xFFFF  }
0x140: {  	_ =	shalt  }

// kernel: kernel.25.cloned.1.call-start
scs
__scs_entry_jumppad:
0x0: {  	(pc) =	sbr.rel $0x88, $3  }
0x1: {  	(tag) =	ssettag $0x0;
	lr =	simm.s32 $0x1  }
0x2: {  	[smem:$0x3F8B] =	sst lr;
	_ =	strace $0xD0000000  }
0x3: {  	_ = 	snop  }
0x4: {  	_ = 	snop  }
0x5: {  	_ = 	snop  }
0x6: {  	_ = 	snop  }
0x7: {  	_ = 	snop  }
__scs_overlays_trampoline_lowered:
0x8: {  	[smem:$0x3F9A] =	sst s0  }
0x9: {  	[smem:$0x3F9B] =	sst s1  }
0xa: {  	[smem:$0x3F9C] =	sst s2  }
0xb: {  	[smem:$0x3F9D] =	sst s3  }
0xc: {  	[smem:$0x3F9E] =	sst s4  }
0xd: {  	[smem:$0x3F9F] =	sst s5  }
0xe: {  	[smem:$0x3FA0] =	sst s6  }
0xf: {  	[smem:$0x3FA1] =	sst s7  }
0x10: {  	[smem:$0x3FA2] =	sst s8  }
0x11: {  	[smem:$0x3FA3] =	sst s9;
	s0 =	simm.s32 @!p0 $0x0  }
0x12: {  	s1 =	sld [smem:$0x3F89];
	s0 =	simm.s32 @p0 $0x1  }
0x13: {  	[smem:$0x3FA4] =	sst s0;
	s0 =	simm.s32 @!p1 $0x0  }
0x14: {  	s2 =	sld [smem:$0x3F88];
	s0 =	simm.s32 @p1 $0x1  }
0x15: {  	[smem:$0x3FA5] =	sst s0;
	s0 =	simm.s32 @!p2 $0x0  }
0x16: {  	s3 =	sld [smem:$0x3FDB];
	s0 =	simm.s32 @p2 $0x1  }
0x17: {  	s4 =	simm.s32 $0x1BF5;
	[smem:$0x3FA7] =	sst s0  }
0x18: {  	s0 =	sld [smem:$0x3F8A];
	_ =	swait.ge [sflag:s4], $0x0  }
0x19: {  	s7 =	sld [smem:$0x3F8B]  }
0x1a: {  	s8 =	sadd.s32 $0xFFFFE003, lr  }
0x1b: {  	s9 =	sadd.s32 $0xFFFFFEF7, lr;
	s5 =	simm.s32 $0xFFFFFFFF;
	p2 =	slt.u32 s8, $0xFFFFF086  }
0x1c: {  	p1 =	slt.u32 s9, $0xF7A;
	s5 =	simm.s32 @!p2 $0x0  }
0x1d: {  	s5 =	simm.s32 @p1 $0x1;
	p0 =	seq.s32 s7, s2  }
0x1e: {  	s7 =	smul.u32 @!p0 $0xF7A, s2;
	p2 =	seq.s32 @!p0 s5, $0x0  }
0x1f: {  	s9 =	smul.u32 $0xF7A, s1;
	s8 =	simm.s32 @!p0 $0x1BF5;
	p2 =	por !p2, p0  }
0x20: {  	[sflag:s8] =	ssyncset.s32 @!p0 $0xFFFFF086;
	s6 =	sadd.s32 @!p0 s3, s7;
	s7 =	simm.s32 @!p0 $0x108  }
0x21: {  	s3 =	sadd.s32 s3, s9;
	s6 =	sadd.s32 @!p0 $0x88, s6;
	s7 =	simm.s32 @p2 $0x1082  }
0x22: {  	[simem:s7], [sflag:s8] =	dma.local @!p0 [hbm:s6], $0xF7A  }
0x23: {  	s9 =	sor.u32 $0xD0000000, s2;
	s6 =	simm.s32 $0x108;
	_ =	swait.ge @!p0 [sflag:s8], $0x0  }
0x24: {  	s3 =	sadd.s32 $0x88, s3;
	s6 =	simm.s32 @!p1 $0x1082;
	[sflag:s4] =	ssyncset.s32 $0xFFFFF086  }
0x25: {  	[simem:s6], [sflag:s4] =	dma.local [hbm:s3], $0xF7A  }
0x26: {  	[smem:$0x3F8B] =	sst s1;
	(tag) =	ssettag s2;
	_ =	strace s9  }
0x27: {  	s1 =	sld [smem:$0x3F9B]  }
0x28: {  	s2 =	sld [smem:$0x3F9C]  }
0x29: {  	s4 =	sld [smem:$0x3F9E]  }
0x2a: {  	p0 =	seq.s32 s5, $0x0;
	s5 =	sld [smem:$0x3F9F]  }
0x2b: {  	s6 =	sld [smem:$0x3FA0]  }
0x2c: {  	s7 =	sld [smem:$0x3FA1]  }
0x2d: {  	s3 =	simm.s32 $0x108;
	s8 =	sld [smem:$0x3FA2]  }
0x2e: {  	s3 =	simm.s32 @!p0 $0x1082;
	s9 =	sld [smem:$0x3FA3]  }
0x2f: {  	lr =	sadd.s32 s0, s3;
	s0 =	sld [smem:$0x3F9A]  }
0x30: {  	s3 =	sld [smem:$0x3F9D]  }
0x31: {  	[smem:$0x3FA6] =	sst s10  }
0x32: {  	s10 =	sld [smem:$0x3FA4];
	_ =	sdelay $0x3  }
0x33: {  	p0 =	seq.s32 s10, $0x1;
	s10 =	sld [smem:$0x3FA6];
	_ =	sdelay $0x3  }
0x34: {  	[smem:$0x3FA6] =	sst s10  }
0x35: {  	s10 =	sld [smem:$0x3FA5];
	_ =	sdelay $0x3  }
0x36: {  	p1 =	seq.s32 s10, $0x1;
	s10 =	sld [smem:$0x3FA6];
	_ =	sdelay $0x3  }
0x37: {  	[smem:$0x3FA6] =	sst s10  }
0x38: {  	s10 =	sld [smem:$0x3FA7]  }
0x39: {  	_ = 	snop;
	(pc) =	sbr.ind lr, $3  }
0x3a: {  	_ = 	snop  }
0x3b: {  	_ = 	snop  }
0x3c: {  	p2 =	seq.s32 s10, $0x1;
	s10 =	sld [smem:$0x3FA6]  }
0x3d: {  	_ =	shalt  }
0x3e: {  	_ =	shalt  }
0x3f: {  	_ =	shalt  }
0x40: {  	_ =	shalt  }
0x41: {  	_ =	shalt  }
0x42: {  	_ =	shalt  }
0x43: {  	_ =	shalt  }
0x44: {  	_ =	shalt  }
0x45: {  	_ =	shalt  }
0x46: {  	_ =	shalt  }
0x47: {  	_ =	shalt  }
0x48: {  	_ =	shalt  }
0x49: {  	_ =	shalt  }
0x4a: {  	_ =	shalt  }
0x4b: {  	_ =	shalt  }
0x4c: {  	_ =	shalt  }
0x4d: {  	_ =	shalt  }
0x4e: {  	_ =	shalt  }
0x4f: {  	_ =	shalt  }
0x50: {  	_ =	shalt  }
0x51: {  	_ =	shalt  }
0x52: {  	_ =	shalt  }
0x53: {  	_ =	shalt  }
0x54: {  	_ =	shalt  }
0x55: {  	_ =	shalt  }
0x56: {  	_ =	shalt  }
0x57: {  	_ =	shalt  }
0x58: {  	_ =	shalt  }
0x59: {  	_ =	shalt  }
0x5a: {  	_ =	shalt  }
0x5b: {  	_ =	shalt  }
0x5c: {  	_ =	shalt  }
0x5d: {  	_ =	shalt  }
0x5e: {  	_ =	shalt  }
0x5f: {  	_ =	shalt  }
0x60: {  	_ =	shalt  }
0x61: {  	_ =	shalt  }
0x62: {  	_ =	shalt  }
0x63: {  	_ =	shalt  }
0x64: {  	_ =	shalt  }
0x65: {  	_ =	shalt  }
0x66: {  	_ =	shalt  }
0x67: {  	_ =	shalt  }
0x68: {  	_ =	shalt  }
0x69: {  	_ =	shalt  }
0x6a: {  	_ =	shalt  }
0x6b: {  	_ =	shalt  }
0x6c: {  	_ =	shalt  }
0x6d: {  	_ =	shalt  }
0x6e: {  	_ =	shalt  }
0x6f: {  	_ =	shalt  }
0x70: {  	_ =	shalt  }
0x71: {  	_ =	shalt  }
0x72: {  	_ =	shalt  }
0x73: {  	_ =	shalt  }
0x74: {  	_ =	shalt  }
0x75: {  	_ =	shalt  }
0x76: {  	_ =	shalt  }
0x77: {  	_ =	shalt  }
0x78: {  	_ =	shalt  }
0x79: {  	_ =	shalt  }
0x7a: {  	_ =	shalt  }
0x7b: {  	_ =	shalt  }
0x7c: {  	_ =	shalt  }
0x7d: {  	_ =	shalt  }
0x7e: {  	_ =	shalt  }
0x7f: {  	_ =	shalt  }
0x80: {  	_ =	shalt  }
0x81: {  	_ =	shalt  }
0x82: {  	_ =	shalt  }
0x83: {  	_ =	shalt  }
0x84: {  	_ =	shalt  }
0x85: {  	_ =	shalt  }
0x86: {  	_ =	shalt  }
0x87: {  	_ =	shalt  }
.Lfunc_end0:
.L_simem_size_0:
called_computation.3_lowered:
.L_overlay_start_0:
0x88: {  	s2 =	sld [smem:$0x3FD9]  }
0x89: {  	s3 =	sld [smem:$0x3FFE];
	_ =	sdelay $0x1  }
0x8a: {  	s1 =	srdreg.scid  }
0x8b: {  	s0 =	sand.u32 $0x1, s1  }
0x8c: {  	s16 =	sshll.u32 s0, $0xA;
	s2 =	sadd.s32 s3, s2  }
0x8d: {  	s2 =	sadd.s32 s2, s16  }
0x8e: {  	[smem:$0x3FB2] =	sst s2  }
0x8f: {  	_ = 	snop  }
0x90: {  	(tm) =	ssettm $0x1  }
0x91: {  	s17 =	sld [smem:$0x3FFB];
	_ =	sdelay $0x3  }
0x92: {  	_ =	strace s17  }
0x93: {  	s2 =	sld [smem:$0x3FFC];
	_ =	sdelay $0x3  }
0x94: {  	_ =	strace s2  }
0x95: {  	s2 =	sld [smem:$0x3FFD];
	_ =	sdelay $0x3  }
0x96: {  	_ =	strace s2  }
0x97: {  	_ =	strace $0x8FFFFFFF  }
0x98: {  	s18 =	sld [smem:$0x3FDB];
	_ =	sdelay $0x1  }
0x99: {  	s19 =	simm.s32 $_scs_section_size  }
0x9a: {  	s4 =	simm.s32 $_size__tile_overlayer_lowered;
	s5 =	simm.s32 $_tile_overlayer_lowered  }
0x9b: {  	s22 =	simm.s32 $0x1BFF;
	s21 =	sshll.u32 s5, $0x1;
	s2 =	sadd.s32 s19, s18  }
0x9c: {  	s6 =	simm.s32 $0x0;
	s20 =	sshll.u32 s4, $0x1;
	s4 =	sadd.s32 s21, s2  }
0x9d: {  	[timem:s6], [sflag:s22] =	dma.local [hbm:s4], s20  }
0x9e: {  	_ =	swait.ge [sflag:s22], s20  }
0x9f: {  	s3 =	ssub.s32 $0x0, s20;
	[sflag:s22] =	ssyncset.done $0x0  }
0xa0: {  	[sflag:s22] =	ssyncadd.s32 s3;
	_ =	sdelay $0x1  }
0xa1: {  	s23 =	simm.s32 $0x1B8B  }
0xa2: {  	_ =	swait.ge [sflag:s23], $0x1  }
0xa3: {  	[sflag:s23] =	ssyncset.done $0x0  }
0xa4: {  	s25 =	simm.s32 $0x1B8E;
	s24 =	sld [smem:$0x3FFE];
	[sflag:s23] =	ssyncadd.s32 $0xFFFFFFFF  }
0xa5: {  	s26 =	simm.s32 $execute0_lowered;
	[smem:$0x3FD2] =	sst s25  }
0xa6: {  	s4 =	sshll.u32 s26, $0x1;
	_ =	strace $0x8000004F;
	[dreg:$0x1] =	wrdreg $0xFFFFFFFF  }
0xa7: {  	s28 =	simm.s32 $_size_execute0_lowered;
	s2 =	sadd.s32 s2, s4;
	[dreg:$0x0] =	wrdreg $0x0  }
0xa8: {  	s4 =	sshll.u32 s28, $0x1;
	[dreg:$0x2] =	wrdreg s2  }
0xa9: {  	[dreg:$0x3] =	wrdreg s4  }
0xaa: {  	[dreg:$0x4] =	wrdreg $0xC0  }
0xab: {  	_ =	task [dreg:s6], $0x5FFFF  }
0xac: {  	[dreg:$0x1] =	wrdreg $0xFFFFFFFF  }
0xad: {  	[dreg:$0x0] =	wrdreg $0x60  }
0xae: {  	[dreg:$0x2] =	wrdreg s24  }
0xaf: {  	[dreg:$0x3] =	wrdreg $0x0  }
0xb0: {  	[dreg:$0x4] =	wrdreg $0x9  }
0xb1: {  	_ =	task.clear_ibuf [dreg:s6], $0x5FFFF;
	_ =	strace $0x9000004F  }
0xb2: {  	s29 =	simm.s32 $0x9;
	_ =	strace $0x80000051  }
0xb3: {  	_ =	swait.ge [sflag:s29], $0x1  }
0xb4: {  	[sflag:s29] =	ssyncadd.s32 $0xFFFFFFFF  }
0xb5: {  	_ =	strace $0x90000051  }
0xb6: {  	_ =	sfence  }
0xb7: {  	s30 =	sld [smem:$0x0];
	_ =	sdelay $0x2  }
0xb8: {  	s31 =	sshll.u32 s1, $0xD;
	s1 =	sshrl.u32 s1, $0x2  }
0xb9: {  	s3 =	sand.u32 $0x4000, s31;
	s1 =	sadd.s32 s1, s30  }
0xba: {  	s0 =	sor.u32 s3, s0;
	s1 =	sshll.u32 s1, $0x11  }
0xbb: {  	s0 =	sor.u32 s1, s0  }
0xbc: {  	s0 =	sadd.s32 $0x8F2B, s0  }
0xbd: {  	[sflag:s0] =	ssyncadd.remote.s32 $0x1  }
0xbe: {  	_ =	sfence.sel $0xFFFF  }
0xbf: {  	[dreg:$0x0] =	wrdreg $0xFFFFFFFF;
	(pc) =	sbr.abs _section_cstart, $3  }
0xc0: {  	[dreg:$0x1] =	wrdreg $0xFFFFFFFF  }
0xc1: {  	_ =	task.clear_ibuf [dreg:s6], $0x2FFFF;
	_ =	strace $0x9FFFFFFF  }
0xc2: {  	(tm) =	ssettm $0x7FFFFFFF  }
0xc3: {  	_ =	shalt  }
tec
execute0_lowered:
.L_overlay_start_1:
0x0: {  	(tag) =	ssettag $0x1  }
0x1: {  	s0 =	rddreg [dreg:$0x0]  }
0x2: {  	s2 =	rddreg [dreg:$0x1]  }
0x3: {  	s14 =	stileid.u32;
	s1 =	srdreg.scid;
	s3 =	simm.s32 $0x0  }
0x4: {  	s28 =	simm.s32 $0x1;
	s29 =	simm.s32 $0x50;
	s4 =	smul.u32 $0x3E80, s14  }
0x5: {  	s30 =	simm.s32 $0x13C80;
	s31 =	simm.s32 $0x2;
	s8 =	smul.u32 $0x7D00, s14  }
0x6: {  	s1 =	sand.u32 $0x1, s1;
	[smem:$0x7FF] =	sst s3;
	s10 =	smul.u32 $0x7D000, s14  }
0x7: {  	s6 =	sadd.s32 $0x14200, s0;
	s7 =	sadd.s32 $0x4800, s0;
	s20 =	smul.u32 $0xFA0, s14  }
0x8: {  	s11 =	sshll.u32 s14, $0x8;
	s5 =	smul.u32 $0x27100, s1;
	_ =	strace $0x80000050  }
0x9: {  	s9 =	ssub.s32 $0x2, s1;
	s11 =	sand.u32 $0x300, s11;
	p0 =	seq.s32 s1, $0x0  }
0xa: {  	s12 =	sshrl.u32 s9, $0x1;
	s13 =	sand.u32 $0x7FC00, s8;
	s10 =	sshrl.u32 s10, $0x2  }
0xb: {  	s8 =	sshrl.u32 s8, $0x3;
	s5 =	sadd.s32 s4, s5;
	s4 =	sadd.s32 s4, s0  }
0xc: {  	s9 =	ssub.s32 s9, s12;
	s11 =	sor.u32 s11, s13;
	s10 =	sadd.s32 s10, s2  }
0xd: {  	s12 =	sadd.s32 $0x20, s8;
	s15 =	sadd.s32 $0x30, s8;
	s19 =	sadd.s32 $0xF90, s8  }
0xe: {  	s8 =	simm.s32 $0x18C80;
	[dreg:$0x5] =	wrdreg s10;
	s4 =	sadd.s32 $0x15C400, s4  }
0xf: {  	s5 =	sadd.s32 s5, s0;
	s13 =	sadd.s32 s6, s12;
	[dreg:$0x6] =	wrdreg s4  }
0x10: {  	s23 =	sshrl.u32 s11, $0x3;
	s17 =	sadd.s32 s6, s15;
	[dreg:$0xb] =	wrdreg s13  }
0x11: {  	s16 =	sadd.s32 $0x7C00, s11;
	s1 =	sadd.s32 s7, s15;
	[dreg:$0xd] =	wrdreg s17  }
0x12: {  	s21 =	sadd.s32 s6, s19;
	s22 =	sadd.s32 s7, s19;
	[dreg:$0xe] =	wrdreg s1  }
0x13: {  	s11 =	simm.s32 $0x1B480;
	s24 =	sadd.s32 s6, s23;
	[dreg:$0x11] =	wrdreg s21  }
0x14: {  	s25 =	sor.u32 $0x10, s23;
	s4 =	sadd.s32 s7, s23;
	[dreg:$0x12] =	wrdreg s22  }
0x15: {  	s18 =	sshrl.u32 s16, $0x3;
	s23 =	sadd.s32 $0x183600, s5;
	[dreg:$0x7] =	wrdreg s24  }
0x16: {  	s21 =	simm.s32 $0x13880;
	s22 =	simm.s32 $0x13A80;
	[dreg:$0x8] =	wrdreg s4  }
0x17: {  	s5 =	simm.s32 $0x13A00;
	s26 =	sadd.s32 s6, s25;
	[dreg:$0x13] =	wrdreg s23  }
0x18: {  	s13 =	simm.s32 $0x8;
	s10 =	sadd.s32 s7, s25;
	[dreg:$0x9] =	wrdreg s26  }
0x19: {  	s4 =	sadd.s32 s7, s12;
	s1 =	sadd.s32 s7, s18;
	[dreg:$0xa] =	wrdreg s10  }
0x1a: {  	s24 =	sadd.s32 s20, s6;
	s25 =	sadd.s32 s20, s7;
	[dreg:$0xc] =	wrdreg s4  }
0x1b: {  	s23 =	simm.s32 $0x13900;
	s7 =	simm.s32 $0x3;
	[dreg:$0x10] =	wrdreg s1  }
0x1c: {  	s12 =	simm.s32 $0x7;
	s4 =	sadd.s32 s6, s18;
	[dreg:$0x3] =	wrdreg s24  }
0x1d: {  	s1 =	simm.s32 $0x23C00;
	s26 =	smax.u32 s9, $0x1;
	[dreg:$0x4] =	wrdreg s25  }
0x1e: {  	s24 =	simm.s32 $0x13B00;
	s25 =	simm.s32 $0x13980;
	s6 =	simm.s32 $0x13C00  }
0x1f: {  	s9 =	simm.s32 $0x6;
	s10 =	simm.s32 $0x4;
	[dreg:$0xf] =	wrdreg s4  }
0x20: {  	s1 =	simm.s32 @!p0 $0xC0000;
	[dreg:$0x14] =	wrdreg s26;
	p0 =	sgt.u32 s14, $0x9  }
0x21: {  	s26 =	simm.s32 $0x13B80;
	s4 =	simm.s32 $0x9;
	s14 =	simm.s32 $0x0  }
0x22: {  	s20 =	sadd.s32 s1, s0;
	s0 =	simm.s32 $0x16480;
	s1 =	simm.s32 $0x5  }
.LBB2_1:
0x23: {  	s15 =	stileid.u32  }
0x24: {  	s15 =	sshll.u32 @!p0 s15, $0x6  }
0x25: {  	s16 =	sor.u32 @!p0 $0x1C09, s15;
	s15 =	rddreg [dreg:$0x5]  }
0x26: {  	s17 =	sshrl.u32 @!p0 s15, $0x3;
	s15 =	rddreg [dreg:$0x6]  }
0x27: {  	[dreg:$0x15] =	wrdreg s16  }
0x28: {  	[dreg:$0x16] =	wrdreg s17  }
0x29: {  	[spmem:s17], [sflag:s16] =	dma.local @!p0 [hbm:s15], $0x3E80  }
0x2a: {  	s17 =	simm.s32 @!p0 $0x9  }
0x2b: {  	_ =	swait.ge @!p0 [sflag:s17], $0x3E80  }
0x2c: {  	[sflag:s17] =	ssyncset.done @!p0 $0x0  }
0x2d: {  	[sflag:s17] =	ssyncadd.s32 @!p0 $0xFFFFC180  }
0x2e: {  	[bflag:$0x0] =	sbarrier.arrive $0xFFFF  }
0x2f: {  	s16 =	rddreg [dreg:$0x7]  }
0x30: {  	[tilespmem:s21], [sflag:$0x1] =	stream.linear.gather [hbm4b:s16+s3], $0x80, $0x38;
	[tilespmem:$0x1DC80] =	vst v63  }
0x31: {  	s17 =	rddreg [dreg:$0x8]  }
0x32: {  	[tilespmem:s22], [sflag:$0x1] =	stream.linear.gather [hbm4b:s17+s3], $0x80, $0x38;
	[tilespmem:$0x1DC80] =	vst v63  }
0x33: {  	s18 =	rddreg [dreg:$0x9]  }
0x34: {  	[tilespmem:s23], [sflag:$0x2] =	stream.linear.gather [hbm4b:s18+s3], $0x80, $0x38;
	[tilespmem:$0x1DC80] =	vst v63  }
0x35: {  	s19 =	rddreg [dreg:$0xa]  }
0x36: {  	[tilespmem:s24], [sflag:$0x2] =	stream.linear.gather [hbm4b:s19+s3], $0x80, $0x38;
	[tilespmem:$0x1DC80] =	vst v63  }
0x37: {  	s16 =	rddreg [dreg:$0xb]  }
0x38: {  	[tilespmem:s25], [sflag:$0x3] =	stream.linear.gather [hbm4b:s16+s3], $0x80, $0x38;
	[tilespmem:$0x1DC80] =	vst v63  }
0x39: {  	s17 =	rddreg [dreg:$0xc]  }
0x3a: {  	[tilespmem:s26], [sflag:$0x3] =	stream.linear.gather [hbm4b:s17+s3], $0x80, $0x38;
	[tilespmem:$0x1DC80] =	vst v63  }
0x3b: {  	_ =	swait.ge [sflag:s28], $0x80  }
0x3c: {  	[sflag:s28] =	ssyncset.done $0x0  }
0x3d: {  	[sflag:s28] =	ssyncadd.s32 $0xFFFFFF80  }
0x3e: {  	_ =	swait.ge [sflag:s28], $0x80  }
0x3f: {  	[sflag:s28] =	ssyncset.done $0x0  }
0x40: {  	[sflag:s28] =	ssyncadd.s32 $0xFFFFFF80  }
0x41: {  	[tilespmem:s30], [sflag:$0x5] =	stream.indirect.gather [hbm4b:s20+s29], $0x80, s21, s29, $0xb8;
	[tilespmem:$0x1DC80] =	vst v63  }
0x42: {  	_ =	swait.ge [sflag:s31], $0x80  }
0x43: {  	[sflag:s31] =	ssyncset.done $0x0  }
0x44: {  	[sflag:s31] =	ssyncadd.s32 $0xFFFFFF80  }
0x45: {  	_ =	swait.ge [sflag:s31], $0x80  }
0x46: {  	[sflag:s31] =	ssyncset.done $0x0  }
0x47: {  	[sflag:s31] =	ssyncadd.s32 $0xFFFFFF80  }
0x48: {  	[tilespmem:s0], [sflag:$0x6] =	stream.indirect.gather [hbm4b:s20+s29], $0x80, s23, s29, $0xb8;
	[tilespmem:$0x1DC80] =	vst v63  }
0x49: {  	_ =	swait.ge [sflag:s1], $0x2800  }
0x4a: {  	[sflag:s1] =	ssyncset.done $0x0  }
0x4b: {  	[sflag:s1] =	ssyncadd.s32 $0xFFFFD800  }
0x4c: {  	[spmem:s2] =	stream.indirect.scatter.add.f32 [tilespmem:s30], [sflag:$0x9], $0x80, s22, s29, $0xb8;
	[tilespmem:$0x1DC80] =	vst v63  }
0x4d: {  	_ =	swait.ge [sflag:s4], $0x2800  }
0x4e: {  	[sflag:s4] =	ssyncset.done $0x0  }
0x4f: {  	s18 =	rddreg [dreg:$0xd];
	[sflag:s4] =	ssyncadd.s32 $0xFFFFD800  }
0x50: {  	[tilespmem:s5], [sflag:$0x4] =	stream.linear.gather [hbm4b:s18+s3], $0x80, $0x38;
	[tilespmem:$0x1DC80] =	vst v63  }
0x51: {  	s19 =	rddreg [dreg:$0xe]  }
0x52: {  	[tilespmem:s6], [sflag:$0x4] =	stream.linear.gather [hbm4b:s19+s3], $0x80, $0x38;
	[tilespmem:$0x1DC80] =	vst v63  }
0x53: {  	_ =	swait.ge [sflag:s7], $0x80  }
0x54: {  	[sflag:s7] =	ssyncset.done $0x0  }
0x55: {  	[sflag:s7] =	ssyncadd.s32 $0xFFFFFF80  }
0x56: {  	_ =	swait.ge [sflag:s7], $0x80  }
0x57: {  	[sflag:s7] =	ssyncset.done $0x0  }
0x58: {  	[sflag:s7] =	ssyncadd.s32 $0xFFFFFF80  }
0x59: {  	[tilespmem:s8], [sflag:$0x7] =	stream.indirect.gather [hbm4b:s20+s29], $0x80, s25, s29, $0xb8;
	[tilespmem:$0x1DC80] =	vst v63  }
0x5a: {  	_ =	swait.ge [sflag:s9], $0x2800  }
0x5b: {  	[sflag:s9] =	ssyncset.done $0x0  }
0x5c: {  	[sflag:s9] =	ssyncadd.s32 $0xFFFFD800  }
0x5d: {  	[spmem:s2] =	stream.indirect.scatter.add.f32 [tilespmem:s0], [sflag:$0x9], $0x80, s24, s29, $0xb8;
	[tilespmem:$0x1DC80] =	vst v63  }
0x5e: {  	_ =	swait.ge [sflag:s4], $0x2800  }
0x5f: {  	s15 =	rddreg [dreg:$0x3]  }
0x60: {  	s18 =	rddreg [dreg:$0x4];
	[sflag:s4] =	ssyncset.done $0x0;
	s17 =	sadd.s32 $0x0, s15  }
0x61: {  	[sflag:s4] =	ssyncadd.s32 $0xFFFFD800;
	s18 =	sadd.s32 $0x0, s18;
	s19 =	sadd.s32 $0x40, s17  }
0x62: {  	[tilespmem:s21], [sflag:$0x1] =	stream.linear.gather [hbm4b:s19+s3], $0x80, $0x38;
	[tilespmem:$0x1DC80] =	vst v63  }
0x63: {  	s16 =	sadd.s32 $0x40, s18  }
0x64: {  	[tilespmem:s22], [sflag:$0x1] =	stream.linear.gather [hbm4b:s16+s3], $0x80, $0x38;
	[tilespmem:$0x1DC80] =	vst v63  }
0x65: {  	_ =	swait.ge [sflag:s10], $0x80  }
0x66: {  	[sflag:s10] =	ssyncset.done $0x0  }
0x67: {  	[sflag:s10] =	ssyncadd.s32 $0xFFFFFF80  }
0x68: {  	_ =	swait.ge [sflag:s10], $0x80  }
0x69: {  	[sflag:s10] =	ssyncset.done $0x0  }
0x6a: {  	[sflag:s10] =	ssyncadd.s32 $0xFFFFFF80  }
0x6b: {  	[tilespmem:s11], [sflag:$0x8] =	stream.indirect.gather [hbm4b:s20+s29], $0x80, s5, s29, $0xb8;
	[tilespmem:$0x1DC80] =	vst v63  }
0x6c: {  	_ =	swait.ge [sflag:s12], $0x2800  }
0x6d: {  	[sflag:s12] =	ssyncset.done $0x0  }
0x6e: {  	[sflag:s12] =	ssyncadd.s32 $0xFFFFD800  }
0x6f: {  	[spmem:s2] =	stream.indirect.scatter.add.f32 [tilespmem:s8], [sflag:$0x9], $0x80, s26, s29, $0xb8;
	[tilespmem:$0x1DC80] =	vst v63  }
0x70: {  	_ =	swait.ge [sflag:s4], $0x2800  }
0x71: {  	[sflag:s4] =	ssyncset.done $0x0  }
0x72: {  	s15 =	sadd.s32 $0x50, s17;
	[sflag:s4] =	ssyncadd.s32 $0xFFFFD800  }
0x73: {  	[tilespmem:s23], [sflag:$0x2] =	stream.linear.gather [hbm4b:s15+s3], $0x80, $0x38;
	[tilespmem:$0x1DC80] =	vst v63  }
0x74: {  	s16 =	sadd.s32 $0x50, s18  }
0x75: {  	[tilespmem:s24], [sflag:$0x2] =	stream.linear.gather [hbm4b:s16+s3], $0x80, $0x38;
	[tilespmem:$0x1DC80] =	vst v63  }
0x76: {  	_ =	swait.ge [sflag:s28], $0x80  }
0x77: {  	[sflag:s28] =	ssyncset.done $0x0  }
0x78: {  	[sflag:s28] =	ssyncadd.s32 $0xFFFFFF80  }
0x79: {  	_ =	swait.ge [sflag:s28], $0x80  }
0x7a: {  	[sflag:s28] =	ssyncset.done $0x0  }
0x7b: {  	[sflag:s28] =	ssyncadd.s32 $0xFFFFFF80  }
0x7c: {  	[tilespmem:s30], [sflag:$0x5] =	stream.indirect.gather [hbm4b:s20+s29], $0x80, s21, s29, $0xb8;
	[tilespmem:$0x1DC80] =	vst v63  }
0x7d: {  	_ =	swait.ge [sflag:s13], $0x2800  }
0x7e: {  	[sflag:s13] =	ssyncset.done $0x0  }
0x7f: {  	[sflag:s13] =	ssyncadd.s32 $0xFFFFD800  }
0x80: {  	[spmem:s2] =	stream.indirect.scatter.add.f32 [tilespmem:s11], [sflag:$0x9], $0x80, s6, s29, $0xb8;
	[tilespmem:$0x1DC80] =	vst v63  }
0x81: {  	_ =	swait.ge [sflag:s4], $0x2800  }
0x82: {  	[sflag:s4] =	ssyncset.done $0x0  }
0x83: {  	s15 =	sadd.s32 $0x60, s17;
	[sflag:s4] =	ssyncadd.s32 $0xFFFFD800  }
0x84: {  	[tilespmem:s25], [sflag:$0x3] =	stream.linear.gather [hbm4b:s15+s3], $0x80, $0x38;
	[tilespmem:$0x1DC80] =	vst v63  }
0x85: {  	s16 =	sadd.s32 $0x60, s18  }
0x86: {  	[tilespmem:s26], [sflag:$0x3] =	stream.linear.gather [hbm4b:s16+s3], $0x80, $0x38;
	[tilespmem:$0x1DC80] =	vst v63  }
0x87: {  	_ =	swait.ge [sflag:s31], $0x80  }
0x88: {  	[sflag:s31] =	ssyncset.done $0x0  }
0x89: {  	[sflag:s31] =	ssyncadd.s32 $0xFFFFFF80  }
0x8a: {  	_ =	swait.ge [sflag:s31], $0x80  }
0x8b: {  	[sflag:s31] =	ssyncset.done $0x0  }
0x8c: {  	[sflag:s31] =	ssyncadd.s32 $0xFFFFFF80  }
0x8d: {  	[tilespmem:s0], [sflag:$0x6] =	stream.indirect.gather [hbm4b:s20+s29], $0x80, s23, s29, $0xb8;
	[tilespmem:$0x1DC80] =	vst v63  }
0x8e: {  	_ =	swait.ge [sflag:s1], $0x2800  }
0x8f: {  	[sflag:s1] =	ssyncset.done $0x0  }
0x90: {  	[sflag:s1] =	ssyncadd.s32 $0xFFFFD800  }
0x91: {  	[spmem:s2] =	stream.indirect.scatter.add.f32 [tilespmem:s30], [sflag:$0x9], $0x80, s22, s29, $0xb8;
	[tilespmem:$0x1DC80] =	vst v63  }
0x92: {  	_ =	swait.ge [sflag:s4], $0x2800  }
0x93: {  	[sflag:s4] =	ssyncset.done $0x0  }
0x94: {  	s17 =	sadd.s32 $0x70, s17;
	[sflag:s4] =	ssyncadd.s32 $0xFFFFD800  }
0x95: {  	[tilespmem:s5], [sflag:$0x4] =	stream.linear.gather [hbm4b:s17+s3], $0x80, $0x38;
	[tilespmem:$0x1DC80] =	vst v63  }
0x96: {  	s18 =	sadd.s32 $0x70, s18;
	s17 =	simm.s32 $0x40  }
.LBB2_2:
0x97: {  	[tilespmem:s6], [sflag:$0x4] =	stream.linear.gather [hbm4b:s18+s3], $0x80, $0x38;
	[tilespmem:$0x1DC80] =	vst v63  }
0x98: {  	_ =	swait.ge [sflag:s7], $0x80  }
0x99: {  	[sflag:s7] =	ssyncset.done $0x0  }
0x9a: {  	[sflag:s7] =	ssyncadd.s32 $0xFFFFFF80  }
0x9b: {  	_ =	swait.ge [sflag:s7], $0x80  }
0x9c: {  	[sflag:s7] =	ssyncset.done $0x0  }
0x9d: {  	[sflag:s7] =	ssyncadd.s32 $0xFFFFFF80  }
0x9e: {  	[tilespmem:s8], [sflag:$0x7] =	stream.indirect.gather [hbm4b:s20+s29], $0x80, s25, s29, $0xb8;
	[tilespmem:$0x1DC80] =	vst v63  }
0x9f: {  	_ =	swait.ge [sflag:s9], $0x2800  }
0xa0: {  	[sflag:s9] =	ssyncset.done $0x0  }
0xa1: {  	[sflag:s9] =	ssyncadd.s32 $0xFFFFD800  }
0xa2: {  	[spmem:s2] =	stream.indirect.scatter.add.f32 [tilespmem:s0], [sflag:$0x9], $0x80, s24, s29, $0xb8;
	[tilespmem:$0x1DC80] =	vst v63  }
0xa3: {  	_ =	swait.ge [sflag:s4], $0x2800  }
0xa4: {  	s19 =	smov.u32 s17;
	s16 =	rddreg [dreg:$0x3]  }
0xa5: {  	s15 =	rddreg [dreg:$0x4];
	[sflag:s4] =	ssyncset.done $0x0;
	s18 =	sadd.s32 s19, s16  }
0xa6: {  	[sflag:s4] =	ssyncadd.s32 $0xFFFFD800;
	s19 =	sadd.s32 s19, s15;
	s16 =	sadd.s32 $0x40, s18  }
0xa7: {  	[tilespmem:s21], [sflag:$0x1] =	stream.linear.gather [hbm4b:s16+s3], $0x80, $0x38;
	[tilespmem:$0x1DC80] =	vst v63  }
0xa8: {  	s15 =	sadd.s32 $0x40, s19  }
0xa9: {  	[tilespmem:s22], [sflag:$0x1] =	stream.linear.gather [hbm4b:s15+s3], $0x80, $0x38;
	[tilespmem:$0x1DC80] =	vst v63  }
0xaa: {  	_ =	swait.ge [sflag:s10], $0x80  }
0xab: {  	[sflag:s10] =	ssyncset.done $0x0  }
0xac: {  	[sflag:s10] =	ssyncadd.s32 $0xFFFFFF80  }
0xad: {  	_ =	swait.ge [sflag:s10], $0x80  }
0xae: {  	[sflag:s10] =	ssyncset.done $0x0  }
0xaf: {  	[sflag:s10] =	ssyncadd.s32 $0xFFFFFF80  }
0xb0: {  	[tilespmem:s11], [sflag:$0x8] =	stream.indirect.gather [hbm4b:s20+s29], $0x80, s5, s29, $0xb8;
	[tilespmem:$0x1DC80] =	vst v63  }
0xb1: {  	_ =	swait.ge [sflag:s12], $0x2800  }
0xb2: {  	[sflag:s12] =	ssyncset.done $0x0  }
0xb3: {  	[sflag:s12] =	ssyncadd.s32 $0xFFFFD800  }
0xb4: {  	[spmem:s2] =	stream.indirect.scatter.add.f32 [tilespmem:s8], [sflag:$0x9], $0x80, s26, s29, $0xb8;
	[tilespmem:$0x1DC80] =	vst v63  }
0xb5: {  	_ =	swait.ge [sflag:s4], $0x2800  }
0xb6: {  	[sflag:s4] =	ssyncset.done $0x0  }
0xb7: {  	s16 =	sadd.s32 $0x50, s18;
	[sflag:s4] =	ssyncadd.s32 $0xFFFFD800  }
0xb8: {  	[tilespmem:s23], [sflag:$0x2] =	stream.linear.gather [hbm4b:s16+s3], $0x80, $0x38;
	[tilespmem:$0x1DC80] =	vst v63  }
0xb9: {  	s16 =	sadd.s32 $0x50, s19  }
0xba: {  	[tilespmem:s24], [sflag:$0x2] =	stream.linear.gather [hbm4b:s16+s3], $0x80, $0x38;
	[tilespmem:$0x1DC80] =	vst v63  }
0xbb: {  	_ =	swait.ge [sflag:s28], $0x80  }
0xbc: {  	[sflag:s28] =	ssyncset.done $0x0  }
0xbd: {  	[sflag:s28] =	ssyncadd.s32 $0xFFFFFF80  }
0xbe: {  	_ =	swait.ge [sflag:s28], $0x80  }
0xbf: {  	[sflag:s28] =	ssyncset.done $0x0  }
0xc0: {  	[sflag:s28] =	ssyncadd.s32 $0xFFFFFF80  }
0xc1: {  	[tilespmem:s30], [sflag:$0x5] =	stream.indirect.gather [hbm4b:s20+s29], $0x80, s21, s29, $0xb8;
	[tilespmem:$0x1DC80] =	vst v63  }
0xc2: {  	_ =	swait.ge [sflag:s13], $0x2800  }
0xc3: {  	[sflag:s13] =	ssyncset.done $0x0  }
0xc4: {  	[sflag:s13] =	ssyncadd.s32 $0xFFFFD800  }
0xc5: {  	[spmem:s2] =	stream.indirect.scatter.add.f32 [tilespmem:s11], [sflag:$0x9], $0x80, s6, s29, $0xb8;
	[tilespmem:$0x1DC80] =	vst v63  }
0xc6: {  	_ =	swait.ge [sflag:s4], $0x2800  }
0xc7: {  	[sflag:s4] =	ssyncset.done $0x0  }
0xc8: {  	s16 =	sadd.s32 $0x60, s18;
	[sflag:s4] =	ssyncadd.s32 $0xFFFFD800  }
0xc9: {  	[tilespmem:s25], [sflag:$0x3] =	stream.linear.gather [hbm4b:s16+s3], $0x80, $0x38;
	[tilespmem:$0x1DC80] =	vst v63  }
0xca: {  	s16 =	sadd.s32 $0x60, s19  }
0xcb: {  	[tilespmem:s26], [sflag:$0x3] =	stream.linear.gather [hbm4b:s16+s3], $0x80, $0x38;
	[tilespmem:$0x1DC80] =	vst v63  }
0xcc: {  	_ =	swait.ge [sflag:s31], $0x80  }
0xcd: {  	[sflag:s31] =	ssyncset.done $0x0  }
0xce: {  	[sflag:s31] =	ssyncadd.s32 $0xFFFFFF80  }
0xcf: {  	_ =	swait.ge [sflag:s31], $0x80  }
0xd0: {  	[sflag:s31] =	ssyncset.done $0x0  }
0xd1: {  	[sflag:s31] =	ssyncadd.s32 $0xFFFFFF80  }
0xd2: {  	[tilespmem:s0], [sflag:$0x6] =	stream.indirect.gather [hbm4b:s20+s29], $0x80, s23, s29, $0xb8;
	[tilespmem:$0x1DC80] =	vst v63  }
0xd3: {  	_ =	swait.ge [sflag:s1], $0x2800  }
0xd4: {  	[sflag:s1] =	ssyncset.done $0x0  }
0xd5: {  	p1 =	sne.s32 s17, $0xF00;
	[sflag:s1] =	ssyncadd.s32 $0xFFFFD800  }
0xd6: {  	[spmem:s2] =	stream.indirect.scatter.add.f32 [tilespmem:s30], [sflag:$0x9], $0x80, s22, s29, $0xb8;
	[tilespmem:$0x1DC80] =	vst v63  }
.Ltmp0:
0xd7: {  	_ =	swait.ge [sflag:s4], $0x2800;
	(pc) =	sbr.rel @p1 .LBB2_2-.Ltmp0, $4  }
0xd8: {  	[sflag:s4] =	ssyncset.done $0x0  }
0xd9: {  	s18 =	sadd.s32 $0x70, s18;
	[sflag:s4] =	ssyncadd.s32 $0xFFFFD800  }
0xda: {  	[tilespmem:s5], [sflag:$0x4] =	stream.linear.gather [hbm4b:s18+s3], $0x80, $0x38;
	[tilespmem:$0x1DC80] =	vst v63  }
0xdb: {  	s17 =	sadd.s32 $0x40, s17;
	s18 =	sadd.s32 $0x70, s19  }
0xdc: {  	[tilespmem:s6], [sflag:$0x4] =	stream.linear.gather [hbm4b:s18+s3], $0x80, $0x38;
	[tilespmem:$0x1DC80] =	vst v63  }
0xdd: {  	_ =	swait.ge [sflag:s7], $0x80  }
0xde: {  	[sflag:s7] =	ssyncset.done $0x0  }
0xdf: {  	[sflag:s7] =	ssyncadd.s32 $0xFFFFFF80  }
0xe0: {  	_ =	swait.ge [sflag:s7], $0x80  }
0xe1: {  	[sflag:s7] =	ssyncset.done $0x0  }
0xe2: {  	[sflag:s7] =	ssyncadd.s32 $0xFFFFFF80  }
0xe3: {  	[tilespmem:s8], [sflag:$0x7] =	stream.indirect.gather [hbm4b:s20+s29], $0x80, s25, s29, $0xb8;
	[tilespmem:$0x1DC80] =	vst v63  }
0xe4: {  	_ =	swait.ge [sflag:s9], $0x2800  }
0xe5: {  	[sflag:s9] =	ssyncset.done $0x0  }
0xe6: {  	[sflag:s9] =	ssyncadd.s32 $0xFFFFD800  }
0xe7: {  	[spmem:s2] =	stream.indirect.scatter.add.f32 [tilespmem:s0], [sflag:$0x9], $0x80, s24, s29, $0xb8;
	[tilespmem:$0x1DC80] =	vst v63  }
0xe8: {  	_ =	swait.ge [sflag:s4], $0x2800  }
0xe9: {  	[sflag:s4] =	ssyncset.done $0x0  }
0xea: {  	s15 =	rddreg [dreg:$0xf];
	[sflag:s4] =	ssyncadd.s32 $0xFFFFD800  }
0xeb: {  	[tilespmem:s21], [sflag:$0x1] =	stream.linear.gather [hbm4b:s15+s3], $0x80, $0x38;
	[tilespmem:$0x1DC80] =	vst v63  }
0xec: {  	s16 =	rddreg [dreg:$0x10]  }
0xed: {  	[tilespmem:s22], [sflag:$0x1] =	stream.linear.gather [hbm4b:s16+s3], $0x80, $0x38;
	[tilespmem:$0x1DC80] =	vst v63  }
0xee: {  	_ =	swait.ge [sflag:s10], $0x80  }
0xef: {  	[sflag:s10] =	ssyncset.done $0x0  }
0xf0: {  	[sflag:s10] =	ssyncadd.s32 $0xFFFFFF80  }
0xf1: {  	_ =	swait.ge [sflag:s10], $0x80  }
0xf2: {  	[sflag:s10] =	ssyncset.done $0x0  }
0xf3: {  	[sflag:s10] =	ssyncadd.s32 $0xFFFFFF80  }
0xf4: {  	[tilespmem:s11], [sflag:$0x8] =	stream.indirect.gather [hbm4b:s20+s29], $0x80, s5, s29, $0xb8;
	[tilespmem:$0x1DC80] =	vst v63  }
0xf5: {  	_ =	swait.ge [sflag:s12], $0x2800  }
0xf6: {  	[sflag:s12] =	ssyncset.done $0x0  }
0xf7: {  	[sflag:s12] =	ssyncadd.s32 $0xFFFFD800  }
0xf8: {  	[spmem:s2] =	stream.indirect.scatter.add.f32 [tilespmem:s8], [sflag:$0x9], $0x80, s26, s29, $0xb8;
	[tilespmem:$0x1DC80] =	vst v63  }
0xf9: {  	_ =	swait.ge [sflag:s4], $0x2800  }
0xfa: {  	[sflag:s4] =	ssyncset.done $0x0  }
0xfb: {  	s17 =	rddreg [dreg:$0x11];
	[sflag:s4] =	ssyncadd.s32 $0xFFFFD800  }
0xfc: {  	[tilespmem:s23], [sflag:$0x2] =	stream.linear.gather [hbm4b:s17+s3], $0x80, $0x38;
	[tilespmem:$0x1DC80] =	vst v63  }
0xfd: {  	s18 =	rddreg [dreg:$0x12]  }
0xfe: {  	[tilespmem:s24], [sflag:$0x2] =	stream.linear.gather [hbm4b:s18+s3], $0x80, $0x38;
	[tilespmem:$0x1DC80] =	vst v63  }
0xff: {  	_ =	swait.ge [sflag:s28], $0x80  }
0x100: {  	[sflag:s28] =	ssyncset.done $0x0  }
0x101: {  	[sflag:s28] =	ssyncadd.s32 $0xFFFFFF80  }
0x102: {  	_ =	swait.ge [sflag:s28], $0x80  }
0x103: {  	[sflag:s28] =	ssyncset.done $0x0  }
0x104: {  	[sflag:s28] =	ssyncadd.s32 $0xFFFFFF80  }
0x105: {  	[tilespmem:s30], [sflag:$0x5] =	stream.indirect.gather [hbm4b:s20+s29], $0x80, s21, s29, $0xb8;
	[tilespmem:$0x1DC80] =	vst v63  }
0x106: {  	_ =	swait.ge [sflag:s13], $0x2800  }
0x107: {  	[sflag:s13] =	ssyncset.done $0x0  }
0x108: {  	[sflag:s13] =	ssyncadd.s32 $0xFFFFD800  }
0x109: {  	[spmem:s2] =	stream.indirect.scatter.add.f32 [tilespmem:s11], [sflag:$0x9], $0x80, s6, s29, $0xb8;
	[tilespmem:$0x1DC80] =	vst v63  }
0x10a: {  	_ =	swait.ge [sflag:s4], $0x2800  }
0x10b: {  	[sflag:s4] =	ssyncset.done $0x0  }
0x10c: {  	[sflag:s4] =	ssyncadd.s32 $0xFFFFD800  }
0x10d: {  	_ =	swait.ge [sflag:s31], $0x80  }
0x10e: {  	[sflag:s31] =	ssyncset.done $0x0  }
0x10f: {  	[sflag:s31] =	ssyncadd.s32 $0xFFFFFF80  }
0x110: {  	_ =	swait.ge [sflag:s31], $0x80  }
0x111: {  	[sflag:s31] =	ssyncset.done $0x0  }
0x112: {  	[sflag:s31] =	ssyncadd.s32 $0xFFFFFF80  }
0x113: {  	[tilespmem:s0], [sflag:$0x6] =	stream.indirect.gather [hbm4b:s20+s29], $0x80, s23, s29, $0xb8;
	[tilespmem:$0x1DC80] =	vst v63  }
0x114: {  	_ =	swait.ge [sflag:s1], $0x2800  }
0x115: {  	[sflag:s1] =	ssyncset.done $0x0  }
0x116: {  	[sflag:s1] =	ssyncadd.s32 $0xFFFFD800  }
0x117: {  	[spmem:s2] =	stream.indirect.scatter.add.f32 [tilespmem:s30], [sflag:$0x9], $0x80, s22, s29, $0xb8;
	[tilespmem:$0x1DC80] =	vst v63  }
0x118: {  	_ =	swait.ge [sflag:s4], $0x2800  }
0x119: {  	[sflag:s4] =	ssyncset.done $0x0  }
0x11a: {  	[sflag:s4] =	ssyncadd.s32 $0xFFFFD800  }
0x11b: {  	_ =	swait.ge [sflag:s9], $0x2800  }
0x11c: {  	[sflag:s9] =	ssyncset.done $0x0  }
0x11d: {  	[sflag:s9] =	ssyncadd.s32 $0xFFFFD800  }
0x11e: {  	[spmem:s2] =	stream.indirect.scatter.add.f32 [tilespmem:s0], [sflag:$0x9], $0x80, s24, s29, $0xb8;
	[tilespmem:$0x1DC80] =	vst v63  }
0x11f: {  	_ =	swait.ge [sflag:s4], $0x2800  }
0x120: {  	[sflag:s4] =	ssyncset.done $0x0  }
0x121: {  	[sflag:s4] =	ssyncadd.s32 $0xFFFFD800  }
0x122: {  	[bflag:$0x0] =	sbarrier.arrive $0xFFFF  }
0x123: {  	s15 =	rddreg [dreg:$0x13]  }
0x124: {  	s16 =	rddreg [dreg:$0x15]  }
0x125: {  	s17 =	rddreg [dreg:$0x16]  }
0x126: {  	[hbm:s15], [sflag:s16] =	dma.local @!p0 [spmem:s17], $0x3E80  }
0x127: {  	s15 =	simm.s32 @!p0 $0x9  }
0x128: {  	_ =	swait.ge @!p0 [sflag:s15], $0x3E80  }
0x129: {  	s14 =	sadd.s32 $0x1, s14;
	s19 =	rddreg [dreg:$0x14]  }
0x12a: {  	p1 =	sne.s32 s14, s19  }
.Ltmp1:
0x12b: {  	_ = 	snop;
	(pc) =	sbr.rel @p1 .LBB2_1-.Ltmp1, $3  }
0x12c: {  	_ =	sdelay $0x1  }
0x12d: {  	[sflag:s15] =	ssyncset.done @!p0 $0x0  }
0x12e: {  	[sflag:s15] =	ssyncadd.s32 @!p0 $0xFFFFC180  }
0x12f: {  	_ =	sfence.sel $0x180000  }
0x130: {  	[bflag:$0x0] =	sbarrier.arrive $0xFFFF  }
0x131: {  	_ =	strace $0x90000050  }
0x132: {  	s0 =	stileid.u32;
	[bflag:$0x2] =	sbarrier.arrive $0xFFFF  }
0x133: {  	p0 =	sne.s32 s0, $0x0;
	s0 =	rddreg [dreg:$0x2]  }
0x134: {  	s0 =	sadd.s32 @!p0 $0x100000, s0  }
0x135: {  	[sflag:s0] =	ssyncadd.tile.s32 @!p0 $0x1;
	_ =	shalt  }
.Lfunc_end2:
_tile_overlayer_lowered:
.L_overlay_start_2:
0x136: {  	(tag) =	ssettag $0x2  }
0x137: {  	s0 =	rddreg [dreg:$0x0];
	s2 =	stileid.u32  }
0x138: {  	s1 =	rddreg [dreg:$0x1];
	p0 =	sne.s32 s2, $0x0  }
0x139: {  	s3 =	rddreg [dreg:$0x2];
	[bflag:$0x3] =	sbarrier.arrive $0xFFFF;
	s2 =	simm.s32 @!p0 $0x1C09  }
0x13a: {  	[timem:s3], [sflag:s2] =	dma.local @!p0 [hbm:s0], s1  }
0x13b: {  	s0 =	simm.s32 @!p0 $0x9  }
0x13c: {  	_ =	swait.ge @!p0 [sflag:s0], s1  }
0x13d: {  	s1 =	ssub.s32 @!p0 $0x0, s1;
	[sflag:s0] =	ssyncset.done @!p0 $0x0  }
0x13e: {  	[sflag:s0] =	ssyncadd.s32 @!p0 s1  }
0x13f: {  	[bflag:$0x3] =	sbarrier.arrive $0xFFFF  }
0x140: {  	_ =	shalt  }

</sc_bundles>
